<compile_context>
chip_gen: v7x
topology: tpu7x:2x2x1
jax: 0.10.2.dev20260603
libtpu: 0.0.44.dev20260713+nightly
codegen_flags: <defaults>
</compile_context>

<pallas_src>
import jax
import jax.numpy as jnp
from jax import lax
from jax.experimental import pallas as pl
from jax.experimental.pallas import tpu as pltpu
from jax.experimental.pallas import tpu_sc as plsc

_N = 10000
_E = 320000
_IN = 128
_HID = 64
_NCLS = 2

_NCORES = 2
_NSUB = 16
_NW = _NCORES * _NSUB
_CHUNK = 128
_NCH = 80
_EPW = _CHUNK * _NCH
_EPAD = _EPW * _NW
_NACC = 10240
_RPT = _NACC // _NSUB
_GRP = 4
_NGRP = _NCH // _GRP
_DEGW = 16
_RB = 2000


def _sc_agg(x, srcs, dsts, d, with_deg, zrows_h, onehot_h):
  mesh = plsc.VectorSubcoreMesh(
      core_axis_name="c", subcore_axis_name="s",
      num_cores=_NCORES, num_subcores=_NSUB)
  out_type = [jax.ShapeDtypeStruct((_NCORES, 3, _NACC, d), jnp.float32)]
  if with_deg:
    out_type.append(
        jax.ShapeDtypeStruct((_NCORES, _NACC, _DEGW), jnp.float32))
  scratch = [
      pltpu.VMEM((_NCH, _CHUNK), jnp.int32),
      pltpu.VMEM((_NCH, _CHUNK), jnp.int32),
      pltpu.VMEM((_GRP, _CHUNK, d), jnp.float32),
      pltpu.VMEM_SHARED((_NACC, d), jnp.float32),
      pltpu.SemaphoreType.DMA,
      pltpu.SemaphoreType.DMA,
  ]
  if with_deg:
    scratch += [
        pltpu.VMEM((_CHUNK, _DEGW), jnp.float32),
        pltpu.VMEM_SHARED((_NACC, _DEGW), jnp.float32),
    ]

  def body(x_hbm, s0, d0, s1, d1, s2, d2, *rest):
    if with_deg:
      (zr_hbm, zd_hbm, oh_hbm, out_hbm, deg_hbm, srcv, dstv, rows, acc,
       gsem, ssem, onesv, dacc) = rest
    else:
      (zr_hbm, out_hbm, srcv, dstv, rows, acc, gsem, ssem) = rest
    c = lax.axis_index("c")
    s = lax.axis_index("s")
    w = c * _NSUB + s
    rbase = s * _RPT

    pltpu.sync_copy(zr_hbm, acc.at[pl.ds(rbase, _RPT)])
    if with_deg:
      pltpu.sync_copy(zd_hbm, dacc.at[pl.ds(rbase, _RPT)])
    plsc.subcore_barrier()

    for r, (src_h, dst_h) in enumerate(((s0, d0), (s1, d1), (s2, d2))):
      pltpu.sync_copy(src_h.at[pl.ds(w * _NCH, _NCH)], srcv)
      pltpu.sync_copy(dst_h.at[pl.ds(w * _NCH, _NCH)], dstv)
      if with_deg:
        pltpu.sync_copy(oh_hbm.at[r], onesv)

      @pl.loop(0, _NGRP)
      def _(g):
        gh = []
        for b in range(_GRP):
          gh.append(pltpu.async_copy(
              x_hbm.at[srcv.at[g * _GRP + b]], rows.at[b], gsem))
        for h in gh:
          h.wait()
        sh = []
        for b in range(_GRP):
          sh.append(pltpu.async_copy(
              rows.at[b], acc.at[dstv.at[g * _GRP + b]], ssem, add=True))
          if with_deg:
            sh.append(pltpu.async_copy(
                onesv, dacc.at[dstv.at[g * _GRP + b]], ssem, add=True))
        for h in sh:
          h.wait()

      plsc.subcore_barrier()
      pltpu.sync_copy(acc.at[pl.ds(rbase, _RPT)],
                      out_hbm.at[c, r, pl.ds(rbase, _RPT)])
      if r < 2:
        pltpu.sync_copy(zr_hbm, acc.at[pl.ds(rbase, _RPT)])
      plsc.subcore_barrier()

    if with_deg:
      pltpu.sync_copy(dacc.at[pl.ds(rbase, _RPT)],
                      deg_hbm.at[c, pl.ds(rbase, _RPT)])

  k = pl.kernel(body, out_type=out_type, mesh=mesh, scratch_types=scratch,
                compiler_params=pltpu.CompilerParams(
                    use_tc_tiling_on_sc=False))
  if with_deg:
    zd_h = jnp.zeros((_RPT, _DEGW), jnp.float32)
    return k(x, srcs[0], dsts[0], srcs[1], dsts[1], srcs[2], dsts[2],
             zrows_h, zd_h, onehot_h)
  return k(x, srcs[0], dsts[0], srcs[1], dsts[1], srcs[2], dsts[2], zrows_h)


def _tc1(feat, W1, Wmlp, bmlp2d):
  def body(f_ref, w1_ref, wm_ref, bm_ref, g1_ref, sim_ref):
    f = f_ref[...]
    g1_ref[...] = jnp.dot(f, w1_ref[...], preferred_element_type=jnp.float32)
    sim_ref[...] = jnp.tanh(
        jnp.dot(f, wm_ref[...], preferred_element_type=jnp.float32)
        + bm_ref[...])

  grid = _N // _RB
  return pl.pallas_call(
      body,
      grid=(grid,),
      in_specs=[
          pl.BlockSpec((_RB, _IN), lambda i: (i, 0)),
          pl.BlockSpec((_IN, _HID), lambda i: (0, 0)),
          pl.BlockSpec((_IN, _NCLS), lambda i: (0, 0)),
          pl.BlockSpec((1, _NCLS), lambda i: (0, 0)),
      ],
      out_specs=[
          pl.BlockSpec((_RB, _HID), lambda i: (i, 0)),
          pl.BlockSpec((_RB, _NCLS), lambda i: (i, 0)),
      ],
      out_shape=[
          jax.ShapeDtypeStruct((_N, _HID), jnp.float32),
          jax.ShapeDtypeStruct((_N, _NCLS), jnp.float32),
      ],
  )(feat, W1, Wmlp, bmlp2d)


def _tc2(S1, DG, g1, b1_2d, W2p):
  def body(s_ref, dg_ref, g1_ref, b1_ref, w2_ref, g2_ref):
    ssum = s_ref[0] + s_ref[1]
    dg = dg_ref[0] + dg_ref[1]
    inv = 1.0 / jnp.maximum(dg, 1.0)
    p = (ssum[0] * inv[:, 0:1] + ssum[1] * inv[:, 1:2]
         + ssum[2] * inv[:, 2:3])
    h1 = 0.5 * p + g1_ref[...] + b1_ref[...]
    g2_ref[...] = jnp.dot(h1, w2_ref[...],
                          preferred_element_type=jnp.float32)

  grid = _N // _RB
  return pl.pallas_call(
      body,
      grid=(grid,),
      in_specs=[
          pl.BlockSpec((2, 3, _RB, _HID), lambda i: (0, 0, i, 0)),
          pl.BlockSpec((2, _RB, _DEGW), lambda i: (0, i, 0)),
          pl.BlockSpec((_RB, _HID), lambda i: (i, 0)),
          pl.BlockSpec((1, _HID), lambda i: (0, 0)),
          pl.BlockSpec((_HID, _DEGW), lambda i: (0, 0)),
      ],
      out_specs=pl.BlockSpec((_RB, _DEGW), lambda i: (i, 0)),
      out_shape=jax.ShapeDtypeStruct((_N, _DEGW), jnp.float32),
  )(S1, DG, g1, b1_2d, W2p)


def _tc3(S2, DG, g2, b2_2d):
  def body(s_ref, dg_ref, g2_ref, b2_ref, o_ref):
    ssum = s_ref[0] + s_ref[1]
    dg = dg_ref[0] + dg_ref[1]
    inv = 1.0 / jnp.maximum(dg, 1.0)
    o = 0.5 * (ssum[0] * inv[:, 0:1] + ssum[1] * inv[:, 1:2]
               + ssum[2] * inv[:, 2:3]) + g2_ref[...]
    o_ref[...] = o[:, 0:_NCLS] + b2_ref[...]

  grid = _N // _RB
  return pl.pallas_call(
      body,
      grid=(grid,),
      in_specs=[
          pl.BlockSpec((2, 3, _RB, _DEGW), lambda i: (0, 0, i, 0)),
          pl.BlockSpec((2, _RB, _DEGW), lambda i: (0, i, 0)),
          pl.BlockSpec((_RB, _DEGW), lambda i: (i, 0)),
          pl.BlockSpec((1, _NCLS), lambda i: (0, 0)),
      ],
      out_specs=pl.BlockSpec((_RB, _NCLS), lambda i: (i, 0)),
      out_shape=jax.ShapeDtypeStruct((_N, _NCLS), jnp.float32),
  )(S2, DG, g2, b2_2d)


def kernel(feat, edge_index_r0, edge_index_r1, edge_index_r2,
           W1, b1, W2, b2, Wmlp, bmlp):
  pad = _EPAD - _E
  srcs, dsts = [], []
  for ei in (edge_index_r0, edge_index_r1, edge_index_r2):
    srcs.append(jnp.concatenate(
        [ei[0], jnp.zeros((pad,), jnp.int32)]).reshape(_EPAD // _CHUNK,
                                                       _CHUNK))
    dsts.append(jnp.concatenate(
        [ei[1], jnp.full((pad,), _N, jnp.int32)]).reshape(_EPAD // _CHUNK,
                                                          _CHUNK))

  g1, sim = _tc1(feat, W1, Wmlp, bmlp.reshape(1, _NCLS))

  onehot = jnp.broadcast_to(
      jnp.eye(3, _DEGW, dtype=jnp.float32)[:, None, :],
      (3, _CHUNK, _DEGW))
  S1, DEG = _sc_agg(g1, srcs, dsts, _HID, True,
                    jnp.zeros((_RPT, _HID), jnp.float32), onehot)
  S1 = S1[:, :, :_N]
  DEG = DEG[:, :_N]

  W2p = jnp.pad(W2, ((0, 0), (0, _DEGW - _NCLS)))
  g2 = _tc2(S1, DEG, g1, b1.reshape(1, _HID), W2p)

  S2 = _sc_agg(g2, srcs, dsts, _DEGW, False,
               jnp.zeros((_RPT, _DEGW), jnp.float32), None)[0][:, :, :_N]
  out = _tc3(S2, DEG, g2, b2.reshape(1, _NCLS))
  return (out, sim)

# --- scband reference (transcript-rebuilt; emitter-appended) ---
"""Pipeline reference for scband-caregnn-62199716381202 (READ-ONLY COPY).

The authoritative reference and input builder live on the scoring server;
editing this copy changes nothing except your own understanding.
"""

import jax, jax.numpy as jnp
import numpy as np

N = 10000
E = 320000
IN_DIM = 128
HID = 64
NC = 2


def setup_inputs(seed: int = 0):
    key = jax.random.key(seed)
    ks = jax.random.split(key, 10)
    feat = jax.random.normal(ks[0], (N, IN_DIM), dtype=jnp.float32)
    ei0 = jax.random.randint(ks[1], (2, E), 0, N).astype(jnp.int32)
    ei1 = jax.random.randint(ks[2], (2, E), 0, N).astype(jnp.int32)
    ei2 = jax.random.randint(ks[3], (2, E), 0, N).astype(jnp.int32)
    W1 = jax.random.normal(ks[4], (IN_DIM, HID), dtype=jnp.float32) * 0.05
    b1 = jnp.zeros((HID,), dtype=jnp.float32)
    W2 = jax.random.normal(ks[5], (HID, NC), dtype=jnp.float32) * 0.05
    b2 = jnp.zeros((NC,), dtype=jnp.float32)
    Wmlp = jax.random.normal(ks[6], (IN_DIM, NC), dtype=jnp.float32) * 0.05
    bmlp = jnp.zeros((NC,), dtype=jnp.float32)
    return {"feat": feat, "edge_index_r0": ei0, "edge_index_r1": ei1, "edge_index_r2": ei2,
            "W1": W1, "b1": b1, "W2": W2, "b2": b2, "Wmlp": Wmlp, "bmlp": bmlp}


def _mean_agg(h, ei):
    # DGL update_all(fn.copy_u('h','m'), fn.mean('m','hr')) == scatter-mean over dst
    src = ei[0]
    dst = ei[1]
    msum = jax.ops.segment_sum(h[src], dst, num_segments=N)
    deg = jax.ops.segment_sum(jnp.ones((ei.shape[1],), dtype=h.dtype), dst, num_segments=N)
    return msum / jnp.clip(deg, 1.0, None)[:, None]


def reference(feat, edge_index_r0, edge_index_r1, edge_index_r2, W1, b1, W2, b2, Wmlp, bmlp):
    # sim = tanh(MLP(dst features)) from layers[0].MLP (full-graph: dst feats == feat)
    sim = jnp.tanh(feat @ Wmlp + bmlp)

    def layer(h, W, b):
        # per-etype mean aggregation, activation=None
        hr0 = _mean_agg(h, edge_index_r0)
        hr1 = _mean_agg(h, edge_index_r1)
        hr2 = _mean_agg(h, edge_index_r2)
        # p[etype] = 0.5 initial value for every etype
        h_homo = 0.5 * (hr0 + hr1 + hr2) + h
        return h_homo @ W + b

    h1 = layer(feat, W1, b1)
    out = layer(h1, W2, b2)
    return (out, sim)

if __name__ == "__main__":
    import jax
    _d = setup_inputs()
    print(jax.jit(kernel)(*tuple(_d.values())))

</pallas_src>

<mosaic_0001>
#map = affine_map<(d0, d1) -> (0, 0)>
#map1 = affine_map<(d0, d1) -> (0, 0, 0)>
#map2 = affine_map<(d0, d1) -> (0, 0, 0, 0)>
module attributes {stable_mosaic.version = 14 : i64} {
  func.func @body(%arg0: i32, %arg1: i32, %arg2: memref<10000x64xf32, #tpu.memory_space<hbm>>, %arg3: memref<2560x128xi32, #tpu.memory_space<hbm>>, %arg4: memref<2560x128xi32, #tpu.memory_space<hbm>>, %arg5: memref<2560x128xi32, #tpu.memory_space<hbm>>, %arg6: memref<2560x128xi32, #tpu.memory_space<hbm>>, %arg7: memref<2560x128xi32, #tpu.memory_space<hbm>>, %arg8: memref<2560x128xi32, #tpu.memory_space<hbm>>, %arg9: memref<640x64xf32, #tpu.memory_space<hbm>>, %arg10: memref<640x16xf32, #tpu.memory_space<hbm>>, %arg11: memref<3x128x16xf32, #tpu.memory_space<hbm>>, %arg12: memref<2x3x10240x64xf32, #tpu.memory_space<hbm>>, %arg13: memref<2x10240x16xf32, #tpu.memory_space<hbm>>, %arg14: memref<80x128xi32, #tpu.memory_space<vmem>>, %arg15: memref<80x128xi32, #tpu.memory_space<vmem>>, %arg16: memref<4x128x64xf32, #tpu.memory_space<vmem>>, %arg17: memref<10240x64xf32, #tpu.memory_space<vmem_shared>>, %arg18: memref<!tpu.dma_semaphore, #tpu.memory_space<semaphore_mem>>, %arg19: memref<!tpu.dma_semaphore, #tpu.memory_space<semaphore_mem>>, %arg20: memref<128x16xf32, #tpu.memory_space<vmem>>, %arg21: memref<10240x16xf32, #tpu.memory_space<vmem_shared>>) attributes {dimension_semantics = [#tpu.dimension_semantics<core_parallel>, #tpu.dimension_semantics<subcore_parallel>], iteration_bounds = array<i64: 2, 16>, scalar_prefetch = 0 : i64, scratch_operands = 8 : i64, tpu.core_type = #tpu.core_type<sc_vector_subcore>, window_params = [{transform_indices = #map}, {transform_indices = #map}, {transform_indices = #map}, {transform_indices = #map}, {transform_indices = #map}, {transform_indices = #map}, {transform_indices = #map}, {transform_indices = #map}, {transform_indices = #map}, {transform_indices = #map1}, {transform_indices = #map2}, {transform_indices = #map1}]} {
    %mul3A = arith.constant 16 : i32
    %mul3A_0 = arith.muli %arg0, %mul3A : i32
    %add3A = arith.addi %mul3A_0, %arg1 : i32
    %mul3A_1 = arith.constant 640 : i32
    %mul3A_2 = arith.muli %arg1, %mul3A_1 : i32
    "tpu.region"() ({
      %run_scoped3A_40 = tpu.sem_alloc : memref<!tpu.dma_semaphore, #tpu.memory_space<semaphore_mem>>
      %dma_start3A = arith.constant 0 : i32
      %dma_start3A_41 = tpu.memref_slice %arg17[%mul3A_2, %dma_start3A] : memref<10240x64xf32, #tpu.memory_space<vmem_shared>> -> memref<640x64xf32, #tpu.memory_space<vmem_shared>>
      tpu.enqueue_dma source(%arg9 : memref<640x64xf32, #tpu.memory_space<hbm>>) target(%dma_start3A_41 : memref<640x64xf32, #tpu.memory_space<vmem_shared>>) target_semaphore(%run_scoped3A_40 : memref<!tpu.dma_semaphore, #tpu.memory_space<semaphore_mem>>)
      %dma_wait3A = arith.constant 0 : i32
      %dma_wait3A_42 = tpu.memref_slice %arg17[%mul3A_2, %dma_wait3A] : memref<10240x64xf32, #tpu.memory_space<vmem_shared>> -> memref<640x64xf32, #tpu.memory_space<vmem_shared>>
      tpu.wait_dma2 semaphore(%run_scoped3A_40 : memref<!tpu.dma_semaphore, #tpu.memory_space<semaphore_mem>>) src(%arg9 : memref<640x64xf32, #tpu.memory_space<hbm>>) dst(%dma_wait3A_42 : memref<640x64xf32, #tpu.memory_space<vmem_shared>>)
      tpu.yield
    }) : () -> ()
    "tpu.region"() ({
      %run_scoped3A_40 = tpu.sem_alloc : memref<!tpu.dma_semaphore, #tpu.memory_space<semaphore_mem>>
      %dma_start3A = arith.constant 0 : i32
      %dma_start3A_41 = tpu.memref_slice %arg21[%mul3A_2, %dma_start3A] : memref<10240x16xf32, #tpu.memory_space<vmem_shared>> -> memref<640x16xf32, #tpu.memory_space<vmem_shared>>
      tpu.enqueue_dma source(%arg10 : memref<640x16xf32, #tpu.memory_space<hbm>>) target(%dma_start3A_41 : memref<640x16xf32, #tpu.memory_space<vmem_shared>>) target_semaphore(%run_scoped3A_40 : memref<!tpu.dma_semaphore, #tpu.memory_space<semaphore_mem>>)
      %dma_wait3A = arith.constant 0 : i32
      %dma_wait3A_42 = tpu.memref_slice %arg21[%mul3A_2, %dma_wait3A] : memref<10240x16xf32, #tpu.memory_space<vmem_shared>> -> memref<640x16xf32, #tpu.memory_space<vmem_shared>>
      tpu.wait_dma2 semaphore(%run_scoped3A_40 : memref<!tpu.dma_semaphore, #tpu.memory_space<semaphore_mem>>) src(%arg10 : memref<640x16xf32, #tpu.memory_space<hbm>>) dst(%dma_wait3A_42 : memref<640x16xf32, #tpu.memory_space<vmem_shared>>)
      tpu.yield
    }) : () -> ()
    %barrier3A = arith.constant 0 : index
    tpu.barrier barrier_id(%barrier3A)
    %mul3A_3 = arith.constant 80 : i32
    %mul3A_4 = arith.muli %add3A, %mul3A_3 : i32
    "tpu.region"() ({
      %run_scoped3A_40 = tpu.sem_alloc : memref<!tpu.dma_semaphore, #tpu.memory_space<semaphore_mem>>
      %dma_start3A = arith.constant 0 : i32
      %dma_start3A_41 = tpu.memref_slice %arg3[%mul3A_4, %dma_start3A] : memref<2560x128xi32, #tpu.memory_space<hbm>> -> memref<80x128xi32, #tpu.memory_space<hbm>>
      %dma_start3A_42 = arith.constant 0 : i32
      %dma_start3A_43 = tpu.memref_slice %arg3[%mul3A_4, %dma_start3A_42] : memref<2560x128xi32, #tpu.memory_space<hbm>> -> memref<80x128xi32, #tpu.memory_space<hbm>>
      tpu.enqueue_dma source(%dma_start3A_43 : memref<80x128xi32, #tpu.memory_space<hbm>>) target(%arg14 : memref<80x128xi32, #tpu.memory_space<vmem>>) target_semaphore(%run_scoped3A_40 : memref<!tpu.dma_semaphore, #tpu.memory_space<semaphore_mem>>)
      %dma_wait3A = arith.constant 0 : i32
      %dma_wait3A_44 = tpu.memref_slice %arg3[%mul3A_4, %dma_wait3A] : memref<2560x128xi32, #tpu.memory_space<hbm>> -> memref<80x128xi32, #tpu.memory_space<hbm>>
      %dma_wait3A_45 = arith.constant 0 : i32
      %dma_wait3A_46 = tpu.memref_slice %arg3[%mul3A_4, %dma_wait3A_45] : memref<2560x128xi32, #tpu.memory_space<hbm>> -> memref<80x128xi32, #tpu.memory_space<hbm>>
      tpu.wait_dma2 semaphore(%run_scoped3A_40 : memref<!tpu.dma_semaphore, #tpu.memory_space<semaphore_mem>>) src(%dma_wait3A_46 : memref<80x128xi32, #tpu.memory_space<hbm>>) dst(%arg14 : memref<80x128xi32, #tpu.memory_space<vmem>>)
      tpu.yield
    }) : () -> ()
    %mul3A_5 = arith.constant 80 : i32
    %mul3A_6 = arith.muli %add3A, %mul3A_5 : i32
    "tpu.region"() ({
      %run_scoped3A_40 = tpu.sem_alloc : memref<!tpu.dma_semaphore, #tpu.memory_space<semaphore_mem>>
      %dma_start3A = arith.constant 0 : i32
      %dma_start3A_41 = tpu.memref_slice %arg4[%mul3A_6, %dma_start3A] : memref<2560x128xi32, #tpu.memory_space<hbm>> -> memref<80x128xi32, #tpu.memory_space<hbm>>
      %dma_start3A_42 = arith.constant 0 : i32
      %dma_start3A_43 = tpu.memref_slice %arg4[%mul3A_6, %dma_start3A_42] : memref<2560x128xi32, #tpu.memory_space<hbm>> -> memref<80x128xi32, #tpu.memory_space<hbm>>
      tpu.enqueue_dma source(%dma_start3A_43 : memref<80x128xi32, #tpu.memory_space<hbm>>) target(%arg15 : memref<80x128xi32, #tpu.memory_space<vmem>>) target_semaphore(%run_scoped3A_40 : memref<!tpu.dma_semaphore, #tpu.memory_space<semaphore_mem>>)
      %dma_wait3A = arith.constant 0 : i32
      %dma_wait3A_44 = tpu.memref_slice %arg4[%mul3A_6, %dma_wait3A] : memref<2560x128xi32, #tpu.memory_space<hbm>> -> memref<80x128xi32, #tpu.memory_space<hbm>>
      %dma_wait3A_45 = arith.constant 0 : i32
      %dma_wait3A_46 = tpu.memref_slice %arg4[%mul3A_6, %dma_wait3A_45] : memref<2560x128xi32, #tpu.memory_space<hbm>> -> memref<80x128xi32, #tpu.memory_space<hbm>>
      tpu.wait_dma2 semaphore(%run_scoped3A_40 : memref<!tpu.dma_semaphore, #tpu.memory_space<semaphore_mem>>) src(%dma_wait3A_46 : memref<80x128xi32, #tpu.memory_space<hbm>>) dst(%arg15 : memref<80x128xi32, #tpu.memory_space<vmem>>)
      tpu.yield
    }) : () -> ()
    %run_scoped3A = arith.constant 0 : i32
    "tpu.region"() ({
      %run_scoped3A_40 = tpu.sem_alloc : memref<!tpu.dma_semaphore, #tpu.memory_space<semaphore_mem>>
      %dma_start3A = arith.constant 0 : i32
      %dma_start3A_41 = arith.constant 0 : i32
      %dma_start3A_42 = tpu.memref_slice %arg11[%run_scoped3A, %dma_start3A, %dma_start3A_41] : memref<3x128x16xf32, #tpu.memory_space<hbm>> -> memref<1x128x16xf32, #tpu.memory_space<hbm>>
      %dma_start3A_43 = tpu.memref_squeeze %dma_start3A_42 : memref<1x128x16xf32, #tpu.memory_space<hbm>> -> memref<128x16xf32, #tpu.memory_space<hbm>>
      %dma_start3A_44 = arith.constant 0 : i32
      %dma_start3A_45 = arith.constant 0 : i32
      %dma_start3A_46 = tpu.memref_slice %arg11[%run_scoped3A, %dma_start3A_44, %dma_start3A_45] : memref<3x128x16xf32, #tpu.memory_space<hbm>> -> memref<1x128x16xf32, #tpu.memory_space<hbm>>
      %dma_start3A_47 = tpu.memref_squeeze %dma_start3A_46 : memref<1x128x16xf32, #tpu.memory_space<hbm>> -> memref<128x16xf32, #tpu.memory_space<hbm>>
      tpu.enqueue_dma source(%dma_start3A_47 : memref<128x16xf32, #tpu.memory_space<hbm>>) target(%arg20 : memref<128x16xf32, #tpu.memory_space<vmem>>) target_semaphore(%run_scoped3A_40 : memref<!tpu.dma_semaphore, #tpu.memory_space<semaphore_mem>>)
      %dma_wait3A = arith.constant 0 : i32
      %dma_wait3A_48 = arith.constant 0 : i32
      %dma_wait3A_49 = tpu.memref_slice %arg11[%run_scoped3A, %dma_wait3A, %dma_wait3A_48] : memref<3x128x16xf32, #tpu.memory_space<hbm>> -> memref<1x128x16xf32, #tpu.memory_space<hbm>>
      %dma_wait3A_50 = tpu.memref_squeeze %dma_wait3A_49 : memref<1x128x16xf32, #tpu.memory_space<hbm>> -> memref<128x16xf32, #tpu.memory_space<hbm>>
      %dma_wait3A_51 = arith.constant 0 : i32
      %dma_wait3A_52 = arith.constant 0 : i32
      %dma_wait3A_53 = tpu.memref_slice %arg11[%run_scoped3A, %dma_wait3A_51, %dma_wait3A_52] : memref<3x128x16xf32, #tpu.memory_space<hbm>> -> memref<1x128x16xf32, #tpu.memory_space<hbm>>
      %dma_wait3A_54 = tpu.memref_squeeze %dma_wait3A_53 : memref<1x128x16xf32, #tpu.memory_space<hbm>> -> memref<128x16xf32, #tpu.memory_space<hbm>>
      tpu.wait_dma2 semaphore(%run_scoped3A_40 : memref<!tpu.dma_semaphore, #tpu.memory_space<semaphore_mem>>) src(%dma_wait3A_54 : memref<128x16xf32, #tpu.memory_space<hbm>>) dst(%arg20 : memref<128x16xf32, #tpu.memory_space<vmem>>)
      tpu.yield
    }) : () -> ()
    %scan3A = arith.constant 0 : i32
    %scan3A_7 = arith.constant 20 : i32
    %scan3A_8 = arith.addi %scan3A, %scan3A_7 : i32
    %scan3A_9 = arith.constant 1 : i32
    scf.for %scan3A_40 = %scan3A to %scan3A_8 step %scan3A_9  : i32 {
      %mul3A_41 = arith.constant 1 : i32
      %mul3A_42 = arith.muli %scan3A_40, %mul3A_41 : i32
      %add3A_43 = arith.constant 0 : i32
      %add3A_44 = arith.addi %add3A_43, %mul3A_42 : i32
      %mul3A_45 = arith.constant 4 : i32
      %mul3A_46 = arith.muli %add3A_44, %mul3A_45 : i32
      %add3A_47 = arith.constant 0 : i32
      %add3A_48 = arith.addi %mul3A_46, %add3A_47 : i32
      %dma_start3A = arith.constant 0 : i32
      %dma_start3A_49 = arith.constant 0 : i32
      %dma_start3A_50 = arith.constant 0 : i32
      %dma_start3A_51 = tpu.memref_slice %arg16[%dma_start3A, %dma_start3A_49, %dma_start3A_50] : memref<4x128x64xf32, #tpu.memory_space<vmem>> -> memref<1x128x64xf32, #tpu.memory_space<vmem>>
      %dma_start3A_52 = tpu.memref_squeeze %dma_start3A_51 : memref<1x128x64xf32, #tpu.memory_space<vmem>> -> memref<128x64xf32, #tpu.memory_space<vmem>>
      %dma_start3A_53 = arith.constant 0 : i32
      %dma_start3A_54 = tpu.memref_slice %arg14[%add3A_48, %dma_start3A_53] : memref<80x128xi32, #tpu.memory_space<vmem>> -> memref<1x128xi32, #tpu.memory_space<vmem>>
      %dma_start3A_55 = tpu.memref_squeeze %dma_start3A_54 : memref<1x128xi32, #tpu.memory_space<vmem>> -> memref<128xi32, #tpu.memory_space<vmem>>
      %dma_start3A_56 = arith.constant 0 : i32
      %dma_start3A_57 = arith.constant 0 : i32
      %dma_start3A_58 = tpu.memref_slice %arg2[%dma_start3A_56, %dma_start3A_57] : memref<10000x64xf32, #tpu.memory_space<hbm>> -> memref<10000x64xf32, #tpu.memory_space<hbm>>
      tpu.enqueue_indirect_dma source(%dma_start3A_58 : memref<10000x64xf32, #tpu.memory_space<hbm>>) target(%dma_start3A_52 : memref<128x64xf32, #tpu.memory_space<vmem>>) offsets(%dma_start3A_55 : memref<128xi32, #tpu.memory_space<vmem>>) semaphore(%arg18 : memref<!tpu.dma_semaphore, #tpu.memory_space<semaphore_mem>>)
      %mul3A_59 = arith.constant 4 : i32
      %mul3A_60 = arith.muli %add3A_44, %mul3A_59 : i32
      %add3A_61 = arith.constant 1 : i32
      %add3A_62 = arith.addi %mul3A_60, %add3A_61 : i32
      %dma_start3A_63 = arith.constant 1 : i32
      %dma_start3A_64 = arith.constant 0 : i32
      %dma_start3A_65 = arith.constant 0 : i32
      %dma_start3A_66 = tpu.memref_slice %arg16[%dma_start3A_63, %dma_start3A_64, %dma_start3A_65] : memref<4x128x64xf32, #tpu.memory_space<vmem>> -> memref<1x128x64xf32, #tpu.memory_space<vmem>>
      %dma_start3A_67 = tpu.memref_squeeze %dma_start3A_66 : memref<1x128x64xf32, #tpu.memory_space<vmem>> -> memref<128x64xf32, #tpu.memory_space<vmem>>
      %dma_start3A_68 = arith.constant 0 : i32
      %dma_start3A_69 = tpu.memref_slice %arg14[%add3A_62, %dma_start3A_68] : memref<80x128xi32, #tpu.memory_space<vmem>> -> memref<1x128xi32, #tpu.memory_space<vmem>>
      %dma_start3A_70 = tpu.memref_squeeze %dma_start3A_69 : memref<1x128xi32, #tpu.memory_space<vmem>> -> memref<128xi32, #tpu.memory_space<vmem>>
      %dma_start3A_71 = arith.constant 0 : i32
      %dma_start3A_72 = arith.constant 0 : i32
      %dma_start3A_73 = tpu.memref_slice %arg2[%dma_start3A_71, %dma_start3A_72] : memref<10000x64xf32, #tpu.memory_space<hbm>> -> memref<10000x64xf32, #tpu.memory_space<hbm>>
      tpu.enqueue_indirect_dma source(%dma_start3A_73 : memref<10000x64xf32, #tpu.memory_space<hbm>>) target(%dma_start3A_67 : memref<128x64xf32, #tpu.memory_space<vmem>>) offsets(%dma_start3A_70 : memref<128xi32, #tpu.memory_space<vmem>>) semaphore(%arg18 : memref<!tpu.dma_semaphore, #tpu.memory_space<semaphore_mem>>)
      %mul3A_74 = arith.constant 4 : i32
      %mul3A_75 = arith.muli %add3A_44, %mul3A_74 : i32
      %add3A_76 = arith.constant 2 : i32
      %add3A_77 = arith.addi %mul3A_75, %add3A_76 : i32
      %dma_start3A_78 = arith.constant 2 : i32
      %dma_start3A_79 = arith.constant 0 : i32
      %dma_start3A_80 = arith.constant 0 : i32
      %dma_start3A_81 = tpu.memref_slice %arg16[%dma_start3A_78, %dma_start3A_79, %dma_start3A_80] : memref<4x128x64xf32, #tpu.memory_space<vmem>> -> memref<1x128x64xf32, #tpu.memory_space<vmem>>
      %dma_start3A_82 = tpu.memref_squeeze %dma_start3A_81 : memref<1x128x64xf32, #tpu.memory_space<vmem>> -> memref<128x64xf32, #tpu.memory_space<vmem>>
      %dma_start3A_83 = arith.constant 0 : i32
      %dma_start3A_84 = tpu.memref_slice %arg14[%add3A_77, %dma_start3A_83] : memref<80x128xi32, #tpu.memory_space<vmem>> -> memref<1x128xi32, #tpu.memory_space<vmem>>
      %dma_start3A_85 = tpu.memref_squeeze %dma_start3A_84 : memref<1x128xi32, #tpu.memory_space<vmem>> -> memref<128xi32, #tpu.memory_space<vmem>>
      %dma_start3A_86 = arith.constant 0 : i32
      %dma_start3A_87 = arith.constant 0 : i32
      %dma_start3A_88 = tpu.memref_slice %arg2[%dma_start3A_86, %dma_start3A_87] : memref<10000x64xf32, #tpu.memory_space<hbm>> -> memref<10000x64xf32, #tpu.memory_space<hbm>>
      tpu.enqueue_indirect_dma source(%dma_start3A_88 : memref<10000x64xf32, #tpu.memory_space<hbm>>) target(%dma_start3A_82 : memref<128x64xf32, #tpu.memory_space<vmem>>) offsets(%dma_start3A_85 : memref<128xi32, #tpu.memory_space<vmem>>) semaphore(%arg18 : memref<!tpu.dma_semaphore, #tpu.memory_space<semaphore_mem>>)
      %mul3A_89 = arith.constant 4 : i32
      %mul3A_90 = arith.muli %add3A_44, %mul3A_89 : i32
      %add3A_91 = arith.constant 3 : i32
      %add3A_92 = arith.addi %mul3A_90, %add3A_91 : i32
      %dma_start3A_93 = arith.constant 3 : i32
      %dma_start3A_94 = arith.constant 0 : i32
      %dma_start3A_95 = arith.constant 0 : i32
      %dma_start3A_96 = tpu.memref_slice %arg16[%dma_start3A_93, %dma_start3A_94, %dma_start3A_95] : memref<4x128x64xf32, #tpu.memory_space<vmem>> -> memref<1x128x64xf32, #tpu.memory_space<vmem>>
      %dma_start3A_97 = tpu.memref_squeeze %dma_start3A_96 : memref<1x128x64xf32, #tpu.memory_space<vmem>> -> memref<128x64xf32, #tpu.memory_space<vmem>>
      %dma_start3A_98 = arith.constant 0 : i32
      %dma_start3A_99 = tpu.memref_slice %arg14[%add3A_92, %dma_start3A_98] : memref<80x128xi32, #tpu.memory_space<vmem>> -> memref<1x128xi32, #tpu.memory_space<vmem>>
      %dma_start3A_100 = tpu.memref_squeeze %dma_start3A_99 : memref<1x128xi32, #tpu.memory_space<vmem>> -> memref<128xi32, #tpu.memory_space<vmem>>
      %dma_start3A_101 = arith.constant 0 : i32
      %dma_start3A_102 = arith.constant 0 : i32
      %dma_start3A_103 = tpu.memref_slice %arg2[%dma_start3A_101, %dma_start3A_102] : memref<10000x64xf32, #tpu.memory_space<hbm>> -> memref<10000x64xf32, #tpu.memory_space<hbm>>
      tpu.enqueue_indirect_dma source(%dma_start3A_103 : memref<10000x64xf32, #tpu.memory_space<hbm>>) target(%dma_start3A_97 : memref<128x64xf32, #tpu.memory_space<vmem>>) offsets(%dma_start3A_100 : memref<128xi32, #tpu.memory_space<vmem>>) semaphore(%arg18 : memref<!tpu.dma_semaphore, #tpu.memory_space<semaphore_mem>>)
      %dma_wait3A = arith.constant 0 : i32
      %dma_wait3A_104 = arith.constant 0 : i32
      %dma_wait3A_105 = arith.constant 0 : i32
      %dma_wait3A_106 = tpu.memref_slice %arg16[%dma_wait3A, %dma_wait3A_104, %dma_wait3A_105] : memref<4x128x64xf32, #tpu.memory_space<vmem>> -> memref<1x128x64xf32, #tpu.memory_space<vmem>>
      %dma_wait3A_107 = tpu.memref_squeeze %dma_wait3A_106 : memref<1x128x64xf32, #tpu.memory_space<vmem>> -> memref<128x64xf32, #tpu.memory_space<vmem>>
      %dma_wait3A_108 = arith.constant 0 : i32
      %dma_wait3A_109 = tpu.memref_slice %arg14[%add3A_48, %dma_wait3A_108] : memref<80x128xi32, #tpu.memory_space<vmem>> -> memref<1x128xi32, #tpu.memory_space<vmem>>
      %dma_wait3A_110 = tpu.memref_squeeze %dma_wait3A_109 : memref<1x128xi32, #tpu.memory_space<vmem>> -> memref<128xi32, #tpu.memory_space<vmem>>
      %dma_wait3A_111 = arith.constant 0 : i32
      %dma_wait3A_112 = arith.constant 0 : i32
      %dma_wait3A_113 = tpu.memref_slice %arg2[%dma_wait3A_111, %dma_wait3A_112] : memref<10000x64xf32, #tpu.memory_space<hbm>> -> memref<10000x64xf32, #tpu.memory_space<hbm>>
      tpu.wait_indirect_dma semaphore(%arg18 : memref<!tpu.dma_semaphore, #tpu.memory_space<semaphore_mem>>) src(%dma_wait3A_113 : memref<10000x64xf32, #tpu.memory_space<hbm>>) dst(%dma_wait3A_107 : memref<128x64xf32, #tpu.memory_space<vmem>>)
      %dma_wait3A_114 = arith.constant 1 : i32
      %dma_wait3A_115 = arith.constant 0 : i32
      %dma_wait3A_116 = arith.constant 0 : i32
      %dma_wait3A_117 = tpu.memref_slice %arg16[%dma_wait3A_114, %dma_wait3A_115, %dma_wait3A_116] : memref<4x128x64xf32, #tpu.memory_space<vmem>> -> memref<1x128x64xf32, #tpu.memory_space<vmem>>
      %dma_wait3A_118 = tpu.memref_squeeze %dma_wait3A_117 : memref<1x128x64xf32, #tpu.memory_space<vmem>> -> memref<128x64xf32, #tpu.memory_space<vmem>>
      %dma_wait3A_119 = arith.constant 0 : i32
      %dma_wait3A_120 = tpu.memref_slice %arg14[%add3A_62, %dma_wait3A_119] : memref<80x128xi32, #tpu.memory_space<vmem>> -> memref<1x128xi32, #tpu.memory_space<vmem>>
      %dma_wait3A_121 = tpu.memref_squeeze %dma_wait3A_120 : memref<1x128xi32, #tpu.memory_space<vmem>> -> memref<128xi32, #tpu.memory_space<vmem>>
      %dma_wait3A_122 = arith.constant 0 : i32
      %dma_wait3A_123 = arith.constant 0 : i32
      %dma_wait3A_124 = tpu.memref_slice %arg2[%dma_wait3A_122, %dma_wait3A_123] : memref<10000x64xf32, #tpu.memory_space<hbm>> -> memref<10000x64xf32, #tpu.memory_space<hbm>>
      tpu.wait_indirect_dma semaphore(%arg18 : memref<!tpu.dma_semaphore, #tpu.memory_space<semaphore_mem>>) src(%dma_wait3A_124 : memref<10000x64xf32, #tpu.memory_space<hbm>>) dst(%dma_wait3A_118 : memref<128x64xf32, #tpu.memory_space<vmem>>)
      %dma_wait3A_125 = arith.constant 2 : i32
      %dma_wait3A_126 = arith.constant 0 : i32
      %dma_wait3A_127 = arith.constant 0 : i32
      %dma_wait3A_128 = tpu.memref_slice %arg16[%dma_wait3A_125, %dma_wait3A_126, %dma_wait3A_127] : memref<4x128x64xf32, #tpu.memory_space<vmem>> -> memref<1x128x64xf32, #tpu.memory_space<vmem>>
      %dma_wait3A_129 = tpu.memref_squeeze %dma_wait3A_128 : memref<1x128x64xf32, #tpu.memory_space<vmem>> -> memref<128x64xf32, #tpu.memory_space<vmem>>
      %dma_wait3A_130 = arith.constant 0 : i32
      %dma_wait3A_131 = tpu.memref_slice %arg14[%add3A_77, %dma_wait3A_130] : memref<80x128xi32, #tpu.memory_space<vmem>> -> memref<1x128xi32, #tpu.memory_space<vmem>>
      %dma_wait3A_132 = tpu.memref_squeeze %dma_wait3A_131 : memref<1x128xi32, #tpu.memory_space<vmem>> -> memref<128xi32, #tpu.memory_space<vmem>>
      %dma_wait3A_133 = arith.constant 0 : i32
      %dma_wait3A_134 = arith.constant 0 : i32
      %dma_wait3A_135 = tpu.memref_slice %arg2[%dma_wait3A_133, %dma_wait3A_134] : memref<10000x64xf32, #tpu.memory_space<hbm>> -> memref<10000x64xf32, #tpu.memory_space<hbm>>
      tpu.wait_indirect_dma semaphore(%arg18 : memref<!tpu.dma_semaphore, #tpu.memory_space<semaphore_mem>>) src(%dma_wait3A_135 : memref<10000x64xf32, #tpu.memory_space<hbm>>) dst(%dma_wait3A_129 : memref<128x64xf32, #tpu.memory_space<vmem>>)
      %dma_wait3A_136 = arith.constant 3 : i32
      %dma_wait3A_137 = arith.constant 0 : i32
      %dma_wait3A_138 = arith.constant 0 : i32
      %dma_wait3A_139 = tpu.memref_slice %arg16[%dma_wait3A_136, %dma_wait3A_137, %dma_wait3A_138] : memref<4x128x64xf32, #tpu.memory_space<vmem>> -> memref<1x128x64xf32, #tpu.memory_space<vmem>>
      %dma_wait3A_140 = tpu.memref_squeeze %dma_wait3A_139 : memref<1x128x64xf32, #tpu.memory_space<vmem>> -> memref<128x64xf32, #tpu.memory_space<vmem>>
      %dma_wait3A_141 = arith.constant 0 : i32
      %dma_wait3A_142 = tpu.memref_slice %arg14[%add3A_92, %dma_wait3A_141] : memref<80x128xi32, #tpu.memory_space<vmem>> -> memref<1x128xi32, #tpu.memory_space<vmem>>
      %dma_wait3A_143 = tpu.memref_squeeze %dma_wait3A_142 : memref<1x128xi32, #tpu.memory_space<vmem>> -> memref<128xi32, #tpu.memory_space<vmem>>
      %dma_wait3A_144 = arith.constant 0 : i32
      %dma_wait3A_145 = arith.constant 0 : i32
      %dma_wait3A_146 = tpu.memref_slice %arg2[%dma_wait3A_144, %dma_wait3A_145] : memref<10000x64xf32, #tpu.memory_space<hbm>> -> memref<10000x64xf32, #tpu.memory_space<hbm>>
      tpu.wait_indirect_dma semaphore(%arg18 : memref<!tpu.dma_semaphore, #tpu.memory_space<semaphore_mem>>) src(%dma_wait3A_146 : memref<10000x64xf32, #tpu.memory_space<hbm>>) dst(%dma_wait3A_140 : memref<128x64xf32, #tpu.memory_space<vmem>>)
      %mul3A_147 = arith.constant 4 : i32
      %mul3A_148 = arith.muli %add3A_44, %mul3A_147 : i32
      %add3A_149 = arith.constant 0 : i32
      %add3A_150 = arith.addi %mul3A_148, %add3A_149 : i32
      %dma_start3A_151 = arith.constant 0 : i32
      %dma_start3A_152 = arith.constant 0 : i32
      %dma_start3A_153 = arith.constant 0 : i32
      %dma_start3A_154 = tpu.memref_slice %arg16[%dma_start3A_151, %dma_start3A_152, %dma_start3A_153] : memref<4x128x64xf32, #tpu.memory_space<vmem>> -> memref<1x128x64xf32, #tpu.memory_space<vmem>>
      %dma_start3A_155 = tpu.memref_squeeze %dma_start3A_154 : memref<1x128x64xf32, #tpu.memory_space<vmem>> -> memref<128x64xf32, #tpu.memory_space<vmem>>
      %dma_start3A_156 = arith.constant 0 : i32
      %dma_start3A_157 = tpu.memref_slice %arg15[%add3A_150, %dma_start3A_156] : memref<80x128xi32, #tpu.memory_space<vmem>> -> memref<1x128xi32, #tpu.memory_space<vmem>>
      %dma_start3A_158 = tpu.memref_squeeze %dma_start3A_157 : memref<1x128xi32, #tpu.memory_space<vmem>> -> memref<128xi32, #tpu.memory_space<vmem>>
      %dma_start3A_159 = arith.constant 0 : i32
      %dma_start3A_160 = arith.constant 0 : i32
      %dma_start3A_161 = tpu.memref_slice %arg17[%dma_start3A_159, %dma_start3A_160] : memref<10240x64xf32, #tpu.memory_space<vmem_shared>> -> memref<10240x64xf32, #tpu.memory_space<vmem_shared>>
      tpu.enqueue_indirect_dma source(%dma_start3A_155 : memref<128x64xf32, #tpu.memory_space<vmem>>) target(%dma_start3A_161 : memref<10240x64xf32, #tpu.memory_space<vmem_shared>>) offsets(%dma_start3A_158 : memref<128xi32, #tpu.memory_space<vmem>>) semaphore(%arg19 : memref<!tpu.dma_semaphore, #tpu.memory_space<semaphore_mem>>) {add = true}
      %mul3A_162 = arith.constant 4 : i32
      %mul3A_163 = arith.muli %add3A_44, %mul3A_162 : i32
      %add3A_164 = arith.constant 0 : i32
      %add3A_165 = arith.addi %mul3A_163, %add3A_164 : i32
      %dma_start3A_166 = arith.constant 0 : i32
      %dma_start3A_167 = tpu.memref_slice %arg15[%add3A_165, %dma_start3A_166] : memref<80x128xi32, #tpu.memory_space<vmem>> -> memref<1x128xi32, #tpu.memory_space<vmem>>
      %dma_start3A_168 = tpu.memref_squeeze %dma_start3A_167 : memref<1x128xi32, #tpu.memory_space<vmem>> -> memref<128xi32, #tpu.memory_space<vmem>>
      %dma_start3A_169 = arith.constant 0 : i32
      %dma_start3A_170 = arith.constant 0 : i32
      %dma_start3A_171 = tpu.memref_slice %arg21[%dma_start3A_169, %dma_start3A_170] : memref<10240x16xf32, #tpu.memory_space<vmem_shared>> -> memref<10240x16xf32, #tpu.memory_space<vmem_shared>>
      tpu.enqueue_indirect_dma source(%arg20 : memref<128x16xf32, #tpu.memory_space<vmem>>) target(%dma_start3A_171 : memref<10240x16xf32, #tpu.memory_space<vmem_shared>>) offsets(%dma_start3A_168 : memref<128xi32, #tpu.memory_space<vmem>>) semaphore(%arg19 : memref<!tpu.dma_semaphore, #tpu.memory_space<semaphore_mem>>) {add = true}
      %mul3A_172 = arith.constant 4 : i32
      %mul3A_173 = arith.muli %add3A_44, %mul3A_172 : i32
      %add3A_174 = arith.constant 1 : i32
      %add3A_175 = arith.addi %mul3A_173, %add3A_174 : i32
      %dma_start3A_176 = arith.constant 1 : i32
      %dma_start3A_177 = arith.constant 0 : i32
      %dma_start3A_178 = arith.constant 0 : i32
      %dma_start3A_179 = tpu.memref_slice %arg16[%dma_start3A_176, %dma_start3A_177, %dma_start3A_178] : memref<4x128x64xf32, #tpu.memory_space<vmem>> -> memref<1x128x64xf32, #tpu.memory_space<vmem>>
      %dma_start3A_180 = tpu.memref_squeeze %dma_start3A_179 : memref<1x128x64xf32, #tpu.memory_space<vmem>> -> memref<128x64xf32, #tpu.memory_space<vmem>>
      %dma_start3A_181 = arith.constant 0 : i32
      %dma_start3A_182 = tpu.memref_slice %arg15[%add3A_175, %dma_start3A_181] : memref<80x128xi32, #tpu.memory_space<vmem>> -> memref<1x128xi32, #tpu.memory_space<vmem>>
      %dma_start3A_183 = tpu.memref_squeeze %dma_start3A_182 : memref<1x128xi32, #tpu.memory_space<vmem>> -> memref<128xi32, #tpu.memory_space<vmem>>
      %dma_start3A_184 = arith.constant 0 : i32
      %dma_start3A_185 = arith.constant 0 : i32
      %dma_start3A_186 = tpu.memref_slice %arg17[%dma_start3A_184, %dma_start3A_185] : memref<10240x64xf32, #tpu.memory_space<vmem_shared>> -> memref<10240x64xf32, #tpu.memory_space<vmem_shared>>
      tpu.enqueue_indirect_dma source(%dma_start3A_180 : memref<128x64xf32, #tpu.memory_space<vmem>>) target(%dma_start3A_186 : memref<10240x64xf32, #tpu.memory_space<vmem_shared>>) offsets(%dma_start3A_183 : memref<128xi32, #tpu.memory_space<vmem>>) semaphore(%arg19 : memref<!tpu.dma_semaphore, #tpu.memory_space<semaphore_mem>>) {add = true}
      %mul3A_187 = arith.constant 4 : i32
      %mul3A_188 = arith.muli %add3A_44, %mul3A_187 : i32
      %add3A_189 = arith.constant 1 : i32
      %add3A_190 = arith.addi %mul3A_188, %add3A_189 : i32
      %dma_start3A_191 = arith.constant 0 : i32
      %dma_start3A_192 = tpu.memref_slice %arg15[%add3A_190, %dma_start3A_191] : memref<80x128xi32, #tpu.memory_space<vmem>> -> memref<1x128xi32, #tpu.memory_space<vmem>>
      %dma_start3A_193 = tpu.memref_squeeze %dma_start3A_192 : memref<1x128xi32, #tpu.memory_space<vmem>> -> memref<128xi32, #tpu.memory_space<vmem>>
      %dma_start3A_194 = arith.constant 0 : i32
      %dma_start3A_195 = arith.constant 0 : i32
      %dma_start3A_196 = tpu.memref_slice %arg21[%dma_start3A_194, %dma_start3A_195] : memref<10240x16xf32, #tpu.memory_space<vmem_shared>> -> memref<10240x16xf32, #tpu.memory_space<vmem_shared>>
      tpu.enqueue_indirect_dma source(%arg20 : memref<128x16xf32, #tpu.memory_space<vmem>>) target(%dma_start3A_196 : memref<10240x16xf32, #tpu.memory_space<vmem_shared>>) offsets(%dma_start3A_193 : memref<128xi32, #tpu.memory_space<vmem>>) semaphore(%arg19 : memref<!tpu.dma_semaphore, #tpu.memory_space<semaphore_mem>>) {add = true}
      %mul3A_197 = arith.constant 4 : i32
      %mul3A_198 = arith.muli %add3A_44, %mul3A_197 : i32
      %add3A_199 = arith.constant 2 : i32
      %add3A_200 = arith.addi %mul3A_198, %add3A_199 : i32
      %dma_start3A_201 = arith.constant 2 : i32
      %dma_start3A_202 = arith.constant 0 : i32
      %dma_start3A_203 = arith.constant 0 : i32
      %dma_start3A_204 = tpu.memref_slice %arg16[%dma_start3A_201, %dma_start3A_202, %dma_start3A_203] : memref<4x128x64xf32, #tpu.memory_space<vmem>> -> memref<1x128x64xf32, #tpu.memory_space<vmem>>
      %dma_start3A_205 = tpu.memref_squeeze %dma_start3A_204 : memref<1x128x64xf32, #tpu.memory_space<vmem>> -> memref<128x64xf32, #tpu.memory_space<vmem>>
      %dma_start3A_206 = arith.constant 0 : i32
      %dma_start3A_207 = tpu.memref_slice %arg15[%add3A_200, %dma_start3A_206] : memref<80x128xi32, #tpu.memory_space<vmem>> -> memref<1x128xi32, #tpu.memory_space<vmem>>
      %dma_start3A_208 = tpu.memref_squeeze %dma_start3A_207 : memref<1x128xi32, #tpu.memory_space<vmem>> -> memref<128xi32, #tpu.memory_space<vmem>>
      %dma_start3A_209 = arith.constant 0 : i32
      %dma_start3A_210 = arith.constant 0 : i32
      %dma_start3A_211 = tpu.memref_slice %arg17[%dma_start3A_209, %dma_start3A_210] : memref<10240x64xf32, #tpu.memory_space<vmem_shared>> -> memref<10240x64xf32, #tpu.memory_space<vmem_shared>>
      tpu.enqueue_indirect_dma source(%dma_start3A_205 : memref<128x64xf32, #tpu.memory_space<vmem>>) target(%dma_start3A_211 : memref<10240x64xf32, #tpu.memory_space<vmem_shared>>) offsets(%dma_start3A_208 : memref<128xi32, #tpu.memory_space<vmem>>) semaphore(%arg19 : memref<!tpu.dma_semaphore, #tpu.memory_space<semaphore_mem>>) {add = true}
      %mul3A_212 = arith.constant 4 : i32
      %mul3A_213 = arith.muli %add3A_44, %mul3A_212 : i32
      %add3A_214 = arith.constant 2 : i32
      %add3A_215 = arith.addi %mul3A_213, %add3A_214 : i32
      %dma_start3A_216 = arith.constant 0 : i32
      %dma_start3A_217 = tpu.memref_slice %arg15[%add3A_215, %dma_start3A_216] : memref<80x128xi32, #tpu.memory_space<vmem>> -> memref<1x128xi32, #tpu.memory_space<vmem>>
      %dma_start3A_218 = tpu.memref_squeeze %dma_start3A_217 : memref<1x128xi32, #tpu.memory_space<vmem>> -> memref<128xi32, #tpu.memory_space<vmem>>
      %dma_start3A_219 = arith.constant 0 : i32
      %dma_start3A_220 = arith.constant 0 : i32
      %dma_start3A_221 = tpu.memref_slice %arg21[%dma_start3A_219, %dma_start3A_220] : memref<10240x16xf32, #tpu.memory_space<vmem_shared>> -> memref<10240x16xf32, #tpu.memory_space<vmem_shared>>
      tpu.enqueue_indirect_dma source(%arg20 : memref<128x16xf32, #tpu.memory_space<vmem>>) target(%dma_start3A_221 : memref<10240x16xf32, #tpu.memory_space<vmem_shared>>) offsets(%dma_start3A_218 : memref<128xi32, #tpu.memory_space<vmem>>) semaphore(%arg19 : memref<!tpu.dma_semaphore, #tpu.memory_space<semaphore_mem>>) {add = true}
      %mul3A_222 = arith.constant 4 : i32
      %mul3A_223 = arith.muli %add3A_44, %mul3A_222 : i32
      %add3A_224 = arith.constant 3 : i32
      %add3A_225 = arith.addi %mul3A_223, %add3A_224 : i32
      %dma_start3A_226 = arith.constant 3 : i32
      %dma_start3A_227 = arith.constant 0 : i32
      %dma_start3A_228 = arith.constant 0 : i32
      %dma_start3A_229 = tpu.memref_slice %arg16[%dma_start3A_226, %dma_start3A_227, %dma_start3A_228] : memref<4x128x64xf32, #tpu.memory_space<vmem>> -> memref<1x128x64xf32, #tpu.memory_space<vmem>>
      %dma_start3A_230 = tpu.memref_squeeze %dma_start3A_229 : memref<1x128x64xf32, #tpu.memory_space<vmem>> -> memref<128x64xf32, #tpu.memory_space<vmem>>
      %dma_start3A_231 = arith.constant 0 : i32
      %dma_start3A_232 = tpu.memref_slice %arg15[%add3A_225, %dma_start3A_231] : memref<80x128xi32, #tpu.memory_space<vmem>> -> memref<1x128xi32, #tpu.memory_space<vmem>>
      %dma_start3A_233 = tpu.memref_squeeze %dma_start3A_232 : memref<1x128xi32, #tpu.memory_space<vmem>> -> memref<128xi32, #tpu.memory_space<vmem>>
      %dma_start3A_234 = arith.constant 0 : i32
      %dma_start3A_235 = arith.constant 0 : i32
      %dma_start3A_236 = tpu.memref_slice %arg17[%dma_start3A_234, %dma_start3A_235] : memref<10240x64xf32, #tpu.memory_space<vmem_shared>> -> memref<10240x64xf32, #tpu.memory_space<vmem_shared>>
      tpu.enqueue_indirect_dma source(%dma_start3A_230 : memref<128x64xf32, #tpu.memory_space<vmem>>) target(%dma_start3A_236 : memref<10240x64xf32, #tpu.memory_space<vmem_shared>>) offsets(%dma_start3A_233 : memref<128xi32, #tpu.memory_space<vmem>>) semaphore(%arg19 : memref<!tpu.dma_semaphore, #tpu.memory_space<semaphore_mem>>) {add = true}
      %mul3A_237 = arith.constant 4 : i32
      %mul3A_238 = arith.muli %add3A_44, %mul3A_237 : i32
      %add3A_239 = arith.constant 3 : i32
      %add3A_240 = arith.addi %mul3A_238, %add3A_239 : i32
      %dma_start3A_241 = arith.constant 0 : i32
      %dma_start3A_242 = tpu.memref_slice %arg15[%add3A_240, %dma_start3A_241] : memref<80x128xi32, #tpu.memory_space<vmem>> -> memref<1x128xi32, #tpu.memory_space<vmem>>
      %dma_start3A_243 = tpu.memref_squeeze %dma_start3A_242 : memref<1x128xi32, #tpu.memory_space<vmem>> -> memref<128xi32, #tpu.memory_space<vmem>>
      %dma_start3A_244 = arith.constant 0 : i32
      %dma_start3A_245 = arith.constant 0 : i32
      %dma_start3A_246 = tpu.memref_slice %arg21[%dma_start3A_244, %dma_start3A_245] : memref<10240x16xf32, #tpu.memory_space<vmem_shared>> -> memref<10240x16xf32, #tpu.memory_space<vmem_shared>>
      tpu.enqueue_indirect_dma source(%arg20 : memref<128x16xf32, #tpu.memory_space<vmem>>) target(%dma_start3A_246 : memref<10240x16xf32, #tpu.memory_space<vmem_shared>>) offsets(%dma_start3A_243 : memref<128xi32, #tpu.memory_space<vmem>>) semaphore(%arg19 : memref<!tpu.dma_semaphore, #tpu.memory_space<semaphore_mem>>) {add = true}
      %dma_wait3A_247 = arith.constant 0 : i32
      %dma_wait3A_248 = arith.constant 0 : i32
      %dma_wait3A_249 = arith.constant 0 : i32
      %dma_wait3A_250 = tpu.memref_slice %arg16[%dma_wait3A_247, %dma_wait3A_248, %dma_wait3A_249] : memref<4x128x64xf32, #tpu.memory_space<vmem>> -> memref<1x128x64xf32, #tpu.memory_space<vmem>>
      %dma_wait3A_251 = tpu.memref_squeeze %dma_wait3A_250 : memref<1x128x64xf32, #tpu.memory_space<vmem>> -> memref<128x64xf32, #tpu.memory_space<vmem>>
      %dma_wait3A_252 = arith.constant 0 : i32
      %dma_wait3A_253 = tpu.memref_slice %arg15[%add3A_150, %dma_wait3A_252] : memref<80x128xi32, #tpu.memory_space<vmem>> -> memref<1x128xi32, #tpu.memory_space<vmem>>
      %dma_wait3A_254 = tpu.memref_squeeze %dma_wait3A_253 : memref<1x128xi32, #tpu.memory_space<vmem>> -> memref<128xi32, #tpu.memory_space<vmem>>
      %dma_wait3A_255 = arith.constant 0 : i32
      %dma_wait3A_256 = arith.constant 0 : i32
      %dma_wait3A_257 = tpu.memref_slice %arg17[%dma_wait3A_255, %dma_wait3A_256] : memref<10240x64xf32, #tpu.memory_space<vmem_shared>> -> memref<10240x64xf32, #tpu.memory_space<vmem_shared>>
      tpu.wait_indirect_dma semaphore(%arg19 : memref<!tpu.dma_semaphore, #tpu.memory_space<semaphore_mem>>) src(%dma_wait3A_251 : memref<128x64xf32, #tpu.memory_space<vmem>>) dst(%dma_wait3A_257 : memref<10240x64xf32, #tpu.memory_space<vmem_shared>>)
      %dma_wait3A_258 = arith.constant 0 : i32
      %dma_wait3A_259 = tpu.memref_slice %arg15[%add3A_165, %dma_wait3A_258] : memref<80x128xi32, #tpu.memory_space<vmem>> -> memref<1x128xi32, #tpu.memory_space<vmem>>
      %dma_wait3A_260 = tpu.memref_squeeze %dma_wait3A_259 : memref<1x128xi32, #tpu.memory_space<vmem>> -> memref<128xi32, #tpu.memory_space<vmem>>
      %dma_wait3A_261 = arith.constant 0 : i32
      %dma_wait3A_262 = arith.constant 0 : i32
      %dma_wait3A_263 = tpu.memref_slice %arg21[%dma_wait3A_261, %dma_wait3A_262] : memref<10240x16xf32, #tpu.memory_space<vmem_shared>> -> memref<10240x16xf32, #tpu.memory_space<vmem_shared>>
      tpu.wait_indirect_dma semaphore(%arg19 : memref<!tpu.dma_semaphore, #tpu.memory_space<semaphore_mem>>) src(%arg20 : memref<128x16xf32, #tpu.memory_space<vmem>>) dst(%dma_wait3A_263 : memref<10240x16xf32, #tpu.memory_space<vmem_shared>>)
      %dma_wait3A_264 = arith.constant 1 : i32
      %dma_wait3A_265 = arith.constant 0 : i32
      %dma_wait3A_266 = arith.constant 0 : i32
      %dma_wait3A_267 = tpu.memref_slice %arg16[%dma_wait3A_264, %dma_wait3A_265, %dma_wait3A_266] : memref<4x128x64xf32, #tpu.memory_space<vmem>> -> memref<1x128x64xf32, #tpu.memory_space<vmem>>
      %dma_wait3A_268 = tpu.memref_squeeze %dma_wait3A_267 : memref<1x128x64xf32, #tpu.memory_space<vmem>> -> memref<128x64xf32, #tpu.memory_space<vmem>>
      %dma_wait3A_269 = arith.constant 0 : i32
      %dma_wait3A_270 = tpu.memref_slice %arg15[%add3A_175, %dma_wait3A_269] : memref<80x128xi32, #tpu.memory_space<vmem>> -> memref<1x128xi32, #tpu.memory_space<vmem>>
      %dma_wait3A_271 = tpu.memref_squeeze %dma_wait3A_270 : memref<1x128xi32, #tpu.memory_space<vmem>> -> memref<128xi32, #tpu.memory_space<vmem>>
      %dma_wait3A_272 = arith.constant 0 : i32
      %dma_wait3A_273 = arith.constant 0 : i32
      %dma_wait3A_274 = tpu.memref_slice %arg17[%dma_wait3A_272, %dma_wait3A_273] : memref<10240x64xf32, #tpu.memory_space<vmem_shared>> -> memref<10240x64xf32, #tpu.memory_space<vmem_shared>>
      tpu.wait_indirect_dma semaphore(%arg19 : memref<!tpu.dma_semaphore, #tpu.memory_space<semaphore_mem>>) src(%dma_wait3A_268 : memref<128x64xf32, #tpu.memory_space<vmem>>) dst(%dma_wait3A_274 : memref<10240x64xf32, #tpu.memory_space<vmem_shared>>)
      %dma_wait3A_275 = arith.constant 0 : i32
      %dma_wait3A_276 = tpu.memref_slice %arg15[%add3A_190, %dma_wait3A_275] : memref<80x128xi32, #tpu.memory_space<vmem>> -> memref<1x128xi32, #tpu.memory_space<vmem>>
      %dma_wait3A_277 = tpu.memref_squeeze %dma_wait3A_276 : memref<1x128xi32, #tpu.memory_space<vmem>> -> memref<128xi32, #tpu.memory_space<vmem>>
      %dma_wait3A_278 = arith.constant 0 : i32
      %dma_wait3A_279 = arith.constant 0 : i32
      %dma_wait3A_280 = tpu.memref_slice %arg21[%dma_wait3A_278, %dma_wait3A_279] : memref<10240x16xf32, #tpu.memory_space<vmem_shared>> -> memref<10240x16xf32, #tpu.memory_space<vmem_shared>>
      tpu.wait_indirect_dma semaphore(%arg19 : memref<!tpu.dma_semaphore, #tpu.memory_space<semaphore_mem>>) src(%arg20 : memref<128x16xf32, #tpu.memory_space<vmem>>) dst(%dma_wait3A_280 : memref<10240x16xf32, #tpu.memory_space<vmem_shared>>)
      %dma_wait3A_281 = arith.constant 2 : i32
      %dma_wait3A_282 = arith.constant 0 : i32
      %dma_wait3A_283 = arith.constant 0 : i32
      %dma_wait3A_284 = tpu.memref_slice %arg16[%dma_wait3A_281, %dma_wait3A_282, %dma_wait3A_283] : memref<4x128x64xf32, #tpu.memory_space<vmem>> -> memref<1x128x64xf32, #tpu.memory_space<vmem>>
      %dma_wait3A_285 = tpu.memref_squeeze %dma_wait3A_284 : memref<1x128x64xf32, #tpu.memory_space<vmem>> -> memref<128x64xf32, #tpu.memory_space<vmem>>
      %dma_wait3A_286 = arith.constant 0 : i32
      %dma_wait3A_287 = tpu.memref_slice %arg15[%add3A_200, %dma_wait3A_286] : memref<80x128xi32, #tpu.memory_space<vmem>> -> memref<1x128xi32, #tpu.memory_space<vmem>>
      %dma_wait3A_288 = tpu.memref_squeeze %dma_wait3A_287 : memref<1x128xi32, #tpu.memory_space<vmem>> -> memref<128xi32, #tpu.memory_space<vmem>>
      %dma_wait3A_289 = arith.constant 0 : i32
      %dma_wait3A_290 = arith.constant 0 : i32
      %dma_wait3A_291 = tpu.memref_slice %arg17[%dma_wait3A_289, %dma_wait3A_290] : memref<10240x64xf32, #tpu.memory_space<vmem_shared>> -> memref<10240x64xf32, #tpu.memory_space<vmem_shared>>
      tpu.wait_indirect_dma semaphore(%arg19 : memref<!tpu.dma_semaphore, #tpu.memory_space<semaphore_mem>>) src(%dma_wait3A_285 : memref<128x64xf32, #tpu.memory_space<vmem>>) dst(%dma_wait3A_291 : memref<10240x64xf32, #tpu.memory_space<vmem_shared>>)
      %dma_wait3A_292 = arith.constant 0 : i32
      %dma_wait3A_293 = tpu.memref_slice %arg15[%add3A_215, %dma_wait3A_292] : memref<80x128xi32, #tpu.memory_space<vmem>> -> memref<1x128xi32, #tpu.memory_space<vmem>>
      %dma_wait3A_294 = tpu.memref_squeeze %dma_wait3A_293 : memref<1x128xi32, #tpu.memory_space<vmem>> -> memref<128xi32, #tpu.memory_space<vmem>>
      %dma_wait3A_295 = arith.constant 0 : i32
      %dma_wait3A_296 = arith.constant 0 : i32
      %dma_wait3A_297 = tpu.memref_slice %arg21[%dma_wait3A_295, %dma_wait3A_296] : memref<10240x16xf32, #tpu.memory_space<vmem_shared>> -> memref<10240x16xf32, #tpu.memory_space<vmem_shared>>
      tpu.wait_indirect_dma semaphore(%arg19 : memref<!tpu.dma_semaphore, #tpu.memory_space<semaphore_mem>>) src(%arg20 : memref<128x16xf32, #tpu.memory_space<vmem>>) dst(%dma_wait3A_297 : memref<10240x16xf32, #tpu.memory_space<vmem_shared>>)
      %dma_wait3A_298 = arith.constant 3 : i32
      %dma_wait3A_299 = arith.constant 0 : i32
      %dma_wait3A_300 = arith.constant 0 : i32
      %dma_wait3A_301 = tpu.memref_slice %arg16[%dma_wait3A_298, %dma_wait3A_299, %dma_wait3A_300] : memref<4x128x64xf32, #tpu.memory_space<vmem>> -> memref<1x128x64xf32, #tpu.memory_space<vmem>>
      %dma_wait3A_302 = tpu.memref_squeeze %dma_wait3A_301 : memref<1x128x64xf32, #tpu.memory_space<vmem>> -> memref<128x64xf32, #tpu.memory_space<vmem>>
      %dma_wait3A_303 = arith.constant 0 : i32
      %dma_wait3A_304 = tpu.memref_slice %arg15[%add3A_225, %dma_wait3A_303] : memref<80x128xi32, #tpu.memory_space<vmem>> -> memref<1x128xi32, #tpu.memory_space<vmem>>
      %dma_wait3A_305 = tpu.memref_squeeze %dma_wait3A_304 : memref<1x128xi32, #tpu.memory_space<vmem>> -> memref<128xi32, #tpu.memory_space<vmem>>
      %dma_wait3A_306 = arith.constant 0 : i32
      %dma_wait3A_307 = arith.constant 0 : i32
      %dma_wait3A_308 = tpu.memref_slice %arg17[%dma_wait3A_306, %dma_wait3A_307] : memref<10240x64xf32, #tpu.memory_space<vmem_shared>> -> memref<10240x64xf32, #tpu.memory_space<vmem_shared>>
      tpu.wait_indirect_dma semaphore(%arg19 : memref<!tpu.dma_semaphore, #tpu.memory_space<semaphore_mem>>) src(%dma_wait3A_302 : memref<128x64xf32, #tpu.memory_space<vmem>>) dst(%dma_wait3A_308 : memref<10240x64xf32, #tpu.memory_space<vmem_shared>>)
      %dma_wait3A_309 = arith.constant 0 : i32
      %dma_wait3A_310 = tpu.memref_slice %arg15[%add3A_240, %dma_wait3A_309] : memref<80x128xi32, #tpu.memory_space<vmem>> -> memref<1x128xi32, #tpu.memory_space<vmem>>
      %dma_wait3A_311 = tpu.memref_squeeze %dma_wait3A_310 : memref<1x128xi32, #tpu.memory_space<vmem>> -> memref<128xi32, #tpu.memory_space<vmem>>
      %dma_wait3A_312 = arith.constant 0 : i32
      %dma_wait3A_313 = arith.constant 0 : i32
      %dma_wait3A_314 = tpu.memref_slice %arg21[%dma_wait3A_312, %dma_wait3A_313] : memref<10240x16xf32, #tpu.memory_space<vmem_shared>> -> memref<10240x16xf32, #tpu.memory_space<vmem_shared>>
      tpu.wait_indirect_dma semaphore(%arg19 : memref<!tpu.dma_semaphore, #tpu.memory_space<semaphore_mem>>) src(%arg20 : memref<128x16xf32, #tpu.memory_space<vmem>>) dst(%dma_wait3A_314 : memref<10240x16xf32, #tpu.memory_space<vmem_shared>>)
    }
    %scan3A_10 = arith.constant 20 : i32
    %barrier3A_11 = arith.constant 0 : index
    tpu.barrier barrier_id(%barrier3A_11)
    %run_scoped3A_12 = arith.constant 0 : i32
    "tpu.region"() ({
      %run_scoped3A_40 = tpu.sem_alloc : memref<!tpu.dma_semaphore, #tpu.memory_space<semaphore_mem>>
      %dma_start3A = arith.constant 0 : i32
      %dma_start3A_41 = tpu.memref_slice %arg12[%arg0, %run_scoped3A_12, %mul3A_2, %dma_start3A] : memref<2x3x10240x64xf32, #tpu.memory_space<hbm>> -> memref<1x1x640x64xf32, #tpu.memory_space<hbm>>
      %dma_start3A_42 = tpu.memref_squeeze %dma_start3A_41 : memref<1x1x640x64xf32, #tpu.memory_space<hbm>> -> memref<640x64xf32, #tpu.memory_space<hbm>>
      %dma_start3A_43 = arith.constant 0 : i32
      %dma_start3A_44 = tpu.memref_slice %arg17[%mul3A_2, %dma_start3A_43] : memref<10240x64xf32, #tpu.memory_space<vmem_shared>> -> memref<640x64xf32, #tpu.memory_space<vmem_shared>>
      tpu.enqueue_dma source(%dma_start3A_44 : memref<640x64xf32, #tpu.memory_space<vmem_shared>>) target(%dma_start3A_42 : memref<640x64xf32, #tpu.memory_space<hbm>>) target_semaphore(%run_scoped3A_40 : memref<!tpu.dma_semaphore, #tpu.memory_space<semaphore_mem>>)
      %dma_wait3A = arith.constant 0 : i32
      %dma_wait3A_45 = tpu.memref_slice %arg12[%arg0, %run_scoped3A_12, %mul3A_2, %dma_wait3A] : memref<2x3x10240x64xf32, #tpu.memory_space<hbm>> -> memref<1x1x640x64xf32, #tpu.memory_space<hbm>>
      %dma_wait3A_46 = tpu.memref_squeeze %dma_wait3A_45 : memref<1x1x640x64xf32, #tpu.memory_space<hbm>> -> memref<640x64xf32, #tpu.memory_space<hbm>>
      %dma_wait3A_47 = arith.constant 0 : i32
      %dma_wait3A_48 = tpu.memref_slice %arg17[%mul3A_2, %dma_wait3A_47] : memref<10240x64xf32, #tpu.memory_space<vmem_shared>> -> memref<640x64xf32, #tpu.memory_space<vmem_shared>>
      tpu.wait_dma2 semaphore(%run_scoped3A_40 : memref<!tpu.dma_semaphore, #tpu.memory_space<semaphore_mem>>) src(%dma_wait3A_48 : memref<640x64xf32, #tpu.memory_space<vmem_shared>>) dst(%dma_wait3A_46 : memref<640x64xf32, #tpu.memory_space<hbm>>)
      tpu.yield
    }) : () -> ()
    "tpu.region"() ({
      %run_scoped3A_40 = tpu.sem_alloc : memref<!tpu.dma_semaphore, #tpu.memory_space<semaphore_mem>>
      %dma_start3A = arith.constant 0 : i32
      %dma_start3A_41 = tpu.memref_slice %arg17[%mul3A_2, %dma_start3A] : memref<10240x64xf32, #tpu.memory_space<vmem_shared>> -> memref<640x64xf32, #tpu.memory_space<vmem_shared>>
      tpu.enqueue_dma source(%arg9 : memref<640x64xf32, #tpu.memory_space<hbm>>) target(%dma_start3A_41 : memref<640x64xf32, #tpu.memory_space<vmem_shared>>) target_semaphore(%run_scoped3A_40 : memref<!tpu.dma_semaphore, #tpu.memory_space<semaphore_mem>>)
      %dma_wait3A = arith.constant 0 : i32
      %dma_wait3A_42 = tpu.memref_slice %arg17[%mul3A_2, %dma_wait3A] : memref<10240x64xf32, #tpu.memory_space<vmem_shared>> -> memref<640x64xf32, #tpu.memory_space<vmem_shared>>
      tpu.wait_dma2 semaphore(%run_scoped3A_40 : memref<!tpu.dma_semaphore, #tpu.memory_space<semaphore_mem>>) src(%arg9 : memref<640x64xf32, #tpu.memory_space<hbm>>) dst(%dma_wait3A_42 : memref<640x64xf32, #tpu.memory_space<vmem_shared>>)
      tpu.yield
    }) : () -> ()
    %barrier3A_13 = arith.constant 0 : index
    tpu.barrier barrier_id(%barrier3A_13)
    %mul3A_14 = arith.constant 80 : i32
    %mul3A_15 = arith.muli %add3A, %mul3A_14 : i32
    "tpu.region"() ({
      %run_scoped3A_40 = tpu.sem_alloc : memref<!tpu.dma_semaphore, #tpu.memory_space<semaphore_mem>>
      %dma_start3A = arith.constant 0 : i32
      %dma_start3A_41 = tpu.memref_slice %arg5[%mul3A_15, %dma_start3A] : memref<2560x128xi32, #tpu.memory_space<hbm>> -> memref<80x128xi32, #tpu.memory_space<hbm>>
      %dma_start3A_42 = arith.constant 0 : i32
      %dma_start3A_43 = tpu.memref_slice %arg5[%mul3A_15, %dma_start3A_42] : memref<2560x128xi32, #tpu.memory_space<hbm>> -> memref<80x128xi32, #tpu.memory_space<hbm>>
      tpu.enqueue_dma source(%dma_start3A_43 : memref<80x128xi32, #tpu.memory_space<hbm>>) target(%arg14 : memref<80x128xi32, #tpu.memory_space<vmem>>) target_semaphore(%run_scoped3A_40 : memref<!tpu.dma_semaphore, #tpu.memory_space<semaphore_mem>>)
      %dma_wait3A = arith.constant 0 : i32
      %dma_wait3A_44 = tpu.memref_slice %arg5[%mul3A_15, %dma_wait3A] : memref<2560x128xi32, #tpu.memory_space<hbm>> -> memref<80x128xi32, #tpu.memory_space<hbm>>
      %dma_wait3A_45 = arith.constant 0 : i32
      %dma_wait3A_46 = tpu.memref_slice %arg5[%mul3A_15, %dma_wait3A_45] : memref<2560x128xi32, #tpu.memory_space<hbm>> -> memref<80x128xi32, #tpu.memory_space<hbm>>
      tpu.wait_dma2 semaphore(%run_scoped3A_40 : memref<!tpu.dma_semaphore, #tpu.memory_space<semaphore_mem>>) src(%dma_wait3A_46 : memref<80x128xi32, #tpu.memory_space<hbm>>) dst(%arg14 : memref<80x128xi32, #tpu.memory_space<vmem>>)
      tpu.yield
    }) : () -> ()
    %mul3A_16 = arith.constant 80 : i32
    %mul3A_17 = arith.muli %add3A, %mul3A_16 : i32
    "tpu.region"() ({
      %run_scoped3A_40 = tpu.sem_alloc : memref<!tpu.dma_semaphore, #tpu.memory_space<semaphore_mem>>
      %dma_start3A = arith.constant 0 : i32
      %dma_start3A_41 = tpu.memref_slice %arg6[%mul3A_17, %dma_start3A] : memref<2560x128xi32, #tpu.memory_space<hbm>> -> memref<80x128xi32, #tpu.memory_space<hbm>>
      %dma_start3A_42 = arith.constant 0 : i32
      %dma_start3A_43 = tpu.memref_slice %arg6[%mul3A_17, %dma_start3A_42] : memref<2560x128xi32, #tpu.memory_space<hbm>> -> memref<80x128xi32, #tpu.memory_space<hbm>>
      tpu.enqueue_dma source(%dma_start3A_43 : memref<80x128xi32, #tpu.memory_space<hbm>>) target(%arg15 : memref<80x128xi32, #tpu.memory_space<vmem>>) target_semaphore(%run_scoped3A_40 : memref<!tpu.dma_semaphore, #tpu.memory_space<semaphore_mem>>)
      %dma_wait3A = arith.constant 0 : i32
      %dma_wait3A_44 = tpu.memref_slice %arg6[%mul3A_17, %dma_wait3A] : memref<2560x128xi32, #tpu.memory_space<hbm>> -> memref<80x128xi32, #tpu.memory_space<hbm>>
      %dma_wait3A_45 = arith.constant 0 : i32
      %dma_wait3A_46 = tpu.memref_slice %arg6[%mul3A_17, %dma_wait3A_45] : memref<2560x128xi32, #tpu.memory_space<hbm>> -> memref<80x128xi32, #tpu.memory_space<hbm>>
      tpu.wait_dma2 semaphore(%run_scoped3A_40 : memref<!tpu.dma_semaphore, #tpu.memory_space<semaphore_mem>>) src(%dma_wait3A_46 : memref<80x128xi32, #tpu.memory_space<hbm>>) dst(%arg15 : memref<80x128xi32, #tpu.memory_space<vmem>>)
      tpu.yield
    }) : () -> ()
    %run_scoped3A_18 = arith.constant 1 : i32
    "tpu.region"() ({
      %run_scoped3A_40 = tpu.sem_alloc : memref<!tpu.dma_semaphore, #tpu.memory_space<semaphore_mem>>
      %dma_start3A = arith.constant 0 : i32
      %dma_start3A_41 = arith.constant 0 : i32
      %dma_start3A_42 = tpu.memref_slice %arg11[%run_scoped3A_18, %dma_start3A, %dma_start3A_41] : memref<3x128x16xf32, #tpu.memory_space<hbm>> -> memref<1x128x16xf32, #tpu.memory_space<hbm>>
      %dma_start3A_43 = tpu.memref_squeeze %dma_start3A_42 : memref<1x128x16xf32, #tpu.memory_space<hbm>> -> memref<128x16xf32, #tpu.memory_space<hbm>>
      %dma_start3A_44 = arith.constant 0 : i32
      %dma_start3A_45 = arith.constant 0 : i32
      %dma_start3A_46 = tpu.memref_slice %arg11[%run_scoped3A_18, %dma_start3A_44, %dma_start3A_45] : memref<3x128x16xf32, #tpu.memory_space<hbm>> -> memref<1x128x16xf32, #tpu.memory_space<hbm>>
      %dma_start3A_47 = tpu.memref_squeeze %dma_start3A_46 : memref<1x128x16xf32, #tpu.memory_space<hbm>> -> memref<128x16xf32, #tpu.memory_space<hbm>>
      tpu.enqueue_dma source(%dma_start3A_47 : memref<128x16xf32, #tpu.memory_space<hbm>>) target(%arg20 : memref<128x16xf32, #tpu.memory_space<vmem>>) target_semaphore(%run_scoped3A_40 : memref<!tpu.dma_semaphore, #tpu.memory_space<semaphore_mem>>)
      %dma_wait3A = arith.constant 0 : i32
      %dma_wait3A_48 = arith.constant 0 : i32
      %dma_wait3A_49 = tpu.memref_slice %arg11[%run_scoped3A_18, %dma_wait3A, %dma_wait3A_48] : memref<3x128x16xf32, #tpu.memory_space<hbm>> -> memref<1x128x16xf32, #tpu.memory_space<hbm>>
      %dma_wait3A_50 = tpu.memref_squeeze %dma_wait3A_49 : memref<1x128x16xf32, #tpu.memory_space<hbm>> -> memref<128x16xf32, #tpu.memory_space<hbm>>
      %dma_wait3A_51 = arith.constant 0 : i32
      %dma_wait3A_52 = arith.constant 0 : i32
      %dma_wait3A_53 = tpu.memref_slice %arg11[%run_scoped3A_18, %dma_wait3A_51, %dma_wait3A_52] : memref<3x128x16xf32, #tpu.memory_space<hbm>> -> memref<1x128x16xf32, #tpu.memory_space<hbm>>
      %dma_wait3A_54 = tpu.memref_squeeze %dma_wait3A_53 : memref<1x128x16xf32, #tpu.memory_space<hbm>> -> memref<128x16xf32, #tpu.memory_space<hbm>>
      tpu.wait_dma2 semaphore(%run_scoped3A_40 : memref<!tpu.dma_semaphore, #tpu.memory_space<semaphore_mem>>) src(%dma_wait3A_54 : memref<128x16xf32, #tpu.memory_space<hbm>>) dst(%arg20 : memref<128x16xf32, #tpu.memory_space<vmem>>)
      tpu.yield
    }) : () -> ()
    %scan3A_19 = arith.constant 0 : i32
    %scan3A_20 = arith.constant 20 : i32
    %scan3A_21 = arith.addi %scan3A_19, %scan3A_20 : i32
    %scan3A_22 = arith.constant 1 : i32
    scf.for %scan3A_40 = %scan3A_19 to %scan3A_21 step %scan3A_22  : i32 {
      %mul3A_41 = arith.constant 1 : i32
      %mul3A_42 = arith.muli %scan3A_40, %mul3A_41 : i32
      %add3A_43 = arith.constant 0 : i32
      %add3A_44 = arith.addi %add3A_43, %mul3A_42 : i32
      %mul3A_45 = arith.constant 4 : i32
      %mul3A_46 = arith.muli %add3A_44, %mul3A_45 : i32
      %add3A_47 = arith.constant 0 : i32
      %add3A_48 = arith.addi %mul3A_46, %add3A_47 : i32
      %dma_start3A = arith.constant 0 : i32
      %dma_start3A_49 = arith.constant 0 : i32
      %dma_start3A_50 = arith.constant 0 : i32
      %dma_start3A_51 = tpu.memref_slice %arg16[%dma_start3A, %dma_start3A_49, %dma_start3A_50] : memref<4x128x64xf32, #tpu.memory_space<vmem>> -> memref<1x128x64xf32, #tpu.memory_space<vmem>>
      %dma_start3A_52 = tpu.memref_squeeze %dma_start3A_51 : memref<1x128x64xf32, #tpu.memory_space<vmem>> -> memref<128x64xf32, #tpu.memory_space<vmem>>
      %dma_start3A_53 = arith.constant 0 : i32
      %dma_start3A_54 = tpu.memref_slice %arg14[%add3A_48, %dma_start3A_53] : memref<80x128xi32, #tpu.memory_space<vmem>> -> memref<1x128xi32, #tpu.memory_space<vmem>>
      %dma_start3A_55 = tpu.memref_squeeze %dma_start3A_54 : memref<1x128xi32, #tpu.memory_space<vmem>> -> memref<128xi32, #tpu.memory_space<vmem>>
      %dma_start3A_56 = arith.constant 0 : i32
      %dma_start3A_57 = arith.constant 0 : i32
      %dma_start3A_58 = tpu.memref_slice %arg2[%dma_start3A_56, %dma_start3A_57] : memref<10000x64xf32, #tpu.memory_space<hbm>> -> memref<10000x64xf32, #tpu.memory_space<hbm>>
      tpu.enqueue_indirect_dma source(%dma_start3A_58 : memref<10000x64xf32, #tpu.memory_space<hbm>>) target(%dma_start3A_52 : memref<128x64xf32, #tpu.memory_space<vmem>>) offsets(%dma_start3A_55 : memref<128xi32, #tpu.memory_space<vmem>>) semaphore(%arg18 : memref<!tpu.dma_semaphore, #tpu.memory_space<semaphore_mem>>)
      %mul3A_59 = arith.constant 4 : i32
      %mul3A_60 = arith.muli %add3A_44, %mul3A_59 : i32
      %add3A_61 = arith.constant 1 : i32
      %add3A_62 = arith.addi %mul3A_60, %add3A_61 : i32
      %dma_start3A_63 = arith.constant 1 : i32
      %dma_start3A_64 = arith.constant 0 : i32
      %dma_start3A_65 = arith.constant 0 : i32
      %dma_start3A_66 = tpu.memref_slice %arg16[%dma_start3A_63, %dma_start3A_64, %dma_start3A_65] : memref<4x128x64xf32, #tpu.memory_space<vmem>> -> memref<1x128x64xf32, #tpu.memory_space<vmem>>
      %dma_start3A_67 = tpu.memref_squeeze %dma_start3A_66 : memref<1x128x64xf32, #tpu.memory_space<vmem>> -> memref<128x64xf32, #tpu.memory_space<vmem>>
      %dma_start3A_68 = arith.constant 0 : i32
      %dma_start3A_69 = tpu.memref_slice %arg14[%add3A_62, %dma_start3A_68] : memref<80x128xi32, #tpu.memory_space<vmem>> -> memref<1x128xi32, #tpu.memory_space<vmem>>
      %dma_start3A_70 = tpu.memref_squeeze %dma_start3A_69 : memref<1x128xi32, #tpu.memory_space<vmem>> -> memref<128xi32, #tpu.memory_space<vmem>>
      %dma_start3A_71 = arith.constant 0 : i32
      %dma_start3A_72 = arith.constant 0 : i32
      %dma_start3A_73 = tpu.memref_slice %arg2[%dma_start3A_71, %dma_start3A_72] : memref<10000x64xf32, #tpu.memory_space<hbm>> -> memref<10000x64xf32, #tpu.memory_space<hbm>>
      tpu.enqueue_indirect_dma source(%dma_start3A_73 : memref<10000x64xf32, #tpu.memory_space<hbm>>) target(%dma_start3A_67 : memref<128x64xf32, #tpu.memory_space<vmem>>) offsets(%dma_start3A_70 : memref<128xi32, #tpu.memory_space<vmem>>) semaphore(%arg18 : memref<!tpu.dma_semaphore, #tpu.memory_space<semaphore_mem>>)
      %mul3A_74 = arith.constant 4 : i32
      %mul3A_75 = arith.muli %add3A_44, %mul3A_74 : i32
      %add3A_76 = arith.constant 2 : i32
      %add3A_77 = arith.addi %mul3A_75, %add3A_76 : i32
      %dma_start3A_78 = arith.constant 2 : i32
      %dma_start3A_79 = arith.constant 0 : i32
      %dma_start3A_80 = arith.constant 0 : i32
      %dma_start3A_81 = tpu.memref_slice %arg16[%dma_start3A_78, %dma_start3A_79, %dma_start3A_80] : memref<4x128x64xf32, #tpu.memory_space<vmem>> -> memref<1x128x64xf32, #tpu.memory_space<vmem>>
      %dma_start3A_82 = tpu.memref_squeeze %dma_start3A_81 : memref<1x128x64xf32, #tpu.memory_space<vmem>> -> memref<128x64xf32, #tpu.memory_space<vmem>>
      %dma_start3A_83 = arith.constant 0 : i32
      %dma_start3A_84 = tpu.memref_slice %arg14[%add3A_77, %dma_start3A_83] : memref<80x128xi32, #tpu.memory_space<vmem>> -> memref<1x128xi32, #tpu.memory_space<vmem>>
      %dma_start3A_85 = tpu.memref_squeeze %dma_start3A_84 : memref<1x128xi32, #tpu.memory_space<vmem>> -> memref<128xi32, #tpu.memory_space<vmem>>
      %dma_start3A_86 = arith.constant 0 : i32
      %dma_start3A_87 = arith.constant 0 : i32
      %dma_start3A_88 = tpu.memref_slice %arg2[%dma_start3A_86, %dma_start3A_87] : memref<10000x64xf32, #tpu.memory_space<hbm>> -> memref<10000x64xf32, #tpu.memory_space<hbm>>
      tpu.enqueue_indirect_dma source(%dma_start3A_88 : memref<10000x64xf32, #tpu.memory_space<hbm>>) target(%dma_start3A_82 : memref<128x64xf32, #tpu.memory_space<vmem>>) offsets(%dma_start3A_85 : memref<128xi32, #tpu.memory_space<vmem>>) semaphore(%arg18 : memref<!tpu.dma_semaphore, #tpu.memory_space<semaphore_mem>>)
      %mul3A_89 = arith.constant 4 : i32
      %mul3A_90 = arith.muli %add3A_44, %mul3A_89 : i32
      %add3A_91 = arith.constant 3 : i32
      %add3A_92 = arith.addi %mul3A_90, %add3A_91 : i32
      %dma_start3A_93 = arith.constant 3 : i32
      %dma_start3A_94 = arith.constant 0 : i32
      %dma_start3A_95 = arith.constant 0 : i32
      %dma_start3A_96 = tpu.memref_slice %arg16[%dma_start3A_93, %dma_start3A_94, %dma_start3A_95] : memref<4x128x64xf32, #tpu.memory_space<vmem>> -> memref<1x128x64xf32, #tpu.memory_space<vmem>>
      %dma_start3A_97 = tpu.memref_squeeze %dma_start3A_96 : memref<1x128x64xf32, #tpu.memory_space<vmem>> -> memref<128x64xf32, #tpu.memory_space<vmem>>
      %dma_start3A_98 = arith.constant 0 : i32
      %dma_start3A_99 = tpu.memref_slice %arg14[%add3A_92, %dma_start3A_98] : memref<80x128xi32, #tpu.memory_space<vmem>> -> memref<1x128xi32, #tpu.memory_space<vmem>>
      %dma_start3A_100 = tpu.memref_squeeze %dma_start3A_99 : memref<1x128xi32, #tpu.memory_space<vmem>> -> memref<128xi32, #tpu.memory_space<vmem>>
      %dma_start3A_101 = arith.constant 0 : i32
      %dma_start3A_102 = arith.constant 0 : i32
      %dma_start3A_103 = tpu.memref_slice %arg2[%dma_start3A_101, %dma_start3A_102] : memref<10000x64xf32, #tpu.memory_space<hbm>> -> memref<10000x64xf32, #tpu.memory_space<hbm>>
      tpu.enqueue_indirect_dma source(%dma_start3A_103 : memref<10000x64xf32, #tpu.memory_space<hbm>>) target(%dma_start3A_97 : memref<128x64xf32, #tpu.memory_space<vmem>>) offsets(%dma_start3A_100 : memref<128xi32, #tpu.memory_space<vmem>>) semaphore(%arg18 : memref<!tpu.dma_semaphore, #tpu.memory_space<semaphore_mem>>)
      %dma_wait3A = arith.constant 0 : i32
      %dma_wait3A_104 = arith.constant 0 : i32
      %dma_wait3A_105 = arith.constant 0 : i32
      %dma_wait3A_106 = tpu.memref_slice %arg16[%dma_wait3A, %dma_wait3A_104, %dma_wait3A_105] : memref<4x128x64xf32, #tpu.memory_space<vmem>> -> memref<1x128x64xf32, #tpu.memory_space<vmem>>
      %dma_wait3A_107 = tpu.memref_squeeze %dma_wait3A_106 : memref<1x128x64xf32, #tpu.memory_space<vmem>> -> memref<128x64xf32, #tpu.memory_space<vmem>>
      %dma_wait3A_108 = arith.constant 0 : i32
      %dma_wait3A_109 = tpu.memref_slice %arg14[%add3A_48, %dma_wait3A_108] : memref<80x128xi32, #tpu.memory_space<vmem>> -> memref<1x128xi32, #tpu.memory_space<vmem>>
      %dma_wait3A_110 = tpu.memref_squeeze %dma_wait3A_109 : memref<1x128xi32, #tpu.memory_space<vmem>> -> memref<128xi32, #tpu.memory_space<vmem>>
      %dma_wait3A_111 = arith.constant 0 : i32
      %dma_wait3A_112 = arith.constant 0 : i32
      %dma_wait3A_113 = tpu.memref_slice %arg2[%dma_wait3A_111, %dma_wait3A_112] : memref<10000x64xf32, #tpu.memory_space<hbm>> -> memref<10000x64xf32, #tpu.memory_space<hbm>>
      tpu.wait_indirect_dma semaphore(%arg18 : memref<!tpu.dma_semaphore, #tpu.memory_space<semaphore_mem>>) src(%dma_wait3A_113 : memref<10000x64xf32, #tpu.memory_space<hbm>>) dst(%dma_wait3A_107 : memref<128x64xf32, #tpu.memory_space<vmem>>)
      %dma_wait3A_114 = arith.constant 1 : i32
      %dma_wait3A_115 = arith.constant 0 : i32
      %dma_wait3A_116 = arith.constant 0 : i32
      %dma_wait3A_117 = tpu.memref_slice %arg16[%dma_wait3A_114, %dma_wait3A_115, %dma_wait3A_116] : memref<4x128x64xf32, #tpu.memory_space<vmem>> -> memref<1x128x64xf32, #tpu.memory_space<vmem>>
      %dma_wait3A_118 = tpu.memref_squeeze %dma_wait3A_117 : memref<1x128x64xf32, #tpu.memory_space<vmem>> -> memref<128x64xf32, #tpu.memory_space<vmem>>
      %dma_wait3A_119 = arith.constant 0 : i32
      %dma_wait3A_120 = tpu.memref_slice %arg14[%add3A_62, %dma_wait3A_119] : memref<80x128xi32, #tpu.memory_space<vmem>> -> memref<1x128xi32, #tpu.memory_space<vmem>>
      %dma_wait3A_121 = tpu.memref_squeeze %dma_wait3A_120 : memref<1x128xi32, #tpu.memory_space<vmem>> -> memref<128xi32, #tpu.memory_space<vmem>>
      %dma_wait3A_122 = arith.constant 0 : i32
      %dma_wait3A_123 = arith.constant 0 : i32
      %dma_wait3A_124 = tpu.memref_slice %arg2[%dma_wait3A_122, %dma_wait3A_123] : memref<10000x64xf32, #tpu.memory_space<hbm>> -> memref<10000x64xf32, #tpu.memory_space<hbm>>
      tpu.wait_indirect_dma semaphore(%arg18 : memref<!tpu.dma_semaphore, #tpu.memory_space<semaphore_mem>>) src(%dma_wait3A_124 : memref<10000x64xf32, #tpu.memory_space<hbm>>) dst(%dma_wait3A_118 : memref<128x64xf32, #tpu.memory_space<vmem>>)
      %dma_wait3A_125 = arith.constant 2 : i32
      %dma_wait3A_126 = arith.constant 0 : i32
      %dma_wait3A_127 = arith.constant 0 : i32
      %dma_wait3A_128 = tpu.memref_slice %arg16[%dma_wait3A_125, %dma_wait3A_126, %dma_wait3A_127] : memref<4x128x64xf32, #tpu.memory_space<vmem>> -> memref<1x128x64xf32, #tpu.memory_space<vmem>>
      %dma_wait3A_129 = tpu.memref_squeeze %dma_wait3A_128 : memref<1x128x64xf32, #tpu.memory_space<vmem>> -> memref<128x64xf32, #tpu.memory_space<vmem>>
      %dma_wait3A_130 = arith.constant 0 : i32
      %dma_wait3A_131 = tpu.memref_slice %arg14[%add3A_77, %dma_wait3A_130] : memref<80x128xi32, #tpu.memory_space<vmem>> -> memref<1x128xi32, #tpu.memory_space<vmem>>
      %dma_wait3A_132 = tpu.memref_squeeze %dma_wait3A_131 : memref<1x128xi32, #tpu.memory_space<vmem>> -> memref<128xi32, #tpu.memory_space<vmem>>
      %dma_wait3A_133 = arith.constant 0 : i32
      %dma_wait3A_134 = arith.constant 0 : i32
      %dma_wait3A_135 = tpu.memref_slice %arg2[%dma_wait3A_133, %dma_wait3A_134] : memref<10000x64xf32, #tpu.memory_space<hbm>> -> memref<10000x64xf32, #tpu.memory_space<hbm>>
      tpu.wait_indirect_dma semaphore(%arg18 : memref<!tpu.dma_semaphore, #tpu.memory_space<semaphore_mem>>) src(%dma_wait3A_135 : memref<10000x64xf32, #tpu.memory_space<hbm>>) dst(%dma_wait3A_129 : memref<128x64xf32, #tpu.memory_space<vmem>>)
      %dma_wait3A_136 = arith.constant 3 : i32
      %dma_wait3A_137 = arith.constant 0 : i32
      %dma_wait3A_138 = arith.constant 0 : i32
      %dma_wait3A_139 = tpu.memref_slice %arg16[%dma_wait3A_136, %dma_wait3A_137, %dma_wait3A_138] : memref<4x128x64xf32, #tpu.memory_space<vmem>> -> memref<1x128x64xf32, #tpu.memory_space<vmem>>
      %dma_wait3A_140 = tpu.memref_squeeze %dma_wait3A_139 : memref<1x128x64xf32, #tpu.memory_space<vmem>> -> memref<128x64xf32, #tpu.memory_space<vmem>>
      %dma_wait3A_141 = arith.constant 0 : i32
      %dma_wait3A_142 = tpu.memref_slice %arg14[%add3A_92, %dma_wait3A_141] : memref<80x128xi32, #tpu.memory_space<vmem>> -> memref<1x128xi32, #tpu.memory_space<vmem>>
      %dma_wait3A_143 = tpu.memref_squeeze %dma_wait3A_142 : memref<1x128xi32, #tpu.memory_space<vmem>> -> memref<128xi32, #tpu.memory_space<vmem>>
      %dma_wait3A_144 = arith.constant 0 : i32
      %dma_wait3A_145 = arith.constant 0 : i32
      %dma_wait3A_146 = tpu.memref_slice %arg2[%dma_wait3A_144, %dma_wait3A_145] : memref<10000x64xf32, #tpu.memory_space<hbm>> -> memref<10000x64xf32, #tpu.memory_space<hbm>>
      tpu.wait_indirect_dma semaphore(%arg18 : memref<!tpu.dma_semaphore, #tpu.memory_space<semaphore_mem>>) src(%dma_wait3A_146 : memref<10000x64xf32, #tpu.memory_space<hbm>>) dst(%dma_wait3A_140 : memref<128x64xf32, #tpu.memory_space<vmem>>)
      %mul3A_147 = arith.constant 4 : i32
      %mul3A_148 = arith.muli %add3A_44, %mul3A_147 : i32
      %add3A_149 = arith.constant 0 : i32
      %add3A_150 = arith.addi %mul3A_148, %add3A_149 : i32
      %dma_start3A_151 = arith.constant 0 : i32
      %dma_start3A_152 = arith.constant 0 : i32
      %dma_start3A_153 = arith.constant 0 : i32
      %dma_start3A_154 = tpu.memref_slice %arg16[%dma_start3A_151, %dma_start3A_152, %dma_start3A_153] : memref<4x128x64xf32, #tpu.memory_space<vmem>> -> memref<1x128x64xf32, #tpu.memory_space<vmem>>
      %dma_start3A_155 = tpu.memref_squeeze %dma_start3A_154 : memref<1x128x64xf32, #tpu.memory_space<vmem>> -> memref<128x64xf32, #tpu.memory_space<vmem>>
      %dma_start3A_156 = arith.constant 0 : i32
      %dma_start3A_157 = tpu.memref_slice %arg15[%add3A_150, %dma_start3A_156] : memref<80x128xi32, #tpu.memory_space<vmem>> -> memref<1x128xi32, #tpu.memory_space<vmem>>
      %dma_start3A_158 = tpu.memref_squeeze %dma_start3A_157 : memref<1x128xi32, #tpu.memory_space<vmem>> -> memref<128xi32, #tpu.memory_space<vmem>>
      %dma_start3A_159 = arith.constant 0 : i32
      %dma_start3A_160 = arith.constant 0 : i32
      %dma_start3A_161 = tpu.memref_slice %arg17[%dma_start3A_159, %dma_start3A_160] : memref<10240x64xf32, #tpu.memory_space<vmem_shared>> -> memref<10240x64xf32, #tpu.memory_space<vmem_shared>>
      tpu.enqueue_indirect_dma source(%dma_start3A_155 : memref<128x64xf32, #tpu.memory_space<vmem>>) target(%dma_start3A_161 : memref<10240x64xf32, #tpu.memory_space<vmem_shared>>) offsets(%dma_start3A_158 : memref<128xi32, #tpu.memory_space<vmem>>) semaphore(%arg19 : memref<!tpu.dma_semaphore, #tpu.memory_space<semaphore_mem>>) {add = true}
      %mul3A_162 = arith.constant 4 : i32
      %mul3A_163 = arith.muli %add3A_44, %mul3A_162 : i32
      %add3A_164 = arith.constant 0 : i32
      %add3A_165 = arith.addi %mul3A_163, %add3A_164 : i32
      %dma_start3A_166 = arith.constant 0 : i32
      %dma_start3A_167 = tpu.memref_slice %arg15[%add3A_165, %dma_start3A_166] : memref<80x128xi32, #tpu.memory_space<vmem>> -> memref<1x128xi32, #tpu.memory_space<vmem>>
      %dma_start3A_168 = tpu.memref_squeeze %dma_start3A_167 : memref<1x128xi32, #tpu.memory_space<vmem>> -> memref<128xi32, #tpu.memory_space<vmem>>
      %dma_start3A_169 = arith.constant 0 : i32
      %dma_start3A_170 = arith.constant 0 : i32
      %dma_start3A_171 = tpu.memref_slice %arg21[%dma_start3A_169, %dma_start3A_170] : memref<10240x16xf32, #tpu.memory_space<vmem_shared>> -> memref<10240x16xf32, #tpu.memory_space<vmem_shared>>
      tpu.enqueue_indirect_dma source(%arg20 : memref<128x16xf32, #tpu.memory_space<vmem>>) target(%dma_start3A_171 : memref<10240x16xf32, #tpu.memory_space<vmem_shared>>) offsets(%dma_start3A_168 : memref<128xi32, #tpu.memory_space<vmem>>) semaphore(%arg19 : memref<!tpu.dma_semaphore, #tpu.memory_space<semaphore_mem>>) {add = true}
      %mul3A_172 = arith.constant 4 : i32
      %mul3A_173 = arith.muli %add3A_44, %mul3A_172 : i32
      %add3A_174 = arith.constant 1 : i32
      %add3A_175 = arith.addi %mul3A_173, %add3A_174 : i32
      %dma_start3A_176 = arith.constant 1 : i32
      %dma_start3A_177 = arith.constant 0 : i32
      %dma_start3A_178 = arith.constant 0 : i32
      %dma_start3A_179 = tpu.memref_slice %arg16[%dma_start3A_176, %dma_start3A_177, %dma_start3A_178] : memref<4x128x64xf32, #tpu.memory_space<vmem>> -> memref<1x128x64xf32, #tpu.memory_space<vmem>>
      %dma_start3A_180 = tpu.memref_squeeze %dma_start3A_179 : memref<1x128x64xf32, #tpu.memory_space<vmem>> -> memref<128x64xf32, #tpu.memory_space<vmem>>
      %dma_start3A_181 = arith.constant 0 : i32
      %dma_start3A_182 = tpu.memref_slice %arg15[%add3A_175, %dma_start3A_181] : memref<80x128xi32, #tpu.memory_space<vmem>> -> memref<1x128xi32, #tpu.memory_space<vmem>>
      %dma_start3A_183 = tpu.memref_squeeze %dma_start3A_182 : memref<1x128xi32, #tpu.memory_space<vmem>> -> memref<128xi32, #tpu.memory_space<vmem>>
      %dma_start3A_184 = arith.constant 0 : i32
      %dma_start3A_185 = arith.constant 0 : i32
      %dma_start3A_186 = tpu.memref_slice %arg17[%dma_start3A_184, %dma_start3A_185] : memref<10240x64xf32, #tpu.memory_space<vmem_shared>> -> memref<10240x64xf32, #tpu.memory_space<vmem_shared>>
      tpu.enqueue_indirect_dma source(%dma_start3A_180 : memref<128x64xf32, #tpu.memory_space<vmem>>) target(%dma_start3A_186 : memref<10240x64xf32, #tpu.memory_space<vmem_shared>>) offsets(%dma_start3A_183 : memref<128xi32, #tpu.memory_space<vmem>>) semaphore(%arg19 : memref<!tpu.dma_semaphore, #tpu.memory_space<semaphore_mem>>) {add = true}
      %mul3A_187 = arith.constant 4 : i32
      %mul3A_188 = arith.muli %add3A_44, %mul3A_187 : i32
      %add3A_189 = arith.constant 1 : i32
      %add3A_190 = arith.addi %mul3A_188, %add3A_189 : i32
      %dma_start3A_191 = arith.constant 0 : i32
      %dma_start3A_192 = tpu.memref_slice %arg15[%add3A_190, %dma_start3A_191] : memref<80x128xi32, #tpu.memory_space<vmem>> -> memref<1x128xi32, #tpu.memory_space<vmem>>
      %dma_start3A_193 = tpu.memref_squeeze %dma_start3A_192 : memref<1x128xi32, #tpu.memory_space<vmem>> -> memref<128xi32, #tpu.memory_space<vmem>>
      %dma_start3A_194 = arith.constant 0 : i32
      %dma_start3A_195 = arith.constant 0 : i32
      %dma_start3A_196 = tpu.memref_slice %arg21[%dma_start3A_194, %dma_start3A_195] : memref<10240x16xf32, #tpu.memory_space<vmem_shared>> -> memref<10240x16xf32, #tpu.memory_space<vmem_shared>>
      tpu.enqueue_indirect_dma source(%arg20 : memref<128x16xf32, #tpu.memory_space<vmem>>) target(%dma_start3A_196 : memref<10240x16xf32, #tpu.memory_space<vmem_shared>>) offsets(%dma_start3A_193 : memref<128xi32, #tpu.memory_space<vmem>>) semaphore(%arg19 : memref<!tpu.dma_semaphore, #tpu.memory_space<semaphore_mem>>) {add = true}
      %mul3A_197 = arith.constant 4 : i32
      %mul3A_198 = arith.muli %add3A_44, %mul3A_197 : i32
      %add3A_199 = arith.constant 2 : i32
      %add3A_200 = arith.addi %mul3A_198, %add3A_199 : i32
      %dma_start3A_201 = arith.constant 2 : i32
      %dma_start3A_202 = arith.constant 0 : i32
      %dma_start3A_203 = arith.constant 0 : i32
      %dma_start3A_204 = tpu.memref_slice %arg16[%dma_start3A_201, %dma_start3A_202, %dma_start3A_203] : memref<4x128x64xf32, #tpu.memory_space<vmem>> -> memref<1x128x64xf32, #tpu.memory_space<vmem>>
      %dma_start3A_205 = tpu.memref_squeeze %dma_start3A_204 : memref<1x128x64xf32, #tpu.memory_space<vmem>> -> memref<128x64xf32, #tpu.memory_space<vmem>>
      %dma_start3A_206 = arith.constant 0 : i32
      %dma_start3A_207 = tpu.memref_slice %arg15[%add3A_200, %dma_start3A_206] : memref<80x128xi32, #tpu.memory_space<vmem>> -> memref<1x128xi32, #tpu.memory_space<vmem>>
      %dma_start3A_208 = tpu.memref_squeeze %dma_start3A_207 : memref<1x128xi32, #tpu.memory_space<vmem>> -> memref<128xi32, #tpu.memory_space<vmem>>
      %dma_start3A_209 = arith.constant 0 : i32
      %dma_start3A_210 = arith.constant 0 : i32
      %dma_start3A_211 = tpu.memref_slice %arg17[%dma_start3A_209, %dma_start3A_210] : memref<10240x64xf32, #tpu.memory_space<vmem_shared>> -> memref<10240x64xf32, #tpu.memory_space<vmem_shared>>
      tpu.enqueue_indirect_dma source(%dma_start3A_205 : memref<128x64xf32, #tpu.memory_space<vmem>>) target(%dma_start3A_211 : memref<10240x64xf32, #tpu.memory_space<vmem_shared>>) offsets(%dma_start3A_208 : memref<128xi32, #tpu.memory_space<vmem>>) semaphore(%arg19 : memref<!tpu.dma_semaphore, #tpu.memory_space<semaphore_mem>>) {add = true}
      %mul3A_212 = arith.constant 4 : i32
      %mul3A_213 = arith.muli %add3A_44, %mul3A_212 : i32
      %add3A_214 = arith.constant 2 : i32
      %add3A_215 = arith.addi %mul3A_213, %add3A_214 : i32
      %dma_start3A_216 = arith.constant 0 : i32
      %dma_start3A_217 = tpu.memref_slice %arg15[%add3A_215, %dma_start3A_216] : memref<80x128xi32, #tpu.memory_space<vmem>> -> memref<1x128xi32, #tpu.memory_space<vmem>>
      %dma_start3A_218 = tpu.memref_squeeze %dma_start3A_217 : memref<1x128xi32, #tpu.memory_space<vmem>> -> memref<128xi32, #tpu.memory_space<vmem>>
      %dma_start3A_219 = arith.constant 0 : i32
      %dma_start3A_220 = arith.constant 0 : i32
      %dma_start3A_221 = tpu.memref_slice %arg21[%dma_start3A_219, %dma_start3A_220] : memref<10240x16xf32, #tpu.memory_space<vmem_shared>> -> memref<10240x16xf32, #tpu.memory_space<vmem_shared>>
      tpu.enqueue_indirect_dma source(%arg20 : memref<128x16xf32, #tpu.memory_space<vmem>>) target(%dma_start3A_221 : memref<10240x16xf32, #tpu.memory_space<vmem_shared>>) offsets(%dma_start3A_218 : memref<128xi32, #tpu.memory_space<vmem>>) semaphore(%arg19 : memref<!tpu.dma_semaphore, #tpu.memory_space<semaphore_mem>>) {add = true}
      %mul3A_222 = arith.constant 4 : i32
      %mul3A_223 = arith.muli %add3A_44, %mul3A_222 : i32
      %add3A_224 = arith.constant 3 : i32
      %add3A_225 = arith.addi %mul3A_223, %add3A_224 : i32
      %dma_start3A_226 = arith.constant 3 : i32
      %dma_start3A_227 = arith.constant 0 : i32
      %dma_start3A_228 = arith.constant 0 : i32
      %dma_start3A_229 = tpu.memref_slice %arg16[%dma_start3A_226, %dma_start3A_227, %dma_start3A_228] : memref<4x128x64xf32, #tpu.memory_space<vmem>> -> memref<1x128x64xf32, #tpu.memory_space<vmem>>
      %dma_start3A_230 = tpu.memref_squeeze %dma_start3A_229 : memref<1x128x64xf32, #tpu.memory_space<vmem>> -> memref<128x64xf32, #tpu.memory_space<vmem>>
      %dma_start3A_231 = arith.constant 0 : i32
      %dma_start3A_232 = tpu.memref_slice %arg15[%add3A_225, %dma_start3A_231] : memref<80x128xi32, #tpu.memory_space<vmem>> -> memref<1x128xi32, #tpu.memory_space<vmem>>
      %dma_start3A_233 = tpu.memref_squeeze %dma_start3A_232 : memref<1x128xi32, #tpu.memory_space<vmem>> -> memref<128xi32, #tpu.memory_space<vmem>>
      %dma_start3A_234 = arith.constant 0 : i32
      %dma_start3A_235 = arith.constant 0 : i32
      %dma_start3A_236 = tpu.memref_slice %arg17[%dma_start3A_234, %dma_start3A_235] : memref<10240x64xf32, #tpu.memory_space<vmem_shared>> -> memref<10240x64xf32, #tpu.memory_space<vmem_shared>>
      tpu.enqueue_indirect_dma source(%dma_start3A_230 : memref<128x64xf32, #tpu.memory_space<vmem>>) target(%dma_start3A_236 : memref<10240x64xf32, #tpu.memory_space<vmem_shared>>) offsets(%dma_start3A_233 : memref<128xi32, #tpu.memory_space<vmem>>) semaphore(%arg19 : memref<!tpu.dma_semaphore, #tpu.memory_space<semaphore_mem>>) {add = true}
      %mul3A_237 = arith.constant 4 : i32
      %mul3A_238 = arith.muli %add3A_44, %mul3A_237 : i32
      %add3A_239 = arith.constant 3 : i32
      %add3A_240 = arith.addi %mul3A_238, %add3A_239 : i32
      %dma_start3A_241 = arith.constant 0 : i32
      %dma_start3A_242 = tpu.memref_slice %arg15[%add3A_240, %dma_start3A_241] : memref<80x128xi32, #tpu.memory_space<vmem>> -> memref<1x128xi32, #tpu.memory_space<vmem>>
      %dma_start3A_243 = tpu.memref_squeeze %dma_start3A_242 : memref<1x128xi32, #tpu.memory_space<vmem>> -> memref<128xi32, #tpu.memory_space<vmem>>
      %dma_start3A_244 = arith.constant 0 : i32
      %dma_start3A_245 = arith.constant 0 : i32
      %dma_start3A_246 = tpu.memref_slice %arg21[%dma_start3A_244, %dma_start3A_245] : memref<10240x16xf32, #tpu.memory_space<vmem_shared>> -> memref<10240x16xf32, #tpu.memory_space<vmem_shared>>
      tpu.enqueue_indirect_dma source(%arg20 : memref<128x16xf32, #tpu.memory_space<vmem>>) target(%dma_start3A_246 : memref<10240x16xf32, #tpu.memory_space<vmem_shared>>) offsets(%dma_start3A_243 : memref<128xi32, #tpu.memory_space<vmem>>) semaphore(%arg19 : memref<!tpu.dma_semaphore, #tpu.memory_space<semaphore_mem>>) {add = true}
      %dma_wait3A_247 = arith.constant 0 : i32
      %dma_wait3A_248 = arith.constant 0 : i32
      %dma_wait3A_249 = arith.constant 0 : i32
      %dma_wait3A_250 = tpu.memref_slice %arg16[%dma_wait3A_247, %dma_wait3A_248, %dma_wait3A_249] : memref<4x128x64xf32, #tpu.memory_space<vmem>> -> memref<1x128x64xf32, #tpu.memory_space<vmem>>
      %dma_wait3A_251 = tpu.memref_squeeze %dma_wait3A_250 : memref<1x128x64xf32, #tpu.memory_space<vmem>> -> memref<128x64xf32, #tpu.memory_space<vmem>>
      %dma_wait3A_252 = arith.constant 0 : i32
      %dma_wait3A_253 = tpu.memref_slice %arg15[%add3A_150, %dma_wait3A_252] : memref<80x128xi32, #tpu.memory_space<vmem>> -> memref<1x128xi32, #tpu.memory_space<vmem>>
      %dma_wait3A_254 = tpu.memref_squeeze %dma_wait3A_253 : memref<1x128xi32, #tpu.memory_space<vmem>> -> memref<128xi32, #tpu.memory_space<vmem>>
      %dma_wait3A_255 = arith.constant 0 : i32
      %dma_wait3A_256 = arith.constant 0 : i32
      %dma_wait3A_257 = tpu.memref_slice %arg17[%dma_wait3A_255, %dma_wait3A_256] : memref<10240x64xf32, #tpu.memory_space<vmem_shared>> -> memref<10240x64xf32, #tpu.memory_space<vmem_shared>>
      tpu.wait_indirect_dma semaphore(%arg19 : memref<!tpu.dma_semaphore, #tpu.memory_space<semaphore_mem>>) src(%dma_wait3A_251 : memref<128x64xf32, #tpu.memory_space<vmem>>) dst(%dma_wait3A_257 : memref<10240x64xf32, #tpu.memory_space<vmem_shared>>)
      %dma_wait3A_258 = arith.constant 0 : i32
      %dma_wait3A_259 = tpu.memref_slice %arg15[%add3A_165, %dma_wait3A_258] : memref<80x128xi32, #tpu.memory_space<vmem>> -> memref<1x128xi32, #tpu.memory_space<vmem>>
      %dma_wait3A_260 = tpu.memref_squeeze %dma_wait3A_259 : memref<1x128xi32, #tpu.memory_space<vmem>> -> memref<128xi32, #tpu.memory_space<vmem>>
      %dma_wait3A_261 = arith.constant 0 : i32
      %dma_wait3A_262 = arith.constant 0 : i32
      %dma_wait3A_263 = tpu.memref_slice %arg21[%dma_wait3A_261, %dma_wait3A_262] : memref<10240x16xf32, #tpu.memory_space<vmem_shared>> -> memref<10240x16xf32, #tpu.memory_space<vmem_shared>>
      tpu.wait_indirect_dma semaphore(%arg19 : memref<!tpu.dma_semaphore, #tpu.memory_space<semaphore_mem>>) src(%arg20 : memref<128x16xf32, #tpu.memory_space<vmem>>) dst(%dma_wait3A_263 : memref<10240x16xf32, #tpu.memory_space<vmem_shared>>)
      %dma_wait3A_264 = arith.constant 1 : i32
      %dma_wait3A_265 = arith.constant 0 : i32
      %dma_wait3A_266 = arith.constant 0 : i32
      %dma_wait3A_267 = tpu.memref_slice %arg16[%dma_wait3A_264, %dma_wait3A_265, %dma_wait3A_266] : memref<4x128x64xf32, #tpu.memory_space<vmem>> -> memref<1x128x64xf32, #tpu.memory_space<vmem>>
      %dma_wait3A_268 = tpu.memref_squeeze %dma_wait3A_267 : memref<1x128x64xf32, #tpu.memory_space<vmem>> -> memref<128x64xf32, #tpu.memory_space<vmem>>
      %dma_wait3A_269 = arith.constant 0 : i32
      %dma_wait3A_270 = tpu.memref_slice %arg15[%add3A_175, %dma_wait3A_269] : memref<80x128xi32, #tpu.memory_space<vmem>> -> memref<1x128xi32, #tpu.memory_space<vmem>>
      %dma_wait3A_271 = tpu.memref_squeeze %dma_wait3A_270 : memref<1x128xi32, #tpu.memory_space<vmem>> -> memref<128xi32, #tpu.memory_space<vmem>>
      %dma_wait3A_272 = arith.constant 0 : i32
      %dma_wait3A_273 = arith.constant 0 : i32
      %dma_wait3A_274 = tpu.memref_slice %arg17[%dma_wait3A_272, %dma_wait3A_273] : memref<10240x64xf32, #tpu.memory_space<vmem_shared>> -> memref<10240x64xf32, #tpu.memory_space<vmem_shared>>
      tpu.wait_indirect_dma semaphore(%arg19 : memref<!tpu.dma_semaphore, #tpu.memory_space<semaphore_mem>>) src(%dma_wait3A_268 : memref<128x64xf32, #tpu.memory_space<vmem>>) dst(%dma_wait3A_274 : memref<10240x64xf32, #tpu.memory_space<vmem_shared>>)
      %dma_wait3A_275 = arith.constant 0 : i32
      %dma_wait3A_276 = tpu.memref_slice %arg15[%add3A_190, %dma_wait3A_275] : memref<80x128xi32, #tpu.memory_space<vmem>> -> memref<1x128xi32, #tpu.memory_space<vmem>>
      %dma_wait3A_277 = tpu.memref_squeeze %dma_wait3A_276 : memref<1x128xi32, #tpu.memory_space<vmem>> -> memref<128xi32, #tpu.memory_space<vmem>>
      %dma_wait3A_278 = arith.constant 0 : i32
      %dma_wait3A_279 = arith.constant 0 : i32
      %dma_wait3A_280 = tpu.memref_slice %arg21[%dma_wait3A_278, %dma_wait3A_279] : memref<10240x16xf32, #tpu.memory_space<vmem_shared>> -> memref<10240x16xf32, #tpu.memory_space<vmem_shared>>
      tpu.wait_indirect_dma semaphore(%arg19 : memref<!tpu.dma_semaphore, #tpu.memory_space<semaphore_mem>>) src(%arg20 : memref<128x16xf32, #tpu.memory_space<vmem>>) dst(%dma_wait3A_280 : memref<10240x16xf32, #tpu.memory_space<vmem_shared>>)
      %dma_wait3A_281 = arith.constant 2 : i32
      %dma_wait3A_282 = arith.constant 0 : i32
      %dma_wait3A_283 = arith.constant 0 : i32
      %dma_wait3A_284 = tpu.memref_slice %arg16[%dma_wait3A_281, %dma_wait3A_282, %dma_wait3A_283] : memref<4x128x64xf32, #tpu.memory_space<vmem>> -> memref<1x128x64xf32, #tpu.memory_space<vmem>>
      %dma_wait3A_285 = tpu.memref_squeeze %dma_wait3A_284 : memref<1x128x64xf32, #tpu.memory_space<vmem>> -> memref<128x64xf32, #tpu.memory_space<vmem>>
      %dma_wait3A_286 = arith.constant 0 : i32
      %dma_wait3A_287 = tpu.memref_slice %arg15[%add3A_200, %dma_wait3A_286] : memref<80x128xi32, #tpu.memory_space<vmem>> -> memref<1x128xi32, #tpu.memory_space<vmem>>
      %dma_wait3A_288 = tpu.memref_squeeze %dma_wait3A_287 : memref<1x128xi32, #tpu.memory_space<vmem>> -> memref<128xi32, #tpu.memory_space<vmem>>
      %dma_wait3A_289 = arith.constant 0 : i32
      %dma_wait3A_290 = arith.constant 0 : i32
      %dma_wait3A_291 = tpu.memref_slice %arg17[%dma_wait3A_289, %dma_wait3A_290] : memref<10240x64xf32, #tpu.memory_space<vmem_shared>> -> memref<10240x64xf32, #tpu.memory_space<vmem_shared>>
      tpu.wait_indirect_dma semaphore(%arg19 : memref<!tpu.dma_semaphore, #tpu.memory_space<semaphore_mem>>) src(%dma_wait3A_285 : memref<128x64xf32, #tpu.memory_space<vmem>>) dst(%dma_wait3A_291 : memref<10240x64xf32, #tpu.memory_space<vmem_shared>>)
      %dma_wait3A_292 = arith.constant 0 : i32
      %dma_wait3A_293 = tpu.memref_slice %arg15[%add3A_215, %dma_wait3A_292] : memref<80x128xi32, #tpu.memory_space<vmem>> -> memref<1x128xi32, #tpu.memory_space<vmem>>
      %dma_wait3A_294 = tpu.memref_squeeze %dma_wait3A_293 : memref<1x128xi32, #tpu.memory_space<vmem>> -> memref<128xi32, #tpu.memory_space<vmem>>
      %dma_wait3A_295 = arith.constant 0 : i32
      %dma_wait3A_296 = arith.constant 0 : i32
      %dma_wait3A_297 = tpu.memref_slice %arg21[%dma_wait3A_295, %dma_wait3A_296] : memref<10240x16xf32, #tpu.memory_space<vmem_shared>> -> memref<10240x16xf32, #tpu.memory_space<vmem_shared>>
      tpu.wait_indirect_dma semaphore(%arg19 : memref<!tpu.dma_semaphore, #tpu.memory_space<semaphore_mem>>) src(%arg20 : memref<128x16xf32, #tpu.memory_space<vmem>>) dst(%dma_wait3A_297 : memref<10240x16xf32, #tpu.memory_space<vmem_shared>>)
      %dma_wait3A_298 = arith.constant 3 : i32
      %dma_wait3A_299 = arith.constant 0 : i32
      %dma_wait3A_300 = arith.constant 0 : i32
      %dma_wait3A_301 = tpu.memref_slice %arg16[%dma_wait3A_298, %dma_wait3A_299, %dma_wait3A_300] : memref<4x128x64xf32, #tpu.memory_space<vmem>> -> memref<1x128x64xf32, #tpu.memory_space<vmem>>
      %dma_wait3A_302 = tpu.memref_squeeze %dma_wait3A_301 : memref<1x128x64xf32, #tpu.memory_space<vmem>> -> memref<128x64xf32, #tpu.memory_space<vmem>>
      %dma_wait3A_303 = arith.constant 0 : i32
      %dma_wait3A_304 = tpu.memref_slice %arg15[%add3A_225, %dma_wait3A_303] : memref<80x128xi32, #tpu.memory_space<vmem>> -> memref<1x128xi32, #tpu.memory_space<vmem>>
      %dma_wait3A_305 = tpu.memref_squeeze %dma_wait3A_304 : memref<1x128xi32, #tpu.memory_space<vmem>> -> memref<128xi32, #tpu.memory_space<vmem>>
      %dma_wait3A_306 = arith.constant 0 : i32
      %dma_wait3A_307 = arith.constant 0 : i32
      %dma_wait3A_308 = tpu.memref_slice %arg17[%dma_wait3A_306, %dma_wait3A_307] : memref<10240x64xf32, #tpu.memory_space<vmem_shared>> -> memref<10240x64xf32, #tpu.memory_space<vmem_shared>>
      tpu.wait_indirect_dma semaphore(%arg19 : memref<!tpu.dma_semaphore, #tpu.memory_space<semaphore_mem>>) src(%dma_wait3A_302 : memref<128x64xf32, #tpu.memory_space<vmem>>) dst(%dma_wait3A_308 : memref<10240x64xf32, #tpu.memory_space<vmem_shared>>)
      %dma_wait3A_309 = arith.constant 0 : i32
      %dma_wait3A_310 = tpu.memref_slice %arg15[%add3A_240, %dma_wait3A_309] : memref<80x128xi32, #tpu.memory_space<vmem>> -> memref<1x128xi32, #tpu.memory_space<vmem>>
      %dma_wait3A_311 = tpu.memref_squeeze %dma_wait3A_310 : memref<1x128xi32, #tpu.memory_space<vmem>> -> memref<128xi32, #tpu.memory_space<vmem>>
      %dma_wait3A_312 = arith.constant 0 : i32
      %dma_wait3A_313 = arith.constant 0 : i32
      %dma_wait3A_314 = tpu.memref_slice %arg21[%dma_wait3A_312, %dma_wait3A_313] : memref<10240x16xf32, #tpu.memory_space<vmem_shared>> -> memref<10240x16xf32, #tpu.memory_space<vmem_shared>>
      tpu.wait_indirect_dma semaphore(%arg19 : memref<!tpu.dma_semaphore, #tpu.memory_space<semaphore_mem>>) src(%arg20 : memref<128x16xf32, #tpu.memory_space<vmem>>) dst(%dma_wait3A_314 : memref<10240x16xf32, #tpu.memory_space<vmem_shared>>)
    }
    %scan3A_23 = arith.constant 20 : i32
    %barrier3A_24 = arith.constant 0 : index
    tpu.barrier barrier_id(%barrier3A_24)
    %run_scoped3A_25 = arith.constant 1 : i32
    "tpu.region"() ({
      %run_scoped3A_40 = tpu.sem_alloc : memref<!tpu.dma_semaphore, #tpu.memory_space<semaphore_mem>>
      %dma_start3A = arith.constant 0 : i32
      %dma_start3A_41 = tpu.memref_slice %arg12[%arg0, %run_scoped3A_25, %mul3A_2, %dma_start3A] : memref<2x3x10240x64xf32, #tpu.memory_space<hbm>> -> memref<1x1x640x64xf32, #tpu.memory_space<hbm>>
      %dma_start3A_42 = tpu.memref_squeeze %dma_start3A_41 : memref<1x1x640x64xf32, #tpu.memory_space<hbm>> -> memref<640x64xf32, #tpu.memory_space<hbm>>
      %dma_start3A_43 = arith.constant 0 : i32
      %dma_start3A_44 = tpu.memref_slice %arg17[%mul3A_2, %dma_start3A_43] : memref<10240x64xf32, #tpu.memory_space<vmem_shared>> -> memref<640x64xf32, #tpu.memory_space<vmem_shared>>
      tpu.enqueue_dma source(%dma_start3A_44 : memref<640x64xf32, #tpu.memory_space<vmem_shared>>) target(%dma_start3A_42 : memref<640x64xf32, #tpu.memory_space<hbm>>) target_semaphore(%run_scoped3A_40 : memref<!tpu.dma_semaphore, #tpu.memory_space<semaphore_mem>>)
      %dma_wait3A = arith.constant 0 : i32
      %dma_wait3A_45 = tpu.memref_slice %arg12[%arg0, %run_scoped3A_25, %mul3A_2, %dma_wait3A] : memref<2x3x10240x64xf32, #tpu.memory_space<hbm>> -> memref<1x1x640x64xf32, #tpu.memory_space<hbm>>
      %dma_wait3A_46 = tpu.memref_squeeze %dma_wait3A_45 : memref<1x1x640x64xf32, #tpu.memory_space<hbm>> -> memref<640x64xf32, #tpu.memory_space<hbm>>
      %dma_wait3A_47 = arith.constant 0 : i32
      %dma_wait3A_48 = tpu.memref_slice %arg17[%mul3A_2, %dma_wait3A_47] : memref<10240x64xf32, #tpu.memory_space<vmem_shared>> -> memref<640x64xf32, #tpu.memory_space<vmem_shared>>
      tpu.wait_dma2 semaphore(%run_scoped3A_40 : memref<!tpu.dma_semaphore, #tpu.memory_space<semaphore_mem>>) src(%dma_wait3A_48 : memref<640x64xf32, #tpu.memory_space<vmem_shared>>) dst(%dma_wait3A_46 : memref<640x64xf32, #tpu.memory_space<hbm>>)
      tpu.yield
    }) : () -> ()
    "tpu.region"() ({
      %run_scoped3A_40 = tpu.sem_alloc : memref<!tpu.dma_semaphore, #tpu.memory_space<semaphore_mem>>
      %dma_start3A = arith.constant 0 : i32
      %dma_start3A_41 = tpu.memref_slice %arg17[%mul3A_2, %dma_start3A] : memref<10240x64xf32, #tpu.memory_space<vmem_shared>> -> memref<640x64xf32, #tpu.memory_space<vmem_shared>>
      tpu.enqueue_dma source(%arg9 : memref<640x64xf32, #tpu.memory_space<hbm>>) target(%dma_start3A_41 : memref<640x64xf32, #tpu.memory_space<vmem_shared>>) target_semaphore(%run_scoped3A_40 : memref<!tpu.dma_semaphore, #tpu.memory_space<semaphore_mem>>)
      %dma_wait3A = arith.constant 0 : i32
      %dma_wait3A_42 = tpu.memref_slice %arg17[%mul3A_2, %dma_wait3A] : memref<10240x64xf32, #tpu.memory_space<vmem_shared>> -> memref<640x64xf32, #tpu.memory_space<vmem_shared>>
      tpu.wait_dma2 semaphore(%run_scoped3A_40 : memref<!tpu.dma_semaphore, #tpu.memory_space<semaphore_mem>>) src(%arg9 : memref<640x64xf32, #tpu.memory_space<hbm>>) dst(%dma_wait3A_42 : memref<640x64xf32, #tpu.memory_space<vmem_shared>>)
      tpu.yield
    }) : () -> ()
    %barrier3A_26 = arith.constant 0 : index
    tpu.barrier barrier_id(%barrier3A_26)
    %mul3A_27 = arith.constant 80 : i32
    %mul3A_28 = arith.muli %add3A, %mul3A_27 : i32
    "tpu.region"() ({
      %run_scoped3A_40 = tpu.sem_alloc : memref<!tpu.dma_semaphore, #tpu.memory_space<semaphore_mem>>
      %dma_start3A = arith.constant 0 : i32
      %dma_start3A_41 = tpu.memref_slice %arg7[%mul3A_28, %dma_start3A] : memref<2560x128xi32, #tpu.memory_space<hbm>> -> memref<80x128xi32, #tpu.memory_space<hbm>>
      %dma_start3A_42 = arith.constant 0 : i32
      %dma_start3A_43 = tpu.memref_slice %arg7[%mul3A_28, %dma_start3A_42] : memref<2560x128xi32, #tpu.memory_space<hbm>> -> memref<80x128xi32, #tpu.memory_space<hbm>>
      tpu.enqueue_dma source(%dma_start3A_43 : memref<80x128xi32, #tpu.memory_space<hbm>>) target(%arg14 : memref<80x128xi32, #tpu.memory_space<vmem>>) target_semaphore(%run_scoped3A_40 : memref<!tpu.dma_semaphore, #tpu.memory_space<semaphore_mem>>)
      %dma_wait3A = arith.constant 0 : i32
      %dma_wait3A_44 = tpu.memref_slice %arg7[%mul3A_28, %dma_wait3A] : memref<2560x128xi32, #tpu.memory_space<hbm>> -> memref<80x128xi32, #tpu.memory_space<hbm>>
      %dma_wait3A_45 = arith.constant 0 : i32
      %dma_wait3A_46 = tpu.memref_slice %arg7[%mul3A_28, %dma_wait3A_45] : memref<2560x128xi32, #tpu.memory_space<hbm>> -> memref<80x128xi32, #tpu.memory_space<hbm>>
      tpu.wait_dma2 semaphore(%run_scoped3A_40 : memref<!tpu.dma_semaphore, #tpu.memory_space<semaphore_mem>>) src(%dma_wait3A_46 : memref<80x128xi32, #tpu.memory_space<hbm>>) dst(%arg14 : memref<80x128xi32, #tpu.memory_space<vmem>>)
      tpu.yield
    }) : () -> ()
    %mul3A_29 = arith.constant 80 : i32
    %mul3A_30 = arith.muli %add3A, %mul3A_29 : i32
    "tpu.region"() ({
      %run_scoped3A_40 = tpu.sem_alloc : memref<!tpu.dma_semaphore, #tpu.memory_space<semaphore_mem>>
      %dma_start3A = arith.constant 0 : i32
      %dma_start3A_41 = tpu.memref_slice %arg8[%mul3A_30, %dma_start3A] : memref<2560x128xi32, #tpu.memory_space<hbm>> -> memref<80x128xi32, #tpu.memory_space<hbm>>
      %dma_start3A_42 = arith.constant 0 : i32
      %dma_start3A_43 = tpu.memref_slice %arg8[%mul3A_30, %dma_start3A_42] : memref<2560x128xi32, #tpu.memory_space<hbm>> -> memref<80x128xi32, #tpu.memory_space<hbm>>
      tpu.enqueue_dma source(%dma_start3A_43 : memref<80x128xi32, #tpu.memory_space<hbm>>) target(%arg15 : memref<80x128xi32, #tpu.memory_space<vmem>>) target_semaphore(%run_scoped3A_40 : memref<!tpu.dma_semaphore, #tpu.memory_space<semaphore_mem>>)
      %dma_wait3A = arith.constant 0 : i32
      %dma_wait3A_44 = tpu.memref_slice %arg8[%mul3A_30, %dma_wait3A] : memref<2560x128xi32, #tpu.memory_space<hbm>> -> memref<80x128xi32, #tpu.memory_space<hbm>>
      %dma_wait3A_45 = arith.constant 0 : i32
      %dma_wait3A_46 = tpu.memref_slice %arg8[%mul3A_30, %dma_wait3A_45] : memref<2560x128xi32, #tpu.memory_space<hbm>> -> memref<80x128xi32, #tpu.memory_space<hbm>>
      tpu.wait_dma2 semaphore(%run_scoped3A_40 : memref<!tpu.dma_semaphore, #tpu.memory_space<semaphore_mem>>) src(%dma_wait3A_46 : memref<80x128xi32, #tpu.memory_space<hbm>>) dst(%arg15 : memref<80x128xi32, #tpu.memory_space<vmem>>)
      tpu.yield
    }) : () -> ()
    %run_scoped3A_31 = arith.constant 2 : i32
    "tpu.region"() ({
      %run_scoped3A_40 = tpu.sem_alloc : memref<!tpu.dma_semaphore, #tpu.memory_space<semaphore_mem>>
      %dma_start3A = arith.constant 0 : i32
      %dma_start3A_41 = arith.constant 0 : i32
      %dma_start3A_42 = tpu.memref_slice %arg11[%run_scoped3A_31, %dma_start3A, %dma_start3A_41] : memref<3x128x16xf32, #tpu.memory_space<hbm>> -> memref<1x128x16xf32, #tpu.memory_space<hbm>>
      %dma_start3A_43 = tpu.memref_squeeze %dma_start3A_42 : memref<1x128x16xf32, #tpu.memory_space<hbm>> -> memref<128x16xf32, #tpu.memory_space<hbm>>
      %dma_start3A_44 = arith.constant 0 : i32
      %dma_start3A_45 = arith.constant 0 : i32
      %dma_start3A_46 = tpu.memref_slice %arg11[%run_scoped3A_31, %dma_start3A_44, %dma_start3A_45] : memref<3x128x16xf32, #tpu.memory_space<hbm>> -> memref<1x128x16xf32, #tpu.memory_space<hbm>>
      %dma_start3A_47 = tpu.memref_squeeze %dma_start3A_46 : memref<1x128x16xf32, #tpu.memory_space<hbm>> -> memref<128x16xf32, #tpu.memory_space<hbm>>
      tpu.enqueue_dma source(%dma_start3A_47 : memref<128x16xf32, #tpu.memory_space<hbm>>) target(%arg20 : memref<128x16xf32, #tpu.memory_space<vmem>>) target_semaphore(%run_scoped3A_40 : memref<!tpu.dma_semaphore, #tpu.memory_space<semaphore_mem>>)
      %dma_wait3A = arith.constant 0 : i32
      %dma_wait3A_48 = arith.constant 0 : i32
      %dma_wait3A_49 = tpu.memref_slice %arg11[%run_scoped3A_31, %dma_wait3A, %dma_wait3A_48] : memref<3x128x16xf32, #tpu.memory_space<hbm>> -> memref<1x128x16xf32, #tpu.memory_space<hbm>>
      %dma_wait3A_50 = tpu.memref_squeeze %dma_wait3A_49 : memref<1x128x16xf32, #tpu.memory_space<hbm>> -> memref<128x16xf32, #tpu.memory_space<hbm>>
      %dma_wait3A_51 = arith.constant 0 : i32
      %dma_wait3A_52 = arith.constant 0 : i32
      %dma_wait3A_53 = tpu.memref_slice %arg11[%run_scoped3A_31, %dma_wait3A_51, %dma_wait3A_52] : memref<3x128x16xf32, #tpu.memory_space<hbm>> -> memref<1x128x16xf32, #tpu.memory_space<hbm>>
      %dma_wait3A_54 = tpu.memref_squeeze %dma_wait3A_53 : memref<1x128x16xf32, #tpu.memory_space<hbm>> -> memref<128x16xf32, #tpu.memory_space<hbm>>
      tpu.wait_dma2 semaphore(%run_scoped3A_40 : memref<!tpu.dma_semaphore, #tpu.memory_space<semaphore_mem>>) src(%dma_wait3A_54 : memref<128x16xf32, #tpu.memory_space<hbm>>) dst(%arg20 : memref<128x16xf32, #tpu.memory_space<vmem>>)
      tpu.yield
    }) : () -> ()
    %scan3A_32 = arith.constant 0 : i32
    %scan3A_33 = arith.constant 20 : i32
    %scan3A_34 = arith.addi %scan3A_32, %scan3A_33 : i32
    %scan3A_35 = arith.constant 1 : i32
    scf.for %scan3A_40 = %scan3A_32 to %scan3A_34 step %scan3A_35  : i32 {
      %mul3A_41 = arith.constant 1 : i32
      %mul3A_42 = arith.muli %scan3A_40, %mul3A_41 : i32
      %add3A_43 = arith.constant 0 : i32
      %add3A_44 = arith.addi %add3A_43, %mul3A_42 : i32
      %mul3A_45 = arith.constant 4 : i32
      %mul3A_46 = arith.muli %add3A_44, %mul3A_45 : i32
      %add3A_47 = arith.constant 0 : i32
      %add3A_48 = arith.addi %mul3A_46, %add3A_47 : i32
      %dma_start3A = arith.constant 0 : i32
      %dma_start3A_49 = arith.constant 0 : i32
      %dma_start3A_50 = arith.constant 0 : i32
      %dma_start3A_51 = tpu.memref_slice %arg16[%dma_start3A, %dma_start3A_49, %dma_start3A_50] : memref<4x128x64xf32, #tpu.memory_space<vmem>> -> memref<1x128x64xf32, #tpu.memory_space<vmem>>
      %dma_start3A_52 = tpu.memref_squeeze %dma_start3A_51 : memref<1x128x64xf32, #tpu.memory_space<vmem>> -> memref<128x64xf32, #tpu.memory_space<vmem>>
      %dma_start3A_53 = arith.constant 0 : i32
      %dma_start3A_54 = tpu.memref_slice %arg14[%add3A_48, %dma_start3A_53] : memref<80x128xi32, #tpu.memory_space<vmem>> -> memref<1x128xi32, #tpu.memory_space<vmem>>
      %dma_start3A_55 = tpu.memref_squeeze %dma_start3A_54 : memref<1x128xi32, #tpu.memory_space<vmem>> -> memref<128xi32, #tpu.memory_space<vmem>>
      %dma_start3A_56 = arith.constant 0 : i32
      %dma_start3A_57 = arith.constant 0 : i32
      %dma_start3A_58 = tpu.memref_slice %arg2[%dma_start3A_56, %dma_start3A_57] : memref<10000x64xf32, #tpu.memory_space<hbm>> -> memref<10000x64xf32, #tpu.memory_space<hbm>>
      tpu.enqueue_indirect_dma source(%dma_start3A_58 : memref<10000x64xf32, #tpu.memory_space<hbm>>) target(%dma_start3A_52 : memref<128x64xf32, #tpu.memory_space<vmem>>) offsets(%dma_start3A_55 : memref<128xi32, #tpu.memory_space<vmem>>) semaphore(%arg18 : memref<!tpu.dma_semaphore, #tpu.memory_space<semaphore_mem>>)
      %mul3A_59 = arith.constant 4 : i32
      %mul3A_60 = arith.muli %add3A_44, %mul3A_59 : i32
      %add3A_61 = arith.constant 1 : i32
      %add3A_62 = arith.addi %mul3A_60, %add3A_61 : i32
      %dma_start3A_63 = arith.constant 1 : i32
      %dma_start3A_64 = arith.constant 0 : i32
      %dma_start3A_65 = arith.constant 0 : i32
      %dma_start3A_66 = tpu.memref_slice %arg16[%dma_start3A_63, %dma_start3A_64, %dma_start3A_65] : memref<4x128x64xf32, #tpu.memory_space<vmem>> -> memref<1x128x64xf32, #tpu.memory_space<vmem>>
      %dma_start3A_67 = tpu.memref_squeeze %dma_start3A_66 : memref<1x128x64xf32, #tpu.memory_space<vmem>> -> memref<128x64xf32, #tpu.memory_space<vmem>>
      %dma_start3A_68 = arith.constant 0 : i32
      %dma_start3A_69 = tpu.memref_slice %arg14[%add3A_62, %dma_start3A_68] : memref<80x128xi32, #tpu.memory_space<vmem>> -> memref<1x128xi32, #tpu.memory_space<vmem>>
      %dma_start3A_70 = tpu.memref_squeeze %dma_start3A_69 : memref<1x128xi32, #tpu.memory_space<vmem>> -> memref<128xi32, #tpu.memory_space<vmem>>
      %dma_start3A_71 = arith.constant 0 : i32
      %dma_start3A_72 = arith.constant 0 : i32
      %dma_start3A_73 = tpu.memref_slice %arg2[%dma_start3A_71, %dma_start3A_72] : memref<10000x64xf32, #tpu.memory_space<hbm>> -> memref<10000x64xf32, #tpu.memory_space<hbm>>
      tpu.enqueue_indirect_dma source(%dma_start3A_73 : memref<10000x64xf32, #tpu.memory_space<hbm>>) target(%dma_start3A_67 : memref<128x64xf32, #tpu.memory_space<vmem>>) offsets(%dma_start3A_70 : memref<128xi32, #tpu.memory_space<vmem>>) semaphore(%arg18 : memref<!tpu.dma_semaphore, #tpu.memory_space<semaphore_mem>>)
      %mul3A_74 = arith.constant 4 : i32
      %mul3A_75 = arith.muli %add3A_44, %mul3A_74 : i32
      %add3A_76 = arith.constant 2 : i32
      %add3A_77 = arith.addi %mul3A_75, %add3A_76 : i32
      %dma_start3A_78 = arith.constant 2 : i32
      %dma_start3A_79 = arith.constant 0 : i32
      %dma_start3A_80 = arith.constant 0 : i32
      %dma_start3A_81 = tpu.memref_slice %arg16[%dma_start3A_78, %dma_start3A_79, %dma_start3A_80] : memref<4x128x64xf32, #tpu.memory_space<vmem>> -> memref<1x128x64xf32, #tpu.memory_space<vmem>>
      %dma_start3A_82 = tpu.memref_squeeze %dma_start3A_81 : memref<1x128x64xf32, #tpu.memory_space<vmem>> -> memref<128x64xf32, #tpu.memory_space<vmem>>
      %dma_start3A_83 = arith.constant 0 : i32
      %dma_start3A_84 = tpu.memref_slice %arg14[%add3A_77, %dma_start3A_83] : memref<80x128xi32, #tpu.memory_space<vmem>> -> memref<1x128xi32, #tpu.memory_space<vmem>>
      %dma_start3A_85 = tpu.memref_squeeze %dma_start3A_84 : memref<1x128xi32, #tpu.memory_space<vmem>> -> memref<128xi32, #tpu.memory_space<vmem>>
      %dma_start3A_86 = arith.constant 0 : i32
      %dma_start3A_87 = arith.constant 0 : i32
      %dma_start3A_88 = tpu.memref_slice %arg2[%dma_start3A_86, %dma_start3A_87] : memref<10000x64xf32, #tpu.memory_space<hbm>> -> memref<10000x64xf32, #tpu.memory_space<hbm>>
      tpu.enqueue_indirect_dma source(%dma_start3A_88 : memref<10000x64xf32, #tpu.memory_space<hbm>>) target(%dma_start3A_82 : memref<128x64xf32, #tpu.memory_space<vmem>>) offsets(%dma_start3A_85 : memref<128xi32, #tpu.memory_space<vmem>>) semaphore(%arg18 : memref<!tpu.dma_semaphore, #tpu.memory_space<semaphore_mem>>)
      %mul3A_89 = arith.constant 4 : i32
      %mul3A_90 = arith.muli %add3A_44, %mul3A_89 : i32
      %add3A_91 = arith.constant 3 : i32
      %add3A_92 = arith.addi %mul3A_90, %add3A_91 : i32
      %dma_start3A_93 = arith.constant 3 : i32
      %dma_start3A_94 = arith.constant 0 : i32
      %dma_start3A_95 = arith.constant 0 : i32
      %dma_start3A_96 = tpu.memref_slice %arg16[%dma_start3A_93, %dma_start3A_94, %dma_start3A_95] : memref<4x128x64xf32, #tpu.memory_space<vmem>> -> memref<1x128x64xf32, #tpu.memory_space<vmem>>
      %dma_start3A_97 = tpu.memref_squeeze %dma_start3A_96 : memref<1x128x64xf32, #tpu.memory_space<vmem>> -> memref<128x64xf32, #tpu.memory_space<vmem>>
      %dma_start3A_98 = arith.constant 0 : i32
      %dma_start3A_99 = tpu.memref_slice %arg14[%add3A_92, %dma_start3A_98] : memref<80x128xi32, #tpu.memory_space<vmem>> -> memref<1x128xi32, #tpu.memory_space<vmem>>
      %dma_start3A_100 = tpu.memref_squeeze %dma_start3A_99 : memref<1x128xi32, #tpu.memory_space<vmem>> -> memref<128xi32, #tpu.memory_space<vmem>>
      %dma_start3A_101 = arith.constant 0 : i32
      %dma_start3A_102 = arith.constant 0 : i32
      %dma_start3A_103 = tpu.memref_slice %arg2[%dma_start3A_101, %dma_start3A_102] : memref<10000x64xf32, #tpu.memory_space<hbm>> -> memref<10000x64xf32, #tpu.memory_space<hbm>>
      tpu.enqueue_indirect_dma source(%dma_start3A_103 : memref<10000x64xf32, #tpu.memory_space<hbm>>) target(%dma_start3A_97 : memref<128x64xf32, #tpu.memory_space<vmem>>) offsets(%dma_start3A_100 : memref<128xi32, #tpu.memory_space<vmem>>) semaphore(%arg18 : memref<!tpu.dma_semaphore, #tpu.memory_space<semaphore_mem>>)
      %dma_wait3A = arith.constant 0 : i32
      %dma_wait3A_104 = arith.constant 0 : i32
      %dma_wait3A_105 = arith.constant 0 : i32
      %dma_wait3A_106 = tpu.memref_slice %arg16[%dma_wait3A, %dma_wait3A_104, %dma_wait3A_105] : memref<4x128x64xf32, #tpu.memory_space<vmem>> -> memref<1x128x64xf32, #tpu.memory_space<vmem>>
      %dma_wait3A_107 = tpu.memref_squeeze %dma_wait3A_106 : memref<1x128x64xf32, #tpu.memory_space<vmem>> -> memref<128x64xf32, #tpu.memory_space<vmem>>
      %dma_wait3A_108 = arith.constant 0 : i32
      %dma_wait3A_109 = tpu.memref_slice %arg14[%add3A_48, %dma_wait3A_108] : memref<80x128xi32, #tpu.memory_space<vmem>> -> memref<1x128xi32, #tpu.memory_space<vmem>>
      %dma_wait3A_110 = tpu.memref_squeeze %dma_wait3A_109 : memref<1x128xi32, #tpu.memory_space<vmem>> -> memref<128xi32, #tpu.memory_space<vmem>>
      %dma_wait3A_111 = arith.constant 0 : i32
      %dma_wait3A_112 = arith.constant 0 : i32
      %dma_wait3A_113 = tpu.memref_slice %arg2[%dma_wait3A_111, %dma_wait3A_112] : memref<10000x64xf32, #tpu.memory_space<hbm>> -> memref<10000x64xf32, #tpu.memory_space<hbm>>
      tpu.wait_indirect_dma semaphore(%arg18 : memref<!tpu.dma_semaphore, #tpu.memory_space<semaphore_mem>>) src(%dma_wait3A_113 : memref<10000x64xf32, #tpu.memory_space<hbm>>) dst(%dma_wait3A_107 : memref<128x64xf32, #tpu.memory_space<vmem>>)
      %dma_wait3A_114 = arith.constant 1 : i32
      %dma_wait3A_115 = arith.constant 0 : i32
      %dma_wait3A_116 = arith.constant 0 : i32
      %dma_wait3A_117 = tpu.memref_slice %arg16[%dma_wait3A_114, %dma_wait3A_115, %dma_wait3A_116] : memref<4x128x64xf32, #tpu.memory_space<vmem>> -> memref<1x128x64xf32, #tpu.memory_space<vmem>>
      %dma_wait3A_118 = tpu.memref_squeeze %dma_wait3A_117 : memref<1x128x64xf32, #tpu.memory_space<vmem>> -> memref<128x64xf32, #tpu.memory_space<vmem>>
      %dma_wait3A_119 = arith.constant 0 : i32
      %dma_wait3A_120 = tpu.memref_slice %arg14[%add3A_62, %dma_wait3A_119] : memref<80x128xi32, #tpu.memory_space<vmem>> -> memref<1x128xi32, #tpu.memory_space<vmem>>
      %dma_wait3A_121 = tpu.memref_squeeze %dma_wait3A_120 : memref<1x128xi32, #tpu.memory_space<vmem>> -> memref<128xi32, #tpu.memory_space<vmem>>
      %dma_wait3A_122 = arith.constant 0 : i32
      %dma_wait3A_123 = arith.constant 0 : i32
      %dma_wait3A_124 = tpu.memref_slice %arg2[%dma_wait3A_122, %dma_wait3A_123] : memref<10000x64xf32, #tpu.memory_space<hbm>> -> memref<10000x64xf32, #tpu.memory_space<hbm>>
      tpu.wait_indirect_dma semaphore(%arg18 : memref<!tpu.dma_semaphore, #tpu.memory_space<semaphore_mem>>) src(%dma_wait3A_124 : memref<10000x64xf32, #tpu.memory_space<hbm>>) dst(%dma_wait3A_118 : memref<128x64xf32, #tpu.memory_space<vmem>>)
      %dma_wait3A_125 = arith.constant 2 : i32
      %dma_wait3A_126 = arith.constant 0 : i32
      %dma_wait3A_127 = arith.constant 0 : i32
      %dma_wait3A_128 = tpu.memref_slice %arg16[%dma_wait3A_125, %dma_wait3A_126, %dma_wait3A_127] : memref<4x128x64xf32, #tpu.memory_space<vmem>> -> memref<1x128x64xf32, #tpu.memory_space<vmem>>
      %dma_wait3A_129 = tpu.memref_squeeze %dma_wait3A_128 : memref<1x128x64xf32, #tpu.memory_space<vmem>> -> memref<128x64xf32, #tpu.memory_space<vmem>>
      %dma_wait3A_130 = arith.constant 0 : i32
      %dma_wait3A_131 = tpu.memref_slice %arg14[%add3A_77, %dma_wait3A_130] : memref<80x128xi32, #tpu.memory_space<vmem>> -> memref<1x128xi32, #tpu.memory_space<vmem>>
      %dma_wait3A_132 = tpu.memref_squeeze %dma_wait3A_131 : memref<1x128xi32, #tpu.memory_space<vmem>> -> memref<128xi32, #tpu.memory_space<vmem>>
      %dma_wait3A_133 = arith.constant 0 : i32
      %dma_wait3A_134 = arith.constant 0 : i32
      %dma_wait3A_135 = tpu.memref_slice %arg2[%dma_wait3A_133, %dma_wait3A_134] : memref<10000x64xf32, #tpu.memory_space<hbm>> -> memref<10000x64xf32, #tpu.memory_space<hbm>>
      tpu.wait_indirect_dma semaphore(%arg18 : memref<!tpu.dma_semaphore, #tpu.memory_space<semaphore_mem>>) src(%dma_wait3A_135 : memref<10000x64xf32, #tpu.memory_space<hbm>>) dst(%dma_wait3A_129 : memref<128x64xf32, #tpu.memory_space<vmem>>)
      %dma_wait3A_136 = arith.constant 3 : i32
      %dma_wait3A_137 = arith.constant 0 : i32
      %dma_wait3A_138 = arith.constant 0 : i32
      %dma_wait3A_139 = tpu.memref_slice %arg16[%dma_wait3A_136, %dma_wait3A_137, %dma_wait3A_138] : memref<4x128x64xf32, #tpu.memory_space<vmem>> -> memref<1x128x64xf32, #tpu.memory_space<vmem>>
      %dma_wait3A_140 = tpu.memref_squeeze %dma_wait3A_139 : memref<1x128x64xf32, #tpu.memory_space<vmem>> -> memref<128x64xf32, #tpu.memory_space<vmem>>
      %dma_wait3A_141 = arith.constant 0 : i32
      %dma_wait3A_142 = tpu.memref_slice %arg14[%add3A_92, %dma_wait3A_141] : memref<80x128xi32, #tpu.memory_space<vmem>> -> memref<1x128xi32, #tpu.memory_space<vmem>>
      %dma_wait3A_143 = tpu.memref_squeeze %dma_wait3A_142 : memref<1x128xi32, #tpu.memory_space<vmem>> -> memref<128xi32, #tpu.memory_space<vmem>>
      %dma_wait3A_144 = arith.constant 0 : i32
      %dma_wait3A_145 = arith.constant 0 : i32
      %dma_wait3A_146 = tpu.memref_slice %arg2[%dma_wait3A_144, %dma_wait3A_145] : memref<10000x64xf32, #tpu.memory_space<hbm>> -> memref<10000x64xf32, #tpu.memory_space<hbm>>
      tpu.wait_indirect_dma semaphore(%arg18 : memref<!tpu.dma_semaphore, #tpu.memory_space<semaphore_mem>>) src(%dma_wait3A_146 : memref<10000x64xf32, #tpu.memory_space<hbm>>) dst(%dma_wait3A_140 : memref<128x64xf32, #tpu.memory_space<vmem>>)
      %mul3A_147 = arith.constant 4 : i32
      %mul3A_148 = arith.muli %add3A_44, %mul3A_147 : i32
      %add3A_149 = arith.constant 0 : i32
      %add3A_150 = arith.addi %mul3A_148, %add3A_149 : i32
      %dma_start3A_151 = arith.constant 0 : i32
      %dma_start3A_152 = arith.constant 0 : i32
      %dma_start3A_153 = arith.constant 0 : i32
      %dma_start3A_154 = tpu.memref_slice %arg16[%dma_start3A_151, %dma_start3A_152, %dma_start3A_153] : memref<4x128x64xf32, #tpu.memory_space<vmem>> -> memref<1x128x64xf32, #tpu.memory_space<vmem>>
      %dma_start3A_155 = tpu.memref_squeeze %dma_start3A_154 : memref<1x128x64xf32, #tpu.memory_space<vmem>> -> memref<128x64xf32, #tpu.memory_space<vmem>>
      %dma_start3A_156 = arith.constant 0 : i32
      %dma_start3A_157 = tpu.memref_slice %arg15[%add3A_150, %dma_start3A_156] : memref<80x128xi32, #tpu.memory_space<vmem>> -> memref<1x128xi32, #tpu.memory_space<vmem>>
      %dma_start3A_158 = tpu.memref_squeeze %dma_start3A_157 : memref<1x128xi32, #tpu.memory_space<vmem>> -> memref<128xi32, #tpu.memory_space<vmem>>
      %dma_start3A_159 = arith.constant 0 : i32
      %dma_start3A_160 = arith.constant 0 : i32
      %dma_start3A_161 = tpu.memref_slice %arg17[%dma_start3A_159, %dma_start3A_160] : memref<10240x64xf32, #tpu.memory_space<vmem_shared>> -> memref<10240x64xf32, #tpu.memory_space<vmem_shared>>
      tpu.enqueue_indirect_dma source(%dma_start3A_155 : memref<128x64xf32, #tpu.memory_space<vmem>>) target(%dma_start3A_161 : memref<10240x64xf32, #tpu.memory_space<vmem_shared>>) offsets(%dma_start3A_158 : memref<128xi32, #tpu.memory_space<vmem>>) semaphore(%arg19 : memref<!tpu.dma_semaphore, #tpu.memory_space<semaphore_mem>>) {add = true}
      %mul3A_162 = arith.constant 4 : i32
      %mul3A_163 = arith.muli %add3A_44, %mul3A_162 : i32
      %add3A_164 = arith.constant 0 : i32
      %add3A_165 = arith.addi %mul3A_163, %add3A_164 : i32
      %dma_start3A_166 = arith.constant 0 : i32
      %dma_start3A_167 = tpu.memref_slice %arg15[%add3A_165, %dma_start3A_166] : memref<80x128xi32, #tpu.memory_space<vmem>> -> memref<1x128xi32, #tpu.memory_space<vmem>>
      %dma_start3A_168 = tpu.memref_squeeze %dma_start3A_167 : memref<1x128xi32, #tpu.memory_space<vmem>> -> memref<128xi32, #tpu.memory_space<vmem>>
      %dma_start3A_169 = arith.constant 0 : i32
      %dma_start3A_170 = arith.constant 0 : i32
      %dma_start3A_171 = tpu.memref_slice %arg21[%dma_start3A_169, %dma_start3A_170] : memref<10240x16xf32, #tpu.memory_space<vmem_shared>> -> memref<10240x16xf32, #tpu.memory_space<vmem_shared>>
      tpu.enqueue_indirect_dma source(%arg20 : memref<128x16xf32, #tpu.memory_space<vmem>>) target(%dma_start3A_171 : memref<10240x16xf32, #tpu.memory_space<vmem_shared>>) offsets(%dma_start3A_168 : memref<128xi32, #tpu.memory_space<vmem>>) semaphore(%arg19 : memref<!tpu.dma_semaphore, #tpu.memory_space<semaphore_mem>>) {add = true}
      %mul3A_172 = arith.constant 4 : i32
      %mul3A_173 = arith.muli %add3A_44, %mul3A_172 : i32
      %add3A_174 = arith.constant 1 : i32
      %add3A_175 = arith.addi %mul3A_173, %add3A_174 : i32
      %dma_start3A_176 = arith.constant 1 : i32
      %dma_start3A_177 = arith.constant 0 : i32
      %dma_start3A_178 = arith.constant 0 : i32
      %dma_start3A_179 = tpu.memref_slice %arg16[%dma_start3A_176, %dma_start3A_177, %dma_start3A_178] : memref<4x128x64xf32, #tpu.memory_space<vmem>> -> memref<1x128x64xf32, #tpu.memory_space<vmem>>
      %dma_start3A_180 = tpu.memref_squeeze %dma_start3A_179 : memref<1x128x64xf32, #tpu.memory_space<vmem>> -> memref<128x64xf32, #tpu.memory_space<vmem>>
      %dma_start3A_181 = arith.constant 0 : i32
      %dma_start3A_182 = tpu.memref_slice %arg15[%add3A_175, %dma_start3A_181] : memref<80x128xi32, #tpu.memory_space<vmem>> -> memref<1x128xi32, #tpu.memory_space<vmem>>
      %dma_start3A_183 = tpu.memref_squeeze %dma_start3A_182 : memref<1x128xi32, #tpu.memory_space<vmem>> -> memref<128xi32, #tpu.memory_space<vmem>>
      %dma_start3A_184 = arith.constant 0 : i32
      %dma_start3A_185 = arith.constant 0 : i32
      %dma_start3A_186 = tpu.memref_slice %arg17[%dma_start3A_184, %dma_start3A_185] : memref<10240x64xf32, #tpu.memory_space<vmem_shared>> -> memref<10240x64xf32, #tpu.memory_space<vmem_shared>>
      tpu.enqueue_indirect_dma source(%dma_start3A_180 : memref<128x64xf32, #tpu.memory_space<vmem>>) target(%dma_start3A_186 : memref<10240x64xf32, #tpu.memory_space<vmem_shared>>) offsets(%dma_start3A_183 : memref<128xi32, #tpu.memory_space<vmem>>) semaphore(%arg19 : memref<!tpu.dma_semaphore, #tpu.memory_space<semaphore_mem>>) {add = true}
      %mul3A_187 = arith.constant 4 : i32
      %mul3A_188 = arith.muli %add3A_44, %mul3A_187 : i32
      %add3A_189 = arith.constant 1 : i32
      %add3A_190 = arith.addi %mul3A_188, %add3A_189 : i32
      %dma_start3A_191 = arith.constant 0 : i32
      %dma_start3A_192 = tpu.memref_slice %arg15[%add3A_190, %dma_start3A_191] : memref<80x128xi32, #tpu.memory_space<vmem>> -> memref<1x128xi32, #tpu.memory_space<vmem>>
      %dma_start3A_193 = tpu.memref_squeeze %dma_start3A_192 : memref<1x128xi32, #tpu.memory_space<vmem>> -> memref<128xi32, #tpu.memory_space<vmem>>
      %dma_start3A_194 = arith.constant 0 : i32
      %dma_start3A_195 = arith.constant 0 : i32
      %dma_start3A_196 = tpu.memref_slice %arg21[%dma_start3A_194, %dma_start3A_195] : memref<10240x16xf32, #tpu.memory_space<vmem_shared>> -> memref<10240x16xf32, #tpu.memory_space<vmem_shared>>
      tpu.enqueue_indirect_dma source(%arg20 : memref<128x16xf32, #tpu.memory_space<vmem>>) target(%dma_start3A_196 : memref<10240x16xf32, #tpu.memory_space<vmem_shared>>) offsets(%dma_start3A_193 : memref<128xi32, #tpu.memory_space<vmem>>) semaphore(%arg19 : memref<!tpu.dma_semaphore, #tpu.memory_space<semaphore_mem>>) {add = true}
      %mul3A_197 = arith.constant 4 : i32
      %mul3A_198 = arith.muli %add3A_44, %mul3A_197 : i32
      %add3A_199 = arith.constant 2 : i32
      %add3A_200 = arith.addi %mul3A_198, %add3A_199 : i32
      %dma_start3A_201 = arith.constant 2 : i32
      %dma_start3A_202 = arith.constant 0 : i32
      %dma_start3A_203 = arith.constant 0 : i32
      %dma_start3A_204 = tpu.memref_slice %arg16[%dma_start3A_201, %dma_start3A_202, %dma_start3A_203] : memref<4x128x64xf32, #tpu.memory_space<vmem>> -> memref<1x128x64xf32, #tpu.memory_space<vmem>>
      %dma_start3A_205 = tpu.memref_squeeze %dma_start3A_204 : memref<1x128x64xf32, #tpu.memory_space<vmem>> -> memref<128x64xf32, #tpu.memory_space<vmem>>
      %dma_start3A_206 = arith.constant 0 : i32
      %dma_start3A_207 = tpu.memref_slice %arg15[%add3A_200, %dma_start3A_206] : memref<80x128xi32, #tpu.memory_space<vmem>> -> memref<1x128xi32, #tpu.memory_space<vmem>>
      %dma_start3A_208 = tpu.memref_squeeze %dma_start3A_207 : memref<1x128xi32, #tpu.memory_space<vmem>> -> memref<128xi32, #tpu.memory_space<vmem>>
      %dma_start3A_209 = arith.constant 0 : i32
      %dma_start3A_210 = arith.constant 0 : i32
      %dma_start3A_211 = tpu.memref_slice %arg17[%dma_start3A_209, %dma_start3A_210] : memref<10240x64xf32, #tpu.memory_space<vmem_shared>> -> memref<10240x64xf32, #tpu.memory_space<vmem_shared>>
      tpu.enqueue_indirect_dma source(%dma_start3A_205 : memref<128x64xf32, #tpu.memory_space<vmem>>) target(%dma_start3A_211 : memref<10240x64xf32, #tpu.memory_space<vmem_shared>>) offsets(%dma_start3A_208 : memref<128xi32, #tpu.memory_space<vmem>>) semaphore(%arg19 : memref<!tpu.dma_semaphore, #tpu.memory_space<semaphore_mem>>) {add = true}
      %mul3A_212 = arith.constant 4 : i32
      %mul3A_213 = arith.muli %add3A_44, %mul3A_212 : i32
      %add3A_214 = arith.constant 2 : i32
      %add3A_215 = arith.addi %mul3A_213, %add3A_214 : i32
      %dma_start3A_216 = arith.constant 0 : i32
      %dma_start3A_217 = tpu.memref_slice %arg15[%add3A_215, %dma_start3A_216] : memref<80x128xi32, #tpu.memory_space<vmem>> -> memref<1x128xi32, #tpu.memory_space<vmem>>
      %dma_start3A_218 = tpu.memref_squeeze %dma_start3A_217 : memref<1x128xi32, #tpu.memory_space<vmem>> -> memref<128xi32, #tpu.memory_space<vmem>>
      %dma_start3A_219 = arith.constant 0 : i32
      %dma_start3A_220 = arith.constant 0 : i32
      %dma_start3A_221 = tpu.memref_slice %arg21[%dma_start3A_219, %dma_start3A_220] : memref<10240x16xf32, #tpu.memory_space<vmem_shared>> -> memref<10240x16xf32, #tpu.memory_space<vmem_shared>>
      tpu.enqueue_indirect_dma source(%arg20 : memref<128x16xf32, #tpu.memory_space<vmem>>) target(%dma_start3A_221 : memref<10240x16xf32, #tpu.memory_space<vmem_shared>>) offsets(%dma_start3A_218 : memref<128xi32, #tpu.memory_space<vmem>>) semaphore(%arg19 : memref<!tpu.dma_semaphore, #tpu.memory_space<semaphore_mem>>) {add = true}
      %mul3A_222 = arith.constant 4 : i32
      %mul3A_223 = arith.muli %add3A_44, %mul3A_222 : i32
      %add3A_224 = arith.constant 3 : i32
      %add3A_225 = arith.addi %mul3A_223, %add3A_224 : i32
      %dma_start3A_226 = arith.constant 3 : i32
      %dma_start3A_227 = arith.constant 0 : i32
      %dma_start3A_228 = arith.constant 0 : i32
      %dma_start3A_229 = tpu.memref_slice %arg16[%dma_start3A_226, %dma_start3A_227, %dma_start3A_228] : memref<4x128x64xf32, #tpu.memory_space<vmem>> -> memref<1x128x64xf32, #tpu.memory_space<vmem>>
      %dma_start3A_230 = tpu.memref_squeeze %dma_start3A_229 : memref<1x128x64xf32, #tpu.memory_space<vmem>> -> memref<128x64xf32, #tpu.memory_space<vmem>>
      %dma_start3A_231 = arith.constant 0 : i32
      %dma_start3A_232 = tpu.memref_slice %arg15[%add3A_225, %dma_start3A_231] : memref<80x128xi32, #tpu.memory_space<vmem>> -> memref<1x128xi32, #tpu.memory_space<vmem>>
      %dma_start3A_233 = tpu.memref_squeeze %dma_start3A_232 : memref<1x128xi32, #tpu.memory_space<vmem>> -> memref<128xi32, #tpu.memory_space<vmem>>
      %dma_start3A_234 = arith.constant 0 : i32
      %dma_start3A_235 = arith.constant 0 : i32
      %dma_start3A_236 = tpu.memref_slice %arg17[%dma_start3A_234, %dma_start3A_235] : memref<10240x64xf32, #tpu.memory_space<vmem_shared>> -> memref<10240x64xf32, #tpu.memory_space<vmem_shared>>
      tpu.enqueue_indirect_dma source(%dma_start3A_230 : memref<128x64xf32, #tpu.memory_space<vmem>>) target(%dma_start3A_236 : memref<10240x64xf32, #tpu.memory_space<vmem_shared>>) offsets(%dma_start3A_233 : memref<128xi32, #tpu.memory_space<vmem>>) semaphore(%arg19 : memref<!tpu.dma_semaphore, #tpu.memory_space<semaphore_mem>>) {add = true}
      %mul3A_237 = arith.constant 4 : i32
      %mul3A_238 = arith.muli %add3A_44, %mul3A_237 : i32
      %add3A_239 = arith.constant 3 : i32
      %add3A_240 = arith.addi %mul3A_238, %add3A_239 : i32
      %dma_start3A_241 = arith.constant 0 : i32
      %dma_start3A_242 = tpu.memref_slice %arg15[%add3A_240, %dma_start3A_241] : memref<80x128xi32, #tpu.memory_space<vmem>> -> memref<1x128xi32, #tpu.memory_space<vmem>>
      %dma_start3A_243 = tpu.memref_squeeze %dma_start3A_242 : memref<1x128xi32, #tpu.memory_space<vmem>> -> memref<128xi32, #tpu.memory_space<vmem>>
      %dma_start3A_244 = arith.constant 0 : i32
      %dma_start3A_245 = arith.constant 0 : i32
      %dma_start3A_246 = tpu.memref_slice %arg21[%dma_start3A_244, %dma_start3A_245] : memref<10240x16xf32, #tpu.memory_space<vmem_shared>> -> memref<10240x16xf32, #tpu.memory_space<vmem_shared>>
      tpu.enqueue_indirect_dma source(%arg20 : memref<128x16xf32, #tpu.memory_space<vmem>>) target(%dma_start3A_246 : memref<10240x16xf32, #tpu.memory_space<vmem_shared>>) offsets(%dma_start3A_243 : memref<128xi32, #tpu.memory_space<vmem>>) semaphore(%arg19 : memref<!tpu.dma_semaphore, #tpu.memory_space<semaphore_mem>>) {add = true}
      %dma_wait3A_247 = arith.constant 0 : i32
      %dma_wait3A_248 = arith.constant 0 : i32
      %dma_wait3A_249 = arith.constant 0 : i32
      %dma_wait3A_250 = tpu.memref_slice %arg16[%dma_wait3A_247, %dma_wait3A_248, %dma_wait3A_249] : memref<4x128x64xf32, #tpu.memory_space<vmem>> -> memref<1x128x64xf32, #tpu.memory_space<vmem>>
      %dma_wait3A_251 = tpu.memref_squeeze %dma_wait3A_250 : memref<1x128x64xf32, #tpu.memory_space<vmem>> -> memref<128x64xf32, #tpu.memory_space<vmem>>
      %dma_wait3A_252 = arith.constant 0 : i32
      %dma_wait3A_253 = tpu.memref_slice %arg15[%add3A_150, %dma_wait3A_252] : memref<80x128xi32, #tpu.memory_space<vmem>> -> memref<1x128xi32, #tpu.memory_space<vmem>>
      %dma_wait3A_254 = tpu.memref_squeeze %dma_wait3A_253 : memref<1x128xi32, #tpu.memory_space<vmem>> -> memref<128xi32, #tpu.memory_space<vmem>>
      %dma_wait3A_255 = arith.constant 0 : i32
      %dma_wait3A_256 = arith.constant 0 : i32
      %dma_wait3A_257 = tpu.memref_slice %arg17[%dma_wait3A_255, %dma_wait3A_256] : memref<10240x64xf32, #tpu.memory_space<vmem_shared>> -> memref<10240x64xf32, #tpu.memory_space<vmem_shared>>
      tpu.wait_indirect_dma semaphore(%arg19 : memref<!tpu.dma_semaphore, #tpu.memory_space<semaphore_mem>>) src(%dma_wait3A_251 : memref<128x64xf32, #tpu.memory_space<vmem>>) dst(%dma_wait3A_257 : memref<10240x64xf32, #tpu.memory_space<vmem_shared>>)
      %dma_wait3A_258 = arith.constant 0 : i32
      %dma_wait3A_259 = tpu.memref_slice %arg15[%add3A_165, %dma_wait3A_258] : memref<80x128xi32, #tpu.memory_space<vmem>> -> memref<1x128xi32, #tpu.memory_space<vmem>>
      %dma_wait3A_260 = tpu.memref_squeeze %dma_wait3A_259 : memref<1x128xi32, #tpu.memory_space<vmem>> -> memref<128xi32, #tpu.memory_space<vmem>>
      %dma_wait3A_261 = arith.constant 0 : i32
      %dma_wait3A_262 = arith.constant 0 : i32
      %dma_wait3A_263 = tpu.memref_slice %arg21[%dma_wait3A_261, %dma_wait3A_262] : memref<10240x16xf32, #tpu.memory_space<vmem_shared>> -> memref<10240x16xf32, #tpu.memory_space<vmem_shared>>
      tpu.wait_indirect_dma semaphore(%arg19 : memref<!tpu.dma_semaphore, #tpu.memory_space<semaphore_mem>>) src(%arg20 : memref<128x16xf32, #tpu.memory_space<vmem>>) dst(%dma_wait3A_263 : memref<10240x16xf32, #tpu.memory_space<vmem_shared>>)
      %dma_wait3A_264 = arith.constant 1 : i32
      %dma_wait3A_265 = arith.constant 0 : i32
      %dma_wait3A_266 = arith.constant 0 : i32
      %dma_wait3A_267 = tpu.memref_slice %arg16[%dma_wait3A_264, %dma_wait3A_265, %dma_wait3A_266] : memref<4x128x64xf32, #tpu.memory_space<vmem>> -> memref<1x128x64xf32, #tpu.memory_space<vmem>>
      %dma_wait3A_268 = tpu.memref_squeeze %dma_wait3A_267 : memref<1x128x64xf32, #tpu.memory_space<vmem>> -> memref<128x64xf32, #tpu.memory_space<vmem>>
      %dma_wait3A_269 = arith.constant 0 : i32
      %dma_wait3A_270 = tpu.memref_slice %arg15[%add3A_175, %dma_wait3A_269] : memref<80x128xi32, #tpu.memory_space<vmem>> -> memref<1x128xi32, #tpu.memory_space<vmem>>
      %dma_wait3A_271 = tpu.memref_squeeze %dma_wait3A_270 : memref<1x128xi32, #tpu.memory_space<vmem>> -> memref<128xi32, #tpu.memory_space<vmem>>
      %dma_wait3A_272 = arith.constant 0 : i32
      %dma_wait3A_273 = arith.constant 0 : i32
      %dma_wait3A_274 = tpu.memref_slice %arg17[%dma_wait3A_272, %dma_wait3A_273] : memref<10240x64xf32, #tpu.memory_space<vmem_shared>> -> memref<10240x64xf32, #tpu.memory_space<vmem_shared>>
      tpu.wait_indirect_dma semaphore(%arg19 : memref<!tpu.dma_semaphore, #tpu.memory_space<semaphore_mem>>) src(%dma_wait3A_268 : memref<128x64xf32, #tpu.memory_space<vmem>>) dst(%dma_wait3A_274 : memref<10240x64xf32, #tpu.memory_space<vmem_shared>>)
      %dma_wait3A_275 = arith.constant 0 : i32
      %dma_wait3A_276 = tpu.memref_slice %arg15[%add3A_190, %dma_wait3A_275] : memref<80x128xi32, #tpu.memory_space<vmem>> -> memref<1x128xi32, #tpu.memory_space<vmem>>
      %dma_wait3A_277 = tpu.memref_squeeze %dma_wait3A_276 : memref<1x128xi32, #tpu.memory_space<vmem>> -> memref<128xi32, #tpu.memory_space<vmem>>
      %dma_wait3A_278 = arith.constant 0 : i32
      %dma_wait3A_279 = arith.constant 0 : i32
      %dma_wait3A_280 = tpu.memref_slice %arg21[%dma_wait3A_278, %dma_wait3A_279] : memref<10240x16xf32, #tpu.memory_space<vmem_shared>> -> memref<10240x16xf32, #tpu.memory_space<vmem_shared>>
      tpu.wait_indirect_dma semaphore(%arg19 : memref<!tpu.dma_semaphore, #tpu.memory_space<semaphore_mem>>) src(%arg20 : memref<128x16xf32, #tpu.memory_space<vmem>>) dst(%dma_wait3A_280 : memref<10240x16xf32, #tpu.memory_space<vmem_shared>>)
      %dma_wait3A_281 = arith.constant 2 : i32
      %dma_wait3A_282 = arith.constant 0 : i32
      %dma_wait3A_283 = arith.constant 0 : i32
      %dma_wait3A_284 = tpu.memref_slice %arg16[%dma_wait3A_281, %dma_wait3A_282, %dma_wait3A_283] : memref<4x128x64xf32, #tpu.memory_space<vmem>> -> memref<1x128x64xf32, #tpu.memory_space<vmem>>
      %dma_wait3A_285 = tpu.memref_squeeze %dma_wait3A_284 : memref<1x128x64xf32, #tpu.memory_space<vmem>> -> memref<128x64xf32, #tpu.memory_space<vmem>>
      %dma_wait3A_286 = arith.constant 0 : i32
      %dma_wait3A_287 = tpu.memref_slice %arg15[%add3A_200, %dma_wait3A_286] : memref<80x128xi32, #tpu.memory_space<vmem>> -> memref<1x128xi32, #tpu.memory_space<vmem>>
      %dma_wait3A_288 = tpu.memref_squeeze %dma_wait3A_287 : memref<1x128xi32, #tpu.memory_space<vmem>> -> memref<128xi32, #tpu.memory_space<vmem>>
      %dma_wait3A_289 = arith.constant 0 : i32
      %dma_wait3A_290 = arith.constant 0 : i32
      %dma_wait3A_291 = tpu.memref_slice %arg17[%dma_wait3A_289, %dma_wait3A_290] : memref<10240x64xf32, #tpu.memory_space<vmem_shared>> -> memref<10240x64xf32, #tpu.memory_space<vmem_shared>>
      tpu.wait_indirect_dma semaphore(%arg19 : memref<!tpu.dma_semaphore, #tpu.memory_space<semaphore_mem>>) src(%dma_wait3A_285 : memref<128x64xf32, #tpu.memory_space<vmem>>) dst(%dma_wait3A_291 : memref<10240x64xf32, #tpu.memory_space<vmem_shared>>)
      %dma_wait3A_292 = arith.constant 0 : i32
      %dma_wait3A_293 = tpu.memref_slice %arg15[%add3A_215, %dma_wait3A_292] : memref<80x128xi32, #tpu.memory_space<vmem>> -> memref<1x128xi32, #tpu.memory_space<vmem>>
      %dma_wait3A_294 = tpu.memref_squeeze %dma_wait3A_293 : memref<1x128xi32, #tpu.memory_space<vmem>> -> memref<128xi32, #tpu.memory_space<vmem>>
      %dma_wait3A_295 = arith.constant 0 : i32
      %dma_wait3A_296 = arith.constant 0 : i32
      %dma_wait3A_297 = tpu.memref_slice %arg21[%dma_wait3A_295, %dma_wait3A_296] : memref<10240x16xf32, #tpu.memory_space<vmem_shared>> -> memref<10240x16xf32, #tpu.memory_space<vmem_shared>>
      tpu.wait_indirect_dma semaphore(%arg19 : memref<!tpu.dma_semaphore, #tpu.memory_space<semaphore_mem>>) src(%arg20 : memref<128x16xf32, #tpu.memory_space<vmem>>) dst(%dma_wait3A_297 : memref<10240x16xf32, #tpu.memory_space<vmem_shared>>)
      %dma_wait3A_298 = arith.constant 3 : i32
      %dma_wait3A_299 = arith.constant 0 : i32
      %dma_wait3A_300 = arith.constant 0 : i32
      %dma_wait3A_301 = tpu.memref_slice %arg16[%dma_wait3A_298, %dma_wait3A_299, %dma_wait3A_300] : memref<4x128x64xf32, #tpu.memory_space<vmem>> -> memref<1x128x64xf32, #tpu.memory_space<vmem>>
      %dma_wait3A_302 = tpu.memref_squeeze %dma_wait3A_301 : memref<1x128x64xf32, #tpu.memory_space<vmem>> -> memref<128x64xf32, #tpu.memory_space<vmem>>
      %dma_wait3A_303 = arith.constant 0 : i32
      %dma_wait3A_304 = tpu.memref_slice %arg15[%add3A_225, %dma_wait3A_303] : memref<80x128xi32, #tpu.memory_space<vmem>> -> memref<1x128xi32, #tpu.memory_space<vmem>>
      %dma_wait3A_305 = tpu.memref_squeeze %dma_wait3A_304 : memref<1x128xi32, #tpu.memory_space<vmem>> -> memref<128xi32, #tpu.memory_space<vmem>>
      %dma_wait3A_306 = arith.constant 0 : i32
      %dma_wait3A_307 = arith.constant 0 : i32
      %dma_wait3A_308 = tpu.memref_slice %arg17[%dma_wait3A_306, %dma_wait3A_307] : memref<10240x64xf32, #tpu.memory_space<vmem_shared>> -> memref<10240x64xf32, #tpu.memory_space<vmem_shared>>
      tpu.wait_indirect_dma semaphore(%arg19 : memref<!tpu.dma_semaphore, #tpu.memory_space<semaphore_mem>>) src(%dma_wait3A_302 : memref<128x64xf32, #tpu.memory_space<vmem>>) dst(%dma_wait3A_308 : memref<10240x64xf32, #tpu.memory_space<vmem_shared>>)
      %dma_wait3A_309 = arith.constant 0 : i32
      %dma_wait3A_310 = tpu.memref_slice %arg15[%add3A_240, %dma_wait3A_309] : memref<80x128xi32, #tpu.memory_space<vmem>> -> memref<1x128xi32, #tpu.memory_space<vmem>>
      %dma_wait3A_311 = tpu.memref_squeeze %dma_wait3A_310 : memref<1x128xi32, #tpu.memory_space<vmem>> -> memref<128xi32, #tpu.memory_space<vmem>>
      %dma_wait3A_312 = arith.constant 0 : i32
      %dma_wait3A_313 = arith.constant 0 : i32
      %dma_wait3A_314 = tpu.memref_slice %arg21[%dma_wait3A_312, %dma_wait3A_313] : memref<10240x16xf32, #tpu.memory_space<vmem_shared>> -> memref<10240x16xf32, #tpu.memory_space<vmem_shared>>
      tpu.wait_indirect_dma semaphore(%arg19 : memref<!tpu.dma_semaphore, #tpu.memory_space<semaphore_mem>>) src(%arg20 : memref<128x16xf32, #tpu.memory_space<vmem>>) dst(%dma_wait3A_314 : memref<10240x16xf32, #tpu.memory_space<vmem_shared>>)
    }
    %scan3A_36 = arith.constant 20 : i32
    %barrier3A_37 = arith.constant 0 : index
    tpu.barrier barrier_id(%barrier3A_37)
    %run_scoped3A_38 = arith.constant 2 : i32
    "tpu.region"() ({
      %run_scoped3A_40 = tpu.sem_alloc : memref<!tpu.dma_semaphore, #tpu.memory_space<semaphore_mem>>
      %dma_start3A = arith.constant 0 : i32
      %dma_start3A_41 = tpu.memref_slice %arg12[%arg0, %run_scoped3A_38, %mul3A_2, %dma_start3A] : memref<2x3x10240x64xf32, #tpu.memory_space<hbm>> -> memref<1x1x640x64xf32, #tpu.memory_space<hbm>>
      %dma_start3A_42 = tpu.memref_squeeze %dma_start3A_41 : memref<1x1x640x64xf32, #tpu.memory_space<hbm>> -> memref<640x64xf32, #tpu.memory_space<hbm>>
      %dma_start3A_43 = arith.constant 0 : i32
      %dma_start3A_44 = tpu.memref_slice %arg17[%mul3A_2, %dma_start3A_43] : memref<10240x64xf32, #tpu.memory_space<vmem_shared>> -> memref<640x64xf32, #tpu.memory_space<vmem_shared>>
      tpu.enqueue_dma source(%dma_start3A_44 : memref<640x64xf32, #tpu.memory_space<vmem_shared>>) target(%dma_start3A_42 : memref<640x64xf32, #tpu.memory_space<hbm>>) target_semaphore(%run_scoped3A_40 : memref<!tpu.dma_semaphore, #tpu.memory_space<semaphore_mem>>)
      %dma_wait3A = arith.constant 0 : i32
      %dma_wait3A_45 = tpu.memref_slice %arg12[%arg0, %run_scoped3A_38, %mul3A_2, %dma_wait3A] : memref<2x3x10240x64xf32, #tpu.memory_space<hbm>> -> memref<1x1x640x64xf32, #tpu.memory_space<hbm>>
      %dma_wait3A_46 = tpu.memref_squeeze %dma_wait3A_45 : memref<1x1x640x64xf32, #tpu.memory_space<hbm>> -> memref<640x64xf32, #tpu.memory_space<hbm>>
      %dma_wait3A_47 = arith.constant 0 : i32
      %dma_wait3A_48 = tpu.memref_slice %arg17[%mul3A_2, %dma_wait3A_47] : memref<10240x64xf32, #tpu.memory_space<vmem_shared>> -> memref<640x64xf32, #tpu.memory_space<vmem_shared>>
      tpu.wait_dma2 semaphore(%run_scoped3A_40 : memref<!tpu.dma_semaphore, #tpu.memory_space<semaphore_mem>>) src(%dma_wait3A_48 : memref<640x64xf32, #tpu.memory_space<vmem_shared>>) dst(%dma_wait3A_46 : memref<640x64xf32, #tpu.memory_space<hbm>>)
      tpu.yield
    }) : () -> ()
    %barrier3A_39 = arith.constant 0 : index
    tpu.barrier barrier_id(%barrier3A_39)
    "tpu.region"() ({
      %run_scoped3A_40 = tpu.sem_alloc : memref<!tpu.dma_semaphore, #tpu.memory_space<semaphore_mem>>
      %dma_start3A = arith.constant 0 : i32
      %dma_start3A_41 = tpu.memref_slice %arg13[%arg0, %mul3A_2, %dma_start3A] : memref<2x10240x16xf32, #tpu.memory_space<hbm>> -> memref<1x640x16xf32, #tpu.memory_space<hbm>>
      %dma_start3A_42 = tpu.memref_squeeze %dma_start3A_41 : memref<1x640x16xf32, #tpu.memory_space<hbm>> -> memref<640x16xf32, #tpu.memory_space<hbm>>
      %dma_start3A_43 = arith.constant 0 : i32
      %dma_start3A_44 = tpu.memref_slice %arg21[%mul3A_2, %dma_start3A_43] : memref<10240x16xf32, #tpu.memory_space<vmem_shared>> -> memref<640x16xf32, #tpu.memory_space<vmem_shared>>
      tpu.enqueue_dma source(%dma_start3A_44 : memref<640x16xf32, #tpu.memory_space<vmem_shared>>) target(%dma_start3A_42 : memref<640x16xf32, #tpu.memory_space<hbm>>) target_semaphore(%run_scoped3A_40 : memref<!tpu.dma_semaphore, #tpu.memory_space<semaphore_mem>>)
      %dma_wait3A = arith.constant 0 : i32
      %dma_wait3A_45 = tpu.memref_slice %arg13[%arg0, %mul3A_2, %dma_wait3A] : memref<2x10240x16xf32, #tpu.memory_space<hbm>> -> memref<1x640x16xf32, #tpu.memory_space<hbm>>
      %dma_wait3A_46 = tpu.memref_squeeze %dma_wait3A_45 : memref<1x640x16xf32, #tpu.memory_space<hbm>> -> memref<640x16xf32, #tpu.memory_space<hbm>>
      %dma_wait3A_47 = arith.constant 0 : i32
      %dma_wait3A_48 = tpu.memref_slice %arg21[%mul3A_2, %dma_wait3A_47] : memref<10240x16xf32, #tpu.memory_space<vmem_shared>> -> memref<640x16xf32, #tpu.memory_space<vmem_shared>>
      tpu.wait_dma2 semaphore(%run_scoped3A_40 : memref<!tpu.dma_semaphore, #tpu.memory_space<semaphore_mem>>) src(%dma_wait3A_48 : memref<640x16xf32, #tpu.memory_space<vmem_shared>>) dst(%dma_wait3A_46 : memref<640x16xf32, #tpu.memory_space<hbm>>)
      tpu.yield
    }) : () -> ()
    return
  }
}

#map = affine_map<(d0, d1) -> (0, 0)>
#map1 = affine_map<(d0, d1) -> (0, 0, 0, 0)>
module attributes {stable_mosaic.version = 14 : i64} {
  func.func @body(%arg0: i32, %arg1: i32, %arg2: memref<10000x16xf32, #tpu.memory_space<hbm>>, %arg3: memref<2560x128xi32, #tpu.memory_space<hbm>>, %arg4: memref<2560x128xi32, #tpu.memory_space<hbm>>, %arg5: memref<2560x128xi32, #tpu.memory_space<hbm>>, %arg6: memref<2560x128xi32, #tpu.memory_space<hbm>>, %arg7: memref<2560x128xi32, #tpu.memory_space<hbm>>, %arg8: memref<2560x128xi32, #tpu.memory_space<hbm>>, %arg9: memref<640x16xf32, #tpu.memory_space<hbm>>, %arg10: memref<2x3x10240x16xf32, #tpu.memory_space<hbm>>, %arg11: memref<80x128xi32, #tpu.memory_space<vmem>>, %arg12: memref<80x128xi32, #tpu.memory_space<vmem>>, %arg13: memref<4x128x16xf32, #tpu.memory_space<vmem>>, %arg14: memref<10240x16xf32, #tpu.memory_space<vmem_shared>>, %arg15: memref<!tpu.dma_semaphore, #tpu.memory_space<semaphore_mem>>, %arg16: memref<!tpu.dma_semaphore, #tpu.memory_space<semaphore_mem>>) attributes {dimension_semantics = [#tpu.dimension_semantics<core_parallel>, #tpu.dimension_semantics<subcore_parallel>], iteration_bounds = array<i64: 2, 16>, scalar_prefetch = 0 : i64, scratch_operands = 6 : i64, tpu.core_type = #tpu.core_type<sc_vector_subcore>, window_params = [{transform_indices = #map}, {transform_indices = #map}, {transform_indices = #map}, {transform_indices = #map}, {transform_indices = #map}, {transform_indices = #map}, {transform_indices = #map}, {transform_indices = #map}, {transform_indices = #map1}]} {
    %mul3A = arith.constant 16 : i32
    %mul3A_0 = arith.muli %arg0, %mul3A : i32
    %add3A = arith.addi %mul3A_0, %arg1 : i32
    %mul3A_1 = arith.constant 640 : i32
    %mul3A_2 = arith.muli %arg1, %mul3A_1 : i32
    "tpu.region"() ({
      %run_scoped3A_37 = tpu.sem_alloc : memref<!tpu.dma_semaphore, #tpu.memory_space<semaphore_mem>>
      %dma_start3A = arith.constant 0 : i32
      %dma_start3A_38 = tpu.memref_slice %arg14[%mul3A_2, %dma_start3A] : memref<10240x16xf32, #tpu.memory_space<vmem_shared>> -> memref<640x16xf32, #tpu.memory_space<vmem_shared>>
      tpu.enqueue_dma source(%arg9 : memref<640x16xf32, #tpu.memory_space<hbm>>) target(%dma_start3A_38 : memref<640x16xf32, #tpu.memory_space<vmem_shared>>) target_semaphore(%run_scoped3A_37 : memref<!tpu.dma_semaphore, #tpu.memory_space<semaphore_mem>>)
      %dma_wait3A = arith.constant 0 : i32
      %dma_wait3A_39 = tpu.memref_slice %arg14[%mul3A_2, %dma_wait3A] : memref<10240x16xf32, #tpu.memory_space<vmem_shared>> -> memref<640x16xf32, #tpu.memory_space<vmem_shared>>
      tpu.wait_dma2 semaphore(%run_scoped3A_37 : memref<!tpu.dma_semaphore, #tpu.memory_space<semaphore_mem>>) src(%arg9 : memref<640x16xf32, #tpu.memory_space<hbm>>) dst(%dma_wait3A_39 : memref<640x16xf32, #tpu.memory_space<vmem_shared>>)
      tpu.yield
    }) : () -> ()
    %barrier3A = arith.constant 0 : index
    tpu.barrier barrier_id(%barrier3A)
    %mul3A_3 = arith.constant 80 : i32
    %mul3A_4 = arith.muli %add3A, %mul3A_3 : i32
    "tpu.region"() ({
      %run_scoped3A_37 = tpu.sem_alloc : memref<!tpu.dma_semaphore, #tpu.memory_space<semaphore_mem>>
      %dma_start3A = arith.constant 0 : i32
      %dma_start3A_38 = tpu.memref_slice %arg3[%mul3A_4, %dma_start3A] : memref<2560x128xi32, #tpu.memory_space<hbm>> -> memref<80x128xi32, #tpu.memory_space<hbm>>
      %dma_start3A_39 = arith.constant 0 : i32
      %dma_start3A_40 = tpu.memref_slice %arg3[%mul3A_4, %dma_start3A_39] : memref<2560x128xi32, #tpu.memory_space<hbm>> -> memref<80x128xi32, #tpu.memory_space<hbm>>
      tpu.enqueue_dma source(%dma_start3A_40 : memref<80x128xi32, #tpu.memory_space<hbm>>) target(%arg11 : memref<80x128xi32, #tpu.memory_space<vmem>>) target_semaphore(%run_scoped3A_37 : memref<!tpu.dma_semaphore, #tpu.memory_space<semaphore_mem>>)
      %dma_wait3A = arith.constant 0 : i32
      %dma_wait3A_41 = tpu.memref_slice %arg3[%mul3A_4, %dma_wait3A] : memref<2560x128xi32, #tpu.memory_space<hbm>> -> memref<80x128xi32, #tpu.memory_space<hbm>>
      %dma_wait3A_42 = arith.constant 0 : i32
      %dma_wait3A_43 = tpu.memref_slice %arg3[%mul3A_4, %dma_wait3A_42] : memref<2560x128xi32, #tpu.memory_space<hbm>> -> memref<80x128xi32, #tpu.memory_space<hbm>>
      tpu.wait_dma2 semaphore(%run_scoped3A_37 : memref<!tpu.dma_semaphore, #tpu.memory_space<semaphore_mem>>) src(%dma_wait3A_43 : memref<80x128xi32, #tpu.memory_space<hbm>>) dst(%arg11 : memref<80x128xi32, #tpu.memory_space<vmem>>)
      tpu.yield
    }) : () -> ()
    %mul3A_5 = arith.constant 80 : i32
    %mul3A_6 = arith.muli %add3A, %mul3A_5 : i32
    "tpu.region"() ({
      %run_scoped3A_37 = tpu.sem_alloc : memref<!tpu.dma_semaphore, #tpu.memory_space<semaphore_mem>>
      %dma_start3A = arith.constant 0 : i32
      %dma_start3A_38 = tpu.memref_slice %arg4[%mul3A_6, %dma_start3A] : memref<2560x128xi32, #tpu.memory_space<hbm>> -> memref<80x128xi32, #tpu.memory_space<hbm>>
      %dma_start3A_39 = arith.constant 0 : i32
      %dma_start3A_40 = tpu.memref_slice %arg4[%mul3A_6, %dma_start3A_39] : memref<2560x128xi32, #tpu.memory_space<hbm>> -> memref<80x128xi32, #tpu.memory_space<hbm>>
      tpu.enqueue_dma source(%dma_start3A_40 : memref<80x128xi32, #tpu.memory_space<hbm>>) target(%arg12 : memref<80x128xi32, #tpu.memory_space<vmem>>) target_semaphore(%run_scoped3A_37 : memref<!tpu.dma_semaphore, #tpu.memory_space<semaphore_mem>>)
      %dma_wait3A = arith.constant 0 : i32
      %dma_wait3A_41 = tpu.memref_slice %arg4[%mul3A_6, %dma_wait3A] : memref<2560x128xi32, #tpu.memory_space<hbm>> -> memref<80x128xi32, #tpu.memory_space<hbm>>
      %dma_wait3A_42 = arith.constant 0 : i32
      %dma_wait3A_43 = tpu.memref_slice %arg4[%mul3A_6, %dma_wait3A_42] : memref<2560x128xi32, #tpu.memory_space<hbm>> -> memref<80x128xi32, #tpu.memory_space<hbm>>
      tpu.wait_dma2 semaphore(%run_scoped3A_37 : memref<!tpu.dma_semaphore, #tpu.memory_space<semaphore_mem>>) src(%dma_wait3A_43 : memref<80x128xi32, #tpu.memory_space<hbm>>) dst(%arg12 : memref<80x128xi32, #tpu.memory_space<vmem>>)
      tpu.yield
    }) : () -> ()
    %scan3A = arith.constant 0 : i32
    %scan3A_7 = arith.constant 20 : i32
    %scan3A_8 = arith.addi %scan3A, %scan3A_7 : i32
    %scan3A_9 = arith.constant 1 : i32
    scf.for %scan3A_37 = %scan3A to %scan3A_8 step %scan3A_9  : i32 {
      %mul3A_38 = arith.constant 1 : i32
      %mul3A_39 = arith.muli %scan3A_37, %mul3A_38 : i32
      %add3A_40 = arith.constant 0 : i32
      %add3A_41 = arith.addi %add3A_40, %mul3A_39 : i32
      %mul3A_42 = arith.constant 4 : i32
      %mul3A_43 = arith.muli %add3A_41, %mul3A_42 : i32
      %add3A_44 = arith.constant 0 : i32
      %add3A_45 = arith.addi %mul3A_43, %add3A_44 : i32
      %dma_start3A = arith.constant 0 : i32
      %dma_start3A_46 = arith.constant 0 : i32
      %dma_start3A_47 = arith.constant 0 : i32
      %dma_start3A_48 = tpu.memref_slice %arg13[%dma_start3A, %dma_start3A_46, %dma_start3A_47] : memref<4x128x16xf32, #tpu.memory_space<vmem>> -> memref<1x128x16xf32, #tpu.memory_space<vmem>>
      %dma_start3A_49 = tpu.memref_squeeze %dma_start3A_48 : memref<1x128x16xf32, #tpu.memory_space<vmem>> -> memref<128x16xf32, #tpu.memory_space<vmem>>
      %dma_start3A_50 = arith.constant 0 : i32
      %dma_start3A_51 = tpu.memref_slice %arg11[%add3A_45, %dma_start3A_50] : memref<80x128xi32, #tpu.memory_space<vmem>> -> memref<1x128xi32, #tpu.memory_space<vmem>>
      %dma_start3A_52 = tpu.memref_squeeze %dma_start3A_51 : memref<1x128xi32, #tpu.memory_space<vmem>> -> memref<128xi32, #tpu.memory_space<vmem>>
      %dma_start3A_53 = arith.constant 0 : i32
      %dma_start3A_54 = arith.constant 0 : i32
      %dma_start3A_55 = tpu.memref_slice %arg2[%dma_start3A_53, %dma_start3A_54] : memref<10000x16xf32, #tpu.memory_space<hbm>> -> memref<10000x16xf32, #tpu.memory_space<hbm>>
      tpu.enqueue_indirect_dma source(%dma_start3A_55 : memref<10000x16xf32, #tpu.memory_space<hbm>>) target(%dma_start3A_49 : memref<128x16xf32, #tpu.memory_space<vmem>>) offsets(%dma_start3A_52 : memref<128xi32, #tpu.memory_space<vmem>>) semaphore(%arg15 : memref<!tpu.dma_semaphore, #tpu.memory_space<semaphore_mem>>)
      %mul3A_56 = arith.constant 4 : i32
      %mul3A_57 = arith.muli %add3A_41, %mul3A_56 : i32
      %add3A_58 = arith.constant 1 : i32
      %add3A_59 = arith.addi %mul3A_57, %add3A_58 : i32
      %dma_start3A_60 = arith.constant 1 : i32
      %dma_start3A_61 = arith.constant 0 : i32
      %dma_start3A_62 = arith.constant 0 : i32
      %dma_start3A_63 = tpu.memref_slice %arg13[%dma_start3A_60, %dma_start3A_61, %dma_start3A_62] : memref<4x128x16xf32, #tpu.memory_space<vmem>> -> memref<1x128x16xf32, #tpu.memory_space<vmem>>
      %dma_start3A_64 = tpu.memref_squeeze %dma_start3A_63 : memref<1x128x16xf32, #tpu.memory_space<vmem>> -> memref<128x16xf32, #tpu.memory_space<vmem>>
      %dma_start3A_65 = arith.constant 0 : i32
      %dma_start3A_66 = tpu.memref_slice %arg11[%add3A_59, %dma_start3A_65] : memref<80x128xi32, #tpu.memory_space<vmem>> -> memref<1x128xi32, #tpu.memory_space<vmem>>
      %dma_start3A_67 = tpu.memref_squeeze %dma_start3A_66 : memref<1x128xi32, #tpu.memory_space<vmem>> -> memref<128xi32, #tpu.memory_space<vmem>>
      %dma_start3A_68 = arith.constant 0 : i32
      %dma_start3A_69 = arith.constant 0 : i32
      %dma_start3A_70 = tpu.memref_slice %arg2[%dma_start3A_68, %dma_start3A_69] : memref<10000x16xf32, #tpu.memory_space<hbm>> -> memref<10000x16xf32, #tpu.memory_space<hbm>>
      tpu.enqueue_indirect_dma source(%dma_start3A_70 : memref<10000x16xf32, #tpu.memory_space<hbm>>) target(%dma_start3A_64 : memref<128x16xf32, #tpu.memory_space<vmem>>) offsets(%dma_start3A_67 : memref<128xi32, #tpu.memory_space<vmem>>) semaphore(%arg15 : memref<!tpu.dma_semaphore, #tpu.memory_space<semaphore_mem>>)
      %mul3A_71 = arith.constant 4 : i32
      %mul3A_72 = arith.muli %add3A_41, %mul3A_71 : i32
      %add3A_73 = arith.constant 2 : i32
      %add3A_74 = arith.addi %mul3A_72, %add3A_73 : i32
      %dma_start3A_75 = arith.constant 2 : i32
      %dma_start3A_76 = arith.constant 0 : i32
      %dma_start3A_77 = arith.constant 0 : i32
      %dma_start3A_78 = tpu.memref_slice %arg13[%dma_start3A_75, %dma_start3A_76, %dma_start3A_77] : memref<4x128x16xf32, #tpu.memory_space<vmem>> -> memref<1x128x16xf32, #tpu.memory_space<vmem>>
      %dma_start3A_79 = tpu.memref_squeeze %dma_start3A_78 : memref<1x128x16xf32, #tpu.memory_space<vmem>> -> memref<128x16xf32, #tpu.memory_space<vmem>>
      %dma_start3A_80 = arith.constant 0 : i32
      %dma_start3A_81 = tpu.memref_slice %arg11[%add3A_74, %dma_start3A_80] : memref<80x128xi32, #tpu.memory_space<vmem>> -> memref<1x128xi32, #tpu.memory_space<vmem>>
      %dma_start3A_82 = tpu.memref_squeeze %dma_start3A_81 : memref<1x128xi32, #tpu.memory_space<vmem>> -> memref<128xi32, #tpu.memory_space<vmem>>
      %dma_start3A_83 = arith.constant 0 : i32
      %dma_start3A_84 = arith.constant 0 : i32
      %dma_start3A_85 = tpu.memref_slice %arg2[%dma_start3A_83, %dma_start3A_84] : memref<10000x16xf32, #tpu.memory_space<hbm>> -> memref<10000x16xf32, #tpu.memory_space<hbm>>
      tpu.enqueue_indirect_dma source(%dma_start3A_85 : memref<10000x16xf32, #tpu.memory_space<hbm>>) target(%dma_start3A_79 : memref<128x16xf32, #tpu.memory_space<vmem>>) offsets(%dma_start3A_82 : memref<128xi32, #tpu.memory_space<vmem>>) semaphore(%arg15 : memref<!tpu.dma_semaphore, #tpu.memory_space<semaphore_mem>>)
      %mul3A_86 = arith.constant 4 : i32
      %mul3A_87 = arith.muli %add3A_41, %mul3A_86 : i32
      %add3A_88 = arith.constant 3 : i32
      %add3A_89 = arith.addi %mul3A_87, %add3A_88 : i32
      %dma_start3A_90 = arith.constant 3 : i32
      %dma_start3A_91 = arith.constant 0 : i32
      %dma_start3A_92 = arith.constant 0 : i32
      %dma_start3A_93 = tpu.memref_slice %arg13[%dma_start3A_90, %dma_start3A_91, %dma_start3A_92] : memref<4x128x16xf32, #tpu.memory_space<vmem>> -> memref<1x128x16xf32, #tpu.memory_space<vmem>>
      %dma_start3A_94 = tpu.memref_squeeze %dma_start3A_93 : memref<1x128x16xf32, #tpu.memory_space<vmem>> -> memref<128x16xf32, #tpu.memory_space<vmem>>
      %dma_start3A_95 = arith.constant 0 : i32
      %dma_start3A_96 = tpu.memref_slice %arg11[%add3A_89, %dma_start3A_95] : memref<80x128xi32, #tpu.memory_space<vmem>> -> memref<1x128xi32, #tpu.memory_space<vmem>>
      %dma_start3A_97 = tpu.memref_squeeze %dma_start3A_96 : memref<1x128xi32, #tpu.memory_space<vmem>> -> memref<128xi32, #tpu.memory_space<vmem>>
      %dma_start3A_98 = arith.constant 0 : i32
      %dma_start3A_99 = arith.constant 0 : i32
      %dma_start3A_100 = tpu.memref_slice %arg2[%dma_start3A_98, %dma_start3A_99] : memref<10000x16xf32, #tpu.memory_space<hbm>> -> memref<10000x16xf32, #tpu.memory_space<hbm>>
      tpu.enqueue_indirect_dma source(%dma_start3A_100 : memref<10000x16xf32, #tpu.memory_space<hbm>>) target(%dma_start3A_94 : memref<128x16xf32, #tpu.memory_space<vmem>>) offsets(%dma_start3A_97 : memref<128xi32, #tpu.memory_space<vmem>>) semaphore(%arg15 : memref<!tpu.dma_semaphore, #tpu.memory_space<semaphore_mem>>)
      %dma_wait3A = arith.constant 0 : i32
      %dma_wait3A_101 = arith.constant 0 : i32
      %dma_wait3A_102 = arith.constant 0 : i32
      %dma_wait3A_103 = tpu.memref_slice %arg13[%dma_wait3A, %dma_wait3A_101, %dma_wait3A_102] : memref<4x128x16xf32, #tpu.memory_space<vmem>> -> memref<1x128x16xf32, #tpu.memory_space<vmem>>
      %dma_wait3A_104 = tpu.memref_squeeze %dma_wait3A_103 : memref<1x128x16xf32, #tpu.memory_space<vmem>> -> memref<128x16xf32, #tpu.memory_space<vmem>>
      %dma_wait3A_105 = arith.constant 0 : i32
      %dma_wait3A_106 = tpu.memref_slice %arg11[%add3A_45, %dma_wait3A_105] : memref<80x128xi32, #tpu.memory_space<vmem>> -> memref<1x128xi32, #tpu.memory_space<vmem>>
      %dma_wait3A_107 = tpu.memref_squeeze %dma_wait3A_106 : memref<1x128xi32, #tpu.memory_space<vmem>> -> memref<128xi32, #tpu.memory_space<vmem>>
      %dma_wait3A_108 = arith.constant 0 : i32
      %dma_wait3A_109 = arith.constant 0 : i32
      %dma_wait3A_110 = tpu.memref_slice %arg2[%dma_wait3A_108, %dma_wait3A_109] : memref<10000x16xf32, #tpu.memory_space<hbm>> -> memref<10000x16xf32, #tpu.memory_space<hbm>>
      tpu.wait_indirect_dma semaphore(%arg15 : memref<!tpu.dma_semaphore, #tpu.memory_space<semaphore_mem>>) src(%dma_wait3A_110 : memref<10000x16xf32, #tpu.memory_space<hbm>>) dst(%dma_wait3A_104 : memref<128x16xf32, #tpu.memory_space<vmem>>)
      %dma_wait3A_111 = arith.constant 1 : i32
      %dma_wait3A_112 = arith.constant 0 : i32
      %dma_wait3A_113 = arith.constant 0 : i32
      %dma_wait3A_114 = tpu.memref_slice %arg13[%dma_wait3A_111, %dma_wait3A_112, %dma_wait3A_113] : memref<4x128x16xf32, #tpu.memory_space<vmem>> -> memref<1x128x16xf32, #tpu.memory_space<vmem>>
      %dma_wait3A_115 = tpu.memref_squeeze %dma_wait3A_114 : memref<1x128x16xf32, #tpu.memory_space<vmem>> -> memref<128x16xf32, #tpu.memory_space<vmem>>
      %dma_wait3A_116 = arith.constant 0 : i32
      %dma_wait3A_117 = tpu.memref_slice %arg11[%add3A_59, %dma_wait3A_116] : memref<80x128xi32, #tpu.memory_space<vmem>> -> memref<1x128xi32, #tpu.memory_space<vmem>>
      %dma_wait3A_118 = tpu.memref_squeeze %dma_wait3A_117 : memref<1x128xi32, #tpu.memory_space<vmem>> -> memref<128xi32, #tpu.memory_space<vmem>>
      %dma_wait3A_119 = arith.constant 0 : i32
      %dma_wait3A_120 = arith.constant 0 : i32
      %dma_wait3A_121 = tpu.memref_slice %arg2[%dma_wait3A_119, %dma_wait3A_120] : memref<10000x16xf32, #tpu.memory_space<hbm>> -> memref<10000x16xf32, #tpu.memory_space<hbm>>
      tpu.wait_indirect_dma semaphore(%arg15 : memref<!tpu.dma_semaphore, #tpu.memory_space<semaphore_mem>>) src(%dma_wait3A_121 : memref<10000x16xf32, #tpu.memory_space<hbm>>) dst(%dma_wait3A_115 : memref<128x16xf32, #tpu.memory_space<vmem>>)
      %dma_wait3A_122 = arith.constant 2 : i32
      %dma_wait3A_123 = arith.constant 0 : i32
      %dma_wait3A_124 = arith.constant 0 : i32
      %dma_wait3A_125 = tpu.memref_slice %arg13[%dma_wait3A_122, %dma_wait3A_123, %dma_wait3A_124] : memref<4x128x16xf32, #tpu.memory_space<vmem>> -> memref<1x128x16xf32, #tpu.memory_space<vmem>>
      %dma_wait3A_126 = tpu.memref_squeeze %dma_wait3A_125 : memref<1x128x16xf32, #tpu.memory_space<vmem>> -> memref<128x16xf32, #tpu.memory_space<vmem>>
      %dma_wait3A_127 = arith.constant 0 : i32
      %dma_wait3A_128 = tpu.memref_slice %arg11[%add3A_74, %dma_wait3A_127] : memref<80x128xi32, #tpu.memory_space<vmem>> -> memref<1x128xi32, #tpu.memory_space<vmem>>
      %dma_wait3A_129 = tpu.memref_squeeze %dma_wait3A_128 : memref<1x128xi32, #tpu.memory_space<vmem>> -> memref<128xi32, #tpu.memory_space<vmem>>
      %dma_wait3A_130 = arith.constant 0 : i32
      %dma_wait3A_131 = arith.constant 0 : i32
      %dma_wait3A_132 = tpu.memref_slice %arg2[%dma_wait3A_130, %dma_wait3A_131] : memref<10000x16xf32, #tpu.memory_space<hbm>> -> memref<10000x16xf32, #tpu.memory_space<hbm>>
      tpu.wait_indirect_dma semaphore(%arg15 : memref<!tpu.dma_semaphore, #tpu.memory_space<semaphore_mem>>) src(%dma_wait3A_132 : memref<10000x16xf32, #tpu.memory_space<hbm>>) dst(%dma_wait3A_126 : memref<128x16xf32, #tpu.memory_space<vmem>>)
      %dma_wait3A_133 = arith.constant 3 : i32
      %dma_wait3A_134 = arith.constant 0 : i32
      %dma_wait3A_135 = arith.constant 0 : i32
      %dma_wait3A_136 = tpu.memref_slice %arg13[%dma_wait3A_133, %dma_wait3A_134, %dma_wait3A_135] : memref<4x128x16xf32, #tpu.memory_space<vmem>> -> memref<1x128x16xf32, #tpu.memory_space<vmem>>
      %dma_wait3A_137 = tpu.memref_squeeze %dma_wait3A_136 : memref<1x128x16xf32, #tpu.memory_space<vmem>> -> memref<128x16xf32, #tpu.memory_space<vmem>>
      %dma_wait3A_138 = arith.constant 0 : i32
      %dma_wait3A_139 = tpu.memref_slice %arg11[%add3A_89, %dma_wait3A_138] : memref<80x128xi32, #tpu.memory_space<vmem>> -> memref<1x128xi32, #tpu.memory_space<vmem>>
      %dma_wait3A_140 = tpu.memref_squeeze %dma_wait3A_139 : memref<1x128xi32, #tpu.memory_space<vmem>> -> memref<128xi32, #tpu.memory_space<vmem>>
      %dma_wait3A_141 = arith.constant 0 : i32
      %dma_wait3A_142 = arith.constant 0 : i32
      %dma_wait3A_143 = tpu.memref_slice %arg2[%dma_wait3A_141, %dma_wait3A_142] : memref<10000x16xf32, #tpu.memory_space<hbm>> -> memref<10000x16xf32, #tpu.memory_space<hbm>>
      tpu.wait_indirect_dma semaphore(%arg15 : memref<!tpu.dma_semaphore, #tpu.memory_space<semaphore_mem>>) src(%dma_wait3A_143 : memref<10000x16xf32, #tpu.memory_space<hbm>>) dst(%dma_wait3A_137 : memref<128x16xf32, #tpu.memory_space<vmem>>)
      %mul3A_144 = arith.constant 4 : i32
      %mul3A_145 = arith.muli %add3A_41, %mul3A_144 : i32
      %add3A_146 = arith.constant 0 : i32
      %add3A_147 = arith.addi %mul3A_145, %add3A_146 : i32
      %dma_start3A_148 = arith.constant 0 : i32
      %dma_start3A_149 = arith.constant 0 : i32
      %dma_start3A_150 = arith.constant 0 : i32
      %dma_start3A_151 = tpu.memref_slice %arg13[%dma_start3A_148, %dma_start3A_149, %dma_start3A_150] : memref<4x128x16xf32, #tpu.memory_space<vmem>> -> memref<1x128x16xf32, #tpu.memory_space<vmem>>
      %dma_start3A_152 = tpu.memref_squeeze %dma_start3A_151 : memref<1x128x16xf32, #tpu.memory_space<vmem>> -> memref<128x16xf32, #tpu.memory_space<vmem>>
      %dma_start3A_153 = arith.constant 0 : i32
      %dma_start3A_154 = tpu.memref_slice %arg12[%add3A_147, %dma_start3A_153] : memref<80x128xi32, #tpu.memory_space<vmem>> -> memref<1x128xi32, #tpu.memory_space<vmem>>
      %dma_start3A_155 = tpu.memref_squeeze %dma_start3A_154 : memref<1x128xi32, #tpu.memory_space<vmem>> -> memref<128xi32, #tpu.memory_space<vmem>>
      %dma_start3A_156 = arith.constant 0 : i32
      %dma_start3A_157 = arith.constant 0 : i32
      %dma_start3A_158 = tpu.memref_slice %arg14[%dma_start3A_156, %dma_start3A_157] : memref<10240x16xf32, #tpu.memory_space<vmem_shared>> -> memref<10240x16xf32, #tpu.memory_space<vmem_shared>>
      tpu.enqueue_indirect_dma source(%dma_start3A_152 : memref<128x16xf32, #tpu.memory_space<vmem>>) target(%dma_start3A_158 : memref<10240x16xf32, #tpu.memory_space<vmem_shared>>) offsets(%dma_start3A_155 : memref<128xi32, #tpu.memory_space<vmem>>) semaphore(%arg16 : memref<!tpu.dma_semaphore, #tpu.memory_space<semaphore_mem>>) {add = true}
      %mul3A_159 = arith.constant 4 : i32
      %mul3A_160 = arith.muli %add3A_41, %mul3A_159 : i32
      %add3A_161 = arith.constant 1 : i32
      %add3A_162 = arith.addi %mul3A_160, %add3A_161 : i32
      %dma_start3A_163 = arith.constant 1 : i32
      %dma_start3A_164 = arith.constant 0 : i32
      %dma_start3A_165 = arith.constant 0 : i32
      %dma_start3A_166 = tpu.memref_slice %arg13[%dma_start3A_163, %dma_start3A_164, %dma_start3A_165] : memref<4x128x16xf32, #tpu.memory_space<vmem>> -> memref<1x128x16xf32, #tpu.memory_space<vmem>>
      %dma_start3A_167 = tpu.memref_squeeze %dma_start3A_166 : memref<1x128x16xf32, #tpu.memory_space<vmem>> -> memref<128x16xf32, #tpu.memory_space<vmem>>
      %dma_start3A_168 = arith.constant 0 : i32
      %dma_start3A_169 = tpu.memref_slice %arg12[%add3A_162, %dma_start3A_168] : memref<80x128xi32, #tpu.memory_space<vmem>> -> memref<1x128xi32, #tpu.memory_space<vmem>>
      %dma_start3A_170 = tpu.memref_squeeze %dma_start3A_169 : memref<1x128xi32, #tpu.memory_space<vmem>> -> memref<128xi32, #tpu.memory_space<vmem>>
      %dma_start3A_171 = arith.constant 0 : i32
      %dma_start3A_172 = arith.constant 0 : i32
      %dma_start3A_173 = tpu.memref_slice %arg14[%dma_start3A_171, %dma_start3A_172] : memref<10240x16xf32, #tpu.memory_space<vmem_shared>> -> memref<10240x16xf32, #tpu.memory_space<vmem_shared>>
      tpu.enqueue_indirect_dma source(%dma_start3A_167 : memref<128x16xf32, #tpu.memory_space<vmem>>) target(%dma_start3A_173 : memref<10240x16xf32, #tpu.memory_space<vmem_shared>>) offsets(%dma_start3A_170 : memref<128xi32, #tpu.memory_space<vmem>>) semaphore(%arg16 : memref<!tpu.dma_semaphore, #tpu.memory_space<semaphore_mem>>) {add = true}
      %mul3A_174 = arith.constant 4 : i32
      %mul3A_175 = arith.muli %add3A_41, %mul3A_174 : i32
      %add3A_176 = arith.constant 2 : i32
      %add3A_177 = arith.addi %mul3A_175, %add3A_176 : i32
      %dma_start3A_178 = arith.constant 2 : i32
      %dma_start3A_179 = arith.constant 0 : i32
      %dma_start3A_180 = arith.constant 0 : i32
      %dma_start3A_181 = tpu.memref_slice %arg13[%dma_start3A_178, %dma_start3A_179, %dma_start3A_180] : memref<4x128x16xf32, #tpu.memory_space<vmem>> -> memref<1x128x16xf32, #tpu.memory_space<vmem>>
      %dma_start3A_182 = tpu.memref_squeeze %dma_start3A_181 : memref<1x128x16xf32, #tpu.memory_space<vmem>> -> memref<128x16xf32, #tpu.memory_space<vmem>>
      %dma_start3A_183 = arith.constant 0 : i32
      %dma_start3A_184 = tpu.memref_slice %arg12[%add3A_177, %dma_start3A_183] : memref<80x128xi32, #tpu.memory_space<vmem>> -> memref<1x128xi32, #tpu.memory_space<vmem>>
      %dma_start3A_185 = tpu.memref_squeeze %dma_start3A_184 : memref<1x128xi32, #tpu.memory_space<vmem>> -> memref<128xi32, #tpu.memory_space<vmem>>
      %dma_start3A_186 = arith.constant 0 : i32
      %dma_start3A_187 = arith.constant 0 : i32
      %dma_start3A_188 = tpu.memref_slice %arg14[%dma_start3A_186, %dma_start3A_187] : memref<10240x16xf32, #tpu.memory_space<vmem_shared>> -> memref<10240x16xf32, #tpu.memory_space<vmem_shared>>
      tpu.enqueue_indirect_dma source(%dma_start3A_182 : memref<128x16xf32, #tpu.memory_space<vmem>>) target(%dma_start3A_188 : memref<10240x16xf32, #tpu.memory_space<vmem_shared>>) offsets(%dma_start3A_185 : memref<128xi32, #tpu.memory_space<vmem>>) semaphore(%arg16 : memref<!tpu.dma_semaphore, #tpu.memory_space<semaphore_mem>>) {add = true}
      %mul3A_189 = arith.constant 4 : i32
      %mul3A_190 = arith.muli %add3A_41, %mul3A_189 : i32
      %add3A_191 = arith.constant 3 : i32
      %add3A_192 = arith.addi %mul3A_190, %add3A_191 : i32
      %dma_start3A_193 = arith.constant 3 : i32
      %dma_start3A_194 = arith.constant 0 : i32
      %dma_start3A_195 = arith.constant 0 : i32
      %dma_start3A_196 = tpu.memref_slice %arg13[%dma_start3A_193, %dma_start3A_194, %dma_start3A_195] : memref<4x128x16xf32, #tpu.memory_space<vmem>> -> memref<1x128x16xf32, #tpu.memory_space<vmem>>
      %dma_start3A_197 = tpu.memref_squeeze %dma_start3A_196 : memref<1x128x16xf32, #tpu.memory_space<vmem>> -> memref<128x16xf32, #tpu.memory_space<vmem>>
      %dma_start3A_198 = arith.constant 0 : i32
      %dma_start3A_199 = tpu.memref_slice %arg12[%add3A_192, %dma_start3A_198] : memref<80x128xi32, #tpu.memory_space<vmem>> -> memref<1x128xi32, #tpu.memory_space<vmem>>
      %dma_start3A_200 = tpu.memref_squeeze %dma_start3A_199 : memref<1x128xi32, #tpu.memory_space<vmem>> -> memref<128xi32, #tpu.memory_space<vmem>>
      %dma_start3A_201 = arith.constant 0 : i32
      %dma_start3A_202 = arith.constant 0 : i32
      %dma_start3A_203 = tpu.memref_slice %arg14[%dma_start3A_201, %dma_start3A_202] : memref<10240x16xf32, #tpu.memory_space<vmem_shared>> -> memref<10240x16xf32, #tpu.memory_space<vmem_shared>>
      tpu.enqueue_indirect_dma source(%dma_start3A_197 : memref<128x16xf32, #tpu.memory_space<vmem>>) target(%dma_start3A_203 : memref<10240x16xf32, #tpu.memory_space<vmem_shared>>) offsets(%dma_start3A_200 : memref<128xi32, #tpu.memory_space<vmem>>) semaphore(%arg16 : memref<!tpu.dma_semaphore, #tpu.memory_space<semaphore_mem>>) {add = true}
      %dma_wait3A_204 = arith.constant 0 : i32
      %dma_wait3A_205 = arith.constant 0 : i32
      %dma_wait3A_206 = arith.constant 0 : i32
      %dma_wait3A_207 = tpu.memref_slice %arg13[%dma_wait3A_204, %dma_wait3A_205, %dma_wait3A_206] : memref<4x128x16xf32, #tpu.memory_space<vmem>> -> memref<1x128x16xf32, #tpu.memory_space<vmem>>
      %dma_wait3A_208 = tpu.memref_squeeze %dma_wait3A_207 : memref<1x128x16xf32, #tpu.memory_space<vmem>> -> memref<128x16xf32, #tpu.memory_space<vmem>>
      %dma_wait3A_209 = arith.constant 0 : i32
      %dma_wait3A_210 = tpu.memref_slice %arg12[%add3A_147, %dma_wait3A_209] : memref<80x128xi32, #tpu.memory_space<vmem>> -> memref<1x128xi32, #tpu.memory_space<vmem>>
      %dma_wait3A_211 = tpu.memref_squeeze %dma_wait3A_210 : memref<1x128xi32, #tpu.memory_space<vmem>> -> memref<128xi32, #tpu.memory_space<vmem>>
      %dma_wait3A_212 = arith.constant 0 : i32
      %dma_wait3A_213 = arith.constant 0 : i32
      %dma_wait3A_214 = tpu.memref_slice %arg14[%dma_wait3A_212, %dma_wait3A_213] : memref<10240x16xf32, #tpu.memory_space<vmem_shared>> -> memref<10240x16xf32, #tpu.memory_space<vmem_shared>>
      tpu.wait_indirect_dma semaphore(%arg16 : memref<!tpu.dma_semaphore, #tpu.memory_space<semaphore_mem>>) src(%dma_wait3A_208 : memref<128x16xf32, #tpu.memory_space<vmem>>) dst(%dma_wait3A_214 : memref<10240x16xf32, #tpu.memory_space<vmem_shared>>)
      %dma_wait3A_215 = arith.constant 1 : i32
      %dma_wait3A_216 = arith.constant 0 : i32
      %dma_wait3A_217 = arith.constant 0 : i32
      %dma_wait3A_218 = tpu.memref_slice %arg13[%dma_wait3A_215, %dma_wait3A_216, %dma_wait3A_217] : memref<4x128x16xf32, #tpu.memory_space<vmem>> -> memref<1x128x16xf32, #tpu.memory_space<vmem>>
      %dma_wait3A_219 = tpu.memref_squeeze %dma_wait3A_218 : memref<1x128x16xf32, #tpu.memory_space<vmem>> -> memref<128x16xf32, #tpu.memory_space<vmem>>
      %dma_wait3A_220 = arith.constant 0 : i32
      %dma_wait3A_221 = tpu.memref_slice %arg12[%add3A_162, %dma_wait3A_220] : memref<80x128xi32, #tpu.memory_space<vmem>> -> memref<1x128xi32, #tpu.memory_space<vmem>>
      %dma_wait3A_222 = tpu.memref_squeeze %dma_wait3A_221 : memref<1x128xi32, #tpu.memory_space<vmem>> -> memref<128xi32, #tpu.memory_space<vmem>>
      %dma_wait3A_223 = arith.constant 0 : i32
      %dma_wait3A_224 = arith.constant 0 : i32
      %dma_wait3A_225 = tpu.memref_slice %arg14[%dma_wait3A_223, %dma_wait3A_224] : memref<10240x16xf32, #tpu.memory_space<vmem_shared>> -> memref<10240x16xf32, #tpu.memory_space<vmem_shared>>
      tpu.wait_indirect_dma semaphore(%arg16 : memref<!tpu.dma_semaphore, #tpu.memory_space<semaphore_mem>>) src(%dma_wait3A_219 : memref<128x16xf32, #tpu.memory_space<vmem>>) dst(%dma_wait3A_225 : memref<10240x16xf32, #tpu.memory_space<vmem_shared>>)
      %dma_wait3A_226 = arith.constant 2 : i32
      %dma_wait3A_227 = arith.constant 0 : i32
      %dma_wait3A_228 = arith.constant 0 : i32
      %dma_wait3A_229 = tpu.memref_slice %arg13[%dma_wait3A_226, %dma_wait3A_227, %dma_wait3A_228] : memref<4x128x16xf32, #tpu.memory_space<vmem>> -> memref<1x128x16xf32, #tpu.memory_space<vmem>>
      %dma_wait3A_230 = tpu.memref_squeeze %dma_wait3A_229 : memref<1x128x16xf32, #tpu.memory_space<vmem>> -> memref<128x16xf32, #tpu.memory_space<vmem>>
      %dma_wait3A_231 = arith.constant 0 : i32
      %dma_wait3A_232 = tpu.memref_slice %arg12[%add3A_177, %dma_wait3A_231] : memref<80x128xi32, #tpu.memory_space<vmem>> -> memref<1x128xi32, #tpu.memory_space<vmem>>
      %dma_wait3A_233 = tpu.memref_squeeze %dma_wait3A_232 : memref<1x128xi32, #tpu.memory_space<vmem>> -> memref<128xi32, #tpu.memory_space<vmem>>
      %dma_wait3A_234 = arith.constant 0 : i32
      %dma_wait3A_235 = arith.constant 0 : i32
      %dma_wait3A_236 = tpu.memref_slice %arg14[%dma_wait3A_234, %dma_wait3A_235] : memref<10240x16xf32, #tpu.memory_space<vmem_shared>> -> memref<10240x16xf32, #tpu.memory_space<vmem_shared>>
      tpu.wait_indirect_dma semaphore(%arg16 : memref<!tpu.dma_semaphore, #tpu.memory_space<semaphore_mem>>) src(%dma_wait3A_230 : memref<128x16xf32, #tpu.memory_space<vmem>>) dst(%dma_wait3A_236 : memref<10240x16xf32, #tpu.memory_space<vmem_shared>>)
      %dma_wait3A_237 = arith.constant 3 : i32
      %dma_wait3A_238 = arith.constant 0 : i32
      %dma_wait3A_239 = arith.constant 0 : i32
      %dma_wait3A_240 = tpu.memref_slice %arg13[%dma_wait3A_237, %dma_wait3A_238, %dma_wait3A_239] : memref<4x128x16xf32, #tpu.memory_space<vmem>> -> memref<1x128x16xf32, #tpu.memory_space<vmem>>
      %dma_wait3A_241 = tpu.memref_squeeze %dma_wait3A_240 : memref<1x128x16xf32, #tpu.memory_space<vmem>> -> memref<128x16xf32, #tpu.memory_space<vmem>>
      %dma_wait3A_242 = arith.constant 0 : i32
      %dma_wait3A_243 = tpu.memref_slice %arg12[%add3A_192, %dma_wait3A_242] : memref<80x128xi32, #tpu.memory_space<vmem>> -> memref<1x128xi32, #tpu.memory_space<vmem>>
      %dma_wait3A_244 = tpu.memref_squeeze %dma_wait3A_243 : memref<1x128xi32, #tpu.memory_space<vmem>> -> memref<128xi32, #tpu.memory_space<vmem>>
      %dma_wait3A_245 = arith.constant 0 : i32
      %dma_wait3A_246 = arith.constant 0 : i32
      %dma_wait3A_247 = tpu.memref_slice %arg14[%dma_wait3A_245, %dma_wait3A_246] : memref<10240x16xf32, #tpu.memory_space<vmem_shared>> -> memref<10240x16xf32, #tpu.memory_space<vmem_shared>>
      tpu.wait_indirect_dma semaphore(%arg16 : memref<!tpu.dma_semaphore, #tpu.memory_space<semaphore_mem>>) src(%dma_wait3A_241 : memref<128x16xf32, #tpu.memory_space<vmem>>) dst(%dma_wait3A_247 : memref<10240x16xf32, #tpu.memory_space<vmem_shared>>)
    }
    %scan3A_10 = arith.constant 20 : i32
    %barrier3A_11 = arith.constant 0 : index
    tpu.barrier barrier_id(%barrier3A_11)
    %run_scoped3A = arith.constant 0 : i32
    "tpu.region"() ({
      %run_scoped3A_37 = tpu.sem_alloc : memref<!tpu.dma_semaphore, #tpu.memory_space<semaphore_mem>>
      %dma_start3A = arith.constant 0 : i32
      %dma_start3A_38 = tpu.memref_slice %arg10[%arg0, %run_scoped3A, %mul3A_2, %dma_start3A] : memref<2x3x10240x16xf32, #tpu.memory_space<hbm>> -> memref<1x1x640x16xf32, #tpu.memory_space<hbm>>
      %dma_start3A_39 = tpu.memref_squeeze %dma_start3A_38 : memref<1x1x640x16xf32, #tpu.memory_space<hbm>> -> memref<640x16xf32, #tpu.memory_space<hbm>>
      %dma_start3A_40 = arith.constant 0 : i32
      %dma_start3A_41 = tpu.memref_slice %arg14[%mul3A_2, %dma_start3A_40] : memref<10240x16xf32, #tpu.memory_space<vmem_shared>> -> memref<640x16xf32, #tpu.memory_space<vmem_shared>>
      tpu.enqueue_dma source(%dma_start3A_41 : memref<640x16xf32, #tpu.memory_space<vmem_shared>>) target(%dma_start3A_39 : memref<640x16xf32, #tpu.memory_space<hbm>>) target_semaphore(%run_scoped3A_37 : memref<!tpu.dma_semaphore, #tpu.memory_space<semaphore_mem>>)
      %dma_wait3A = arith.constant 0 : i32
      %dma_wait3A_42 = tpu.memref_slice %arg10[%arg0, %run_scoped3A, %mul3A_2, %dma_wait3A] : memref<2x3x10240x16xf32, #tpu.memory_space<hbm>> -> memref<1x1x640x16xf32, #tpu.memory_space<hbm>>
      %dma_wait3A_43 = tpu.memref_squeeze %dma_wait3A_42 : memref<1x1x640x16xf32, #tpu.memory_space<hbm>> -> memref<640x16xf32, #tpu.memory_space<hbm>>
      %dma_wait3A_44 = arith.constant 0 : i32
      %dma_wait3A_45 = tpu.memref_slice %arg14[%mul3A_2, %dma_wait3A_44] : memref<10240x16xf32, #tpu.memory_space<vmem_shared>> -> memref<640x16xf32, #tpu.memory_space<vmem_shared>>
      tpu.wait_dma2 semaphore(%run_scoped3A_37 : memref<!tpu.dma_semaphore, #tpu.memory_space<semaphore_mem>>) src(%dma_wait3A_45 : memref<640x16xf32, #tpu.memory_space<vmem_shared>>) dst(%dma_wait3A_43 : memref<640x16xf32, #tpu.memory_space<hbm>>)
      tpu.yield
    }) : () -> ()
    "tpu.region"() ({
      %run_scoped3A_37 = tpu.sem_alloc : memref<!tpu.dma_semaphore, #tpu.memory_space<semaphore_mem>>
      %dma_start3A = arith.constant 0 : i32
      %dma_start3A_38 = tpu.memref_slice %arg14[%mul3A_2, %dma_start3A] : memref<10240x16xf32, #tpu.memory_space<vmem_shared>> -> memref<640x16xf32, #tpu.memory_space<vmem_shared>>
      tpu.enqueue_dma source(%arg9 : memref<640x16xf32, #tpu.memory_space<hbm>>) target(%dma_start3A_38 : memref<640x16xf32, #tpu.memory_space<vmem_shared>>) target_semaphore(%run_scoped3A_37 : memref<!tpu.dma_semaphore, #tpu.memory_space<semaphore_mem>>)
      %dma_wait3A = arith.constant 0 : i32
      %dma_wait3A_39 = tpu.memref_slice %arg14[%mul3A_2, %dma_wait3A] : memref<10240x16xf32, #tpu.memory_space<vmem_shared>> -> memref<640x16xf32, #tpu.memory_space<vmem_shared>>
      tpu.wait_dma2 semaphore(%run_scoped3A_37 : memref<!tpu.dma_semaphore, #tpu.memory_space<semaphore_mem>>) src(%arg9 : memref<640x16xf32, #tpu.memory_space<hbm>>) dst(%dma_wait3A_39 : memref<640x16xf32, #tpu.memory_space<vmem_shared>>)
      tpu.yield
    }) : () -> ()
    %barrier3A_12 = arith.constant 0 : index
    tpu.barrier barrier_id(%barrier3A_12)
    %mul3A_13 = arith.constant 80 : i32
    %mul3A_14 = arith.muli %add3A, %mul3A_13 : i32
    "tpu.region"() ({
      %run_scoped3A_37 = tpu.sem_alloc : memref<!tpu.dma_semaphore, #tpu.memory_space<semaphore_mem>>
      %dma_start3A = arith.constant 0 : i32
      %dma_start3A_38 = tpu.memref_slice %arg5[%mul3A_14, %dma_start3A] : memref<2560x128xi32, #tpu.memory_space<hbm>> -> memref<80x128xi32, #tpu.memory_space<hbm>>
      %dma_start3A_39 = arith.constant 0 : i32
      %dma_start3A_40 = tpu.memref_slice %arg5[%mul3A_14, %dma_start3A_39] : memref<2560x128xi32, #tpu.memory_space<hbm>> -> memref<80x128xi32, #tpu.memory_space<hbm>>
      tpu.enqueue_dma source(%dma_start3A_40 : memref<80x128xi32, #tpu.memory_space<hbm>>) target(%arg11 : memref<80x128xi32, #tpu.memory_space<vmem>>) target_semaphore(%run_scoped3A_37 : memref<!tpu.dma_semaphore, #tpu.memory_space<semaphore_mem>>)
      %dma_wait3A = arith.constant 0 : i32
      %dma_wait3A_41 = tpu.memref_slice %arg5[%mul3A_14, %dma_wait3A] : memref<2560x128xi32, #tpu.memory_space<hbm>> -> memref<80x128xi32, #tpu.memory_space<hbm>>
      %dma_wait3A_42 = arith.constant 0 : i32
      %dma_wait3A_43 = tpu.memref_slice %arg5[%mul3A_14, %dma_wait3A_42] : memref<2560x128xi32, #tpu.memory_space<hbm>> -> memref<80x128xi32, #tpu.memory_space<hbm>>
      tpu.wait_dma2 semaphore(%run_scoped3A_37 : memref<!tpu.dma_semaphore, #tpu.memory_space<semaphore_mem>>) src(%dma_wait3A_43 : memref<80x128xi32, #tpu.memory_space<hbm>>) dst(%arg11 : memref<80x128xi32, #tpu.memory_space<vmem>>)
      tpu.yield
    }) : () -> ()
    %mul3A_15 = arith.constant 80 : i32
    %mul3A_16 = arith.muli %add3A, %mul3A_15 : i32
    "tpu.region"() ({
      %run_scoped3A_37 = tpu.sem_alloc : memref<!tpu.dma_semaphore, #tpu.memory_space<semaphore_mem>>
      %dma_start3A = arith.constant 0 : i32
      %dma_start3A_38 = tpu.memref_slice %arg6[%mul3A_16, %dma_start3A] : memref<2560x128xi32, #tpu.memory_space<hbm>> -> memref<80x128xi32, #tpu.memory_space<hbm>>
      %dma_start3A_39 = arith.constant 0 : i32
      %dma_start3A_40 = tpu.memref_slice %arg6[%mul3A_16, %dma_start3A_39] : memref<2560x128xi32, #tpu.memory_space<hbm>> -> memref<80x128xi32, #tpu.memory_space<hbm>>
      tpu.enqueue_dma source(%dma_start3A_40 : memref<80x128xi32, #tpu.memory_space<hbm>>) target(%arg12 : memref<80x128xi32, #tpu.memory_space<vmem>>) target_semaphore(%run_scoped3A_37 : memref<!tpu.dma_semaphore, #tpu.memory_space<semaphore_mem>>)
      %dma_wait3A = arith.constant 0 : i32
      %dma_wait3A_41 = tpu.memref_slice %arg6[%mul3A_16, %dma_wait3A] : memref<2560x128xi32, #tpu.memory_space<hbm>> -> memref<80x128xi32, #tpu.memory_space<hbm>>
      %dma_wait3A_42 = arith.constant 0 : i32
      %dma_wait3A_43 = tpu.memref_slice %arg6[%mul3A_16, %dma_wait3A_42] : memref<2560x128xi32, #tpu.memory_space<hbm>> -> memref<80x128xi32, #tpu.memory_space<hbm>>
      tpu.wait_dma2 semaphore(%run_scoped3A_37 : memref<!tpu.dma_semaphore, #tpu.memory_space<semaphore_mem>>) src(%dma_wait3A_43 : memref<80x128xi32, #tpu.memory_space<hbm>>) dst(%arg12 : memref<80x128xi32, #tpu.memory_space<vmem>>)
      tpu.yield
    }) : () -> ()
    %scan3A_17 = arith.constant 0 : i32
    %scan3A_18 = arith.constant 20 : i32
    %scan3A_19 = arith.addi %scan3A_17, %scan3A_18 : i32
    %scan3A_20 = arith.constant 1 : i32
    scf.for %scan3A_37 = %scan3A_17 to %scan3A_19 step %scan3A_20  : i32 {
      %mul3A_38 = arith.constant 1 : i32
      %mul3A_39 = arith.muli %scan3A_37, %mul3A_38 : i32
      %add3A_40 = arith.constant 0 : i32
      %add3A_41 = arith.addi %add3A_40, %mul3A_39 : i32
      %mul3A_42 = arith.constant 4 : i32
      %mul3A_43 = arith.muli %add3A_41, %mul3A_42 : i32
      %add3A_44 = arith.constant 0 : i32
      %add3A_45 = arith.addi %mul3A_43, %add3A_44 : i32
      %dma_start3A = arith.constant 0 : i32
      %dma_start3A_46 = arith.constant 0 : i32
      %dma_start3A_47 = arith.constant 0 : i32
      %dma_start3A_48 = tpu.memref_slice %arg13[%dma_start3A, %dma_start3A_46, %dma_start3A_47] : memref<4x128x16xf32, #tpu.memory_space<vmem>> -> memref<1x128x16xf32, #tpu.memory_space<vmem>>
      %dma_start3A_49 = tpu.memref_squeeze %dma_start3A_48 : memref<1x128x16xf32, #tpu.memory_space<vmem>> -> memref<128x16xf32, #tpu.memory_space<vmem>>
      %dma_start3A_50 = arith.constant 0 : i32
      %dma_start3A_51 = tpu.memref_slice %arg11[%add3A_45, %dma_start3A_50] : memref<80x128xi32, #tpu.memory_space<vmem>> -> memref<1x128xi32, #tpu.memory_space<vmem>>
      %dma_start3A_52 = tpu.memref_squeeze %dma_start3A_51 : memref<1x128xi32, #tpu.memory_space<vmem>> -> memref<128xi32, #tpu.memory_space<vmem>>
      %dma_start3A_53 = arith.constant 0 : i32
      %dma_start3A_54 = arith.constant 0 : i32
      %dma_start3A_55 = tpu.memref_slice %arg2[%dma_start3A_53, %dma_start3A_54] : memref<10000x16xf32, #tpu.memory_space<hbm>> -> memref<10000x16xf32, #tpu.memory_space<hbm>>
      tpu.enqueue_indirect_dma source(%dma_start3A_55 : memref<10000x16xf32, #tpu.memory_space<hbm>>) target(%dma_start3A_49 : memref<128x16xf32, #tpu.memory_space<vmem>>) offsets(%dma_start3A_52 : memref<128xi32, #tpu.memory_space<vmem>>) semaphore(%arg15 : memref<!tpu.dma_semaphore, #tpu.memory_space<semaphore_mem>>)
      %mul3A_56 = arith.constant 4 : i32
      %mul3A_57 = arith.muli %add3A_41, %mul3A_56 : i32
      %add3A_58 = arith.constant 1 : i32
      %add3A_59 = arith.addi %mul3A_57, %add3A_58 : i32
      %dma_start3A_60 = arith.constant 1 : i32
      %dma_start3A_61 = arith.constant 0 : i32
      %dma_start3A_62 = arith.constant 0 : i32
      %dma_start3A_63 = tpu.memref_slice %arg13[%dma_start3A_60, %dma_start3A_61, %dma_start3A_62] : memref<4x128x16xf32, #tpu.memory_space<vmem>> -> memref<1x128x16xf32, #tpu.memory_space<vmem>>
      %dma_start3A_64 = tpu.memref_squeeze %dma_start3A_63 : memref<1x128x16xf32, #tpu.memory_space<vmem>> -> memref<128x16xf32, #tpu.memory_space<vmem>>
      %dma_start3A_65 = arith.constant 0 : i32
      %dma_start3A_66 = tpu.memref_slice %arg11[%add3A_59, %dma_start3A_65] : memref<80x128xi32, #tpu.memory_space<vmem>> -> memref<1x128xi32, #tpu.memory_space<vmem>>
      %dma_start3A_67 = tpu.memref_squeeze %dma_start3A_66 : memref<1x128xi32, #tpu.memory_space<vmem>> -> memref<128xi32, #tpu.memory_space<vmem>>
      %dma_start3A_68 = arith.constant 0 : i32
      %dma_start3A_69 = arith.constant 0 : i32
      %dma_start3A_70 = tpu.memref_slice %arg2[%dma_start3A_68, %dma_start3A_69] : memref<10000x16xf32, #tpu.memory_space<hbm>> -> memref<10000x16xf32, #tpu.memory_space<hbm>>
      tpu.enqueue_indirect_dma source(%dma_start3A_70 : memref<10000x16xf32, #tpu.memory_space<hbm>>) target(%dma_start3A_64 : memref<128x16xf32, #tpu.memory_space<vmem>>) offsets(%dma_start3A_67 : memref<128xi32, #tpu.memory_space<vmem>>) semaphore(%arg15 : memref<!tpu.dma_semaphore, #tpu.memory_space<semaphore_mem>>)
      %mul3A_71 = arith.constant 4 : i32
      %mul3A_72 = arith.muli %add3A_41, %mul3A_71 : i32
      %add3A_73 = arith.constant 2 : i32
      %add3A_74 = arith.addi %mul3A_72, %add3A_73 : i32
      %dma_start3A_75 = arith.constant 2 : i32
      %dma_start3A_76 = arith.constant 0 : i32
      %dma_start3A_77 = arith.constant 0 : i32
      %dma_start3A_78 = tpu.memref_slice %arg13[%dma_start3A_75, %dma_start3A_76, %dma_start3A_77] : memref<4x128x16xf32, #tpu.memory_space<vmem>> -> memref<1x128x16xf32, #tpu.memory_space<vmem>>
      %dma_start3A_79 = tpu.memref_squeeze %dma_start3A_78 : memref<1x128x16xf32, #tpu.memory_space<vmem>> -> memref<128x16xf32, #tpu.memory_space<vmem>>
      %dma_start3A_80 = arith.constant 0 : i32
      %dma_start3A_81 = tpu.memref_slice %arg11[%add3A_74, %dma_start3A_80] : memref<80x128xi32, #tpu.memory_space<vmem>> -> memref<1x128xi32, #tpu.memory_space<vmem>>
      %dma_start3A_82 = tpu.memref_squeeze %dma_start3A_81 : memref<1x128xi32, #tpu.memory_space<vmem>> -> memref<128xi32, #tpu.memory_space<vmem>>
      %dma_start3A_83 = arith.constant 0 : i32
      %dma_start3A_84 = arith.constant 0 : i32
      %dma_start3A_85 = tpu.memref_slice %arg2[%dma_start3A_83, %dma_start3A_84] : memref<10000x16xf32, #tpu.memory_space<hbm>> -> memref<10000x16xf32, #tpu.memory_space<hbm>>
      tpu.enqueue_indirect_dma source(%dma_start3A_85 : memref<10000x16xf32, #tpu.memory_space<hbm>>) target(%dma_start3A_79 : memref<128x16xf32, #tpu.memory_space<vmem>>) offsets(%dma_start3A_82 : memref<128xi32, #tpu.memory_space<vmem>>) semaphore(%arg15 : memref<!tpu.dma_semaphore, #tpu.memory_space<semaphore_mem>>)
      %mul3A_86 = arith.constant 4 : i32
      %mul3A_87 = arith.muli %add3A_41, %mul3A_86 : i32
      %add3A_88 = arith.constant 3 : i32
      %add3A_89 = arith.addi %mul3A_87, %add3A_88 : i32
      %dma_start3A_90 = arith.constant 3 : i32
      %dma_start3A_91 = arith.constant 0 : i32
      %dma_start3A_92 = arith.constant 0 : i32
      %dma_start3A_93 = tpu.memref_slice %arg13[%dma_start3A_90, %dma_start3A_91, %dma_start3A_92] : memref<4x128x16xf32, #tpu.memory_space<vmem>> -> memref<1x128x16xf32, #tpu.memory_space<vmem>>
      %dma_start3A_94 = tpu.memref_squeeze %dma_start3A_93 : memref<1x128x16xf32, #tpu.memory_space<vmem>> -> memref<128x16xf32, #tpu.memory_space<vmem>>
      %dma_start3A_95 = arith.constant 0 : i32
      %dma_start3A_96 = tpu.memref_slice %arg11[%add3A_89, %dma_start3A_95] : memref<80x128xi32, #tpu.memory_space<vmem>> -> memref<1x128xi32, #tpu.memory_space<vmem>>
      %dma_start3A_97 = tpu.memref_squeeze %dma_start3A_96 : memref<1x128xi32, #tpu.memory_space<vmem>> -> memref<128xi32, #tpu.memory_space<vmem>>
      %dma_start3A_98 = arith.constant 0 : i32
      %dma_start3A_99 = arith.constant 0 : i32
      %dma_start3A_100 = tpu.memref_slice %arg2[%dma_start3A_98, %dma_start3A_99] : memref<10000x16xf32, #tpu.memory_space<hbm>> -> memref<10000x16xf32, #tpu.memory_space<hbm>>
      tpu.enqueue_indirect_dma source(%dma_start3A_100 : memref<10000x16xf32, #tpu.memory_space<hbm>>) target(%dma_start3A_94 : memref<128x16xf32, #tpu.memory_space<vmem>>) offsets(%dma_start3A_97 : memref<128xi32, #tpu.memory_space<vmem>>) semaphore(%arg15 : memref<!tpu.dma_semaphore, #tpu.memory_space<semaphore_mem>>)
      %dma_wait3A = arith.constant 0 : i32
      %dma_wait3A_101 = arith.constant 0 : i32
      %dma_wait3A_102 = arith.constant 0 : i32
      %dma_wait3A_103 = tpu.memref_slice %arg13[%dma_wait3A, %dma_wait3A_101, %dma_wait3A_102] : memref<4x128x16xf32, #tpu.memory_space<vmem>> -> memref<1x128x16xf32, #tpu.memory_space<vmem>>
      %dma_wait3A_104 = tpu.memref_squeeze %dma_wait3A_103 : memref<1x128x16xf32, #tpu.memory_space<vmem>> -> memref<128x16xf32, #tpu.memory_space<vmem>>
      %dma_wait3A_105 = arith.constant 0 : i32
      %dma_wait3A_106 = tpu.memref_slice %arg11[%add3A_45, %dma_wait3A_105] : memref<80x128xi32, #tpu.memory_space<vmem>> -> memref<1x128xi32, #tpu.memory_space<vmem>>
      %dma_wait3A_107 = tpu.memref_squeeze %dma_wait3A_106 : memref<1x128xi32, #tpu.memory_space<vmem>> -> memref<128xi32, #tpu.memory_space<vmem>>
      %dma_wait3A_108 = arith.constant 0 : i32
      %dma_wait3A_109 = arith.constant 0 : i32
      %dma_wait3A_110 = tpu.memref_slice %arg2[%dma_wait3A_108, %dma_wait3A_109] : memref<10000x16xf32, #tpu.memory_space<hbm>> -> memref<10000x16xf32, #tpu.memory_space<hbm>>
      tpu.wait_indirect_dma semaphore(%arg15 : memref<!tpu.dma_semaphore, #tpu.memory_space<semaphore_mem>>) src(%dma_wait3A_110 : memref<10000x16xf32, #tpu.memory_space<hbm>>) dst(%dma_wait3A_104 : memref<128x16xf32, #tpu.memory_space<vmem>>)
      %dma_wait3A_111 = arith.constant 1 : i32
      %dma_wait3A_112 = arith.constant 0 : i32
      %dma_wait3A_113 = arith.constant 0 : i32
      %dma_wait3A_114 = tpu.memref_slice %arg13[%dma_wait3A_111, %dma_wait3A_112, %dma_wait3A_113] : memref<4x128x16xf32, #tpu.memory_space<vmem>> -> memref<1x128x16xf32, #tpu.memory_space<vmem>>
      %dma_wait3A_115 = tpu.memref_squeeze %dma_wait3A_114 : memref<1x128x16xf32, #tpu.memory_space<vmem>> -> memref<128x16xf32, #tpu.memory_space<vmem>>
      %dma_wait3A_116 = arith.constant 0 : i32
      %dma_wait3A_117 = tpu.memref_slice %arg11[%add3A_59, %dma_wait3A_116] : memref<80x128xi32, #tpu.memory_space<vmem>> -> memref<1x128xi32, #tpu.memory_space<vmem>>
      %dma_wait3A_118 = tpu.memref_squeeze %dma_wait3A_117 : memref<1x128xi32, #tpu.memory_space<vmem>> -> memref<128xi32, #tpu.memory_space<vmem>>
      %dma_wait3A_119 = arith.constant 0 : i32
      %dma_wait3A_120 = arith.constant 0 : i32
      %dma_wait3A_121 = tpu.memref_slice %arg2[%dma_wait3A_119, %dma_wait3A_120] : memref<10000x16xf32, #tpu.memory_space<hbm>> -> memref<10000x16xf32, #tpu.memory_space<hbm>>
      tpu.wait_indirect_dma semaphore(%arg15 : memref<!tpu.dma_semaphore, #tpu.memory_space<semaphore_mem>>) src(%dma_wait3A_121 : memref<10000x16xf32, #tpu.memory_space<hbm>>) dst(%dma_wait3A_115 : memref<128x16xf32, #tpu.memory_space<vmem>>)
      %dma_wait3A_122 = arith.constant 2 : i32
      %dma_wait3A_123 = arith.constant 0 : i32
      %dma_wait3A_124 = arith.constant 0 : i32
      %dma_wait3A_125 = tpu.memref_slice %arg13[%dma_wait3A_122, %dma_wait3A_123, %dma_wait3A_124] : memref<4x128x16xf32, #tpu.memory_space<vmem>> -> memref<1x128x16xf32, #tpu.memory_space<vmem>>
      %dma_wait3A_126 = tpu.memref_squeeze %dma_wait3A_125 : memref<1x128x16xf32, #tpu.memory_space<vmem>> -> memref<128x16xf32, #tpu.memory_space<vmem>>
      %dma_wait3A_127 = arith.constant 0 : i32
      %dma_wait3A_128 = tpu.memref_slice %arg11[%add3A_74, %dma_wait3A_127] : memref<80x128xi32, #tpu.memory_space<vmem>> -> memref<1x128xi32, #tpu.memory_space<vmem>>
      %dma_wait3A_129 = tpu.memref_squeeze %dma_wait3A_128 : memref<1x128xi32, #tpu.memory_space<vmem>> -> memref<128xi32, #tpu.memory_space<vmem>>
      %dma_wait3A_130 = arith.constant 0 : i32
      %dma_wait3A_131 = arith.constant 0 : i32
      %dma_wait3A_132 = tpu.memref_slice %arg2[%dma_wait3A_130, %dma_wait3A_131] : memref<10000x16xf32, #tpu.memory_space<hbm>> -> memref<10000x16xf32, #tpu.memory_space<hbm>>
      tpu.wait_indirect_dma semaphore(%arg15 : memref<!tpu.dma_semaphore, #tpu.memory_space<semaphore_mem>>) src(%dma_wait3A_132 : memref<10000x16xf32, #tpu.memory_space<hbm>>) dst(%dma_wait3A_126 : memref<128x16xf32, #tpu.memory_space<vmem>>)
      %dma_wait3A_133 = arith.constant 3 : i32
      %dma_wait3A_134 = arith.constant 0 : i32
      %dma_wait3A_135 = arith.constant 0 : i32
      %dma_wait3A_136 = tpu.memref_slice %arg13[%dma_wait3A_133, %dma_wait3A_134, %dma_wait3A_135] : memref<4x128x16xf32, #tpu.memory_space<vmem>> -> memref<1x128x16xf32, #tpu.memory_space<vmem>>
      %dma_wait3A_137 = tpu.memref_squeeze %dma_wait3A_136 : memref<1x128x16xf32, #tpu.memory_space<vmem>> -> memref<128x16xf32, #tpu.memory_space<vmem>>
      %dma_wait3A_138 = arith.constant 0 : i32
      %dma_wait3A_139 = tpu.memref_slice %arg11[%add3A_89, %dma_wait3A_138] : memref<80x128xi32, #tpu.memory_space<vmem>> -> memref<1x128xi32, #tpu.memory_space<vmem>>
      %dma_wait3A_140 = tpu.memref_squeeze %dma_wait3A_139 : memref<1x128xi32, #tpu.memory_space<vmem>> -> memref<128xi32, #tpu.memory_space<vmem>>
      %dma_wait3A_141 = arith.constant 0 : i32
      %dma_wait3A_142 = arith.constant 0 : i32
      %dma_wait3A_143 = tpu.memref_slice %arg2[%dma_wait3A_141, %dma_wait3A_142] : memref<10000x16xf32, #tpu.memory_space<hbm>> -> memref<10000x16xf32, #tpu.memory_space<hbm>>
      tpu.wait_indirect_dma semaphore(%arg15 : memref<!tpu.dma_semaphore, #tpu.memory_space<semaphore_mem>>) src(%dma_wait3A_143 : memref<10000x16xf32, #tpu.memory_space<hbm>>) dst(%dma_wait3A_137 : memref<128x16xf32, #tpu.memory_space<vmem>>)
      %mul3A_144 = arith.constant 4 : i32
      %mul3A_145 = arith.muli %add3A_41, %mul3A_144 : i32
      %add3A_146 = arith.constant 0 : i32
      %add3A_147 = arith.addi %mul3A_145, %add3A_146 : i32
      %dma_start3A_148 = arith.constant 0 : i32
      %dma_start3A_149 = arith.constant 0 : i32
      %dma_start3A_150 = arith.constant 0 : i32
      %dma_start3A_151 = tpu.memref_slice %arg13[%dma_start3A_148, %dma_start3A_149, %dma_start3A_150] : memref<4x128x16xf32, #tpu.memory_space<vmem>> -> memref<1x128x16xf32, #tpu.memory_space<vmem>>
      %dma_start3A_152 = tpu.memref_squeeze %dma_start3A_151 : memref<1x128x16xf32, #tpu.memory_space<vmem>> -> memref<128x16xf32, #tpu.memory_space<vmem>>
      %dma_start3A_153 = arith.constant 0 : i32
      %dma_start3A_154 = tpu.memref_slice %arg12[%add3A_147, %dma_start3A_153] : memref<80x128xi32, #tpu.memory_space<vmem>> -> memref<1x128xi32, #tpu.memory_space<vmem>>
      %dma_start3A_155 = tpu.memref_squeeze %dma_start3A_154 : memref<1x128xi32, #tpu.memory_space<vmem>> -> memref<128xi32, #tpu.memory_space<vmem>>
      %dma_start3A_156 = arith.constant 0 : i32
      %dma_start3A_157 = arith.constant 0 : i32
      %dma_start3A_158 = tpu.memref_slice %arg14[%dma_start3A_156, %dma_start3A_157] : memref<10240x16xf32, #tpu.memory_space<vmem_shared>> -> memref<10240x16xf32, #tpu.memory_space<vmem_shared>>
      tpu.enqueue_indirect_dma source(%dma_start3A_152 : memref<128x16xf32, #tpu.memory_space<vmem>>) target(%dma_start3A_158 : memref<10240x16xf32, #tpu.memory_space<vmem_shared>>) offsets(%dma_start3A_155 : memref<128xi32, #tpu.memory_space<vmem>>) semaphore(%arg16 : memref<!tpu.dma_semaphore, #tpu.memory_space<semaphore_mem>>) {add = true}
      %mul3A_159 = arith.constant 4 : i32
      %mul3A_160 = arith.muli %add3A_41, %mul3A_159 : i32
      %add3A_161 = arith.constant 1 : i32
      %add3A_162 = arith.addi %mul3A_160, %add3A_161 : i32
      %dma_start3A_163 = arith.constant 1 : i32
      %dma_start3A_164 = arith.constant 0 : i32
      %dma_start3A_165 = arith.constant 0 : i32
      %dma_start3A_166 = tpu.memref_slice %arg13[%dma_start3A_163, %dma_start3A_164, %dma_start3A_165] : memref<4x128x16xf32, #tpu.memory_space<vmem>> -> memref<1x128x16xf32, #tpu.memory_space<vmem>>
      %dma_start3A_167 = tpu.memref_squeeze %dma_start3A_166 : memref<1x128x16xf32, #tpu.memory_space<vmem>> -> memref<128x16xf32, #tpu.memory_space<vmem>>
      %dma_start3A_168 = arith.constant 0 : i32
      %dma_start3A_169 = tpu.memref_slice %arg12[%add3A_162, %dma_start3A_168] : memref<80x128xi32, #tpu.memory_space<vmem>> -> memref<1x128xi32, #tpu.memory_space<vmem>>
      %dma_start3A_170 = tpu.memref_squeeze %dma_start3A_169 : memref<1x128xi32, #tpu.memory_space<vmem>> -> memref<128xi32, #tpu.memory_space<vmem>>
      %dma_start3A_171 = arith.constant 0 : i32
      %dma_start3A_172 = arith.constant 0 : i32
      %dma_start3A_173 = tpu.memref_slice %arg14[%dma_start3A_171, %dma_start3A_172] : memref<10240x16xf32, #tpu.memory_space<vmem_shared>> -> memref<10240x16xf32, #tpu.memory_space<vmem_shared>>
      tpu.enqueue_indirect_dma source(%dma_start3A_167 : memref<128x16xf32, #tpu.memory_space<vmem>>) target(%dma_start3A_173 : memref<10240x16xf32, #tpu.memory_space<vmem_shared>>) offsets(%dma_start3A_170 : memref<128xi32, #tpu.memory_space<vmem>>) semaphore(%arg16 : memref<!tpu.dma_semaphore, #tpu.memory_space<semaphore_mem>>) {add = true}
      %mul3A_174 = arith.constant 4 : i32
      %mul3A_175 = arith.muli %add3A_41, %mul3A_174 : i32
      %add3A_176 = arith.constant 2 : i32
      %add3A_177 = arith.addi %mul3A_175, %add3A_176 : i32
      %dma_start3A_178 = arith.constant 2 : i32
      %dma_start3A_179 = arith.constant 0 : i32
      %dma_start3A_180 = arith.constant 0 : i32
      %dma_start3A_181 = tpu.memref_slice %arg13[%dma_start3A_178, %dma_start3A_179, %dma_start3A_180] : memref<4x128x16xf32, #tpu.memory_space<vmem>> -> memref<1x128x16xf32, #tpu.memory_space<vmem>>
      %dma_start3A_182 = tpu.memref_squeeze %dma_start3A_181 : memref<1x128x16xf32, #tpu.memory_space<vmem>> -> memref<128x16xf32, #tpu.memory_space<vmem>>
      %dma_start3A_183 = arith.constant 0 : i32
      %dma_start3A_184 = tpu.memref_slice %arg12[%add3A_177, %dma_start3A_183] : memref<80x128xi32, #tpu.memory_space<vmem>> -> memref<1x128xi32, #tpu.memory_space<vmem>>
      %dma_start3A_185 = tpu.memref_squeeze %dma_start3A_184 : memref<1x128xi32, #tpu.memory_space<vmem>> -> memref<128xi32, #tpu.memory_space<vmem>>
      %dma_start3A_186 = arith.constant 0 : i32
      %dma_start3A_187 = arith.constant 0 : i32
      %dma_start3A_188 = tpu.memref_slice %arg14[%dma_start3A_186, %dma_start3A_187] : memref<10240x16xf32, #tpu.memory_space<vmem_shared>> -> memref<10240x16xf32, #tpu.memory_space<vmem_shared>>
      tpu.enqueue_indirect_dma source(%dma_start3A_182 : memref<128x16xf32, #tpu.memory_space<vmem>>) target(%dma_start3A_188 : memref<10240x16xf32, #tpu.memory_space<vmem_shared>>) offsets(%dma_start3A_185 : memref<128xi32, #tpu.memory_space<vmem>>) semaphore(%arg16 : memref<!tpu.dma_semaphore, #tpu.memory_space<semaphore_mem>>) {add = true}
      %mul3A_189 = arith.constant 4 : i32
      %mul3A_190 = arith.muli %add3A_41, %mul3A_189 : i32
      %add3A_191 = arith.constant 3 : i32
      %add3A_192 = arith.addi %mul3A_190, %add3A_191 : i32
      %dma_start3A_193 = arith.constant 3 : i32
      %dma_start3A_194 = arith.constant 0 : i32
      %dma_start3A_195 = arith.constant 0 : i32
      %dma_start3A_196 = tpu.memref_slice %arg13[%dma_start3A_193, %dma_start3A_194, %dma_start3A_195] : memref<4x128x16xf32, #tpu.memory_space<vmem>> -> memref<1x128x16xf32, #tpu.memory_space<vmem>>
      %dma_start3A_197 = tpu.memref_squeeze %dma_start3A_196 : memref<1x128x16xf32, #tpu.memory_space<vmem>> -> memref<128x16xf32, #tpu.memory_space<vmem>>
      %dma_start3A_198 = arith.constant 0 : i32
      %dma_start3A_199 = tpu.memref_slice %arg12[%add3A_192, %dma_start3A_198] : memref<80x128xi32, #tpu.memory_space<vmem>> -> memref<1x128xi32, #tpu.memory_space<vmem>>
      %dma_start3A_200 = tpu.memref_squeeze %dma_start3A_199 : memref<1x128xi32, #tpu.memory_space<vmem>> -> memref<128xi32, #tpu.memory_space<vmem>>
      %dma_start3A_201 = arith.constant 0 : i32
      %dma_start3A_202 = arith.constant 0 : i32
      %dma_start3A_203 = tpu.memref_slice %arg14[%dma_start3A_201, %dma_start3A_202] : memref<10240x16xf32, #tpu.memory_space<vmem_shared>> -> memref<10240x16xf32, #tpu.memory_space<vmem_shared>>
      tpu.enqueue_indirect_dma source(%dma_start3A_197 : memref<128x16xf32, #tpu.memory_space<vmem>>) target(%dma_start3A_203 : memref<10240x16xf32, #tpu.memory_space<vmem_shared>>) offsets(%dma_start3A_200 : memref<128xi32, #tpu.memory_space<vmem>>) semaphore(%arg16 : memref<!tpu.dma_semaphore, #tpu.memory_space<semaphore_mem>>) {add = true}
      %dma_wait3A_204 = arith.constant 0 : i32
      %dma_wait3A_205 = arith.constant 0 : i32
      %dma_wait3A_206 = arith.constant 0 : i32
      %dma_wait3A_207 = tpu.memref_slice %arg13[%dma_wait3A_204, %dma_wait3A_205, %dma_wait3A_206] : memref<4x128x16xf32, #tpu.memory_space<vmem>> -> memref<1x128x16xf32, #tpu.memory_space<vmem>>
      %dma_wait3A_208 = tpu.memref_squeeze %dma_wait3A_207 : memref<1x128x16xf32, #tpu.memory_space<vmem>> -> memref<128x16xf32, #tpu.memory_space<vmem>>
      %dma_wait3A_209 = arith.constant 0 : i32
      %dma_wait3A_210 = tpu.memref_slice %arg12[%add3A_147, %dma_wait3A_209] : memref<80x128xi32, #tpu.memory_space<vmem>> -> memref<1x128xi32, #tpu.memory_space<vmem>>
      %dma_wait3A_211 = tpu.memref_squeeze %dma_wait3A_210 : memref<1x128xi32, #tpu.memory_space<vmem>> -> memref<128xi32, #tpu.memory_space<vmem>>
      %dma_wait3A_212 = arith.constant 0 : i32
      %dma_wait3A_213 = arith.constant 0 : i32
      %dma_wait3A_214 = tpu.memref_slice %arg14[%dma_wait3A_212, %dma_wait3A_213] : memref<10240x16xf32, #tpu.memory_space<vmem_shared>> -> memref<10240x16xf32, #tpu.memory_space<vmem_shared>>
      tpu.wait_indirect_dma semaphore(%arg16 : memref<!tpu.dma_semaphore, #tpu.memory_space<semaphore_mem>>) src(%dma_wait3A_208 : memref<128x16xf32, #tpu.memory_space<vmem>>) dst(%dma_wait3A_214 : memref<10240x16xf32, #tpu.memory_space<vmem_shared>>)
      %dma_wait3A_215 = arith.constant 1 : i32
      %dma_wait3A_216 = arith.constant 0 : i32
      %dma_wait3A_217 = arith.constant 0 : i32
      %dma_wait3A_218 = tpu.memref_slice %arg13[%dma_wait3A_215, %dma_wait3A_216, %dma_wait3A_217] : memref<4x128x16xf32, #tpu.memory_space<vmem>> -> memref<1x128x16xf32, #tpu.memory_space<vmem>>
      %dma_wait3A_219 = tpu.memref_squeeze %dma_wait3A_218 : memref<1x128x16xf32, #tpu.memory_space<vmem>> -> memref<128x16xf32, #tpu.memory_space<vmem>>
      %dma_wait3A_220 = arith.constant 0 : i32
      %dma_wait3A_221 = tpu.memref_slice %arg12[%add3A_162, %dma_wait3A_220] : memref<80x128xi32, #tpu.memory_space<vmem>> -> memref<1x128xi32, #tpu.memory_space<vmem>>
      %dma_wait3A_222 = tpu.memref_squeeze %dma_wait3A_221 : memref<1x128xi32, #tpu.memory_space<vmem>> -> memref<128xi32, #tpu.memory_space<vmem>>
      %dma_wait3A_223 = arith.constant 0 : i32
      %dma_wait3A_224 = arith.constant 0 : i32
      %dma_wait3A_225 = tpu.memref_slice %arg14[%dma_wait3A_223, %dma_wait3A_224] : memref<10240x16xf32, #tpu.memory_space<vmem_shared>> -> memref<10240x16xf32, #tpu.memory_space<vmem_shared>>
      tpu.wait_indirect_dma semaphore(%arg16 : memref<!tpu.dma_semaphore, #tpu.memory_space<semaphore_mem>>) src(%dma_wait3A_219 : memref<128x16xf32, #tpu.memory_space<vmem>>) dst(%dma_wait3A_225 : memref<10240x16xf32, #tpu.memory_space<vmem_shared>>)
      %dma_wait3A_226 = arith.constant 2 : i32
      %dma_wait3A_227 = arith.constant 0 : i32
      %dma_wait3A_228 = arith.constant 0 : i32
      %dma_wait3A_229 = tpu.memref_slice %arg13[%dma_wait3A_226, %dma_wait3A_227, %dma_wait3A_228] : memref<4x128x16xf32, #tpu.memory_space<vmem>> -> memref<1x128x16xf32, #tpu.memory_space<vmem>>
      %dma_wait3A_230 = tpu.memref_squeeze %dma_wait3A_229 : memref<1x128x16xf32, #tpu.memory_space<vmem>> -> memref<128x16xf32, #tpu.memory_space<vmem>>
      %dma_wait3A_231 = arith.constant 0 : i32
      %dma_wait3A_232 = tpu.memref_slice %arg12[%add3A_177, %dma_wait3A_231] : memref<80x128xi32, #tpu.memory_space<vmem>> -> memref<1x128xi32, #tpu.memory_space<vmem>>
      %dma_wait3A_233 = tpu.memref_squeeze %dma_wait3A_232 : memref<1x128xi32, #tpu.memory_space<vmem>> -> memref<128xi32, #tpu.memory_space<vmem>>
      %dma_wait3A_234 = arith.constant 0 : i32
      %dma_wait3A_235 = arith.constant 0 : i32
      %dma_wait3A_236 = tpu.memref_slice %arg14[%dma_wait3A_234, %dma_wait3A_235] : memref<10240x16xf32, #tpu.memory_space<vmem_shared>> -> memref<10240x16xf32, #tpu.memory_space<vmem_shared>>
      tpu.wait_indirect_dma semaphore(%arg16 : memref<!tpu.dma_semaphore, #tpu.memory_space<semaphore_mem>>) src(%dma_wait3A_230 : memref<128x16xf32, #tpu.memory_space<vmem>>) dst(%dma_wait3A_236 : memref<10240x16xf32, #tpu.memory_space<vmem_shared>>)
      %dma_wait3A_237 = arith.constant 3 : i32
      %dma_wait3A_238 = arith.constant 0 : i32
      %dma_wait3A_239 = arith.constant 0 : i32
      %dma_wait3A_240 = tpu.memref_slice %arg13[%dma_wait3A_237, %dma_wait3A_238, %dma_wait3A_239] : memref<4x128x16xf32, #tpu.memory_space<vmem>> -> memref<1x128x16xf32, #tpu.memory_space<vmem>>
      %dma_wait3A_241 = tpu.memref_squeeze %dma_wait3A_240 : memref<1x128x16xf32, #tpu.memory_space<vmem>> -> memref<128x16xf32, #tpu.memory_space<vmem>>
      %dma_wait3A_242 = arith.constant 0 : i32
      %dma_wait3A_243 = tpu.memref_slice %arg12[%add3A_192, %dma_wait3A_242] : memref<80x128xi32, #tpu.memory_space<vmem>> -> memref<1x128xi32, #tpu.memory_space<vmem>>
      %dma_wait3A_244 = tpu.memref_squeeze %dma_wait3A_243 : memref<1x128xi32, #tpu.memory_space<vmem>> -> memref<128xi32, #tpu.memory_space<vmem>>
      %dma_wait3A_245 = arith.constant 0 : i32
      %dma_wait3A_246 = arith.constant 0 : i32
      %dma_wait3A_247 = tpu.memref_slice %arg14[%dma_wait3A_245, %dma_wait3A_246] : memref<10240x16xf32, #tpu.memory_space<vmem_shared>> -> memref<10240x16xf32, #tpu.memory_space<vmem_shared>>
      tpu.wait_indirect_dma semaphore(%arg16 : memref<!tpu.dma_semaphore, #tpu.memory_space<semaphore_mem>>) src(%dma_wait3A_241 : memref<128x16xf32, #tpu.memory_space<vmem>>) dst(%dma_wait3A_247 : memref<10240x16xf32, #tpu.memory_space<vmem_shared>>)
    }
    %scan3A_21 = arith.constant 20 : i32
    %barrier3A_22 = arith.constant 0 : index
    tpu.barrier barrier_id(%barrier3A_22)
    %run_scoped3A_23 = arith.constant 1 : i32
    "tpu.region"() ({
      %run_scoped3A_37 = tpu.sem_alloc : memref<!tpu.dma_semaphore, #tpu.memory_space<semaphore_mem>>
      %dma_start3A = arith.constant 0 : i32
      %dma_start3A_38 = tpu.memref_slice %arg10[%arg0, %run_scoped3A_23, %mul3A_2, %dma_start3A] : memref<2x3x10240x16xf32, #tpu.memory_space<hbm>> -> memref<1x1x640x16xf32, #tpu.memory_space<hbm>>
      %dma_start3A_39 = tpu.memref_squeeze %dma_start3A_38 : memref<1x1x640x16xf32, #tpu.memory_space<hbm>> -> memref<640x16xf32, #tpu.memory_space<hbm>>
      %dma_start3A_40 = arith.constant 0 : i32
      %dma_start3A_41 = tpu.memref_slice %arg14[%mul3A_2, %dma_start3A_40] : memref<10240x16xf32, #tpu.memory_space<vmem_shared>> -> memref<640x16xf32, #tpu.memory_space<vmem_shared>>
      tpu.enqueue_dma source(%dma_start3A_41 : memref<640x16xf32, #tpu.memory_space<vmem_shared>>) target(%dma_start3A_39 : memref<640x16xf32, #tpu.memory_space<hbm>>) target_semaphore(%run_scoped3A_37 : memref<!tpu.dma_semaphore, #tpu.memory_space<semaphore_mem>>)
      %dma_wait3A = arith.constant 0 : i32
      %dma_wait3A_42 = tpu.memref_slice %arg10[%arg0, %run_scoped3A_23, %mul3A_2, %dma_wait3A] : memref<2x3x10240x16xf32, #tpu.memory_space<hbm>> -> memref<1x1x640x16xf32, #tpu.memory_space<hbm>>
      %dma_wait3A_43 = tpu.memref_squeeze %dma_wait3A_42 : memref<1x1x640x16xf32, #tpu.memory_space<hbm>> -> memref<640x16xf32, #tpu.memory_space<hbm>>
      %dma_wait3A_44 = arith.constant 0 : i32
      %dma_wait3A_45 = tpu.memref_slice %arg14[%mul3A_2, %dma_wait3A_44] : memref<10240x16xf32, #tpu.memory_space<vmem_shared>> -> memref<640x16xf32, #tpu.memory_space<vmem_shared>>
      tpu.wait_dma2 semaphore(%run_scoped3A_37 : memref<!tpu.dma_semaphore, #tpu.memory_space<semaphore_mem>>) src(%dma_wait3A_45 : memref<640x16xf32, #tpu.memory_space<vmem_shared>>) dst(%dma_wait3A_43 : memref<640x16xf32, #tpu.memory_space<hbm>>)
      tpu.yield
    }) : () -> ()
    "tpu.region"() ({
      %run_scoped3A_37 = tpu.sem_alloc : memref<!tpu.dma_semaphore, #tpu.memory_space<semaphore_mem>>
      %dma_start3A = arith.constant 0 : i32
      %dma_start3A_38 = tpu.memref_slice %arg14[%mul3A_2, %dma_start3A] : memref<10240x16xf32, #tpu.memory_space<vmem_shared>> -> memref<640x16xf32, #tpu.memory_space<vmem_shared>>
      tpu.enqueue_dma source(%arg9 : memref<640x16xf32, #tpu.memory_space<hbm>>) target(%dma_start3A_38 : memref<640x16xf32, #tpu.memory_space<vmem_shared>>) target_semaphore(%run_scoped3A_37 : memref<!tpu.dma_semaphore, #tpu.memory_space<semaphore_mem>>)
      %dma_wait3A = arith.constant 0 : i32
      %dma_wait3A_39 = tpu.memref_slice %arg14[%mul3A_2, %dma_wait3A] : memref<10240x16xf32, #tpu.memory_space<vmem_shared>> -> memref<640x16xf32, #tpu.memory_space<vmem_shared>>
      tpu.wait_dma2 semaphore(%run_scoped3A_37 : memref<!tpu.dma_semaphore, #tpu.memory_space<semaphore_mem>>) src(%arg9 : memref<640x16xf32, #tpu.memory_space<hbm>>) dst(%dma_wait3A_39 : memref<640x16xf32, #tpu.memory_space<vmem_shared>>)
      tpu.yield
    }) : () -> ()
    %barrier3A_24 = arith.constant 0 : index
    tpu.barrier barrier_id(%barrier3A_24)
    %mul3A_25 = arith.constant 80 : i32
    %mul3A_26 = arith.muli %add3A, %mul3A_25 : i32
    "tpu.region"() ({
      %run_scoped3A_37 = tpu.sem_alloc : memref<!tpu.dma_semaphore, #tpu.memory_space<semaphore_mem>>
      %dma_start3A = arith.constant 0 : i32
      %dma_start3A_38 = tpu.memref_slice %arg7[%mul3A_26, %dma_start3A] : memref<2560x128xi32, #tpu.memory_space<hbm>> -> memref<80x128xi32, #tpu.memory_space<hbm>>
      %dma_start3A_39 = arith.constant 0 : i32
      %dma_start3A_40 = tpu.memref_slice %arg7[%mul3A_26, %dma_start3A_39] : memref<2560x128xi32, #tpu.memory_space<hbm>> -> memref<80x128xi32, #tpu.memory_space<hbm>>
      tpu.enqueue_dma source(%dma_start3A_40 : memref<80x128xi32, #tpu.memory_space<hbm>>) target(%arg11 : memref<80x128xi32, #tpu.memory_space<vmem>>) target_semaphore(%run_scoped3A_37 : memref<!tpu.dma_semaphore, #tpu.memory_space<semaphore_mem>>)
      %dma_wait3A = arith.constant 0 : i32
      %dma_wait3A_41 = tpu.memref_slice %arg7[%mul3A_26, %dma_wait3A] : memref<2560x128xi32, #tpu.memory_space<hbm>> -> memref<80x128xi32, #tpu.memory_space<hbm>>
      %dma_wait3A_42 = arith.constant 0 : i32
      %dma_wait3A_43 = tpu.memref_slice %arg7[%mul3A_26, %dma_wait3A_42] : memref<2560x128xi32, #tpu.memory_space<hbm>> -> memref<80x128xi32, #tpu.memory_space<hbm>>
      tpu.wait_dma2 semaphore(%run_scoped3A_37 : memref<!tpu.dma_semaphore, #tpu.memory_space<semaphore_mem>>) src(%dma_wait3A_43 : memref<80x128xi32, #tpu.memory_space<hbm>>) dst(%arg11 : memref<80x128xi32, #tpu.memory_space<vmem>>)
      tpu.yield
    }) : () -> ()
    %mul3A_27 = arith.constant 80 : i32
    %mul3A_28 = arith.muli %add3A, %mul3A_27 : i32
    "tpu.region"() ({
      %run_scoped3A_37 = tpu.sem_alloc : memref<!tpu.dma_semaphore, #tpu.memory_space<semaphore_mem>>
      %dma_start3A = arith.constant 0 : i32
      %dma_start3A_38 = tpu.memref_slice %arg8[%mul3A_28, %dma_start3A] : memref<2560x128xi32, #tpu.memory_space<hbm>> -> memref<80x128xi32, #tpu.memory_space<hbm>>
      %dma_start3A_39 = arith.constant 0 : i32
      %dma_start3A_40 = tpu.memref_slice %arg8[%mul3A_28, %dma_start3A_39] : memref<2560x128xi32, #tpu.memory_space<hbm>> -> memref<80x128xi32, #tpu.memory_space<hbm>>
      tpu.enqueue_dma source(%dma_start3A_40 : memref<80x128xi32, #tpu.memory_space<hbm>>) target(%arg12 : memref<80x128xi32, #tpu.memory_space<vmem>>) target_semaphore(%run_scoped3A_37 : memref<!tpu.dma_semaphore, #tpu.memory_space<semaphore_mem>>)
      %dma_wait3A = arith.constant 0 : i32
      %dma_wait3A_41 = tpu.memref_slice %arg8[%mul3A_28, %dma_wait3A] : memref<2560x128xi32, #tpu.memory_space<hbm>> -> memref<80x128xi32, #tpu.memory_space<hbm>>
      %dma_wait3A_42 = arith.constant 0 : i32
      %dma_wait3A_43 = tpu.memref_slice %arg8[%mul3A_28, %dma_wait3A_42] : memref<2560x128xi32, #tpu.memory_space<hbm>> -> memref<80x128xi32, #tpu.memory_space<hbm>>
      tpu.wait_dma2 semaphore(%run_scoped3A_37 : memref<!tpu.dma_semaphore, #tpu.memory_space<semaphore_mem>>) src(%dma_wait3A_43 : memref<80x128xi32, #tpu.memory_space<hbm>>) dst(%arg12 : memref<80x128xi32, #tpu.memory_space<vmem>>)
      tpu.yield
    }) : () -> ()
    %scan3A_29 = arith.constant 0 : i32
    %scan3A_30 = arith.constant 20 : i32
    %scan3A_31 = arith.addi %scan3A_29, %scan3A_30 : i32
    %scan3A_32 = arith.constant 1 : i32
    scf.for %scan3A_37 = %scan3A_29 to %scan3A_31 step %scan3A_32  : i32 {
      %mul3A_38 = arith.constant 1 : i32
      %mul3A_39 = arith.muli %scan3A_37, %mul3A_38 : i32
      %add3A_40 = arith.constant 0 : i32
      %add3A_41 = arith.addi %add3A_40, %mul3A_39 : i32
      %mul3A_42 = arith.constant 4 : i32
      %mul3A_43 = arith.muli %add3A_41, %mul3A_42 : i32
      %add3A_44 = arith.constant 0 : i32
      %add3A_45 = arith.addi %mul3A_43, %add3A_44 : i32
      %dma_start3A = arith.constant 0 : i32
      %dma_start3A_46 = arith.constant 0 : i32
      %dma_start3A_47 = arith.constant 0 : i32
      %dma_start3A_48 = tpu.memref_slice %arg13[%dma_start3A, %dma_start3A_46, %dma_start3A_47] : memref<4x128x16xf32, #tpu.memory_space<vmem>> -> memref<1x128x16xf32, #tpu.memory_space<vmem>>
      %dma_start3A_49 = tpu.memref_squeeze %dma_start3A_48 : memref<1x128x16xf32, #tpu.memory_space<vmem>> -> memref<128x16xf32, #tpu.memory_space<vmem>>
      %dma_start3A_50 = arith.constant 0 : i32
      %dma_start3A_51 = tpu.memref_slice %arg11[%add3A_45, %dma_start3A_50] : memref<80x128xi32, #tpu.memory_space<vmem>> -> memref<1x128xi32, #tpu.memory_space<vmem>>
      %dma_start3A_52 = tpu.memref_squeeze %dma_start3A_51 : memref<1x128xi32, #tpu.memory_space<vmem>> -> memref<128xi32, #tpu.memory_space<vmem>>
      %dma_start3A_53 = arith.constant 0 : i32
      %dma_start3A_54 = arith.constant 0 : i32
      %dma_start3A_55 = tpu.memref_slice %arg2[%dma_start3A_53, %dma_start3A_54] : memref<10000x16xf32, #tpu.memory_space<hbm>> -> memref<10000x16xf32, #tpu.memory_space<hbm>>
      tpu.enqueue_indirect_dma source(%dma_start3A_55 : memref<10000x16xf32, #tpu.memory_space<hbm>>) target(%dma_start3A_49 : memref<128x16xf32, #tpu.memory_space<vmem>>) offsets(%dma_start3A_52 : memref<128xi32, #tpu.memory_space<vmem>>) semaphore(%arg15 : memref<!tpu.dma_semaphore, #tpu.memory_space<semaphore_mem>>)
      %mul3A_56 = arith.constant 4 : i32
      %mul3A_57 = arith.muli %add3A_41, %mul3A_56 : i32
      %add3A_58 = arith.constant 1 : i32
      %add3A_59 = arith.addi %mul3A_57, %add3A_58 : i32
      %dma_start3A_60 = arith.constant 1 : i32
      %dma_start3A_61 = arith.constant 0 : i32
      %dma_start3A_62 = arith.constant 0 : i32
      %dma_start3A_63 = tpu.memref_slice %arg13[%dma_start3A_60, %dma_start3A_61, %dma_start3A_62] : memref<4x128x16xf32, #tpu.memory_space<vmem>> -> memref<1x128x16xf32, #tpu.memory_space<vmem>>
      %dma_start3A_64 = tpu.memref_squeeze %dma_start3A_63 : memref<1x128x16xf32, #tpu.memory_space<vmem>> -> memref<128x16xf32, #tpu.memory_space<vmem>>
      %dma_start3A_65 = arith.constant 0 : i32
      %dma_start3A_66 = tpu.memref_slice %arg11[%add3A_59, %dma_start3A_65] : memref<80x128xi32, #tpu.memory_space<vmem>> -> memref<1x128xi32, #tpu.memory_space<vmem>>
      %dma_start3A_67 = tpu.memref_squeeze %dma_start3A_66 : memref<1x128xi32, #tpu.memory_space<vmem>> -> memref<128xi32, #tpu.memory_space<vmem>>
      %dma_start3A_68 = arith.constant 0 : i32
      %dma_start3A_69 = arith.constant 0 : i32
      %dma_start3A_70 = tpu.memref_slice %arg2[%dma_start3A_68, %dma_start3A_69] : memref<10000x16xf32, #tpu.memory_space<hbm>> -> memref<10000x16xf32, #tpu.memory_space<hbm>>
      tpu.enqueue_indirect_dma source(%dma_start3A_70 : memref<10000x16xf32, #tpu.memory_space<hbm>>) target(%dma_start3A_64 : memref<128x16xf32, #tpu.memory_space<vmem>>) offsets(%dma_start3A_67 : memref<128xi32, #tpu.memory_space<vmem>>) semaphore(%arg15 : memref<!tpu.dma_semaphore, #tpu.memory_space<semaphore_mem>>)
      %mul3A_71 = arith.constant 4 : i32
      %mul3A_72 = arith.muli %add3A_41, %mul3A_71 : i32
      %add3A_73 = arith.constant 2 : i32
      %add3A_74 = arith.addi %mul3A_72, %add3A_73 : i32
      %dma_start3A_75 = arith.constant 2 : i32
      %dma_start3A_76 = arith.constant 0 : i32
      %dma_start3A_77 = arith.constant 0 : i32
      %dma_start3A_78 = tpu.memref_slice %arg13[%dma_start3A_75, %dma_start3A_76, %dma_start3A_77] : memref<4x128x16xf32, #tpu.memory_space<vmem>> -> memref<1x128x16xf32, #tpu.memory_space<vmem>>
      %dma_start3A_79 = tpu.memref_squeeze %dma_start3A_78 : memref<1x128x16xf32, #tpu.memory_space<vmem>> -> memref<128x16xf32, #tpu.memory_space<vmem>>
      %dma_start3A_80 = arith.constant 0 : i32
      %dma_start3A_81 = tpu.memref_slice %arg11[%add3A_74, %dma_start3A_80] : memref<80x128xi32, #tpu.memory_space<vmem>> -> memref<1x128xi32, #tpu.memory_space<vmem>>
      %dma_start3A_82 = tpu.memref_squeeze %dma_start3A_81 : memref<1x128xi32, #tpu.memory_space<vmem>> -> memref<128xi32, #tpu.memory_space<vmem>>
      %dma_start3A_83 = arith.constant 0 : i32
      %dma_start3A_84 = arith.constant 0 : i32
      %dma_start3A_85 = tpu.memref_slice %arg2[%dma_start3A_83, %dma_start3A_84] : memref<10000x16xf32, #tpu.memory_space<hbm>> -> memref<10000x16xf32, #tpu.memory_space<hbm>>
      tpu.enqueue_indirect_dma source(%dma_start3A_85 : memref<10000x16xf32, #tpu.memory_space<hbm>>) target(%dma_start3A_79 : memref<128x16xf32, #tpu.memory_space<vmem>>) offsets(%dma_start3A_82 : memref<128xi32, #tpu.memory_space<vmem>>) semaphore(%arg15 : memref<!tpu.dma_semaphore, #tpu.memory_space<semaphore_mem>>)
      %mul3A_86 = arith.constant 4 : i32
      %mul3A_87 = arith.muli %add3A_41, %mul3A_86 : i32
      %add3A_88 = arith.constant 3 : i32
      %add3A_89 = arith.addi %mul3A_87, %add3A_88 : i32
      %dma_start3A_90 = arith.constant 3 : i32
      %dma_start3A_91 = arith.constant 0 : i32
      %dma_start3A_92 = arith.constant 0 : i32
      %dma_start3A_93 = tpu.memref_slice %arg13[%dma_start3A_90, %dma_start3A_91, %dma_start3A_92] : memref<4x128x16xf32, #tpu.memory_space<vmem>> -> memref<1x128x16xf32, #tpu.memory_space<vmem>>
      %dma_start3A_94 = tpu.memref_squeeze %dma_start3A_93 : memref<1x128x16xf32, #tpu.memory_space<vmem>> -> memref<128x16xf32, #tpu.memory_space<vmem>>
      %dma_start3A_95 = arith.constant 0 : i32
      %dma_start3A_96 = tpu.memref_slice %arg11[%add3A_89, %dma_start3A_95] : memref<80x128xi32, #tpu.memory_space<vmem>> -> memref<1x128xi32, #tpu.memory_space<vmem>>
      %dma_start3A_97 = tpu.memref_squeeze %dma_start3A_96 : memref<1x128xi32, #tpu.memory_space<vmem>> -> memref<128xi32, #tpu.memory_space<vmem>>
      %dma_start3A_98 = arith.constant 0 : i32
      %dma_start3A_99 = arith.constant 0 : i32
      %dma_start3A_100 = tpu.memref_slice %arg2[%dma_start3A_98, %dma_start3A_99] : memref<10000x16xf32, #tpu.memory_space<hbm>> -> memref<10000x16xf32, #tpu.memory_space<hbm>>
      tpu.enqueue_indirect_dma source(%dma_start3A_100 : memref<10000x16xf32, #tpu.memory_space<hbm>>) target(%dma_start3A_94 : memref<128x16xf32, #tpu.memory_space<vmem>>) offsets(%dma_start3A_97 : memref<128xi32, #tpu.memory_space<vmem>>) semaphore(%arg15 : memref<!tpu.dma_semaphore, #tpu.memory_space<semaphore_mem>>)
      %dma_wait3A = arith.constant 0 : i32
      %dma_wait3A_101 = arith.constant 0 : i32
      %dma_wait3A_102 = arith.constant 0 : i32
      %dma_wait3A_103 = tpu.memref_slice %arg13[%dma_wait3A, %dma_wait3A_101, %dma_wait3A_102] : memref<4x128x16xf32, #tpu.memory_space<vmem>> -> memref<1x128x16xf32, #tpu.memory_space<vmem>>
      %dma_wait3A_104 = tpu.memref_squeeze %dma_wait3A_103 : memref<1x128x16xf32, #tpu.memory_space<vmem>> -> memref<128x16xf32, #tpu.memory_space<vmem>>
      %dma_wait3A_105 = arith.constant 0 : i32
      %dma_wait3A_106 = tpu.memref_slice %arg11[%add3A_45, %dma_wait3A_105] : memref<80x128xi32, #tpu.memory_space<vmem>> -> memref<1x128xi32, #tpu.memory_space<vmem>>
      %dma_wait3A_107 = tpu.memref_squeeze %dma_wait3A_106 : memref<1x128xi32, #tpu.memory_space<vmem>> -> memref<128xi32, #tpu.memory_space<vmem>>
      %dma_wait3A_108 = arith.constant 0 : i32
      %dma_wait3A_109 = arith.constant 0 : i32
      %dma_wait3A_110 = tpu.memref_slice %arg2[%dma_wait3A_108, %dma_wait3A_109] : memref<10000x16xf32, #tpu.memory_space<hbm>> -> memref<10000x16xf32, #tpu.memory_space<hbm>>
      tpu.wait_indirect_dma semaphore(%arg15 : memref<!tpu.dma_semaphore, #tpu.memory_space<semaphore_mem>>) src(%dma_wait3A_110 : memref<10000x16xf32, #tpu.memory_space<hbm>>) dst(%dma_wait3A_104 : memref<128x16xf32, #tpu.memory_space<vmem>>)
      %dma_wait3A_111 = arith.constant 1 : i32
      %dma_wait3A_112 = arith.constant 0 : i32
      %dma_wait3A_113 = arith.constant 0 : i32
      %dma_wait3A_114 = tpu.memref_slice %arg13[%dma_wait3A_111, %dma_wait3A_112, %dma_wait3A_113] : memref<4x128x16xf32, #tpu.memory_space<vmem>> -> memref<1x128x16xf32, #tpu.memory_space<vmem>>
      %dma_wait3A_115 = tpu.memref_squeeze %dma_wait3A_114 : memref<1x128x16xf32, #tpu.memory_space<vmem>> -> memref<128x16xf32, #tpu.memory_space<vmem>>
      %dma_wait3A_116 = arith.constant 0 : i32
      %dma_wait3A_117 = tpu.memref_slice %arg11[%add3A_59, %dma_wait3A_116] : memref<80x128xi32, #tpu.memory_space<vmem>> -> memref<1x128xi32, #tpu.memory_space<vmem>>
      %dma_wait3A_118 = tpu.memref_squeeze %dma_wait3A_117 : memref<1x128xi32, #tpu.memory_space<vmem>> -> memref<128xi32, #tpu.memory_space<vmem>>
      %dma_wait3A_119 = arith.constant 0 : i32
      %dma_wait3A_120 = arith.constant 0 : i32
      %dma_wait3A_121 = tpu.memref_slice %arg2[%dma_wait3A_119, %dma_wait3A_120] : memref<10000x16xf32, #tpu.memory_space<hbm>> -> memref<10000x16xf32, #tpu.memory_space<hbm>>
      tpu.wait_indirect_dma semaphore(%arg15 : memref<!tpu.dma_semaphore, #tpu.memory_space<semaphore_mem>>) src(%dma_wait3A_121 : memref<10000x16xf32, #tpu.memory_space<hbm>>) dst(%dma_wait3A_115 : memref<128x16xf32, #tpu.memory_space<vmem>>)
      %dma_wait3A_122 = arith.constant 2 : i32
      %dma_wait3A_123 = arith.constant 0 : i32
      %dma_wait3A_124 = arith.constant 0 : i32
      %dma_wait3A_125 = tpu.memref_slice %arg13[%dma_wait3A_122, %dma_wait3A_123, %dma_wait3A_124] : memref<4x128x16xf32, #tpu.memory_space<vmem>> -> memref<1x128x16xf32, #tpu.memory_space<vmem>>
      %dma_wait3A_126 = tpu.memref_squeeze %dma_wait3A_125 : memref<1x128x16xf32, #tpu.memory_space<vmem>> -> memref<128x16xf32, #tpu.memory_space<vmem>>
      %dma_wait3A_127 = arith.constant 0 : i32
      %dma_wait3A_128 = tpu.memref_slice %arg11[%add3A_74, %dma_wait3A_127] : memref<80x128xi32, #tpu.memory_space<vmem>> -> memref<1x128xi32, #tpu.memory_space<vmem>>
      %dma_wait3A_129 = tpu.memref_squeeze %dma_wait3A_128 : memref<1x128xi32, #tpu.memory_space<vmem>> -> memref<128xi32, #tpu.memory_space<vmem>>
      %dma_wait3A_130 = arith.constant 0 : i32
      %dma_wait3A_131 = arith.constant 0 : i32
      %dma_wait3A_132 = tpu.memref_slice %arg2[%dma_wait3A_130, %dma_wait3A_131] : memref<10000x16xf32, #tpu.memory_space<hbm>> -> memref<10000x16xf32, #tpu.memory_space<hbm>>
      tpu.wait_indirect_dma semaphore(%arg15 : memref<!tpu.dma_semaphore, #tpu.memory_space<semaphore_mem>>) src(%dma_wait3A_132 : memref<10000x16xf32, #tpu.memory_space<hbm>>) dst(%dma_wait3A_126 : memref<128x16xf32, #tpu.memory_space<vmem>>)
      %dma_wait3A_133 = arith.constant 3 : i32
      %dma_wait3A_134 = arith.constant 0 : i32
      %dma_wait3A_135 = arith.constant 0 : i32
      %dma_wait3A_136 = tpu.memref_slice %arg13[%dma_wait3A_133, %dma_wait3A_134, %dma_wait3A_135] : memref<4x128x16xf32, #tpu.memory_space<vmem>> -> memref<1x128x16xf32, #tpu.memory_space<vmem>>
      %dma_wait3A_137 = tpu.memref_squeeze %dma_wait3A_136 : memref<1x128x16xf32, #tpu.memory_space<vmem>> -> memref<128x16xf32, #tpu.memory_space<vmem>>
      %dma_wait3A_138 = arith.constant 0 : i32
      %dma_wait3A_139 = tpu.memref_slice %arg11[%add3A_89, %dma_wait3A_138] : memref<80x128xi32, #tpu.memory_space<vmem>> -> memref<1x128xi32, #tpu.memory_space<vmem>>
      %dma_wait3A_140 = tpu.memref_squeeze %dma_wait3A_139 : memref<1x128xi32, #tpu.memory_space<vmem>> -> memref<128xi32, #tpu.memory_space<vmem>>
      %dma_wait3A_141 = arith.constant 0 : i32
      %dma_wait3A_142 = arith.constant 0 : i32
      %dma_wait3A_143 = tpu.memref_slice %arg2[%dma_wait3A_141, %dma_wait3A_142] : memref<10000x16xf32, #tpu.memory_space<hbm>> -> memref<10000x16xf32, #tpu.memory_space<hbm>>
      tpu.wait_indirect_dma semaphore(%arg15 : memref<!tpu.dma_semaphore, #tpu.memory_space<semaphore_mem>>) src(%dma_wait3A_143 : memref<10000x16xf32, #tpu.memory_space<hbm>>) dst(%dma_wait3A_137 : memref<128x16xf32, #tpu.memory_space<vmem>>)
      %mul3A_144 = arith.constant 4 : i32
      %mul3A_145 = arith.muli %add3A_41, %mul3A_144 : i32
      %add3A_146 = arith.constant 0 : i32
      %add3A_147 = arith.addi %mul3A_145, %add3A_146 : i32
      %dma_start3A_148 = arith.constant 0 : i32
      %dma_start3A_149 = arith.constant 0 : i32
      %dma_start3A_150 = arith.constant 0 : i32
      %dma_start3A_151 = tpu.memref_slice %arg13[%dma_start3A_148, %dma_start3A_149, %dma_start3A_150] : memref<4x128x16xf32, #tpu.memory_space<vmem>> -> memref<1x128x16xf32, #tpu.memory_space<vmem>>
      %dma_start3A_152 = tpu.memref_squeeze %dma_start3A_151 : memref<1x128x16xf32, #tpu.memory_space<vmem>> -> memref<128x16xf32, #tpu.memory_space<vmem>>
      %dma_start3A_153 = arith.constant 0 : i32
      %dma_start3A_154 = tpu.memref_slice %arg12[%add3A_147, %dma_start3A_153] : memref<80x128xi32, #tpu.memory_space<vmem>> -> memref<1x128xi32, #tpu.memory_space<vmem>>
      %dma_start3A_155 = tpu.memref_squeeze %dma_start3A_154 : memref<1x128xi32, #tpu.memory_space<vmem>> -> memref<128xi32, #tpu.memory_space<vmem>>
      %dma_start3A_156 = arith.constant 0 : i32
      %dma_start3A_157 = arith.constant 0 : i32
      %dma_start3A_158 = tpu.memref_slice %arg14[%dma_start3A_156, %dma_start3A_157] : memref<10240x16xf32, #tpu.memory_space<vmem_shared>> -> memref<10240x16xf32, #tpu.memory_space<vmem_shared>>
      tpu.enqueue_indirect_dma source(%dma_start3A_152 : memref<128x16xf32, #tpu.memory_space<vmem>>) target(%dma_start3A_158 : memref<10240x16xf32, #tpu.memory_space<vmem_shared>>) offsets(%dma_start3A_155 : memref<128xi32, #tpu.memory_space<vmem>>) semaphore(%arg16 : memref<!tpu.dma_semaphore, #tpu.memory_space<semaphore_mem>>) {add = true}
      %mul3A_159 = arith.constant 4 : i32
      %mul3A_160 = arith.muli %add3A_41, %mul3A_159 : i32
      %add3A_161 = arith.constant 1 : i32
      %add3A_162 = arith.addi %mul3A_160, %add3A_161 : i32
      %dma_start3A_163 = arith.constant 1 : i32
      %dma_start3A_164 = arith.constant 0 : i32
      %dma_start3A_165 = arith.constant 0 : i32
      %dma_start3A_166 = tpu.memref_slice %arg13[%dma_start3A_163, %dma_start3A_164, %dma_start3A_165] : memref<4x128x16xf32, #tpu.memory_space<vmem>> -> memref<1x128x16xf32, #tpu.memory_space<vmem>>
      %dma_start3A_167 = tpu.memref_squeeze %dma_start3A_166 : memref<1x128x16xf32, #tpu.memory_space<vmem>> -> memref<128x16xf32, #tpu.memory_space<vmem>>
      %dma_start3A_168 = arith.constant 0 : i32
      %dma_start3A_169 = tpu.memref_slice %arg12[%add3A_162, %dma_start3A_168] : memref<80x128xi32, #tpu.memory_space<vmem>> -> memref<1x128xi32, #tpu.memory_space<vmem>>
      %dma_start3A_170 = tpu.memref_squeeze %dma_start3A_169 : memref<1x128xi32, #tpu.memory_space<vmem>> -> memref<128xi32, #tpu.memory_space<vmem>>
      %dma_start3A_171 = arith.constant 0 : i32
      %dma_start3A_172 = arith.constant 0 : i32
      %dma_start3A_173 = tpu.memref_slice %arg14[%dma_start3A_171, %dma_start3A_172] : memref<10240x16xf32, #tpu.memory_space<vmem_shared>> -> memref<10240x16xf32, #tpu.memory_space<vmem_shared>>
      tpu.enqueue_indirect_dma source(%dma_start3A_167 : memref<128x16xf32, #tpu.memory_space<vmem>>) target(%dma_start3A_173 : memref<10240x16xf32, #tpu.memory_space<vmem_shared>>) offsets(%dma_start3A_170 : memref<128xi32, #tpu.memory_space<vmem>>) semaphore(%arg16 : memref<!tpu.dma_semaphore, #tpu.memory_space<semaphore_mem>>) {add = true}
      %mul3A_174 = arith.constant 4 : i32
      %mul3A_175 = arith.muli %add3A_41, %mul3A_174 : i32
      %add3A_176 = arith.constant 2 : i32
      %add3A_177 = arith.addi %mul3A_175, %add3A_176 : i32
      %dma_start3A_178 = arith.constant 2 : i32
      %dma_start3A_179 = arith.constant 0 : i32
      %dma_start3A_180 = arith.constant 0 : i32
      %dma_start3A_181 = tpu.memref_slice %arg13[%dma_start3A_178, %dma_start3A_179, %dma_start3A_180] : memref<4x128x16xf32, #tpu.memory_space<vmem>> -> memref<1x128x16xf32, #tpu.memory_space<vmem>>
      %dma_start3A_182 = tpu.memref_squeeze %dma_start3A_181 : memref<1x128x16xf32, #tpu.memory_space<vmem>> -> memref<128x16xf32, #tpu.memory_space<vmem>>
      %dma_start3A_183 = arith.constant 0 : i32
      %dma_start3A_184 = tpu.memref_slice %arg12[%add3A_177, %dma_start3A_183] : memref<80x128xi32, #tpu.memory_space<vmem>> -> memref<1x128xi32, #tpu.memory_space<vmem>>
      %dma_start3A_185 = tpu.memref_squeeze %dma_start3A_184 : memref<1x128xi32, #tpu.memory_space<vmem>> -> memref<128xi32, #tpu.memory_space<vmem>>
      %dma_start3A_186 = arith.constant 0 : i32
      %dma_start3A_187 = arith.constant 0 : i32
      %dma_start3A_188 = tpu.memref_slice %arg14[%dma_start3A_186, %dma_start3A_187] : memref<10240x16xf32, #tpu.memory_space<vmem_shared>> -> memref<10240x16xf32, #tpu.memory_space<vmem_shared>>
      tpu.enqueue_indirect_dma source(%dma_start3A_182 : memref<128x16xf32, #tpu.memory_space<vmem>>) target(%dma_start3A_188 : memref<10240x16xf32, #tpu.memory_space<vmem_shared>>) offsets(%dma_start3A_185 : memref<128xi32, #tpu.memory_space<vmem>>) semaphore(%arg16 : memref<!tpu.dma_semaphore, #tpu.memory_space<semaphore_mem>>) {add = true}
      %mul3A_189 = arith.constant 4 : i32
      %mul3A_190 = arith.muli %add3A_41, %mul3A_189 : i32
      %add3A_191 = arith.constant 3 : i32
      %add3A_192 = arith.addi %mul3A_190, %add3A_191 : i32
      %dma_start3A_193 = arith.constant 3 : i32
      %dma_start3A_194 = arith.constant 0 : i32
      %dma_start3A_195 = arith.constant 0 : i32
      %dma_start3A_196 = tpu.memref_slice %arg13[%dma_start3A_193, %dma_start3A_194, %dma_start3A_195] : memref<4x128x16xf32, #tpu.memory_space<vmem>> -> memref<1x128x16xf32, #tpu.memory_space<vmem>>
      %dma_start3A_197 = tpu.memref_squeeze %dma_start3A_196 : memref<1x128x16xf32, #tpu.memory_space<vmem>> -> memref<128x16xf32, #tpu.memory_space<vmem>>
      %dma_start3A_198 = arith.constant 0 : i32
      %dma_start3A_199 = tpu.memref_slice %arg12[%add3A_192, %dma_start3A_198] : memref<80x128xi32, #tpu.memory_space<vmem>> -> memref<1x128xi32, #tpu.memory_space<vmem>>
      %dma_start3A_200 = tpu.memref_squeeze %dma_start3A_199 : memref<1x128xi32, #tpu.memory_space<vmem>> -> memref<128xi32, #tpu.memory_space<vmem>>
      %dma_start3A_201 = arith.constant 0 : i32
      %dma_start3A_202 = arith.constant 0 : i32
      %dma_start3A_203 = tpu.memref_slice %arg14[%dma_start3A_201, %dma_start3A_202] : memref<10240x16xf32, #tpu.memory_space<vmem_shared>> -> memref<10240x16xf32, #tpu.memory_space<vmem_shared>>
      tpu.enqueue_indirect_dma source(%dma_start3A_197 : memref<128x16xf32, #tpu.memory_space<vmem>>) target(%dma_start3A_203 : memref<10240x16xf32, #tpu.memory_space<vmem_shared>>) offsets(%dma_start3A_200 : memref<128xi32, #tpu.memory_space<vmem>>) semaphore(%arg16 : memref<!tpu.dma_semaphore, #tpu.memory_space<semaphore_mem>>) {add = true}
      %dma_wait3A_204 = arith.constant 0 : i32
      %dma_wait3A_205 = arith.constant 0 : i32
      %dma_wait3A_206 = arith.constant 0 : i32
      %dma_wait3A_207 = tpu.memref_slice %arg13[%dma_wait3A_204, %dma_wait3A_205, %dma_wait3A_206] : memref<4x128x16xf32, #tpu.memory_space<vmem>> -> memref<1x128x16xf32, #tpu.memory_space<vmem>>
      %dma_wait3A_208 = tpu.memref_squeeze %dma_wait3A_207 : memref<1x128x16xf32, #tpu.memory_space<vmem>> -> memref<128x16xf32, #tpu.memory_space<vmem>>
      %dma_wait3A_209 = arith.constant 0 : i32
      %dma_wait3A_210 = tpu.memref_slice %arg12[%add3A_147, %dma_wait3A_209] : memref<80x128xi32, #tpu.memory_space<vmem>> -> memref<1x128xi32, #tpu.memory_space<vmem>>
      %dma_wait3A_211 = tpu.memref_squeeze %dma_wait3A_210 : memref<1x128xi32, #tpu.memory_space<vmem>> -> memref<128xi32, #tpu.memory_space<vmem>>
      %dma_wait3A_212 = arith.constant 0 : i32
      %dma_wait3A_213 = arith.constant 0 : i32
      %dma_wait3A_214 = tpu.memref_slice %arg14[%dma_wait3A_212, %dma_wait3A_213] : memref<10240x16xf32, #tpu.memory_space<vmem_shared>> -> memref<10240x16xf32, #tpu.memory_space<vmem_shared>>
      tpu.wait_indirect_dma semaphore(%arg16 : memref<!tpu.dma_semaphore, #tpu.memory_space<semaphore_mem>>) src(%dma_wait3A_208 : memref<128x16xf32, #tpu.memory_space<vmem>>) dst(%dma_wait3A_214 : memref<10240x16xf32, #tpu.memory_space<vmem_shared>>)
      %dma_wait3A_215 = arith.constant 1 : i32
      %dma_wait3A_216 = arith.constant 0 : i32
      %dma_wait3A_217 = arith.constant 0 : i32
      %dma_wait3A_218 = tpu.memref_slice %arg13[%dma_wait3A_215, %dma_wait3A_216, %dma_wait3A_217] : memref<4x128x16xf32, #tpu.memory_space<vmem>> -> memref<1x128x16xf32, #tpu.memory_space<vmem>>
      %dma_wait3A_219 = tpu.memref_squeeze %dma_wait3A_218 : memref<1x128x16xf32, #tpu.memory_space<vmem>> -> memref<128x16xf32, #tpu.memory_space<vmem>>
      %dma_wait3A_220 = arith.constant 0 : i32
      %dma_wait3A_221 = tpu.memref_slice %arg12[%add3A_162, %dma_wait3A_220] : memref<80x128xi32, #tpu.memory_space<vmem>> -> memref<1x128xi32, #tpu.memory_space<vmem>>
      %dma_wait3A_222 = tpu.memref_squeeze %dma_wait3A_221 : memref<1x128xi32, #tpu.memory_space<vmem>> -> memref<128xi32, #tpu.memory_space<vmem>>
      %dma_wait3A_223 = arith.constant 0 : i32
      %dma_wait3A_224 = arith.constant 0 : i32
      %dma_wait3A_225 = tpu.memref_slice %arg14[%dma_wait3A_223, %dma_wait3A_224] : memref<10240x16xf32, #tpu.memory_space<vmem_shared>> -> memref<10240x16xf32, #tpu.memory_space<vmem_shared>>
      tpu.wait_indirect_dma semaphore(%arg16 : memref<!tpu.dma_semaphore, #tpu.memory_space<semaphore_mem>>) src(%dma_wait3A_219 : memref<128x16xf32, #tpu.memory_space<vmem>>) dst(%dma_wait3A_225 : memref<10240x16xf32, #tpu.memory_space<vmem_shared>>)
      %dma_wait3A_226 = arith.constant 2 : i32
      %dma_wait3A_227 = arith.constant 0 : i32
      %dma_wait3A_228 = arith.constant 0 : i32
      %dma_wait3A_229 = tpu.memref_slice %arg13[%dma_wait3A_226, %dma_wait3A_227, %dma_wait3A_228] : memref<4x128x16xf32, #tpu.memory_space<vmem>> -> memref<1x128x16xf32, #tpu.memory_space<vmem>>
      %dma_wait3A_230 = tpu.memref_squeeze %dma_wait3A_229 : memref<1x128x16xf32, #tpu.memory_space<vmem>> -> memref<128x16xf32, #tpu.memory_space<vmem>>
      %dma_wait3A_231 = arith.constant 0 : i32
      %dma_wait3A_232 = tpu.memref_slice %arg12[%add3A_177, %dma_wait3A_231] : memref<80x128xi32, #tpu.memory_space<vmem>> -> memref<1x128xi32, #tpu.memory_space<vmem>>
      %dma_wait3A_233 = tpu.memref_squeeze %dma_wait3A_232 : memref<1x128xi32, #tpu.memory_space<vmem>> -> memref<128xi32, #tpu.memory_space<vmem>>
      %dma_wait3A_234 = arith.constant 0 : i32
      %dma_wait3A_235 = arith.constant 0 : i32
      %dma_wait3A_236 = tpu.memref_slice %arg14[%dma_wait3A_234, %dma_wait3A_235] : memref<10240x16xf32, #tpu.memory_space<vmem_shared>> -> memref<10240x16xf32, #tpu.memory_space<vmem_shared>>
      tpu.wait_indirect_dma semaphore(%arg16 : memref<!tpu.dma_semaphore, #tpu.memory_space<semaphore_mem>>) src(%dma_wait3A_230 : memref<128x16xf32, #tpu.memory_space<vmem>>) dst(%dma_wait3A_236 : memref<10240x16xf32, #tpu.memory_space<vmem_shared>>)
      %dma_wait3A_237 = arith.constant 3 : i32
      %dma_wait3A_238 = arith.constant 0 : i32
      %dma_wait3A_239 = arith.constant 0 : i32
      %dma_wait3A_240 = tpu.memref_slice %arg13[%dma_wait3A_237, %dma_wait3A_238, %dma_wait3A_239] : memref<4x128x16xf32, #tpu.memory_space<vmem>> -> memref<1x128x16xf32, #tpu.memory_space<vmem>>
      %dma_wait3A_241 = tpu.memref_squeeze %dma_wait3A_240 : memref<1x128x16xf32, #tpu.memory_space<vmem>> -> memref<128x16xf32, #tpu.memory_space<vmem>>
      %dma_wait3A_242 = arith.constant 0 : i32
      %dma_wait3A_243 = tpu.memref_slice %arg12[%add3A_192, %dma_wait3A_242] : memref<80x128xi32, #tpu.memory_space<vmem>> -> memref<1x128xi32, #tpu.memory_space<vmem>>
      %dma_wait3A_244 = tpu.memref_squeeze %dma_wait3A_243 : memref<1x128xi32, #tpu.memory_space<vmem>> -> memref<128xi32, #tpu.memory_space<vmem>>
      %dma_wait3A_245 = arith.constant 0 : i32
      %dma_wait3A_246 = arith.constant 0 : i32
      %dma_wait3A_247 = tpu.memref_slice %arg14[%dma_wait3A_245, %dma_wait3A_246] : memref<10240x16xf32, #tpu.memory_space<vmem_shared>> -> memref<10240x16xf32, #tpu.memory_space<vmem_shared>>
      tpu.wait_indirect_dma semaphore(%arg16 : memref<!tpu.dma_semaphore, #tpu.memory_space<semaphore_mem>>) src(%dma_wait3A_241 : memref<128x16xf32, #tpu.memory_space<vmem>>) dst(%dma_wait3A_247 : memref<10240x16xf32, #tpu.memory_space<vmem_shared>>)
    }
    %scan3A_33 = arith.constant 20 : i32
    %barrier3A_34 = arith.constant 0 : index
    tpu.barrier barrier_id(%barrier3A_34)
    %run_scoped3A_35 = arith.constant 2 : i32
    "tpu.region"() ({
      %run_scoped3A_37 = tpu.sem_alloc : memref<!tpu.dma_semaphore, #tpu.memory_space<semaphore_mem>>
      %dma_start3A = arith.constant 0 : i32
      %dma_start3A_38 = tpu.memref_slice %arg10[%arg0, %run_scoped3A_35, %mul3A_2, %dma_start3A] : memref<2x3x10240x16xf32, #tpu.memory_space<hbm>> -> memref<1x1x640x16xf32, #tpu.memory_space<hbm>>
      %dma_start3A_39 = tpu.memref_squeeze %dma_start3A_38 : memref<1x1x640x16xf32, #tpu.memory_space<hbm>> -> memref<640x16xf32, #tpu.memory_space<hbm>>
      %dma_start3A_40 = arith.constant 0 : i32
      %dma_start3A_41 = tpu.memref_slice %arg14[%mul3A_2, %dma_start3A_40] : memref<10240x16xf32, #tpu.memory_space<vmem_shared>> -> memref<640x16xf32, #tpu.memory_space<vmem_shared>>
      tpu.enqueue_dma source(%dma_start3A_41 : memref<640x16xf32, #tpu.memory_space<vmem_shared>>) target(%dma_start3A_39 : memref<640x16xf32, #tpu.memory_space<hbm>>) target_semaphore(%run_scoped3A_37 : memref<!tpu.dma_semaphore, #tpu.memory_space<semaphore_mem>>)
      %dma_wait3A = arith.constant 0 : i32
      %dma_wait3A_42 = tpu.memref_slice %arg10[%arg0, %run_scoped3A_35, %mul3A_2, %dma_wait3A] : memref<2x3x10240x16xf32, #tpu.memory_space<hbm>> -> memref<1x1x640x16xf32, #tpu.memory_space<hbm>>
      %dma_wait3A_43 = tpu.memref_squeeze %dma_wait3A_42 : memref<1x1x640x16xf32, #tpu.memory_space<hbm>> -> memref<640x16xf32, #tpu.memory_space<hbm>>
      %dma_wait3A_44 = arith.constant 0 : i32
      %dma_wait3A_45 = tpu.memref_slice %arg14[%mul3A_2, %dma_wait3A_44] : memref<10240x16xf32, #tpu.memory_space<vmem_shared>> -> memref<640x16xf32, #tpu.memory_space<vmem_shared>>
      tpu.wait_dma2 semaphore(%run_scoped3A_37 : memref<!tpu.dma_semaphore, #tpu.memory_space<semaphore_mem>>) src(%dma_wait3A_45 : memref<640x16xf32, #tpu.memory_space<vmem_shared>>) dst(%dma_wait3A_43 : memref<640x16xf32, #tpu.memory_space<hbm>>)
      tpu.yield
    }) : () -> ()
    %barrier3A_36 = arith.constant 0 : index
    tpu.barrier barrier_id(%barrier3A_36)
    return
  }
}

module attributes {stable_mosaic.version = 14 : i64} {
  func.func @body(%arg0: i32, %arg1: memref<2000x128xf32, #tpu.memory_space<vmem>>, %arg2: memref<128x64xf32, #tpu.memory_space<vmem>>, %arg3: memref<128x2xf32, #tpu.memory_space<vmem>>, %arg4: memref<1x2xf32, #tpu.memory_space<vmem>>, %arg5: memref<2000x64xf32, #tpu.memory_space<vmem>>, %arg6: memref<2000x2xf32, #tpu.memory_space<vmem>>) attributes {dimension_semantics = [#tpu.dimension_semantics<arbitrary>], iteration_bounds = array<i64: 5>, scalar_prefetch = 0 : i64, scratch_operands = 0 : i64, tpu.core_type = #tpu.core_type<tc>, window_params = [{transform_indices = @transform_0, window_bounds = array<i64: 2000, 128>}, {pipeline_mode = #tpu.pipeline_mode<synchronous>, transform_indices = @transform_1, window_bounds = array<i64: 128, 64>}, {pipeline_mode = #tpu.pipeline_mode<synchronous>, transform_indices = @transform_2, window_bounds = array<i64: 128, 2>}, {pipeline_mode = #tpu.pipeline_mode<synchronous>, transform_indices = @transform_3, window_bounds = array<i64: 1, 2>}, {transform_indices = @transform_4, window_bounds = array<i64: 2000, 64>}, {transform_indices = @transform_5, window_bounds = array<i64: 2000, 2>}]} {
    %get3A = arith.constant 0 : index
    %get3A_0 = arith.constant 0 : index
    %get3A_1 = vector.load %arg1[%get3A, %get3A_0] : memref<2000x128xf32, #tpu.memory_space<vmem>>, vector<2000x128xf32>
    %get3A_2 = arith.constant 0 : index
    %get3A_3 = arith.constant 0 : index
    %get3A_4 = vector.load %arg2[%get3A_2, %get3A_3] : memref<128x64xf32, #tpu.memory_space<vmem>>, vector<128x64xf32>
    %dot_general3A = arith.constant dense<0.000000e+00> : vector<2000x64xf32>
    %dot_general3A_5 = tpu.matmul %get3A_1, %get3A_4, %dot_general3A {dimension_numbers = #tpu.dot_dimension_numbers<[1], [0], [0], [1], [0, 0, 1, 1], [], []>, transpose_lhs_hint = false} : vector<2000x128xf32>, vector<128x64xf32>, vector<2000x64xf32> -> vector<2000x64xf32>
    %swap3A = arith.constant 0 : index
    %swap3A_6 = arith.constant 0 : index
    %swap3A_7 = vector.load %arg5[%swap3A, %swap3A_6] : memref<2000x64xf32, #tpu.memory_space<vmem>>, vector<2000x64xf32>
    tpu.vector_store %arg5[%swap3A, %swap3A_6], %dot_general3A_5 {strides = array<i32>} : memref<2000x64xf32, #tpu.memory_space<vmem>>, vector<2000x64xf32>,
    %get3A_8 = arith.constant 0 : index
    %get3A_9 = arith.constant 0 : index
    %get3A_10 = vector.load %arg3[%get3A_8, %get3A_9] : memref<128x2xf32, #tpu.memory_space<vmem>>, vector<128x2xf32>
    %dot_general3A_11 = arith.constant dense<0.000000e+00> : vector<2000x2xf32>
    %dot_general3A_12 = tpu.matmul %get3A_1, %get3A_10, %dot_general3A_11 {dimension_numbers = #tpu.dot_dimension_numbers<[1], [0], [0], [1], [0, 0, 1, 1], [], []>, transpose_lhs_hint = false} : vector<2000x128xf32>, vector<128x2xf32>, vector<2000x2xf32> -> vector<2000x2xf32>
    %get3A_13 = arith.constant 0 : index
    %get3A_14 = arith.constant 0 : index
    %get3A_15 = vector.load %arg4[%get3A_13, %get3A_14] : memref<1x2xf32, #tpu.memory_space<vmem>>, vector<1x2xf32>
    %add3A = vector.broadcast %get3A_15 : vector<1x2xf32> to vector<2000x2xf32>
    %add3A_16 = arith.addf %dot_general3A_12, %add3A : vector<2000x2xf32>
    %tanh3A = math.tanh %add3A_16 : vector<2000x2xf32>
    %swap3A_17 = arith.constant 0 : index
    %swap3A_18 = arith.constant 0 : index
    %swap3A_19 = vector.load %arg6[%swap3A_17, %swap3A_18] : memref<2000x2xf32, #tpu.memory_space<vmem>>, vector<2000x2xf32>
    tpu.vector_store %arg6[%swap3A_17, %swap3A_18], %tanh3A {strides = array<i32>} : memref<2000x2xf32, #tpu.memory_space<vmem>>, vector<2000x2xf32>,
    return
  }
  func.func @transform_0(%arg0: i32) -> (i32, i32) {
    %c0_i32 = arith.constant 0 : i32
    %c0_i32_0 = arith.constant 0 : i32
    return %arg0, %c0_i32 : i32, i32
  }
  func.func @transform_1(%arg0: i32) -> (i32, i32) {
    %c0_i32 = arith.constant 0 : i32
    %c0_i32_0 = arith.constant 0 : i32
    %c0_i32_1 = arith.constant 0 : i32
    return %c0_i32, %c0_i32_0 : i32, i32
  }
  func.func @transform_2(%arg0: i32) -> (i32, i32) {
    %c0_i32 = arith.constant 0 : i32
    %c0_i32_0 = arith.constant 0 : i32
    %c0_i32_1 = arith.constant 0 : i32
    return %c0_i32, %c0_i32_0 : i32, i32
  }
  func.func @transform_3(%arg0: i32) -> (i32, i32) {
    %c0_i32 = arith.constant 0 : i32
    %c0_i32_0 = arith.constant 0 : i32
    %c0_i32_1 = arith.constant 0 : i32
    return %c0_i32, %c0_i32_0 : i32, i32
  }
  func.func @transform_4(%arg0: i32) -> (i32, i32) {
    %c0_i32 = arith.constant 0 : i32
    %c0_i32_0 = arith.constant 0 : i32
    return %arg0, %c0_i32 : i32, i32
  }
  func.func @transform_5(%arg0: i32) -> (i32, i32) {
    %c0_i32 = arith.constant 0 : i32
    %c0_i32_0 = arith.constant 0 : i32
    return %arg0, %c0_i32 : i32, i32
  }
}

module attributes {stable_mosaic.version = 14 : i64} {
  func.func @body(%arg0: i32, %arg1: memref<2x3x2000x64xf32, #tpu.memory_space<vmem>>, %arg2: memref<2x2000x16xf32, #tpu.memory_space<vmem>>, %arg3: memref<2000x64xf32, #tpu.memory_space<vmem>>, %arg4: memref<1x64xf32, #tpu.memory_space<vmem>>, %arg5: memref<64x16xf32, #tpu.memory_space<vmem>>, %arg6: memref<2000x16xf32, #tpu.memory_space<vmem>>) attributes {dimension_semantics = [#tpu.dimension_semantics<arbitrary>], iteration_bounds = array<i64: 5>, scalar_prefetch = 0 : i64, scratch_operands = 0 : i64, tpu.core_type = #tpu.core_type<tc>, window_params = [{transform_indices = @transform_0, window_bounds = array<i64: 2, 3, 2000, 64>}, {transform_indices = @transform_1, window_bounds = array<i64: 2, 2000, 16>}, {transform_indices = @transform_2, window_bounds = array<i64: 2000, 64>}, {pipeline_mode = #tpu.pipeline_mode<synchronous>, transform_indices = @transform_3, window_bounds = array<i64: 1, 64>}, {pipeline_mode = #tpu.pipeline_mode<synchronous>, transform_indices = @transform_4, window_bounds = array<i64: 64, 16>}, {transform_indices = @transform_5, window_bounds = array<i64: 2000, 16>}]} {
    %get3A = arith.constant 0 : index
    %get3A_0 = arith.constant 0 : index
    %get3A_1 = arith.constant 0 : index
    %get3A_2 = arith.constant 0 : index
    %get3A_3 = vector.load %arg1[%get3A, %get3A_0, %get3A_1, %get3A_2] : memref<2x3x2000x64xf32, #tpu.memory_space<vmem>>, vector<1x3x2000x64xf32>
    %get3A_4 = vector.shape_cast %get3A_3 : vector<1x3x2000x64xf32> to vector<3x2000x64xf32>
    %get3A_5 = arith.constant 1 : index
    %get3A_6 = arith.constant 0 : index
    %get3A_7 = arith.constant 0 : index
    %get3A_8 = arith.constant 0 : index
    %get3A_9 = vector.load %arg1[%get3A_5, %get3A_6, %get3A_7, %get3A_8] : memref<2x3x2000x64xf32, #tpu.memory_space<vmem>>, vector<1x3x2000x64xf32>
    %get3A_10 = vector.shape_cast %get3A_9 : vector<1x3x2000x64xf32> to vector<3x2000x64xf32>
    %add3A = arith.addf %get3A_4, %get3A_10 : vector<3x2000x64xf32>
    %get3A_11 = arith.constant 0 : index
    %get3A_12 = arith.constant 0 : index
    %get3A_13 = arith.constant 0 : index
    %get3A_14 = vector.load %arg2[%get3A_11, %get3A_12, %get3A_13] : memref<2x2000x16xf32, #tpu.memory_space<vmem>>, vector<1x2000x16xf32>
    %get3A_15 = vector.shape_cast %get3A_14 : vector<1x2000x16xf32> to vector<2000x16xf32>
    %get3A_16 = arith.constant 1 : index
    %get3A_17 = arith.constant 0 : index
    %get3A_18 = arith.constant 0 : index
    %get3A_19 = vector.load %arg2[%get3A_16, %get3A_17, %get3A_18] : memref<2x2000x16xf32, #tpu.memory_space<vmem>>, vector<1x2000x16xf32>
    %get3A_20 = vector.shape_cast %get3A_19 : vector<1x2000x16xf32> to vector<2000x16xf32>
    %add3A_21 = arith.addf %get3A_15, %get3A_20 : vector<2000x16xf32>
    %max3A = arith.constant 1.000000e+00 : f32
    %max3A_22 = vector.broadcast %max3A : f32 to vector<2000x16xf32>
    %max3A_23 = arith.maximumf %add3A_21, %max3A_22 : vector<2000x16xf32>
    %div3A = arith.constant 1.000000e+00 : f32
    %div3A_24 = vector.broadcast %div3A : f32 to vector<2000x16xf32>
    %div3A_25 = arith.divf %div3A_24, %max3A_23 : vector<2000x16xf32>
    %slice3A = vector.extract_strided_slice %add3A {offsets = [0, 0, 0], sizes = [1, 2000, 64], strides = [1, 1, 1]} : vector<3x2000x64xf32> to vector<1x2000x64xf32>
    %squeeze3A = vector.shape_cast %slice3A : vector<1x2000x64xf32> to vector<2000x64xf32>
    %slice3A_26 = vector.extract_strided_slice %div3A_25 {offsets = [0, 0], sizes = [2000, 1], strides = [1, 1]} : vector<2000x16xf32> to vector<2000x1xf32>
    %mul3A = vector.broadcast %slice3A_26 : vector<2000x1xf32> to vector<2000x64xf32>
    %mul3A_27 = arith.mulf %squeeze3A, %mul3A : vector<2000x64xf32>
    %slice3A_28 = vector.extract_strided_slice %add3A {offsets = [1, 0, 0], sizes = [1, 2000, 64], strides = [1, 1, 1]} : vector<3x2000x64xf32> to vector<1x2000x64xf32>
    %squeeze3A_29 = vector.shape_cast %slice3A_28 : vector<1x2000x64xf32> to vector<2000x64xf32>
    %slice3A_30 = vector.extract_strided_slice %div3A_25 {offsets = [0, 1], sizes = [2000, 1], strides = [1, 1]} : vector<2000x16xf32> to vector<2000x1xf32>
    %mul3A_31 = vector.broadcast %slice3A_30 : vector<2000x1xf32> to vector<2000x64xf32>
    %mul3A_32 = arith.mulf %squeeze3A_29, %mul3A_31 : vector<2000x64xf32>
    %add3A_33 = arith.addf %mul3A_27, %mul3A_32 : vector<2000x64xf32>
    %slice3A_34 = vector.extract_strided_slice %add3A {offsets = [2, 0, 0], sizes = [1, 2000, 64], strides = [1, 1, 1]} : vector<3x2000x64xf32> to vector<1x2000x64xf32>
    %squeeze3A_35 = vector.shape_cast %slice3A_34 : vector<1x2000x64xf32> to vector<2000x64xf32>
    %slice3A_36 = vector.extract_strided_slice %div3A_25 {offsets = [0, 2], sizes = [2000, 1], strides = [1, 1]} : vector<2000x16xf32> to vector<2000x1xf32>
    %mul3A_37 = vector.broadcast %slice3A_36 : vector<2000x1xf32> to vector<2000x64xf32>
    %mul3A_38 = arith.mulf %squeeze3A_35, %mul3A_37 : vector<2000x64xf32>
    %add3A_39 = arith.addf %add3A_33, %mul3A_38 : vector<2000x64xf32>
    %mul3A_40 = arith.constant 5.000000e-01 : f32
    %mul3A_41 = vector.broadcast %mul3A_40 : f32 to vector<2000x64xf32>
    %mul3A_42 = arith.mulf %mul3A_41, %add3A_39 : vector<2000x64xf32>
    %get3A_43 = arith.constant 0 : index
    %get3A_44 = arith.constant 0 : index
    %get3A_45 = vector.load %arg3[%get3A_43, %get3A_44] : memref<2000x64xf32, #tpu.memory_space<vmem>>, vector<2000x64xf32>
    %add3A_46 = arith.addf %mul3A_42, %get3A_45 : vector<2000x64xf32>
    %get3A_47 = arith.constant 0 : index
    %get3A_48 = arith.constant 0 : index
    %get3A_49 = vector.load %arg4[%get3A_47, %get3A_48] : memref<1x64xf32, #tpu.memory_space<vmem>>, vector<1x64xf32>
    %add3A_50 = vector.broadcast %get3A_49 : vector<1x64xf32> to vector<2000x64xf32>
    %add3A_51 = arith.addf %add3A_46, %add3A_50 : vector<2000x64xf32>
    %get3A_52 = arith.constant 0 : index
    %get3A_53 = arith.constant 0 : index
    %get3A_54 = vector.load %arg5[%get3A_52, %get3A_53] : memref<64x16xf32, #tpu.memory_space<vmem>>, vector<64x16xf32>
    %dot_general3A = arith.constant dense<0.000000e+00> : vector<2000x16xf32>
    %dot_general3A_55 = tpu.matmul %add3A_51, %get3A_54, %dot_general3A {dimension_numbers = #tpu.dot_dimension_numbers<[1], [0], [0], [1], [0, 0, 1, 1], [], []>, transpose_lhs_hint = false} : vector<2000x64xf32>, vector<64x16xf32>, vector<2000x16xf32> -> vector<2000x16xf32>
    %swap3A = arith.constant 0 : index
    %swap3A_56 = arith.constant 0 : index
    %swap3A_57 = vector.load %arg6[%swap3A, %swap3A_56] : memref<2000x16xf32, #tpu.memory_space<vmem>>, vector<2000x16xf32>
    tpu.vector_store %arg6[%swap3A, %swap3A_56], %dot_general3A_55 {strides = array<i32>} : memref<2000x16xf32, #tpu.memory_space<vmem>>, vector<2000x16xf32>,
    return
  }
  func.func @transform_0(%arg0: i32) -> (i32, i32, i32, i32) {
    %c0_i32 = arith.constant 0 : i32
    %c0_i32_0 = arith.constant 0 : i32
    %c0_i32_1 = arith.constant 0 : i32
    %c0_i32_2 = arith.constant 0 : i32
    return %c0_i32, %c0_i32_0, %arg0, %c0_i32_1 : i32, i32, i32, i32
  }
  func.func @transform_1(%arg0: i32) -> (i32, i32, i32) {
    %c0_i32 = arith.constant 0 : i32
    %c0_i32_0 = arith.constant 0 : i32
    %c0_i32_1 = arith.constant 0 : i32
    return %c0_i32, %arg0, %c0_i32_0 : i32, i32, i32
  }
  func.func @transform_2(%arg0: i32) -> (i32, i32) {
    %c0_i32 = arith.constant 0 : i32
    %c0_i32_0 = arith.constant 0 : i32
    return %arg0, %c0_i32 : i32, i32
  }
  func.func @transform_3(%arg0: i32) -> (i32, i32) {
    %c0_i32 = arith.constant 0 : i32
    %c0_i32_0 = arith.constant 0 : i32
    %c0_i32_1 = arith.constant 0 : i32
    return %c0_i32, %c0_i32_0 : i32, i32
  }
  func.func @transform_4(%arg0: i32) -> (i32, i32) {
    %c0_i32 = arith.constant 0 : i32
    %c0_i32_0 = arith.constant 0 : i32
    %c0_i32_1 = arith.constant 0 : i32
    return %c0_i32, %c0_i32_0 : i32, i32
  }
  func.func @transform_5(%arg0: i32) -> (i32, i32) {
    %c0_i32 = arith.constant 0 : i32
    %c0_i32_0 = arith.constant 0 : i32
    return %arg0, %c0_i32 : i32, i32
  }
}

module attributes {stable_mosaic.version = 14 : i64} {
  func.func @body(%arg0: i32, %arg1: memref<2x3x2000x16xf32, #tpu.memory_space<vmem>>, %arg2: memref<2x2000x16xf32, #tpu.memory_space<vmem>>, %arg3: memref<2000x16xf32, #tpu.memory_space<vmem>>, %arg4: memref<1x2xf32, #tpu.memory_space<vmem>>, %arg5: memref<2000x2xf32, #tpu.memory_space<vmem>>) attributes {dimension_semantics = [#tpu.dimension_semantics<arbitrary>], iteration_bounds = array<i64: 5>, scalar_prefetch = 0 : i64, scratch_operands = 0 : i64, tpu.core_type = #tpu.core_type<tc>, window_params = [{transform_indices = @transform_0, window_bounds = array<i64: 2, 3, 2000, 16>}, {transform_indices = @transform_1, window_bounds = array<i64: 2, 2000, 16>}, {transform_indices = @transform_2, window_bounds = array<i64: 2000, 16>}, {pipeline_mode = #tpu.pipeline_mode<synchronous>, transform_indices = @transform_3, window_bounds = array<i64: 1, 2>}, {transform_indices = @transform_4, window_bounds = array<i64: 2000, 2>}]} {
    %get3A = arith.constant 0 : index
    %get3A_0 = arith.constant 0 : index
    %get3A_1 = arith.constant 0 : index
    %get3A_2 = arith.constant 0 : index
    %get3A_3 = vector.load %arg1[%get3A, %get3A_0, %get3A_1, %get3A_2] : memref<2x3x2000x16xf32, #tpu.memory_space<vmem>>, vector<1x3x2000x16xf32>
    %get3A_4 = vector.shape_cast %get3A_3 : vector<1x3x2000x16xf32> to vector<3x2000x16xf32>
    %get3A_5 = arith.constant 1 : index
    %get3A_6 = arith.constant 0 : index
    %get3A_7 = arith.constant 0 : index
    %get3A_8 = arith.constant 0 : index
    %get3A_9 = vector.load %arg1[%get3A_5, %get3A_6, %get3A_7, %get3A_8] : memref<2x3x2000x16xf32, #tpu.memory_space<vmem>>, vector<1x3x2000x16xf32>
    %get3A_10 = vector.shape_cast %get3A_9 : vector<1x3x2000x16xf32> to vector<3x2000x16xf32>
    %add3A = arith.addf %get3A_4, %get3A_10 : vector<3x2000x16xf32>
    %get3A_11 = arith.constant 0 : index
    %get3A_12 = arith.constant 0 : index
    %get3A_13 = arith.constant 0 : index
    %get3A_14 = vector.load %arg2[%get3A_11, %get3A_12, %get3A_13] : memref<2x2000x16xf32, #tpu.memory_space<vmem>>, vector<1x2000x16xf32>
    %get3A_15 = vector.shape_cast %get3A_14 : vector<1x2000x16xf32> to vector<2000x16xf32>
    %get3A_16 = arith.constant 1 : index
    %get3A_17 = arith.constant 0 : index
    %get3A_18 = arith.constant 0 : index
    %get3A_19 = vector.load %arg2[%get3A_16, %get3A_17, %get3A_18] : memref<2x2000x16xf32, #tpu.memory_space<vmem>>, vector<1x2000x16xf32>
    %get3A_20 = vector.shape_cast %get3A_19 : vector<1x2000x16xf32> to vector<2000x16xf32>
    %add3A_21 = arith.addf %get3A_15, %get3A_20 : vector<2000x16xf32>
    %max3A = arith.constant 1.000000e+00 : f32
    %max3A_22 = vector.broadcast %max3A : f32 to vector<2000x16xf32>
    %max3A_23 = arith.maximumf %add3A_21, %max3A_22 : vector<2000x16xf32>
    %div3A = arith.constant 1.000000e+00 : f32
    %div3A_24 = vector.broadcast %div3A : f32 to vector<2000x16xf32>
    %div3A_25 = arith.divf %div3A_24, %max3A_23 : vector<2000x16xf32>
    %slice3A = vector.extract_strided_slice %add3A {offsets = [0, 0, 0], sizes = [1, 2000, 16], strides = [1, 1, 1]} : vector<3x2000x16xf32> to vector<1x2000x16xf32>
    %squeeze3A = vector.shape_cast %slice3A : vector<1x2000x16xf32> to vector<2000x16xf32>
    %slice3A_26 = vector.extract_strided_slice %div3A_25 {offsets = [0, 0], sizes = [2000, 1], strides = [1, 1]} : vector<2000x16xf32> to vector<2000x1xf32>
    %mul3A = vector.broadcast %slice3A_26 : vector<2000x1xf32> to vector<2000x16xf32>
    %mul3A_27 = arith.mulf %squeeze3A, %mul3A : vector<2000x16xf32>
    %slice3A_28 = vector.extract_strided_slice %add3A {offsets = [1, 0, 0], sizes = [1, 2000, 16], strides = [1, 1, 1]} : vector<3x2000x16xf32> to vector<1x2000x16xf32>
    %squeeze3A_29 = vector.shape_cast %slice3A_28 : vector<1x2000x16xf32> to vector<2000x16xf32>
    %slice3A_30 = vector.extract_strided_slice %div3A_25 {offsets = [0, 1], sizes = [2000, 1], strides = [1, 1]} : vector<2000x16xf32> to vector<2000x1xf32>
    %mul3A_31 = vector.broadcast %slice3A_30 : vector<2000x1xf32> to vector<2000x16xf32>
    %mul3A_32 = arith.mulf %squeeze3A_29, %mul3A_31 : vector<2000x16xf32>
    %add3A_33 = arith.addf %mul3A_27, %mul3A_32 : vector<2000x16xf32>
    %slice3A_34 = vector.extract_strided_slice %add3A {offsets = [2, 0, 0], sizes = [1, 2000, 16], strides = [1, 1, 1]} : vector<3x2000x16xf32> to vector<1x2000x16xf32>
    %squeeze3A_35 = vector.shape_cast %slice3A_34 : vector<1x2000x16xf32> to vector<2000x16xf32>
    %slice3A_36 = vector.extract_strided_slice %div3A_25 {offsets = [0, 2], sizes = [2000, 1], strides = [1, 1]} : vector<2000x16xf32> to vector<2000x1xf32>
    %mul3A_37 = vector.broadcast %slice3A_36 : vector<2000x1xf32> to vector<2000x16xf32>
    %mul3A_38 = arith.mulf %squeeze3A_35, %mul3A_37 : vector<2000x16xf32>
    %add3A_39 = arith.addf %add3A_33, %mul3A_38 : vector<2000x16xf32>
    %mul3A_40 = arith.constant 5.000000e-01 : f32
    %mul3A_41 = vector.broadcast %mul3A_40 : f32 to vector<2000x16xf32>
    %mul3A_42 = arith.mulf %mul3A_41, %add3A_39 : vector<2000x16xf32>
    %get3A_43 = arith.constant 0 : index
    %get3A_44 = arith.constant 0 : index
    %get3A_45 = vector.load %arg3[%get3A_43, %get3A_44] : memref<2000x16xf32, #tpu.memory_space<vmem>>, vector<2000x16xf32>
    %add3A_46 = arith.addf %mul3A_42, %get3A_45 : vector<2000x16xf32>
    %slice3A_47 = vector.extract_strided_slice %add3A_46 {offsets = [0, 0], sizes = [2000, 2], strides = [1, 1]} : vector<2000x16xf32> to vector<2000x2xf32>
    %get3A_48 = arith.constant 0 : index
    %get3A_49 = arith.constant 0 : index
    %get3A_50 = vector.load %arg4[%get3A_48, %get3A_49] : memref<1x2xf32, #tpu.memory_space<vmem>>, vector<1x2xf32>
    %add3A_51 = vector.broadcast %get3A_50 : vector<1x2xf32> to vector<2000x2xf32>
    %add3A_52 = arith.addf %slice3A_47, %add3A_51 : vector<2000x2xf32>
    %swap3A = arith.constant 0 : index
    %swap3A_53 = arith.constant 0 : index
    %swap3A_54 = vector.load %arg5[%swap3A, %swap3A_53] : memref<2000x2xf32, #tpu.memory_space<vmem>>, vector<2000x2xf32>
    tpu.vector_store %arg5[%swap3A, %swap3A_53], %add3A_52 {strides = array<i32>} : memref<2000x2xf32, #tpu.memory_space<vmem>>, vector<2000x2xf32>,
    return
  }
  func.func @transform_0(%arg0: i32) -> (i32, i32, i32, i32) {
    %c0_i32 = arith.constant 0 : i32
    %c0_i32_0 = arith.constant 0 : i32
    %c0_i32_1 = arith.constant 0 : i32
    %c0_i32_2 = arith.constant 0 : i32
    return %c0_i32, %c0_i32_0, %arg0, %c0_i32_1 : i32, i32, i32, i32
  }
  func.func @transform_1(%arg0: i32) -> (i32, i32, i32) {
    %c0_i32 = arith.constant 0 : i32
    %c0_i32_0 = arith.constant 0 : i32
    %c0_i32_1 = arith.constant 0 : i32
    return %c0_i32, %arg0, %c0_i32_0 : i32, i32, i32
  }
  func.func @transform_2(%arg0: i32) -> (i32, i32) {
    %c0_i32 = arith.constant 0 : i32
    %c0_i32_0 = arith.constant 0 : i32
    return %arg0, %c0_i32 : i32, i32
  }
  func.func @transform_3(%arg0: i32) -> (i32, i32) {
    %c0_i32 = arith.constant 0 : i32
    %c0_i32_0 = arith.constant 0 : i32
    %c0_i32_1 = arith.constant 0 : i32
    return %c0_i32, %c0_i32_0 : i32, i32
  }
  func.func @transform_4(%arg0: i32) -> (i32, i32) {
    %c0_i32 = arith.constant 0 : i32
    %c0_i32_0 = arith.constant 0 : i32
    return %arg0, %c0_i32 : i32, i32
  }
}

</mosaic_0001>

<sc_bundles>
// kernel: kernel.10.cloned.1.call-start
scs
__scs_entry_jumppad:
0x0: {  	(pc) =	sbr.rel $0x88, $3  }
0x1: {  	(tag) =	ssettag $0x0;
	lr =	simm.s32 $0x1  }
0x2: {  	[smem:$0x3F97] =	sst lr;
	_ =	strace $0xD0000000  }
0x3: {  	_ = 	snop  }
0x4: {  	_ = 	snop  }
0x5: {  	_ = 	snop  }
0x6: {  	_ = 	snop  }
0x7: {  	_ = 	snop  }
__scs_overlays_trampoline_lowered:
0x8: {  	[smem:$0x3FA6] =	sst s0  }
0x9: {  	[smem:$0x3FA7] =	sst s1  }
0xa: {  	[smem:$0x3FA8] =	sst s2  }
0xb: {  	[smem:$0x3FA9] =	sst s3  }
0xc: {  	[smem:$0x3FAA] =	sst s4  }
0xd: {  	[smem:$0x3FAB] =	sst s5  }
0xe: {  	[smem:$0x3FAC] =	sst s6  }
0xf: {  	[smem:$0x3FAD] =	sst s7  }
0x10: {  	[smem:$0x3FAE] =	sst s8  }
0x11: {  	[smem:$0x3FAF] =	sst s9;
	s0 =	simm.s32 @!p0 $0x0  }
0x12: {  	s1 =	sld [smem:$0x3F95];
	s0 =	simm.s32 @p0 $0x1  }
0x13: {  	[smem:$0x3FB0] =	sst s0;
	s0 =	simm.s32 @!p1 $0x0  }
0x14: {  	s2 =	sld [smem:$0x3F94];
	s0 =	simm.s32 @p1 $0x1  }
0x15: {  	[smem:$0x3FB1] =	sst s0;
	s0 =	simm.s32 @!p2 $0x0  }
0x16: {  	s3 =	sld [smem:$0x3FDB];
	s0 =	simm.s32 @p2 $0x1  }
0x17: {  	s4 =	simm.s32 $0x1BF5;
	[smem:$0x3FB3] =	sst s0  }
0x18: {  	s0 =	sld [smem:$0x3F96];
	_ =	swait.ge [sflag:s4], $0x0  }
0x19: {  	s7 =	sld [smem:$0x3F97]  }
0x1a: {  	s8 =	sadd.s32 $0xFFFFE003, lr  }
0x1b: {  	s9 =	sadd.s32 $0xFFFFFEF7, lr;
	s5 =	simm.s32 $0xFFFFFFFF;
	p2 =	slt.u32 s8, $0xFFFFF086  }
0x1c: {  	p1 =	slt.u32 s9, $0xF7A;
	s5 =	simm.s32 @!p2 $0x0  }
0x1d: {  	s5 =	simm.s32 @p1 $0x1;
	p0 =	seq.s32 s7, s2  }
0x1e: {  	s7 =	smul.u32 @!p0 $0xF7A, s2;
	p2 =	seq.s32 @!p0 s5, $0x0  }
0x1f: {  	s9 =	smul.u32 $0xF7A, s1;
	s8 =	simm.s32 @!p0 $0x1BF5;
	p2 =	por !p2, p0  }
0x20: {  	[sflag:s8] =	ssyncset.s32 @!p0 $0xFFFFF086;
	s6 =	sadd.s32 @!p0 s3, s7;
	s7 =	simm.s32 @!p0 $0x108  }
0x21: {  	s3 =	sadd.s32 s3, s9;
	s6 =	sadd.s32 @!p0 $0x88, s6;
	s7 =	simm.s32 @p2 $0x1082  }
0x22: {  	[simem:s7], [sflag:s8] =	dma.local @!p0 [hbm:s6], $0xF7A  }
0x23: {  	s9 =	sor.u32 $0xD0000000, s2;
	s6 =	simm.s32 $0x108;
	_ =	swait.ge @!p0 [sflag:s8], $0x0  }
0x24: {  	s3 =	sadd.s32 $0x88, s3;
	s6 =	simm.s32 @!p1 $0x1082;
	[sflag:s4] =	ssyncset.s32 $0xFFFFF086  }
0x25: {  	[simem:s6], [sflag:s4] =	dma.local [hbm:s3], $0xF7A  }
0x26: {  	[smem:$0x3F97] =	sst s1;
	(tag) =	ssettag s2;
	_ =	strace s9  }
0x27: {  	s1 =	sld [smem:$0x3FA7]  }
0x28: {  	s2 =	sld [smem:$0x3FA8]  }
0x29: {  	s4 =	sld [smem:$0x3FAA]  }
0x2a: {  	p0 =	seq.s32 s5, $0x0;
	s5 =	sld [smem:$0x3FAB]  }
0x2b: {  	s6 =	sld [smem:$0x3FAC]  }
0x2c: {  	s7 =	sld [smem:$0x3FAD]  }
0x2d: {  	s3 =	simm.s32 $0x108;
	s8 =	sld [smem:$0x3FAE]  }
0x2e: {  	s3 =	simm.s32 @!p0 $0x1082;
	s9 =	sld [smem:$0x3FAF]  }
0x2f: {  	lr =	sadd.s32 s0, s3;
	s0 =	sld [smem:$0x3FA6]  }
0x30: {  	s3 =	sld [smem:$0x3FA9]  }
0x31: {  	[smem:$0x3FB2] =	sst s10  }
0x32: {  	s10 =	sld [smem:$0x3FB0];
	_ =	sdelay $0x3  }
0x33: {  	p0 =	seq.s32 s10, $0x1;
	s10 =	sld [smem:$0x3FB2];
	_ =	sdelay $0x3  }
0x34: {  	[smem:$0x3FB2] =	sst s10  }
0x35: {  	s10 =	sld [smem:$0x3FB1];
	_ =	sdelay $0x3  }
0x36: {  	p1 =	seq.s32 s10, $0x1;
	s10 =	sld [smem:$0x3FB2];
	_ =	sdelay $0x3  }
0x37: {  	[smem:$0x3FB2] =	sst s10  }
0x38: {  	s10 =	sld [smem:$0x3FB3]  }
0x39: {  	_ = 	snop;
	(pc) =	sbr.ind lr, $3  }
0x3a: {  	_ = 	snop  }
0x3b: {  	_ = 	snop  }
0x3c: {  	p2 =	seq.s32 s10, $0x1;
	s10 =	sld [smem:$0x3FB2]  }
0x3d: {  	_ =	shalt  }
0x3e: {  	_ =	shalt  }
0x3f: {  	_ =	shalt  }
0x40: {  	_ =	shalt  }
0x41: {  	_ =	shalt  }
0x42: {  	_ =	shalt  }
0x43: {  	_ =	shalt  }
0x44: {  	_ =	shalt  }
0x45: {  	_ =	shalt  }
0x46: {  	_ =	shalt  }
0x47: {  	_ =	shalt  }
0x48: {  	_ =	shalt  }
0x49: {  	_ =	shalt  }
0x4a: {  	_ =	shalt  }
0x4b: {  	_ =	shalt  }
0x4c: {  	_ =	shalt  }
0x4d: {  	_ =	shalt  }
0x4e: {  	_ =	shalt  }
0x4f: {  	_ =	shalt  }
0x50: {  	_ =	shalt  }
0x51: {  	_ =	shalt  }
0x52: {  	_ =	shalt  }
0x53: {  	_ =	shalt  }
0x54: {  	_ =	shalt  }
0x55: {  	_ =	shalt  }
0x56: {  	_ =	shalt  }
0x57: {  	_ =	shalt  }
0x58: {  	_ =	shalt  }
0x59: {  	_ =	shalt  }
0x5a: {  	_ =	shalt  }
0x5b: {  	_ =	shalt  }
0x5c: {  	_ =	shalt  }
0x5d: {  	_ =	shalt  }
0x5e: {  	_ =	shalt  }
0x5f: {  	_ =	shalt  }
0x60: {  	_ =	shalt  }
0x61: {  	_ =	shalt  }
0x62: {  	_ =	shalt  }
0x63: {  	_ =	shalt  }
0x64: {  	_ =	shalt  }
0x65: {  	_ =	shalt  }
0x66: {  	_ =	shalt  }
0x67: {  	_ =	shalt  }
0x68: {  	_ =	shalt  }
0x69: {  	_ =	shalt  }
0x6a: {  	_ =	shalt  }
0x6b: {  	_ =	shalt  }
0x6c: {  	_ =	shalt  }
0x6d: {  	_ =	shalt  }
0x6e: {  	_ =	shalt  }
0x6f: {  	_ =	shalt  }
0x70: {  	_ =	shalt  }
0x71: {  	_ =	shalt  }
0x72: {  	_ =	shalt  }
0x73: {  	_ =	shalt  }
0x74: {  	_ =	shalt  }
0x75: {  	_ =	shalt  }
0x76: {  	_ =	shalt  }
0x77: {  	_ =	shalt  }
0x78: {  	_ =	shalt  }
0x79: {  	_ =	shalt  }
0x7a: {  	_ =	shalt  }
0x7b: {  	_ =	shalt  }
0x7c: {  	_ =	shalt  }
0x7d: {  	_ =	shalt  }
0x7e: {  	_ =	shalt  }
0x7f: {  	_ =	shalt  }
0x80: {  	_ =	shalt  }
0x81: {  	_ =	shalt  }
0x82: {  	_ =	shalt  }
0x83: {  	_ =	shalt  }
0x84: {  	_ =	shalt  }
0x85: {  	_ =	shalt  }
0x86: {  	_ =	shalt  }
0x87: {  	_ =	shalt  }
.Lfunc_end0:
.L_simem_size_0:
called_computation.1_lowered:
.L_overlay_start_0:
0x88: {  	s2 =	sld [smem:$0x3FD9]  }
0x89: {  	s3 =	sld [smem:$0x3FFE];
	_ =	sdelay $0x1  }
0x8a: {  	s1 =	srdreg.scid  }
0x8b: {  	s0 =	sand.u32 $0x1, s1  }
0x8c: {  	s14 =	sshll.u32 s0, $0xA;
	s2 =	sadd.s32 s3, s2  }
0x8d: {  	s2 =	sadd.s32 s2, s14  }
0x8e: {  	[smem:$0x3FBE] =	sst s2  }
0x8f: {  	_ = 	snop  }
0x90: {  	s2 =	sld [smem:$0x3FD0];
	_ =	sdelay $0x2  }
0x91: {  	s15 =	simm.s32 $0xA;
	s4 =	simm.s32 $0x10  }
0x92: {  	[smem:s4], [sflag:s15] =	dma.local [hbm:s2], $0x1  }
0x93: {  	_ =	swait.eq [sflag:s15], $0x1  }
0x94: {  	[sflag:s15] =	ssyncset.done $0x0  }
0x95: {  	[sflag:s15] =	ssyncadd.s32 $0xFFFFFFFF  }
0x96: {  	s16 =	sld [smem:$0x10];
	(tm) =	ssettm $0x1  }
0x97: {  	s17 =	sld [smem:$0x3FFB];
	_ =	sdelay $0x3  }
0x98: {  	_ =	strace s17  }
0x99: {  	s3 =	sld [smem:$0x3FFC];
	_ =	sdelay $0x3  }
0x9a: {  	_ =	strace s3  }
0x9b: {  	s3 =	sld [smem:$0x3FFD];
	_ =	sdelay $0x3  }
0x9c: {  	_ =	strace s3  }
0x9d: {  	_ =	strace $0x8FFFFFFF  }
0x9e: {  	s18 =	sld [smem:$0x3FDB];
	_ =	sdelay $0x1  }
0x9f: {  	s19 =	simm.s32 $_scs_section_size  }
0xa0: {  	s5 =	simm.s32 $_size__tile_overlayer_lowered;
	s6 =	simm.s32 $_tile_overlayer_lowered  }
0xa1: {  	s22 =	simm.s32 $0x1BFF;
	s21 =	sshll.u32 s6, $0x1;
	s3 =	sadd.s32 s19, s18  }
0xa2: {  	s7 =	simm.s32 $0x0;
	s20 =	sshll.u32 s5, $0x1;
	s5 =	sadd.s32 s21, s3  }
0xa3: {  	[timem:s7], [sflag:s22] =	dma.local [hbm:s5], s20  }
0xa4: {  	_ =	swait.ge [sflag:s22], s20  }
0xa5: {  	s4 =	ssub.s32 $0x0, s20;
	[sflag:s22] =	ssyncset.done $0x0  }
0xa6: {  	[sflag:s22] =	ssyncadd.s32 s4;
	_ =	sdelay $0x1  }
0xa7: {  	s23 =	simm.s32 $0x1B8B  }
0xa8: {  	_ =	swait.ge [sflag:s23], $0x1  }
0xa9: {  	[sflag:s23] =	ssyncset.done $0x0  }
0xaa: {  	s25 =	simm.s32 $0x1B8E;
	s24 =	sld [smem:$0x3FFE];
	[sflag:s23] =	ssyncadd.s32 $0xFFFFFFFF  }
0xab: {  	s26 =	simm.s32 $execute0_lowered;
	[smem:$0x3FD2] =	sst s25  }
0xac: {  	s5 =	sshll.u32 s26, $0x1;
	_ =	strace $0x80000049;
	[dreg:$0x1] =	wrdreg $0xFFFFFFFF  }
0xad: {  	s28 =	simm.s32 $_size_execute0_lowered;
	s3 =	sadd.s32 s3, s5;
	[dreg:$0x0] =	wrdreg $0x0  }
0xae: {  	s5 =	sshll.u32 s28, $0x1;
	[dreg:$0x2] =	wrdreg s3  }
0xaf: {  	[dreg:$0x3] =	wrdreg s5  }
0xb0: {  	[dreg:$0x4] =	wrdreg $0xC0  }
0xb1: {  	_ =	task [dreg:s7], $0x5FFFF  }
0xb2: {  	[dreg:$0x1] =	wrdreg $0xFFFFFFFF  }
0xb3: {  	[dreg:$0x0] =	wrdreg $0x60  }
0xb4: {  	[dreg:$0x2] =	wrdreg s24  }
0xb5: {  	[dreg:$0x3] =	wrdreg s16  }
0xb6: {  	[dreg:$0x4] =	wrdreg $0x70000  }
0xb7: {  	[dreg:$0x5] =	wrdreg $0x9  }
0xb8: {  	_ =	task.clear_ibuf [dreg:s7], $0x6FFFF;
	_ =	strace $0x90000049  }
0xb9: {  	s29 =	simm.s32 $0x9;
	_ =	strace $0x8000004B  }
0xba: {  	_ =	swait.ge [sflag:s29], $0x1  }
0xbb: {  	[sflag:s29] =	ssyncadd.s32 $0xFFFFFFFF  }
0xbc: {  	_ =	strace $0x9000004B  }
0xbd: {  	_ =	sfence  }
0xbe: {  	s30 =	sld [smem:$0x0];
	_ =	sdelay $0x2  }
0xbf: {  	s31 =	sshll.u32 s1, $0xD;
	s1 =	sshrl.u32 s1, $0x2  }
0xc0: {  	s3 =	sand.u32 $0x4000, s31;
	s1 =	sadd.s32 s1, s30  }
0xc1: {  	s0 =	sor.u32 s3, s0;
	s1 =	sshll.u32 s1, $0x11  }
0xc2: {  	s0 =	sor.u32 s1, s0  }
0xc3: {  	s0 =	sadd.s32 $0x8F2B, s0  }
0xc4: {  	[sflag:s0] =	ssyncadd.remote.s32 $0x1  }
0xc5: {  	_ =	sfence.sel $0xFFFF  }
0xc6: {  	[dreg:$0x0] =	wrdreg $0xFFFFFFFF;
	(pc) =	sbr.abs _section_cstart, $3  }
0xc7: {  	[dreg:$0x1] =	wrdreg $0xFFFFFFFF  }
0xc8: {  	_ =	task.clear_ibuf [dreg:s7], $0x2FFFF;
	_ =	strace $0x9FFFFFFF  }
0xc9: {  	(tm) =	ssettm $0x7FFFFFFF  }
tec
execute0_lowered:
.L_overlay_start_1:
0x0: {  	(tag) =	ssettag $0x1  }
0x1: {  	s6 =	rddreg [dreg:$0x0]  }
0x2: {  	s2 =	rddreg [dreg:$0x1]  }
0x3: {  	s0 =	srdreg.scid;
	s3 =	rddreg [dreg:$0x2]  }
0x4: {  	s1 =	stileid.u32;
	s4 =	simm.s32 $0x0;
	s18 =	simm.s32 $0x3  }
0x5: {  	s19 =	simm.s32 $0x2800;
	s20 =	simm.s32 $0x80;
	s21 =	simm.s32 $0x5000  }
0x6: {  	s22 =	simm.s32 $0x5800;
	s23 =	simm.s32 $0x6000;
	s24 =	simm.s32 $0x6800  }
0x7: {  	s25 =	simm.s32 $0x1;
	s26 =	simm.s32 $0x2;
	s28 =	simm.s32 $0x0  }
0x8: {  	s7 =	sand.u32 $0x1, s0;
	s8 =	smul.u32 $0x2800, s1;
	[smem:$0x7FF] =	sst s4  }
0x9: {  	s31 =	sshll.u32 s1, $0x6;
	s5 =	sshll.u32 s7, $0x4;
	s9 =	smul.u32 $0x78000, s7  }
0xa: {  	_ =	strace $0x8000004A;
	s7 =	ssub.s32 $0x2, s7;
	s5 =	sor.u32 s1, s5  }
0xb: {  	s30 =	sshrl.u32 s7, $0x1;
	s17 =	sadd.s32 s8, s3;
	s10 =	smul.u32 $0x500, s5  }
0xc: {  	s5 =	sadd.s32 $0xE00, s6;
	s9 =	sadd.s32 s8, s9;
	s16 =	ssub.s32 s7, s30  }
0xd: {  	s17 =	sshrl.u32 s17, $0x3;
	s9 =	sshrl.u32 s9, $0x3;
	s16 =	smax.u32 s16, $0x1  }
0xe: {  	s14 =	sadd.s32 s10, s6;
	s15 =	sadd.s32 s9, s6;
	s6 =	sor.u32 $0x1C03, s31  }
0xf: {  	s7 =	sadd.s32 $0x3BA00, s14;
	s8 =	sadd.s32 $0x4FA00, s14;
	s9 =	sadd.s32 $0x5E00, s15  }
0x10: {  	s10 =	sadd.s32 $0x45A00, s14;
	s11 =	sadd.s32 $0x59A00, s14;
	s12 =	sadd.s32 $0xAE00, s15  }
0x11: {  	s13 =	sadd.s32 $0x63A00, s14;
	s14 =	sadd.s32 $0x6DA00, s14;
	s15 =	sadd.s32 $0xFE00, s15  }
.LBB2_1:
0x12: {  	[spmem:s17], [sflag:s6] =	dma.local [hbm:s2], $0x500  }
0x13: {  	_ =	swait.ge [sflag:s18], $0x500  }
0x14: {  	[sflag:s18] =	ssyncset.done $0x0  }
0x15: {  	[sflag:s18] =	ssyncadd.s32 $0xFFFFFB00  }
0x16: {  	[bflag:$0x0] =	sbarrier.arrive $0xFFFF  }
0x17: {  	[tilespmem:s4], [sflag:$0x3] =	stream.linear.gather [hbm4b:s7+s4], $0x2800, $0x38;
	[tilespmem:$0x9800] =	vst v63  }
0x18: {  	_ =	swait.ge [sflag:s18], $0x2800  }
0x19: {  	[sflag:s18] =	ssyncset.done $0x0  }
0x1a: {  	[sflag:s18] =	ssyncadd.s32 $0xFFFFD800  }
0x1b: {  	[tilespmem:s19], [sflag:$0x3] =	stream.linear.gather [hbm4b:s8+s4], $0x2800, $0x38;
	[tilespmem:$0x9800] =	vst v63  }
0x1c: {  	_ =	swait.ge [sflag:s18], $0x2800  }
0x1d: {  	[sflag:s18] =	ssyncset.done $0x0  }
0x1e: {  	s29 =	simm.s32 $0x0;
	[sflag:s18] =	ssyncadd.s32 $0xFFFFD800  }
0x1f: {  	[tilespmem:s21], [sflag:$0x1] =	stream.indirect.gather [hbm4b:s5+s20], $0x10, s29, s20, $0xb8;
	[tilespmem:$0x9800] =	vst v63  }
0x20: {  	s29 =	simm.s32 $0x80  }
0x21: {  	[tilespmem:s22], [sflag:$0x1] =	stream.indirect.gather [hbm4b:s5+s20], $0x10, s29, s20, $0xb8;
	[tilespmem:$0x9800] =	vst v63  }
0x22: {  	s29 =	simm.s32 $0x100  }
0x23: {  	[tilespmem:s23], [sflag:$0x1] =	stream.indirect.gather [hbm4b:s5+s20], $0x10, s29, s20, $0xb8;
	[tilespmem:$0x9800] =	vst v63  }
0x24: {  	s29 =	simm.s32 $0x180  }
0x25: {  	[tilespmem:s24], [sflag:$0x1] =	stream.indirect.gather [hbm4b:s5+s20], $0x10, s29, s20, $0xb8;
	[tilespmem:$0x9800] =	vst v63  }
0x26: {  	_ =	swait.ge [sflag:s25], $0x800  }
0x27: {  	[sflag:s25] =	ssyncset.done $0x0  }
0x28: {  	[sflag:s25] =	ssyncadd.s32 $0xFFFFF800  }
0x29: {  	_ =	swait.ge [sflag:s25], $0x800  }
0x2a: {  	[sflag:s25] =	ssyncset.done $0x0  }
0x2b: {  	[sflag:s25] =	ssyncadd.s32 $0xFFFFF800  }
0x2c: {  	_ =	swait.ge [sflag:s25], $0x800  }
0x2d: {  	[sflag:s25] =	ssyncset.done $0x0  }
0x2e: {  	[sflag:s25] =	ssyncadd.s32 $0xFFFFF800  }
0x2f: {  	_ =	swait.ge [sflag:s25], $0x800  }
0x30: {  	[sflag:s25] =	ssyncset.done $0x0  }
0x31: {  	s29 =	simm.s32 $0x2800;
	[sflag:s25] =	ssyncadd.s32 $0xFFFFF800  }
0x32: {  	[spmem:s3] =	stream.indirect.scatter.add.f32 [tilespmem:s21], [sflag:$0x2], $0x10, s29, s20, $0xb8;
	[tilespmem:$0x9800] =	vst v63  }
0x33: {  	s29 =	simm.s32 $0x2880  }
0x34: {  	[spmem:s3] =	stream.indirect.scatter.add.f32 [tilespmem:s22], [sflag:$0x2], $0x10, s29, s20, $0xb8;
	[tilespmem:$0x9800] =	vst v63  }
0x35: {  	s29 =	simm.s32 $0x2900  }
0x36: {  	[spmem:s3] =	stream.indirect.scatter.add.f32 [tilespmem:s23], [sflag:$0x2], $0x10, s29, s20, $0xb8;
	[tilespmem:$0x9800] =	vst v63  }
0x37: {  	s29 =	simm.s32 $0x2980  }
0x38: {  	[spmem:s3] =	stream.indirect.scatter.add.f32 [tilespmem:s24], [sflag:$0x2], $0x10, s29, s20, $0xb8;
	[tilespmem:$0x9800] =	vst v63  }
0x39: {  	_ =	swait.ge [sflag:s26], $0x800  }
0x3a: {  	[sflag:s26] =	ssyncset.done $0x0  }
0x3b: {  	[sflag:s26] =	ssyncadd.s32 $0xFFFFF800  }
0x3c: {  	_ =	swait.ge [sflag:s26], $0x800  }
0x3d: {  	[sflag:s26] =	ssyncset.done $0x0  }
0x3e: {  	[sflag:s26] =	ssyncadd.s32 $0xFFFFF800  }
0x3f: {  	_ =	swait.ge [sflag:s26], $0x800  }
0x40: {  	[sflag:s26] =	ssyncset.done $0x0  }
0x41: {  	[sflag:s26] =	ssyncadd.s32 $0xFFFFF800  }
0x42: {  	_ =	swait.ge [sflag:s26], $0x800  }
0x43: {  	s31 =	simm.s32 $0x1000;
	s29 =	simm.s32 $0x800;
	[sflag:s26] =	ssyncset.done $0x0  }
.LBB2_2:
0x44: {  	s0 =	sshra.s32 s29, $0x2  }
0x45: {  	[sflag:s26] =	ssyncadd.s32 $0xFFFFF800;
	s29 =	smov.u32 s31;
	s30 =	sadd.s32 $0x800, s31  }
0x46: {  	[tilespmem:s21], [sflag:$0x1] =	stream.indirect.gather [hbm4b:s5+s20], $0x10, s0, s20, $0xb8;
	[tilespmem:$0x9800] =	vst v63  }
0x47: {  	p0 =	sne.s32 s31, $0x9800;
	s31 =	sadd.s32 $0x80, s0  }
0x48: {  	[tilespmem:s22], [sflag:$0x1] =	stream.indirect.gather [hbm4b:s5+s20], $0x10, s31, s20, $0xb8;
	[tilespmem:$0x9800] =	vst v63  }
0x49: {  	s31 =	sadd.s32 $0x100, s0  }
0x4a: {  	[tilespmem:s23], [sflag:$0x1] =	stream.indirect.gather [hbm4b:s5+s20], $0x10, s31, s20, $0xb8;
	[tilespmem:$0x9800] =	vst v63  }
0x4b: {  	s31 =	sadd.s32 $0x180, s0  }
0x4c: {  	[tilespmem:s24], [sflag:$0x1] =	stream.indirect.gather [hbm4b:s5+s20], $0x10, s31, s20, $0xb8;
	[tilespmem:$0x9800] =	vst v63  }
0x4d: {  	_ =	swait.ge [sflag:s25], $0x800  }
0x4e: {  	[sflag:s25] =	ssyncset.done $0x0  }
0x4f: {  	[sflag:s25] =	ssyncadd.s32 $0xFFFFF800  }
0x50: {  	_ =	swait.ge [sflag:s25], $0x800  }
0x51: {  	[sflag:s25] =	ssyncset.done $0x0  }
0x52: {  	[sflag:s25] =	ssyncadd.s32 $0xFFFFF800  }
0x53: {  	_ =	swait.ge [sflag:s25], $0x800  }
0x54: {  	[sflag:s25] =	ssyncset.done $0x0  }
0x55: {  	[sflag:s25] =	ssyncadd.s32 $0xFFFFF800  }
0x56: {  	_ =	swait.ge [sflag:s25], $0x800  }
0x57: {  	[sflag:s25] =	ssyncset.done $0x0  }
0x58: {  	s31 =	sadd.s32 $0x2800, s0;
	[sflag:s25] =	ssyncadd.s32 $0xFFFFF800  }
0x59: {  	[spmem:s3] =	stream.indirect.scatter.add.f32 [tilespmem:s21], [sflag:$0x2], $0x10, s31, s20, $0xb8;
	[tilespmem:$0x9800] =	vst v63  }
0x5a: {  	s31 =	sadd.s32 $0x2880, s0  }
0x5b: {  	[spmem:s3] =	stream.indirect.scatter.add.f32 [tilespmem:s22], [sflag:$0x2], $0x10, s31, s20, $0xb8;
	[tilespmem:$0x9800] =	vst v63  }
0x5c: {  	s31 =	sadd.s32 $0x2900, s0  }
0x5d: {  	[spmem:s3] =	stream.indirect.scatter.add.f32 [tilespmem:s23], [sflag:$0x2], $0x10, s31, s20, $0xb8;
	[tilespmem:$0x9800] =	vst v63  }
0x5e: {  	s0 =	sadd.s32 $0x2980, s0  }
0x5f: {  	[spmem:s3] =	stream.indirect.scatter.add.f32 [tilespmem:s24], [sflag:$0x2], $0x10, s0, s20, $0xb8;
	[tilespmem:$0x9800] =	vst v63  }
0x60: {  	_ =	swait.ge [sflag:s26], $0x800  }
0x61: {  	[sflag:s26] =	ssyncset.done $0x0  }
0x62: {  	[sflag:s26] =	ssyncadd.s32 $0xFFFFF800  }
0x63: {  	_ =	swait.ge [sflag:s26], $0x800  }
0x64: {  	[sflag:s26] =	ssyncset.done $0x0  }
0x65: {  	[sflag:s26] =	ssyncadd.s32 $0xFFFFF800  }
.Ltmp0:
0x66: {  	_ =	swait.ge [sflag:s26], $0x800;
	(pc) =	sbr.rel @p0 .LBB2_2-.Ltmp0, $4  }
0x67: {  	[sflag:s26] =	ssyncset.done $0x0  }
0x68: {  	[sflag:s26] =	ssyncadd.s32 $0xFFFFF800  }
0x69: {  	_ =	swait.ge [sflag:s26], $0x800  }
0x6a: {  	s31 =	smov.u32 s30;
	[sflag:s26] =	ssyncset.done $0x0  }
0x6b: {  	s0 =	sshra.s32 s29, $0x2;
	[sflag:s26] =	ssyncadd.s32 $0xFFFFF800  }
0x6c: {  	[tilespmem:s21], [sflag:$0x1] =	stream.indirect.gather [hbm4b:s5+s20], $0x10, s0, s20, $0xb8;
	[tilespmem:$0x9800] =	vst v63  }
0x6d: {  	s29 =	sadd.s32 $0x80, s0  }
0x6e: {  	[tilespmem:s22], [sflag:$0x1] =	stream.indirect.gather [hbm4b:s5+s20], $0x10, s29, s20, $0xb8;
	[tilespmem:$0x9800] =	vst v63  }
0x6f: {  	s29 =	sadd.s32 $0x100, s0  }
0x70: {  	[tilespmem:s23], [sflag:$0x1] =	stream.indirect.gather [hbm4b:s5+s20], $0x10, s29, s20, $0xb8;
	[tilespmem:$0x9800] =	vst v63  }
0x71: {  	s29 =	sadd.s32 $0x180, s0  }
0x72: {  	[tilespmem:s24], [sflag:$0x1] =	stream.indirect.gather [hbm4b:s5+s20], $0x10, s29, s20, $0xb8;
	[tilespmem:$0x9800] =	vst v63  }
0x73: {  	_ =	swait.ge [sflag:s25], $0x800  }
0x74: {  	[sflag:s25] =	ssyncset.done $0x0  }
0x75: {  	[sflag:s25] =	ssyncadd.s32 $0xFFFFF800  }
0x76: {  	_ =	swait.ge [sflag:s25], $0x800  }
0x77: {  	[sflag:s25] =	ssyncset.done $0x0  }
0x78: {  	[sflag:s25] =	ssyncadd.s32 $0xFFFFF800  }
0x79: {  	_ =	swait.ge [sflag:s25], $0x800  }
0x7a: {  	[sflag:s25] =	ssyncset.done $0x0  }
0x7b: {  	[sflag:s25] =	ssyncadd.s32 $0xFFFFF800  }
0x7c: {  	_ =	swait.ge [sflag:s25], $0x800  }
0x7d: {  	[sflag:s25] =	ssyncset.done $0x0  }
0x7e: {  	s29 =	sadd.s32 $0x2800, s0;
	[sflag:s25] =	ssyncadd.s32 $0xFFFFF800  }
0x7f: {  	[spmem:s3] =	stream.indirect.scatter.add.f32 [tilespmem:s21], [sflag:$0x2], $0x10, s29, s20, $0xb8;
	[tilespmem:$0x9800] =	vst v63  }
0x80: {  	s29 =	sadd.s32 $0x2880, s0  }
0x81: {  	[spmem:s3] =	stream.indirect.scatter.add.f32 [tilespmem:s22], [sflag:$0x2], $0x10, s29, s20, $0xb8;
	[tilespmem:$0x9800] =	vst v63  }
0x82: {  	s29 =	sadd.s32 $0x2900, s0  }
0x83: {  	[spmem:s3] =	stream.indirect.scatter.add.f32 [tilespmem:s23], [sflag:$0x2], $0x10, s29, s20, $0xb8;
	[tilespmem:$0x9800] =	vst v63  }
0x84: {  	s0 =	sadd.s32 $0x2980, s0  }
0x85: {  	[spmem:s3] =	stream.indirect.scatter.add.f32 [tilespmem:s24], [sflag:$0x2], $0x10, s0, s20, $0xb8;
	[tilespmem:$0x9800] =	vst v63  }
0x86: {  	_ =	swait.ge [sflag:s26], $0x800  }
0x87: {  	[sflag:s26] =	ssyncset.done $0x0  }
0x88: {  	[sflag:s26] =	ssyncadd.s32 $0xFFFFF800  }
0x89: {  	_ =	swait.ge [sflag:s26], $0x800  }
0x8a: {  	[sflag:s26] =	ssyncset.done $0x0  }
0x8b: {  	[sflag:s26] =	ssyncadd.s32 $0xFFFFF800  }
0x8c: {  	_ =	swait.ge [sflag:s26], $0x800  }
0x8d: {  	[sflag:s26] =	ssyncset.done $0x0  }
0x8e: {  	[sflag:s26] =	ssyncadd.s32 $0xFFFFF800  }
0x8f: {  	_ =	swait.ge [sflag:s26], $0x800  }
0x90: {  	[sflag:s26] =	ssyncset.done $0x0  }
0x91: {  	[sflag:s26] =	ssyncadd.s32 $0xFFFFF800  }
0x92: {  	[bflag:$0x0] =	sbarrier.arrive $0xFFFF  }
0x93: {  	[hbm:s9], [sflag:s6] =	dma.local [spmem:s17], $0x500  }
0x94: {  	_ =	swait.ge [sflag:s18], $0x500  }
0x95: {  	[sflag:s18] =	ssyncset.done $0x0  }
0x96: {  	[sflag:s18] =	ssyncadd.s32 $0xFFFFFB00  }
0x97: {  	[spmem:s17], [sflag:s6] =	dma.local [hbm:s2], $0x500  }
0x98: {  	_ =	swait.ge [sflag:s18], $0x500  }
0x99: {  	[sflag:s18] =	ssyncset.done $0x0  }
0x9a: {  	[sflag:s18] =	ssyncadd.s32 $0xFFFFFB00  }
0x9b: {  	s30 =	simm.s32 $0x0;
	[bflag:$0x0] =	sbarrier.arrive $0xFFFF  }
0x9c: {  	[tilespmem:s30], [sflag:$0x3] =	stream.linear.gather [hbm4b:s10+s30], $0x2800, $0x38;
	[tilespmem:$0x9800] =	vst v63  }
0x9d: {  	_ =	swait.ge [sflag:s18], $0x2800  }
0x9e: {  	[sflag:s18] =	ssyncset.done $0x0  }
0x9f: {  	[sflag:s18] =	ssyncadd.s32 $0xFFFFD800  }
0xa0: {  	[tilespmem:s19], [sflag:$0x3] =	stream.linear.gather [hbm4b:s11+s30], $0x2800, $0x38;
	[tilespmem:$0x9800] =	vst v63  }
0xa1: {  	_ =	swait.ge [sflag:s18], $0x2800  }
0xa2: {  	[sflag:s18] =	ssyncset.done $0x0  }
0xa3: {  	s30 =	simm.s32 $0x0;
	[sflag:s18] =	ssyncadd.s32 $0xFFFFD800  }
0xa4: {  	[tilespmem:s21], [sflag:$0x1] =	stream.indirect.gather [hbm4b:s5+s20], $0x10, s30, s20, $0xb8;
	[tilespmem:$0x9800] =	vst v63  }
0xa5: {  	s30 =	simm.s32 $0x80  }
0xa6: {  	[tilespmem:s22], [sflag:$0x1] =	stream.indirect.gather [hbm4b:s5+s20], $0x10, s30, s20, $0xb8;
	[tilespmem:$0x9800] =	vst v63  }
0xa7: {  	s30 =	simm.s32 $0x100  }
0xa8: {  	[tilespmem:s23], [sflag:$0x1] =	stream.indirect.gather [hbm4b:s5+s20], $0x10, s30, s20, $0xb8;
	[tilespmem:$0x9800] =	vst v63  }
0xa9: {  	s30 =	simm.s32 $0x180  }
0xaa: {  	[tilespmem:s24], [sflag:$0x1] =	stream.indirect.gather [hbm4b:s5+s20], $0x10, s30, s20, $0xb8;
	[tilespmem:$0x9800] =	vst v63  }
0xab: {  	_ =	swait.ge [sflag:s25], $0x800  }
0xac: {  	[sflag:s25] =	ssyncset.done $0x0  }
0xad: {  	[sflag:s25] =	ssyncadd.s32 $0xFFFFF800  }
0xae: {  	_ =	swait.ge [sflag:s25], $0x800  }
0xaf: {  	[sflag:s25] =	ssyncset.done $0x0  }
0xb0: {  	[sflag:s25] =	ssyncadd.s32 $0xFFFFF800  }
0xb1: {  	_ =	swait.ge [sflag:s25], $0x800  }
0xb2: {  	[sflag:s25] =	ssyncset.done $0x0  }
0xb3: {  	[sflag:s25] =	ssyncadd.s32 $0xFFFFF800  }
0xb4: {  	_ =	swait.ge [sflag:s25], $0x800  }
0xb5: {  	[sflag:s25] =	ssyncset.done $0x0  }
0xb6: {  	s30 =	simm.s32 $0x2800;
	[sflag:s25] =	ssyncadd.s32 $0xFFFFF800  }
0xb7: {  	[spmem:s3] =	stream.indirect.scatter.add.f32 [tilespmem:s21], [sflag:$0x2], $0x10, s30, s20, $0xb8;
	[tilespmem:$0x9800] =	vst v63  }
0xb8: {  	s30 =	simm.s32 $0x2880  }
0xb9: {  	[spmem:s3] =	stream.indirect.scatter.add.f32 [tilespmem:s22], [sflag:$0x2], $0x10, s30, s20, $0xb8;
	[tilespmem:$0x9800] =	vst v63  }
0xba: {  	s30 =	simm.s32 $0x2900  }
0xbb: {  	[spmem:s3] =	stream.indirect.scatter.add.f32 [tilespmem:s23], [sflag:$0x2], $0x10, s30, s20, $0xb8;
	[tilespmem:$0x9800] =	vst v63  }
0xbc: {  	s30 =	simm.s32 $0x2980  }
0xbd: {  	[spmem:s3] =	stream.indirect.scatter.add.f32 [tilespmem:s24], [sflag:$0x2], $0x10, s30, s20, $0xb8;
	[tilespmem:$0x9800] =	vst v63  }
0xbe: {  	_ =	swait.ge [sflag:s26], $0x800  }
0xbf: {  	[sflag:s26] =	ssyncset.done $0x0  }
0xc0: {  	[sflag:s26] =	ssyncadd.s32 $0xFFFFF800  }
0xc1: {  	_ =	swait.ge [sflag:s26], $0x800  }
0xc2: {  	[sflag:s26] =	ssyncset.done $0x0  }
0xc3: {  	[sflag:s26] =	ssyncadd.s32 $0xFFFFF800  }
0xc4: {  	_ =	swait.ge [sflag:s26], $0x800  }
0xc5: {  	[sflag:s26] =	ssyncset.done $0x0  }
0xc6: {  	[sflag:s26] =	ssyncadd.s32 $0xFFFFF800  }
0xc7: {  	_ =	swait.ge [sflag:s26], $0x800  }
0xc8: {  	s31 =	simm.s32 $0x1000;
	s29 =	simm.s32 $0x800;
	[sflag:s26] =	ssyncset.done $0x0  }
.LBB2_4:
0xc9: {  	s0 =	sshra.s32 s29, $0x2  }
0xca: {  	[sflag:s26] =	ssyncadd.s32 $0xFFFFF800;
	s29 =	smov.u32 s31;
	s30 =	sadd.s32 $0x800, s31  }
0xcb: {  	[tilespmem:s21], [sflag:$0x1] =	stream.indirect.gather [hbm4b:s5+s20], $0x10, s0, s20, $0xb8;
	[tilespmem:$0x9800] =	vst v63  }
0xcc: {  	p0 =	sne.s32 s31, $0x9800;
	s31 =	sadd.s32 $0x80, s0  }
0xcd: {  	[tilespmem:s22], [sflag:$0x1] =	stream.indirect.gather [hbm4b:s5+s20], $0x10, s31, s20, $0xb8;
	[tilespmem:$0x9800] =	vst v63  }
0xce: {  	s31 =	sadd.s32 $0x100, s0  }
0xcf: {  	[tilespmem:s23], [sflag:$0x1] =	stream.indirect.gather [hbm4b:s5+s20], $0x10, s31, s20, $0xb8;
	[tilespmem:$0x9800] =	vst v63  }
0xd0: {  	s31 =	sadd.s32 $0x180, s0  }
0xd1: {  	[tilespmem:s24], [sflag:$0x1] =	stream.indirect.gather [hbm4b:s5+s20], $0x10, s31, s20, $0xb8;
	[tilespmem:$0x9800] =	vst v63  }
0xd2: {  	_ =	swait.ge [sflag:s25], $0x800  }
0xd3: {  	[sflag:s25] =	ssyncset.done $0x0  }
0xd4: {  	[sflag:s25] =	ssyncadd.s32 $0xFFFFF800  }
0xd5: {  	_ =	swait.ge [sflag:s25], $0x800  }
0xd6: {  	[sflag:s25] =	ssyncset.done $0x0  }
0xd7: {  	[sflag:s25] =	ssyncadd.s32 $0xFFFFF800  }
0xd8: {  	_ =	swait.ge [sflag:s25], $0x800  }
0xd9: {  	[sflag:s25] =	ssyncset.done $0x0  }
0xda: {  	[sflag:s25] =	ssyncadd.s32 $0xFFFFF800  }
0xdb: {  	_ =	swait.ge [sflag:s25], $0x800  }
0xdc: {  	[sflag:s25] =	ssyncset.done $0x0  }
0xdd: {  	s31 =	sadd.s32 $0x2800, s0;
	[sflag:s25] =	ssyncadd.s32 $0xFFFFF800  }
0xde: {  	[spmem:s3] =	stream.indirect.scatter.add.f32 [tilespmem:s21], [sflag:$0x2], $0x10, s31, s20, $0xb8;
	[tilespmem:$0x9800] =	vst v63  }
0xdf: {  	s31 =	sadd.s32 $0x2880, s0  }
0xe0: {  	[spmem:s3] =	stream.indirect.scatter.add.f32 [tilespmem:s22], [sflag:$0x2], $0x10, s31, s20, $0xb8;
	[tilespmem:$0x9800] =	vst v63  }
0xe1: {  	s31 =	sadd.s32 $0x2900, s0  }
0xe2: {  	[spmem:s3] =	stream.indirect.scatter.add.f32 [tilespmem:s23], [sflag:$0x2], $0x10, s31, s20, $0xb8;
	[tilespmem:$0x9800] =	vst v63  }
0xe3: {  	s0 =	sadd.s32 $0x2980, s0  }
0xe4: {  	[spmem:s3] =	stream.indirect.scatter.add.f32 [tilespmem:s24], [sflag:$0x2], $0x10, s0, s20, $0xb8;
	[tilespmem:$0x9800] =	vst v63  }
0xe5: {  	_ =	swait.ge [sflag:s26], $0x800  }
0xe6: {  	[sflag:s26] =	ssyncset.done $0x0  }
0xe7: {  	[sflag:s26] =	ssyncadd.s32 $0xFFFFF800  }
0xe8: {  	_ =	swait.ge [sflag:s26], $0x800  }
0xe9: {  	[sflag:s26] =	ssyncset.done $0x0  }
0xea: {  	[sflag:s26] =	ssyncadd.s32 $0xFFFFF800  }
.Ltmp1:
0xeb: {  	_ =	swait.ge [sflag:s26], $0x800;
	(pc) =	sbr.rel @p0 .LBB2_4-.Ltmp1, $4  }
0xec: {  	[sflag:s26] =	ssyncset.done $0x0  }
0xed: {  	[sflag:s26] =	ssyncadd.s32 $0xFFFFF800  }
0xee: {  	_ =	swait.ge [sflag:s26], $0x800  }
0xef: {  	s31 =	smov.u32 s30;
	[sflag:s26] =	ssyncset.done $0x0  }
0xf0: {  	s0 =	sshra.s32 s29, $0x2;
	[sflag:s26] =	ssyncadd.s32 $0xFFFFF800  }
0xf1: {  	[tilespmem:s21], [sflag:$0x1] =	stream.indirect.gather [hbm4b:s5+s20], $0x10, s0, s20, $0xb8;
	[tilespmem:$0x9800] =	vst v63  }
0xf2: {  	s29 =	sadd.s32 $0x80, s0  }
0xf3: {  	[tilespmem:s22], [sflag:$0x1] =	stream.indirect.gather [hbm4b:s5+s20], $0x10, s29, s20, $0xb8;
	[tilespmem:$0x9800] =	vst v63  }
0xf4: {  	s29 =	sadd.s32 $0x100, s0  }
0xf5: {  	[tilespmem:s23], [sflag:$0x1] =	stream.indirect.gather [hbm4b:s5+s20], $0x10, s29, s20, $0xb8;
	[tilespmem:$0x9800] =	vst v63  }
0xf6: {  	s29 =	sadd.s32 $0x180, s0  }
0xf7: {  	[tilespmem:s24], [sflag:$0x1] =	stream.indirect.gather [hbm4b:s5+s20], $0x10, s29, s20, $0xb8;
	[tilespmem:$0x9800] =	vst v63  }
0xf8: {  	_ =	swait.ge [sflag:s25], $0x800  }
0xf9: {  	[sflag:s25] =	ssyncset.done $0x0  }
0xfa: {  	[sflag:s25] =	ssyncadd.s32 $0xFFFFF800  }
0xfb: {  	_ =	swait.ge [sflag:s25], $0x800  }
0xfc: {  	[sflag:s25] =	ssyncset.done $0x0  }
0xfd: {  	[sflag:s25] =	ssyncadd.s32 $0xFFFFF800  }
0xfe: {  	_ =	swait.ge [sflag:s25], $0x800  }
0xff: {  	[sflag:s25] =	ssyncset.done $0x0  }
0x100: {  	[sflag:s25] =	ssyncadd.s32 $0xFFFFF800  }
0x101: {  	_ =	swait.ge [sflag:s25], $0x800  }
0x102: {  	[sflag:s25] =	ssyncset.done $0x0  }
0x103: {  	s29 =	sadd.s32 $0x2800, s0;
	[sflag:s25] =	ssyncadd.s32 $0xFFFFF800  }
0x104: {  	[spmem:s3] =	stream.indirect.scatter.add.f32 [tilespmem:s21], [sflag:$0x2], $0x10, s29, s20, $0xb8;
	[tilespmem:$0x9800] =	vst v63  }
0x105: {  	s29 =	sadd.s32 $0x2880, s0  }
0x106: {  	[spmem:s3] =	stream.indirect.scatter.add.f32 [tilespmem:s22], [sflag:$0x2], $0x10, s29, s20, $0xb8;
	[tilespmem:$0x9800] =	vst v63  }
0x107: {  	s29 =	sadd.s32 $0x2900, s0  }
0x108: {  	[spmem:s3] =	stream.indirect.scatter.add.f32 [tilespmem:s23], [sflag:$0x2], $0x10, s29, s20, $0xb8;
	[tilespmem:$0x9800] =	vst v63  }
0x109: {  	s0 =	sadd.s32 $0x2980, s0  }
0x10a: {  	[spmem:s3] =	stream.indirect.scatter.add.f32 [tilespmem:s24], [sflag:$0x2], $0x10, s0, s20, $0xb8;
	[tilespmem:$0x9800] =	vst v63  }
0x10b: {  	_ =	swait.ge [sflag:s26], $0x800  }
0x10c: {  	[sflag:s26] =	ssyncset.done $0x0  }
0x10d: {  	[sflag:s26] =	ssyncadd.s32 $0xFFFFF800  }
0x10e: {  	_ =	swait.ge [sflag:s26], $0x800  }
0x10f: {  	[sflag:s26] =	ssyncset.done $0x0  }
0x110: {  	[sflag:s26] =	ssyncadd.s32 $0xFFFFF800  }
0x111: {  	_ =	swait.ge [sflag:s26], $0x800  }
0x112: {  	[sflag:s26] =	ssyncset.done $0x0  }
0x113: {  	[sflag:s26] =	ssyncadd.s32 $0xFFFFF800  }
0x114: {  	_ =	swait.ge [sflag:s26], $0x800  }
0x115: {  	[sflag:s26] =	ssyncset.done $0x0  }
0x116: {  	[sflag:s26] =	ssyncadd.s32 $0xFFFFF800  }
0x117: {  	[bflag:$0x0] =	sbarrier.arrive $0xFFFF  }
0x118: {  	[hbm:s12], [sflag:s6] =	dma.local [spmem:s17], $0x500  }
0x119: {  	_ =	swait.ge [sflag:s18], $0x500  }
0x11a: {  	[sflag:s18] =	ssyncset.done $0x0  }
0x11b: {  	[sflag:s18] =	ssyncadd.s32 $0xFFFFFB00  }
0x11c: {  	[spmem:s17], [sflag:s6] =	dma.local [hbm:s2], $0x500  }
0x11d: {  	_ =	swait.ge [sflag:s18], $0x500  }
0x11e: {  	[sflag:s18] =	ssyncset.done $0x0  }
0x11f: {  	[sflag:s18] =	ssyncadd.s32 $0xFFFFFB00  }
0x120: {  	s30 =	simm.s32 $0x0;
	[bflag:$0x0] =	sbarrier.arrive $0xFFFF  }
0x121: {  	[tilespmem:s30], [sflag:$0x3] =	stream.linear.gather [hbm4b:s13+s30], $0x2800, $0x38;
	[tilespmem:$0x9800] =	vst v63  }
0x122: {  	_ =	swait.ge [sflag:s18], $0x2800  }
0x123: {  	[sflag:s18] =	ssyncset.done $0x0  }
0x124: {  	[sflag:s18] =	ssyncadd.s32 $0xFFFFD800  }
0x125: {  	[tilespmem:s19], [sflag:$0x3] =	stream.linear.gather [hbm4b:s14+s30], $0x2800, $0x38;
	[tilespmem:$0x9800] =	vst v63  }
0x126: {  	_ =	swait.ge [sflag:s18], $0x2800  }
0x127: {  	[sflag:s18] =	ssyncset.done $0x0  }
0x128: {  	s30 =	simm.s32 $0x0;
	[sflag:s18] =	ssyncadd.s32 $0xFFFFD800  }
0x129: {  	[tilespmem:s21], [sflag:$0x1] =	stream.indirect.gather [hbm4b:s5+s20], $0x10, s30, s20, $0xb8;
	[tilespmem:$0x9800] =	vst v63  }
0x12a: {  	s30 =	simm.s32 $0x80  }
0x12b: {  	[tilespmem:s22], [sflag:$0x1] =	stream.indirect.gather [hbm4b:s5+s20], $0x10, s30, s20, $0xb8;
	[tilespmem:$0x9800] =	vst v63  }
0x12c: {  	s30 =	simm.s32 $0x100  }
0x12d: {  	[tilespmem:s23], [sflag:$0x1] =	stream.indirect.gather [hbm4b:s5+s20], $0x10, s30, s20, $0xb8;
	[tilespmem:$0x9800] =	vst v63  }
0x12e: {  	s30 =	simm.s32 $0x180  }
0x12f: {  	[tilespmem:s24], [sflag:$0x1] =	stream.indirect.gather [hbm4b:s5+s20], $0x10, s30, s20, $0xb8;
	[tilespmem:$0x9800] =	vst v63  }
0x130: {  	_ =	swait.ge [sflag:s25], $0x800  }
0x131: {  	[sflag:s25] =	ssyncset.done $0x0  }
0x132: {  	[sflag:s25] =	ssyncadd.s32 $0xFFFFF800  }
0x133: {  	_ =	swait.ge [sflag:s25], $0x800  }
0x134: {  	[sflag:s25] =	ssyncset.done $0x0  }
0x135: {  	[sflag:s25] =	ssyncadd.s32 $0xFFFFF800  }
0x136: {  	_ =	swait.ge [sflag:s25], $0x800  }
0x137: {  	[sflag:s25] =	ssyncset.done $0x0  }
0x138: {  	[sflag:s25] =	ssyncadd.s32 $0xFFFFF800  }
0x139: {  	_ =	swait.ge [sflag:s25], $0x800  }
0x13a: {  	[sflag:s25] =	ssyncset.done $0x0  }
0x13b: {  	s30 =	simm.s32 $0x2800;
	[sflag:s25] =	ssyncadd.s32 $0xFFFFF800  }
0x13c: {  	[spmem:s3] =	stream.indirect.scatter.add.f32 [tilespmem:s21], [sflag:$0x2], $0x10, s30, s20, $0xb8;
	[tilespmem:$0x9800] =	vst v63  }
0x13d: {  	s30 =	simm.s32 $0x2880  }
0x13e: {  	[spmem:s3] =	stream.indirect.scatter.add.f32 [tilespmem:s22], [sflag:$0x2], $0x10, s30, s20, $0xb8;
	[tilespmem:$0x9800] =	vst v63  }
0x13f: {  	s30 =	simm.s32 $0x2900  }
0x140: {  	[spmem:s3] =	stream.indirect.scatter.add.f32 [tilespmem:s23], [sflag:$0x2], $0x10, s30, s20, $0xb8;
	[tilespmem:$0x9800] =	vst v63  }
0x141: {  	s30 =	simm.s32 $0x2980  }
0x142: {  	[spmem:s3] =	stream.indirect.scatter.add.f32 [tilespmem:s24], [sflag:$0x2], $0x10, s30, s20, $0xb8;
	[tilespmem:$0x9800] =	vst v63  }
0x143: {  	_ =	swait.ge [sflag:s26], $0x800  }
0x144: {  	[sflag:s26] =	ssyncset.done $0x0  }
0x145: {  	[sflag:s26] =	ssyncadd.s32 $0xFFFFF800  }
0x146: {  	_ =	swait.ge [sflag:s26], $0x800  }
0x147: {  	[sflag:s26] =	ssyncset.done $0x0  }
0x148: {  	[sflag:s26] =	ssyncadd.s32 $0xFFFFF800  }
0x149: {  	_ =	swait.ge [sflag:s26], $0x800  }
0x14a: {  	[sflag:s26] =	ssyncset.done $0x0  }
0x14b: {  	[sflag:s26] =	ssyncadd.s32 $0xFFFFF800  }
0x14c: {  	_ =	swait.ge [sflag:s26], $0x800  }
0x14d: {  	s31 =	simm.s32 $0x1000;
	s29 =	simm.s32 $0x800;
	[sflag:s26] =	ssyncset.done $0x0  }
.LBB2_6:
0x14e: {  	s0 =	sshra.s32 s29, $0x2  }
0x14f: {  	[sflag:s26] =	ssyncadd.s32 $0xFFFFF800;
	s29 =	smov.u32 s31;
	s30 =	sadd.s32 $0x800, s31  }
0x150: {  	[tilespmem:s21], [sflag:$0x1] =	stream.indirect.gather [hbm4b:s5+s20], $0x10, s0, s20, $0xb8;
	[tilespmem:$0x9800] =	vst v63  }
0x151: {  	p0 =	sne.s32 s31, $0x9800;
	s31 =	sadd.s32 $0x80, s0  }
0x152: {  	[tilespmem:s22], [sflag:$0x1] =	stream.indirect.gather [hbm4b:s5+s20], $0x10, s31, s20, $0xb8;
	[tilespmem:$0x9800] =	vst v63  }
0x153: {  	s31 =	sadd.s32 $0x100, s0  }
0x154: {  	[tilespmem:s23], [sflag:$0x1] =	stream.indirect.gather [hbm4b:s5+s20], $0x10, s31, s20, $0xb8;
	[tilespmem:$0x9800] =	vst v63  }
0x155: {  	s31 =	sadd.s32 $0x180, s0  }
0x156: {  	[tilespmem:s24], [sflag:$0x1] =	stream.indirect.gather [hbm4b:s5+s20], $0x10, s31, s20, $0xb8;
	[tilespmem:$0x9800] =	vst v63  }
0x157: {  	_ =	swait.ge [sflag:s25], $0x800  }
0x158: {  	[sflag:s25] =	ssyncset.done $0x0  }
0x159: {  	[sflag:s25] =	ssyncadd.s32 $0xFFFFF800  }
0x15a: {  	_ =	swait.ge [sflag:s25], $0x800  }
0x15b: {  	[sflag:s25] =	ssyncset.done $0x0  }
0x15c: {  	[sflag:s25] =	ssyncadd.s32 $0xFFFFF800  }
0x15d: {  	_ =	swait.ge [sflag:s25], $0x800  }
0x15e: {  	[sflag:s25] =	ssyncset.done $0x0  }
0x15f: {  	[sflag:s25] =	ssyncadd.s32 $0xFFFFF800  }
0x160: {  	_ =	swait.ge [sflag:s25], $0x800  }
0x161: {  	[sflag:s25] =	ssyncset.done $0x0  }
0x162: {  	s31 =	sadd.s32 $0x2800, s0;
	[sflag:s25] =	ssyncadd.s32 $0xFFFFF800  }
0x163: {  	[spmem:s3] =	stream.indirect.scatter.add.f32 [tilespmem:s21], [sflag:$0x2], $0x10, s31, s20, $0xb8;
	[tilespmem:$0x9800] =	vst v63  }
0x164: {  	s31 =	sadd.s32 $0x2880, s0  }
0x165: {  	[spmem:s3] =	stream.indirect.scatter.add.f32 [tilespmem:s22], [sflag:$0x2], $0x10, s31, s20, $0xb8;
	[tilespmem:$0x9800] =	vst v63  }
0x166: {  	s31 =	sadd.s32 $0x2900, s0  }
0x167: {  	[spmem:s3] =	stream.indirect.scatter.add.f32 [tilespmem:s23], [sflag:$0x2], $0x10, s31, s20, $0xb8;
	[tilespmem:$0x9800] =	vst v63  }
0x168: {  	s0 =	sadd.s32 $0x2980, s0  }
0x169: {  	[spmem:s3] =	stream.indirect.scatter.add.f32 [tilespmem:s24], [sflag:$0x2], $0x10, s0, s20, $0xb8;
	[tilespmem:$0x9800] =	vst v63  }
0x16a: {  	_ =	swait.ge [sflag:s26], $0x800  }
0x16b: {  	[sflag:s26] =	ssyncset.done $0x0  }
0x16c: {  	[sflag:s26] =	ssyncadd.s32 $0xFFFFF800  }
0x16d: {  	_ =	swait.ge [sflag:s26], $0x800  }
0x16e: {  	[sflag:s26] =	ssyncset.done $0x0  }
0x16f: {  	[sflag:s26] =	ssyncadd.s32 $0xFFFFF800  }
.Ltmp2:
0x170: {  	_ =	swait.ge [sflag:s26], $0x800;
	(pc) =	sbr.rel @p0 .LBB2_6-.Ltmp2, $4  }
0x171: {  	[sflag:s26] =	ssyncset.done $0x0  }
0x172: {  	[sflag:s26] =	ssyncadd.s32 $0xFFFFF800  }
0x173: {  	_ =	swait.ge [sflag:s26], $0x800  }
0x174: {  	s31 =	smov.u32 s30;
	[sflag:s26] =	ssyncset.done $0x0  }
0x175: {  	s0 =	sshra.s32 s29, $0x2;
	[sflag:s26] =	ssyncadd.s32 $0xFFFFF800  }
0x176: {  	[tilespmem:s21], [sflag:$0x1] =	stream.indirect.gather [hbm4b:s5+s20], $0x10, s0, s20, $0xb8;
	[tilespmem:$0x9800] =	vst v63  }
0x177: {  	s29 =	sadd.s32 $0x80, s0  }
0x178: {  	[tilespmem:s22], [sflag:$0x1] =	stream.indirect.gather [hbm4b:s5+s20], $0x10, s29, s20, $0xb8;
	[tilespmem:$0x9800] =	vst v63  }
0x179: {  	s31 =	sadd.s32 $0x100, s0  }
0x17a: {  	[tilespmem:s23], [sflag:$0x1] =	stream.indirect.gather [hbm4b:s5+s20], $0x10, s31, s20, $0xb8;
	[tilespmem:$0x9800] =	vst v63  }
0x17b: {  	s30 =	sadd.s32 $0x180, s0  }
0x17c: {  	[tilespmem:s24], [sflag:$0x1] =	stream.indirect.gather [hbm4b:s5+s20], $0x10, s30, s20, $0xb8;
	[tilespmem:$0x9800] =	vst v63  }
0x17d: {  	_ =	swait.ge [sflag:s25], $0x800  }
0x17e: {  	[sflag:s25] =	ssyncset.done $0x0  }
0x17f: {  	[sflag:s25] =	ssyncadd.s32 $0xFFFFF800  }
0x180: {  	_ =	swait.ge [sflag:s25], $0x800  }
0x181: {  	[sflag:s25] =	ssyncset.done $0x0  }
0x182: {  	[sflag:s25] =	ssyncadd.s32 $0xFFFFF800  }
0x183: {  	_ =	swait.ge [sflag:s25], $0x800  }
0x184: {  	[sflag:s25] =	ssyncset.done $0x0  }
0x185: {  	[sflag:s25] =	ssyncadd.s32 $0xFFFFF800  }
0x186: {  	_ =	swait.ge [sflag:s25], $0x800  }
0x187: {  	[sflag:s25] =	ssyncset.done $0x0  }
0x188: {  	s31 =	sadd.s32 $0x2800, s0;
	[sflag:s25] =	ssyncadd.s32 $0xFFFFF800  }
0x189: {  	[spmem:s3] =	stream.indirect.scatter.add.f32 [tilespmem:s21], [sflag:$0x2], $0x10, s31, s20, $0xb8;
	[tilespmem:$0x9800] =	vst v63  }
0x18a: {  	s30 =	sadd.s32 $0x2880, s0  }
0x18b: {  	[spmem:s3] =	stream.indirect.scatter.add.f32 [tilespmem:s22], [sflag:$0x2], $0x10, s30, s20, $0xb8;
	[tilespmem:$0x9800] =	vst v63  }
0x18c: {  	s31 =	sadd.s32 $0x2900, s0  }
0x18d: {  	[spmem:s3] =	stream.indirect.scatter.add.f32 [tilespmem:s23], [sflag:$0x2], $0x10, s31, s20, $0xb8;
	[tilespmem:$0x9800] =	vst v63  }
0x18e: {  	s0 =	sadd.s32 $0x2980, s0  }
0x18f: {  	[spmem:s3] =	stream.indirect.scatter.add.f32 [tilespmem:s24], [sflag:$0x2], $0x10, s0, s20, $0xb8;
	[tilespmem:$0x9800] =	vst v63  }
0x190: {  	_ =	swait.ge [sflag:s26], $0x800  }
0x191: {  	[sflag:s26] =	ssyncset.done $0x0  }
0x192: {  	[sflag:s26] =	ssyncadd.s32 $0xFFFFF800  }
0x193: {  	_ =	swait.ge [sflag:s26], $0x800  }
0x194: {  	[sflag:s26] =	ssyncset.done $0x0  }
0x195: {  	[sflag:s26] =	ssyncadd.s32 $0xFFFFF800  }
0x196: {  	_ =	swait.ge [sflag:s26], $0x800  }
0x197: {  	[sflag:s26] =	ssyncset.done $0x0  }
0x198: {  	[sflag:s26] =	ssyncadd.s32 $0xFFFFF800  }
0x199: {  	_ =	swait.ge [sflag:s26], $0x800  }
0x19a: {  	[sflag:s26] =	ssyncset.done $0x0  }
0x19b: {  	s28 =	sadd.s32 $0x1, s28;
	[sflag:s26] =	ssyncadd.s32 $0xFFFFF800  }
0x19c: {  	p0 =	sne.s32 s28, s16;
	[bflag:$0x0] =	sbarrier.arrive $0xFFFF  }
0x19d: {  	[hbm:s15], [sflag:s6] =	dma.local [spmem:s17], $0x500  }
.Ltmp3:
0x19e: {  	_ =	swait.ge [sflag:s18], $0x500;
	(pc) =	sbr.rel @p0 .LBB2_1-.Ltmp3, $3  }
0x19f: {  	[sflag:s18] =	ssyncset.done $0x0  }
0x1a0: {  	[sflag:s18] =	ssyncadd.s32 $0xFFFFFB00  }
0x1a1: {  	[bflag:$0x0] =	sbarrier.arrive $0xFFFF;
	_ =	sdelay $0x1  }
0x1a2: {  	_ =	sfence.sel $0x180000  }
0x1a3: {  	[bflag:$0x0] =	sbarrier.arrive $0xFFFF  }
0x1a4: {  	_ =	strace $0x9000004A  }
0x1a5: {  	[bflag:$0x2] =	sbarrier.arrive $0xFFFF  }
0x1a6: {  	p0 =	sne.s32 s1, $0x0;
	s0 =	rddreg [dreg:$0x3]  }
0x1a7: {  	s0 =	sadd.s32 @!p0 $0x100000, s0  }
0x1a8: {  	[sflag:s0] =	ssyncadd.tile.s32 @!p0 $0x1;
	_ =	shalt  }
.Lfunc_end2:
_tile_overlayer_lowered:
.L_overlay_start_2:
0x1a9: {  	(tag) =	ssettag $0x2  }
0x1aa: {  	s0 =	rddreg [dreg:$0x0];
	s2 =	stileid.u32  }
0x1ab: {  	s1 =	rddreg [dreg:$0x1];
	p0 =	sne.s32 s2, $0x0  }
0x1ac: {  	s3 =	rddreg [dreg:$0x2];
	[bflag:$0x3] =	sbarrier.arrive $0xFFFF;
	s2 =	simm.s32 @!p0 $0x1C03  }
0x1ad: {  	[timem:s3], [sflag:s2] =	dma.local @!p0 [hbm:s0], s1  }
0x1ae: {  	s0 =	simm.s32 @!p0 $0x3  }
0x1af: {  	_ =	swait.ge @!p0 [sflag:s0], s1  }
0x1b0: {  	s1 =	ssub.s32 @!p0 $0x0, s1;
	[sflag:s0] =	ssyncset.done @!p0 $0x0  }
0x1b1: {  	[sflag:s0] =	ssyncadd.s32 @!p0 s1  }
0x1b2: {  	[bflag:$0x3] =	sbarrier.arrive $0xFFFF  }
0x1b3: {  	_ =	shalt  }

// kernel: kernel.7.cloned.1.call-start
scs
__scs_entry_jumppad:
0x0: {  	(pc) =	sbr.rel $0x88, $3  }
0x1: {  	(tag) =	ssettag $0x0;
	lr =	simm.s32 $0x1  }
0x2: {  	[smem:$0x3F97] =	sst lr;
	_ =	strace $0xD0000000  }
0x3: {  	_ = 	snop  }
0x4: {  	_ = 	snop  }
0x5: {  	_ = 	snop  }
0x6: {  	_ = 	snop  }
0x7: {  	_ = 	snop  }
__scs_overlays_trampoline_lowered:
0x8: {  	[smem:$0x3FA6] =	sst s0  }
0x9: {  	[smem:$0x3FA7] =	sst s1  }
0xa: {  	[smem:$0x3FA8] =	sst s2  }
0xb: {  	[smem:$0x3FA9] =	sst s3  }
0xc: {  	[smem:$0x3FAA] =	sst s4  }
0xd: {  	[smem:$0x3FAB] =	sst s5  }
0xe: {  	[smem:$0x3FAC] =	sst s6  }
0xf: {  	[smem:$0x3FAD] =	sst s7  }
0x10: {  	[smem:$0x3FAE] =	sst s8  }
0x11: {  	[smem:$0x3FAF] =	sst s9;
	s0 =	simm.s32 @!p0 $0x0  }
0x12: {  	s1 =	sld [smem:$0x3F95];
	s0 =	simm.s32 @p0 $0x1  }
0x13: {  	[smem:$0x3FB0] =	sst s0;
	s0 =	simm.s32 @!p1 $0x0  }
0x14: {  	s2 =	sld [smem:$0x3F94];
	s0 =	simm.s32 @p1 $0x1  }
0x15: {  	[smem:$0x3FB1] =	sst s0;
	s0 =	simm.s32 @!p2 $0x0  }
0x16: {  	s3 =	sld [smem:$0x3FDB];
	s0 =	simm.s32 @p2 $0x1  }
0x17: {  	s4 =	simm.s32 $0x1BF5;
	[smem:$0x3FB3] =	sst s0  }
0x18: {  	s0 =	sld [smem:$0x3F96];
	_ =	swait.ge [sflag:s4], $0x0  }
0x19: {  	s7 =	sld [smem:$0x3F97]  }
0x1a: {  	s8 =	sadd.s32 $0xFFFFE003, lr  }
0x1b: {  	s9 =	sadd.s32 $0xFFFFFEF7, lr;
	s5 =	simm.s32 $0xFFFFFFFF;
	p2 =	slt.u32 s8, $0xFFFFF086  }
0x1c: {  	p1 =	slt.u32 s9, $0xF7A;
	s5 =	simm.s32 @!p2 $0x0  }
0x1d: {  	s5 =	simm.s32 @p1 $0x1;
	p0 =	seq.s32 s7, s2  }
0x1e: {  	s7 =	smul.u32 @!p0 $0xF7A, s2;
	p2 =	seq.s32 @!p0 s5, $0x0  }
0x1f: {  	s9 =	smul.u32 $0xF7A, s1;
	s8 =	simm.s32 @!p0 $0x1BF5;
	p2 =	por !p2, p0  }
0x20: {  	[sflag:s8] =	ssyncset.s32 @!p0 $0xFFFFF086;
	s6 =	sadd.s32 @!p0 s3, s7;
	s7 =	simm.s32 @!p0 $0x108  }
0x21: {  	s3 =	sadd.s32 s3, s9;
	s6 =	sadd.s32 @!p0 $0x88, s6;
	s7 =	simm.s32 @p2 $0x1082  }
0x22: {  	[simem:s7], [sflag:s8] =	dma.local @!p0 [hbm:s6], $0xF7A  }
0x23: {  	s9 =	sor.u32 $0xD0000000, s2;
	s6 =	simm.s32 $0x108;
	_ =	swait.ge @!p0 [sflag:s8], $0x0  }
0x24: {  	s3 =	sadd.s32 $0x88, s3;
	s6 =	simm.s32 @!p1 $0x1082;
	[sflag:s4] =	ssyncset.s32 $0xFFFFF086  }
0x25: {  	[simem:s6], [sflag:s4] =	dma.local [hbm:s3], $0xF7A  }
0x26: {  	[smem:$0x3F97] =	sst s1;
	(tag) =	ssettag s2;
	_ =	strace s9  }
0x27: {  	s1 =	sld [smem:$0x3FA7]  }
0x28: {  	s2 =	sld [smem:$0x3FA8]  }
0x29: {  	s4 =	sld [smem:$0x3FAA]  }
0x2a: {  	p0 =	seq.s32 s5, $0x0;
	s5 =	sld [smem:$0x3FAB]  }
0x2b: {  	s6 =	sld [smem:$0x3FAC]  }
0x2c: {  	s7 =	sld [smem:$0x3FAD]  }
0x2d: {  	s3 =	simm.s32 $0x108;
	s8 =	sld [smem:$0x3FAE]  }
0x2e: {  	s3 =	simm.s32 @!p0 $0x1082;
	s9 =	sld [smem:$0x3FAF]  }
0x2f: {  	lr =	sadd.s32 s0, s3;
	s0 =	sld [smem:$0x3FA6]  }
0x30: {  	s3 =	sld [smem:$0x3FA9]  }
0x31: {  	[smem:$0x3FB2] =	sst s10  }
0x32: {  	s10 =	sld [smem:$0x3FB0];
	_ =	sdelay $0x3  }
0x33: {  	p0 =	seq.s32 s10, $0x1;
	s10 =	sld [smem:$0x3FB2];
	_ =	sdelay $0x3  }
0x34: {  	[smem:$0x3FB2] =	sst s10  }
0x35: {  	s10 =	sld [smem:$0x3FB1];
	_ =	sdelay $0x3  }
0x36: {  	p1 =	seq.s32 s10, $0x1;
	s10 =	sld [smem:$0x3FB2];
	_ =	sdelay $0x3  }
0x37: {  	[smem:$0x3FB2] =	sst s10  }
0x38: {  	s10 =	sld [smem:$0x3FB3]  }
0x39: {  	_ = 	snop;
	(pc) =	sbr.ind lr, $3  }
0x3a: {  	_ = 	snop  }
0x3b: {  	_ = 	snop  }
0x3c: {  	p2 =	seq.s32 s10, $0x1;
	s10 =	sld [smem:$0x3FB2]  }
0x3d: {  	_ =	shalt  }
0x3e: {  	_ =	shalt  }
0x3f: {  	_ =	shalt  }
0x40: {  	_ =	shalt  }
0x41: {  	_ =	shalt  }
0x42: {  	_ =	shalt  }
0x43: {  	_ =	shalt  }
0x44: {  	_ =	shalt  }
0x45: {  	_ =	shalt  }
0x46: {  	_ =	shalt  }
0x47: {  	_ =	shalt  }
0x48: {  	_ =	shalt  }
0x49: {  	_ =	shalt  }
0x4a: {  	_ =	shalt  }
0x4b: {  	_ =	shalt  }
0x4c: {  	_ =	shalt  }
0x4d: {  	_ =	shalt  }
0x4e: {  	_ =	shalt  }
0x4f: {  	_ =	shalt  }
0x50: {  	_ =	shalt  }
0x51: {  	_ =	shalt  }
0x52: {  	_ =	shalt  }
0x53: {  	_ =	shalt  }
0x54: {  	_ =	shalt  }
0x55: {  	_ =	shalt  }
0x56: {  	_ =	shalt  }
0x57: {  	_ =	shalt  }
0x58: {  	_ =	shalt  }
0x59: {  	_ =	shalt  }
0x5a: {  	_ =	shalt  }
0x5b: {  	_ =	shalt  }
0x5c: {  	_ =	shalt  }
0x5d: {  	_ =	shalt  }
0x5e: {  	_ =	shalt  }
0x5f: {  	_ =	shalt  }
0x60: {  	_ =	shalt  }
0x61: {  	_ =	shalt  }
0x62: {  	_ =	shalt  }
0x63: {  	_ =	shalt  }
0x64: {  	_ =	shalt  }
0x65: {  	_ =	shalt  }
0x66: {  	_ =	shalt  }
0x67: {  	_ =	shalt  }
0x68: {  	_ =	shalt  }
0x69: {  	_ =	shalt  }
0x6a: {  	_ =	shalt  }
0x6b: {  	_ =	shalt  }
0x6c: {  	_ =	shalt  }
0x6d: {  	_ =	shalt  }
0x6e: {  	_ =	shalt  }
0x6f: {  	_ =	shalt  }
0x70: {  	_ =	shalt  }
0x71: {  	_ =	shalt  }
0x72: {  	_ =	shalt  }
0x73: {  	_ =	shalt  }
0x74: {  	_ =	shalt  }
0x75: {  	_ =	shalt  }
0x76: {  	_ =	shalt  }
0x77: {  	_ =	shalt  }
0x78: {  	_ =	shalt  }
0x79: {  	_ =	shalt  }
0x7a: {  	_ =	shalt  }
0x7b: {  	_ =	shalt  }
0x7c: {  	_ =	shalt  }
0x7d: {  	_ =	shalt  }
0x7e: {  	_ =	shalt  }
0x7f: {  	_ =	shalt  }
0x80: {  	_ =	shalt  }
0x81: {  	_ =	shalt  }
0x82: {  	_ =	shalt  }
0x83: {  	_ =	shalt  }
0x84: {  	_ =	shalt  }
0x85: {  	_ =	shalt  }
0x86: {  	_ =	shalt  }
0x87: {  	_ =	shalt  }
.Lfunc_end0:
.L_simem_size_0:
called_computation_lowered:
.L_overlay_start_0:
0x88: {  	s2 =	sld [smem:$0x3FD9]  }
0x89: {  	s3 =	sld [smem:$0x3FFE];
	_ =	sdelay $0x1  }
0x8a: {  	s1 =	srdreg.scid  }
0x8b: {  	s0 =	sand.u32 $0x1, s1  }
0x8c: {  	s14 =	sshll.u32 s0, $0xA;
	s2 =	sadd.s32 s3, s2  }
0x8d: {  	s2 =	sadd.s32 s2, s14  }
0x8e: {  	[smem:$0x3FBE] =	sst s2  }
0x8f: {  	_ = 	snop  }
0x90: {  	s2 =	sld [smem:$0x3FD0];
	_ =	sdelay $0x2  }
0x91: {  	s15 =	simm.s32 $0xA;
	s4 =	simm.s32 $0x10  }
0x92: {  	[smem:s4], [sflag:s15] =	dma.local [hbm:s2], $0x1  }
0x93: {  	_ =	swait.eq [sflag:s15], $0x1  }
0x94: {  	[sflag:s15] =	ssyncset.done $0x0  }
0x95: {  	s16 =	sld [smem:$0x10];
	[sflag:s15] =	ssyncadd.s32 $0xFFFFFFFF  }
0x96: {  	s17 =	sld [smem:$0x11];
	(tm) =	ssettm $0x1  }
0x97: {  	s18 =	sld [smem:$0x3FFB];
	_ =	sdelay $0x3  }
0x98: {  	_ =	strace s18  }
0x99: {  	s4 =	sld [smem:$0x3FFC];
	_ =	sdelay $0x3  }
0x9a: {  	_ =	strace s4  }
0x9b: {  	s4 =	sld [smem:$0x3FFD];
	_ =	sdelay $0x3  }
0x9c: {  	_ =	strace s4  }
0x9d: {  	_ =	strace $0x8FFFFFFF  }
0x9e: {  	s19 =	sld [smem:$0x3FDB];
	_ =	sdelay $0x1  }
0x9f: {  	s5 =	simm.s32 $_scs_section_size  }
0xa0: {  	s6 =	simm.s32 $_size__tile_overlayer_lowered;
	s7 =	simm.s32 $_tile_overlayer_lowered  }
0xa1: {  	s22 =	simm.s32 $0x1BFF;
	s21 =	sshll.u32 s7, $0x1;
	s4 =	sadd.s32 s5, s19  }
0xa2: {  	s8 =	simm.s32 $0x0;
	s20 =	sshll.u32 s6, $0x1;
	s6 =	sadd.s32 s21, s4  }
0xa3: {  	[timem:s8], [sflag:s22] =	dma.local [hbm:s6], s20  }
0xa4: {  	_ =	swait.ge [sflag:s22], s20  }
0xa5: {  	s5 =	ssub.s32 $0x0, s20;
	[sflag:s22] =	ssyncset.done $0x0  }
0xa6: {  	[sflag:s22] =	ssyncadd.s32 s5;
	_ =	sdelay $0x1  }
0xa7: {  	s23 =	simm.s32 $0x1B8B  }
0xa8: {  	_ =	swait.ge [sflag:s23], $0x1  }
0xa9: {  	[sflag:s23] =	ssyncset.done $0x0  }
0xaa: {  	s25 =	simm.s32 $0x1B8E;
	s24 =	sld [smem:$0x3FFE];
	[sflag:s23] =	ssyncadd.s32 $0xFFFFFFFF  }
0xab: {  	s26 =	simm.s32 $execute0_lowered;
	[smem:$0x3FD2] =	sst s25  }
0xac: {  	s6 =	sshll.u32 s26, $0x1;
	_ =	strace $0x80000046;
	[dreg:$0x1] =	wrdreg $0xFFFFFFFF  }
0xad: {  	s28 =	simm.s32 $_size_execute0_lowered;
	s4 =	sadd.s32 s4, s6;
	[dreg:$0x0] =	wrdreg $0x0  }
0xae: {  	s6 =	sshll.u32 s28, $0x1;
	[dreg:$0x2] =	wrdreg s4  }
0xaf: {  	[dreg:$0x3] =	wrdreg s6  }
0xb0: {  	[dreg:$0x4] =	wrdreg $0xC0  }
0xb1: {  	_ =	task [dreg:s8], $0x5FFFF  }
0xb2: {  	[dreg:$0x1] =	wrdreg $0xFFFFFFFF  }
0xb3: {  	[dreg:$0x0] =	wrdreg $0x60  }
0xb4: {  	[dreg:$0x2] =	wrdreg s24  }
0xb5: {  	[dreg:$0x3] =	wrdreg s16  }
0xb6: {  	[dreg:$0x4] =	wrdreg s17  }
0xb7: {  	[dreg:$0x5] =	wrdreg $0xD0000  }
0xb8: {  	[dreg:$0x6] =	wrdreg $0x178000  }
0xb9: {  	[dreg:$0x7] =	wrdreg $0x9  }
0xba: {  	_ =	task.clear_ibuf [dreg:s8], $0x8FFFF;
	_ =	strace $0x90000046  }
0xbb: {  	s29 =	simm.s32 $0x9;
	_ =	strace $0x80000048  }
0xbc: {  	_ =	swait.ge [sflag:s29], $0x1  }
0xbd: {  	[sflag:s29] =	ssyncadd.s32 $0xFFFFFFFF  }
0xbe: {  	_ =	strace $0x90000048  }
0xbf: {  	_ =	sfence  }
0xc0: {  	s30 =	sld [smem:$0x0];
	_ =	sdelay $0x2  }
0xc1: {  	s31 =	sshll.u32 s1, $0xD;
	s1 =	sshrl.u32 s1, $0x2  }
0xc2: {  	s3 =	sand.u32 $0x4000, s31;
	s1 =	sadd.s32 s1, s30  }
0xc3: {  	s0 =	sor.u32 s3, s0;
	s1 =	sshll.u32 s1, $0x11  }
0xc4: {  	s0 =	sor.u32 s1, s0  }
0xc5: {  	s0 =	sadd.s32 $0x8F2B, s0  }
0xc6: {  	[sflag:s0] =	ssyncadd.remote.s32 $0x1  }
0xc7: {  	_ =	sfence.sel $0xFFFF  }
0xc8: {  	[dreg:$0x0] =	wrdreg $0xFFFFFFFF;
	(pc) =	sbr.abs _section_cstart, $3  }
0xc9: {  	[dreg:$0x1] =	wrdreg $0xFFFFFFFF  }
0xca: {  	_ =	task.clear_ibuf [dreg:s8], $0x2FFFF;
	_ =	strace $0x9FFFFFFF  }
0xcb: {  	(tm) =	ssettm $0x7FFFFFFF  }
tec
execute0_lowered:
.L_overlay_start_1:
0x0: {  	(tag) =	ssettag $0x1  }
0x1: {  	s1 =	rddreg [dreg:$0x0]  }
0x2: {  	s14 =	rddreg [dreg:$0x2]  }
0x3: {  	s0 =	srdreg.scid;
	s4 =	rddreg [dreg:$0x3]  }
0x4: {  	s13 =	stileid.u32;
	s5 =	rddreg [dreg:$0x4];
	s6 =	simm.s32 $0x0  }
0x5: {  	s28 =	simm.s32 $0x17000;
	s29 =	simm.s32 $0x80;
	s30 =	simm.s32 $0x5000  }
0x6: {  	s31 =	simm.s32 $0x7000;
	s0 =	sand.u32 $0x1, s0;
	s3 =	smul.u32 $0xA000, s13  }
0x7: {  	[smem:$0x7FF] =	sst s6;
	s11 =	smul.u32 $0x2800, s13;
	s7 =	sadd.s32 $0x28000, s1  }
0x8: {  	s8 =	sadd.s32 $0x77A00, s1;
	s20 =	sshll.u32 s13, $0x6;
	s17 =	sadd.s32 $0x100, s14  }
0x9: {  	s2 =	sshll.u32 s0, $0x4;
	s9 =	smul.u32 $0x1E0000, s0;
	_ =	strace $0x80000047  }
0xa: {  	s10 =	smul.u32 $0x28000, s0;
	s0 =	ssub.s32 $0x2, s0;
	s2 =	sor.u32 s13, s2  }
0xb: {  	s12 =	sshrl.u32 s0, $0x1;
	s21 =	sadd.s32 s11, s5;
	s2 =	smul.u32 $0x500, s2  }
0xc: {  	s9 =	sadd.s32 s3, s9;
	s10 =	sadd.s32 s11, s10;
	s0 =	ssub.s32 s0, s12  }
0xd: {  	s3 =	sadd.s32 s3, s4;
	[dreg:$0x7] =	wrdreg s21;
	s21 =	sadd.s32 $0x200, s14  }
0xe: {  	s9 =	sshrl.u32 s9, $0x3;
	s10 =	sshrl.u32 s10, $0x3;
	[dreg:$0x6] =	wrdreg s3  }
0xf: {  	s3 =	simm.s32 $0x2;
	s2 =	sadd.s32 s2, s1;
	s9 =	sadd.s32 s9, s1  }
0x10: {  	s1 =	sadd.s32 s10, s1;
	s10 =	sor.u32 $0x1C03, s20;
	s22 =	sadd.s32 $0x3BA00, s2  }
0x11: {  	s23 =	sadd.s32 $0x4FA00, s2;
	s24 =	sadd.s32 $0x78E00, s9;
	[dreg:$0x8] =	wrdreg s22  }
0x12: {  	s25 =	sadd.s32 $0x45A00, s2;
	s26 =	sadd.s32 $0x59A00, s2;
	[dreg:$0x9] =	wrdreg s23  }
0x13: {  	s18 =	sadd.s32 $0x8CE00, s9;
	s19 =	sadd.s32 $0x63A00, s2;
	[dreg:$0xa] =	wrdreg s24  }
0x14: {  	s20 =	sadd.s32 $0x6DA00, s2;
	s2 =	simm.s32 $0x9000;
	[dreg:$0xb] =	wrdreg s25  }
0x15: {  	[dreg:$0xc] =	wrdreg s26;
	s22 =	sadd.s32 $0xA0E00, s9;
	s23 =	sadd.s32 $0xF0E00, s1  }
0x16: {  	s24 =	smax.u32 s0, $0x1;
	s25 =	simm.s32 $0x3;
	s26 =	simm.s32 $0x2800  }
0x17: {  	s0 =	simm.s32 $0xB000;
	s1 =	simm.s32 $0x1;
	s9 =	simm.s32 $0x0  }
.LBB2_1:
0x18: {  	s11 =	rddreg [dreg:$0x6]  }
0x19: {  	s11 =	sshrl.u32 s11, $0x3  }
0x1a: {  	[spmem:s11], [sflag:s10] =	dma.local [hbm:s8], $0x1400  }
0x1b: {  	_ =	swait.ge [sflag:s25], $0x1400  }
0x1c: {  	[sflag:s25] =	ssyncset.done $0x0  }
0x1d: {  	s12 =	rddreg [dreg:$0x7];
	[sflag:s25] =	ssyncadd.s32 $0xFFFFEC00  }
0x1e: {  	s12 =	sshrl.u32 s12, $0x3;
	s13 =	rddreg [dreg:$0x1]  }
0x1f: {  	[spmem:s12], [sflag:s10] =	dma.local [hbm:s13], $0x500  }
0x20: {  	_ =	swait.ge [sflag:s25], $0x500  }
0x21: {  	[sflag:s25] =	ssyncset.done $0x0  }
0x22: {  	[sflag:s25] =	ssyncadd.s32 $0xFFFFFB00  }
0x23: {  	[bflag:$0x0] =	sbarrier.arrive $0xFFFF  }
0x24: {  	s15 =	rddreg [dreg:$0x8]  }
0x25: {  	[tilespmem:s6], [sflag:$0x3] =	stream.linear.gather [hbm4b:s15+s6], $0x2800, $0x38;
	[tilespmem:$0x1A000] =	vst v63  }
0x26: {  	_ =	swait.ge [sflag:s25], $0x2800  }
0x27: {  	[sflag:s25] =	ssyncset.done $0x0  }
0x28: {  	s16 =	rddreg [dreg:$0x9];
	[sflag:s25] =	ssyncadd.s32 $0xFFFFD800  }
0x29: {  	[tilespmem:s26], [sflag:$0x3] =	stream.linear.gather [hbm4b:s16+s6], $0x2800, $0x38;
	[tilespmem:$0x1A000] =	vst v63  }
0x2a: {  	_ =	swait.ge [sflag:s25], $0x2800  }
0x2b: {  	[sflag:s25] =	ssyncset.done $0x0  }
0x2c: {  	[sflag:s25] =	ssyncadd.s32 $0xFFFFD800  }
0x2d: {  	s14 =	rddreg [dreg:$0x2]  }
0x2e: {  	[tilespmem:s28], [sflag:$0x3] =	stream.linear.gather [hbm4b:s14+s6], $0x800, $0x38;
	[tilespmem:$0x1A000] =	vst v63  }
0x2f: {  	_ =	swait.ge [sflag:s25], $0x800  }
0x30: {  	[sflag:s25] =	ssyncset.done $0x0  }
0x31: {  	s15 =	simm.s32 $0x0;
	[sflag:s25] =	ssyncadd.s32 $0xFFFFF800  }
0x32: {  	[tilespmem:s30], [sflag:$0x1] =	stream.indirect.gather [hbm4b:s7+s29], $0x40, s15, s29, $0xb8;
	[tilespmem:$0x1A000] =	vst v63  }
0x33: {  	s16 =	simm.s32 $0x80  }
0x34: {  	[tilespmem:s31], [sflag:$0x1] =	stream.indirect.gather [hbm4b:s7+s29], $0x40, s16, s29, $0xb8;
	[tilespmem:$0x1A000] =	vst v63  }
0x35: {  	s14 =	simm.s32 $0x100  }
0x36: {  	[tilespmem:s2], [sflag:$0x1] =	stream.indirect.gather [hbm4b:s7+s29], $0x40, s14, s29, $0xb8;
	[tilespmem:$0x1A000] =	vst v63  }
0x37: {  	s15 =	simm.s32 $0x180  }
0x38: {  	[tilespmem:s0], [sflag:$0x1] =	stream.indirect.gather [hbm4b:s7+s29], $0x40, s15, s29, $0xb8;
	[tilespmem:$0x1A000] =	vst v63  }
0x39: {  	_ =	swait.ge [sflag:s1], $0x2000  }
0x3a: {  	[sflag:s1] =	ssyncset.done $0x0  }
0x3b: {  	[sflag:s1] =	ssyncadd.s32 $0xFFFFE000  }
0x3c: {  	_ =	swait.ge [sflag:s1], $0x2000  }
0x3d: {  	[sflag:s1] =	ssyncset.done $0x0  }
0x3e: {  	[sflag:s1] =	ssyncadd.s32 $0xFFFFE000  }
0x3f: {  	_ =	swait.ge [sflag:s1], $0x2000  }
0x40: {  	[sflag:s1] =	ssyncset.done $0x0  }
0x41: {  	[sflag:s1] =	ssyncadd.s32 $0xFFFFE000  }
0x42: {  	_ =	swait.ge [sflag:s1], $0x2000  }
0x43: {  	[sflag:s1] =	ssyncset.done $0x0  }
0x44: {  	s16 =	simm.s32 $0x2800;
	[sflag:s1] =	ssyncadd.s32 $0xFFFFE000  }
0x45: {  	[spmem:s4] =	stream.indirect.scatter.add.f32 [tilespmem:s30], [sflag:$0x2], $0x40, s16, s29, $0xb8;
	[tilespmem:$0x1A000] =	vst v63  }
0x46: {  	_ = 	snop  }
0x47: {  	[spmem:s5] =	stream.indirect.scatter.add.f32 [tilespmem:s28], [sflag:$0x2], $0x10, s16, s29, $0xb8;
	[tilespmem:$0x1A000] =	vst v63  }
0x48: {  	s14 =	simm.s32 $0x2880  }
0x49: {  	[spmem:s4] =	stream.indirect.scatter.add.f32 [tilespmem:s31], [sflag:$0x2], $0x40, s14, s29, $0xb8;
	[tilespmem:$0x1A000] =	vst v63  }
0x4a: {  	_ = 	snop  }
0x4b: {  	[spmem:s5] =	stream.indirect.scatter.add.f32 [tilespmem:s28], [sflag:$0x2], $0x10, s14, s29, $0xb8;
	[tilespmem:$0x1A000] =	vst v63  }
0x4c: {  	s15 =	simm.s32 $0x2900  }
0x4d: {  	[spmem:s4] =	stream.indirect.scatter.add.f32 [tilespmem:s2], [sflag:$0x2], $0x40, s15, s29, $0xb8;
	[tilespmem:$0x1A000] =	vst v63  }
0x4e: {  	_ = 	snop  }
0x4f: {  	[spmem:s5] =	stream.indirect.scatter.add.f32 [tilespmem:s28], [sflag:$0x2], $0x10, s15, s29, $0xb8;
	[tilespmem:$0x1A000] =	vst v63  }
0x50: {  	s16 =	simm.s32 $0x2980  }
0x51: {  	[spmem:s4] =	stream.indirect.scatter.add.f32 [tilespmem:s0], [sflag:$0x2], $0x40, s16, s29, $0xb8;
	[tilespmem:$0x1A000] =	vst v63  }
0x52: {  	_ = 	snop  }
0x53: {  	[spmem:s5] =	stream.indirect.scatter.add.f32 [tilespmem:s28], [sflag:$0x2], $0x10, s16, s29, $0xb8;
	[tilespmem:$0x1A000] =	vst v63  }
0x54: {  	_ =	swait.ge [sflag:s3], $0x2000  }
0x55: {  	[sflag:s3] =	ssyncset.done $0x0  }
0x56: {  	[sflag:s3] =	ssyncadd.s32 $0xFFFFE000  }
0x57: {  	_ =	swait.ge [sflag:s3], $0x800  }
0x58: {  	[sflag:s3] =	ssyncset.done $0x0  }
0x59: {  	[sflag:s3] =	ssyncadd.s32 $0xFFFFF800  }
0x5a: {  	_ =	swait.ge [sflag:s3], $0x2000  }
0x5b: {  	[sflag:s3] =	ssyncset.done $0x0  }
0x5c: {  	[sflag:s3] =	ssyncadd.s32 $0xFFFFE000  }
0x5d: {  	_ =	swait.ge [sflag:s3], $0x800  }
0x5e: {  	[sflag:s3] =	ssyncset.done $0x0  }
0x5f: {  	[sflag:s3] =	ssyncadd.s32 $0xFFFFF800  }
0x60: {  	_ =	swait.ge [sflag:s3], $0x2000  }
0x61: {  	[sflag:s3] =	ssyncset.done $0x0  }
0x62: {  	[sflag:s3] =	ssyncadd.s32 $0xFFFFE000  }
0x63: {  	_ =	swait.ge [sflag:s3], $0x800  }
0x64: {  	[sflag:s3] =	ssyncset.done $0x0  }
0x65: {  	[sflag:s3] =	ssyncadd.s32 $0xFFFFF800  }
0x66: {  	_ =	swait.ge [sflag:s3], $0x2000  }
0x67: {  	[sflag:s3] =	ssyncset.done $0x0  }
0x68: {  	[sflag:s3] =	ssyncadd.s32 $0xFFFFE000  }
0x69: {  	_ =	swait.ge [sflag:s3], $0x800  }
0x6a: {  	s13 =	simm.s32 $0x800;
	s14 =	simm.s32 $0x1000;
	[sflag:s3] =	ssyncset.done $0x0  }
.LBB2_2:
0x6b: {  	s15 =	sshra.s32 s13, $0x2  }
0x6c: {  	[sflag:s3] =	ssyncadd.s32 $0xFFFFF800;
	s13 =	smov.u32 s14;
	s16 =	sadd.s32 $0x800, s14  }
0x6d: {  	[tilespmem:s30], [sflag:$0x1] =	stream.indirect.gather [hbm4b:s7+s29], $0x40, s15, s29, $0xb8;
	[tilespmem:$0x1A000] =	vst v63  }
0x6e: {  	p0 =	sne.s32 s14, $0x9800;
	s14 =	sadd.s32 $0x80, s15  }
0x6f: {  	[tilespmem:s31], [sflag:$0x1] =	stream.indirect.gather [hbm4b:s7+s29], $0x40, s14, s29, $0xb8;
	[tilespmem:$0x1A000] =	vst v63  }
0x70: {  	s14 =	sadd.s32 $0x100, s15  }
0x71: {  	[tilespmem:s2], [sflag:$0x1] =	stream.indirect.gather [hbm4b:s7+s29], $0x40, s14, s29, $0xb8;
	[tilespmem:$0x1A000] =	vst v63  }
0x72: {  	s14 =	sadd.s32 $0x180, s15  }
0x73: {  	[tilespmem:s0], [sflag:$0x1] =	stream.indirect.gather [hbm4b:s7+s29], $0x40, s14, s29, $0xb8;
	[tilespmem:$0x1A000] =	vst v63  }
0x74: {  	_ =	swait.ge [sflag:s1], $0x2000  }
0x75: {  	[sflag:s1] =	ssyncset.done $0x0  }
0x76: {  	[sflag:s1] =	ssyncadd.s32 $0xFFFFE000  }
0x77: {  	_ =	swait.ge [sflag:s1], $0x2000  }
0x78: {  	[sflag:s1] =	ssyncset.done $0x0  }
0x79: {  	[sflag:s1] =	ssyncadd.s32 $0xFFFFE000  }
0x7a: {  	_ =	swait.ge [sflag:s1], $0x2000  }
0x7b: {  	[sflag:s1] =	ssyncset.done $0x0  }
0x7c: {  	[sflag:s1] =	ssyncadd.s32 $0xFFFFE000  }
0x7d: {  	_ =	swait.ge [sflag:s1], $0x2000  }
0x7e: {  	[sflag:s1] =	ssyncset.done $0x0  }
0x7f: {  	s14 =	sadd.s32 $0x2800, s15;
	[sflag:s1] =	ssyncadd.s32 $0xFFFFE000  }
0x80: {  	[spmem:s4] =	stream.indirect.scatter.add.f32 [tilespmem:s30], [sflag:$0x2], $0x40, s14, s29, $0xb8;
	[tilespmem:$0x1A000] =	vst v63  }
0x81: {  	_ = 	snop  }
0x82: {  	[spmem:s5] =	stream.indirect.scatter.add.f32 [tilespmem:s28], [sflag:$0x2], $0x10, s14, s29, $0xb8;
	[tilespmem:$0x1A000] =	vst v63  }
0x83: {  	s14 =	sadd.s32 $0x2880, s15  }
0x84: {  	[spmem:s4] =	stream.indirect.scatter.add.f32 [tilespmem:s31], [sflag:$0x2], $0x40, s14, s29, $0xb8;
	[tilespmem:$0x1A000] =	vst v63  }
0x85: {  	_ = 	snop  }
0x86: {  	[spmem:s5] =	stream.indirect.scatter.add.f32 [tilespmem:s28], [sflag:$0x2], $0x10, s14, s29, $0xb8;
	[tilespmem:$0x1A000] =	vst v63  }
0x87: {  	s14 =	sadd.s32 $0x2900, s15  }
0x88: {  	[spmem:s4] =	stream.indirect.scatter.add.f32 [tilespmem:s2], [sflag:$0x2], $0x40, s14, s29, $0xb8;
	[tilespmem:$0x1A000] =	vst v63  }
0x89: {  	_ = 	snop  }
0x8a: {  	[spmem:s5] =	stream.indirect.scatter.add.f32 [tilespmem:s28], [sflag:$0x2], $0x10, s14, s29, $0xb8;
	[tilespmem:$0x1A000] =	vst v63  }
0x8b: {  	s14 =	sadd.s32 $0x2980, s15  }
0x8c: {  	[spmem:s4] =	stream.indirect.scatter.add.f32 [tilespmem:s0], [sflag:$0x2], $0x40, s14, s29, $0xb8;
	[tilespmem:$0x1A000] =	vst v63  }
0x8d: {  	_ = 	snop  }
0x8e: {  	[spmem:s5] =	stream.indirect.scatter.add.f32 [tilespmem:s28], [sflag:$0x2], $0x10, s14, s29, $0xb8;
	[tilespmem:$0x1A000] =	vst v63  }
0x8f: {  	_ =	swait.ge [sflag:s3], $0x2000  }
0x90: {  	[sflag:s3] =	ssyncset.done $0x0  }
0x91: {  	[sflag:s3] =	ssyncadd.s32 $0xFFFFE000  }
0x92: {  	_ =	swait.ge [sflag:s3], $0x800  }
0x93: {  	[sflag:s3] =	ssyncset.done $0x0  }
0x94: {  	[sflag:s3] =	ssyncadd.s32 $0xFFFFF800  }
0x95: {  	_ =	swait.ge [sflag:s3], $0x2000  }
0x96: {  	[sflag:s3] =	ssyncset.done $0x0  }
0x97: {  	[sflag:s3] =	ssyncadd.s32 $0xFFFFE000  }
0x98: {  	_ =	swait.ge [sflag:s3], $0x800  }
0x99: {  	[sflag:s3] =	ssyncset.done $0x0  }
0x9a: {  	[sflag:s3] =	ssyncadd.s32 $0xFFFFF800  }
0x9b: {  	_ =	swait.ge [sflag:s3], $0x2000  }
0x9c: {  	[sflag:s3] =	ssyncset.done $0x0  }
0x9d: {  	[sflag:s3] =	ssyncadd.s32 $0xFFFFE000  }
0x9e: {  	_ =	swait.ge [sflag:s3], $0x800  }
0x9f: {  	[sflag:s3] =	ssyncset.done $0x0  }
0xa0: {  	[sflag:s3] =	ssyncadd.s32 $0xFFFFF800  }
.Ltmp0:
0xa1: {  	_ =	swait.ge [sflag:s3], $0x2000;
	(pc) =	sbr.rel @p0 .LBB2_2-.Ltmp0, $4  }
0xa2: {  	[sflag:s3] =	ssyncset.done $0x0  }
0xa3: {  	[sflag:s3] =	ssyncadd.s32 $0xFFFFE000  }
0xa4: {  	_ =	swait.ge [sflag:s3], $0x800  }
0xa5: {  	s14 =	smov.u32 s16;
	[sflag:s3] =	ssyncset.done $0x0  }
0xa6: {  	s13 =	sshra.s32 s13, $0x2;
	[sflag:s3] =	ssyncadd.s32 $0xFFFFF800  }
0xa7: {  	[tilespmem:s30], [sflag:$0x1] =	stream.indirect.gather [hbm4b:s7+s29], $0x40, s13, s29, $0xb8;
	[tilespmem:$0x1A000] =	vst v63  }
0xa8: {  	s14 =	sadd.s32 $0x80, s13  }
0xa9: {  	[tilespmem:s31], [sflag:$0x1] =	stream.indirect.gather [hbm4b:s7+s29], $0x40, s14, s29, $0xb8;
	[tilespmem:$0x1A000] =	vst v63  }
0xaa: {  	s16 =	sadd.s32 $0x100, s13  }
0xab: {  	[tilespmem:s2], [sflag:$0x1] =	stream.indirect.gather [hbm4b:s7+s29], $0x40, s16, s29, $0xb8;
	[tilespmem:$0x1A000] =	vst v63  }
0xac: {  	s15 =	sadd.s32 $0x180, s13  }
0xad: {  	[tilespmem:s0], [sflag:$0x1] =	stream.indirect.gather [hbm4b:s7+s29], $0x40, s15, s29, $0xb8;
	[tilespmem:$0x1A000] =	vst v63  }
0xae: {  	_ =	swait.ge [sflag:s1], $0x2000  }
0xaf: {  	[sflag:s1] =	ssyncset.done $0x0  }
0xb0: {  	[sflag:s1] =	ssyncadd.s32 $0xFFFFE000  }
0xb1: {  	_ =	swait.ge [sflag:s1], $0x2000  }
0xb2: {  	[sflag:s1] =	ssyncset.done $0x0  }
0xb3: {  	[sflag:s1] =	ssyncadd.s32 $0xFFFFE000  }
0xb4: {  	_ =	swait.ge [sflag:s1], $0x2000  }
0xb5: {  	[sflag:s1] =	ssyncset.done $0x0  }
0xb6: {  	[sflag:s1] =	ssyncadd.s32 $0xFFFFE000  }
0xb7: {  	_ =	swait.ge [sflag:s1], $0x2000  }
0xb8: {  	[sflag:s1] =	ssyncset.done $0x0  }
0xb9: {  	s16 =	sadd.s32 $0x2800, s13;
	[sflag:s1] =	ssyncadd.s32 $0xFFFFE000  }
0xba: {  	[spmem:s4] =	stream.indirect.scatter.add.f32 [tilespmem:s30], [sflag:$0x2], $0x40, s16, s29, $0xb8;
	[tilespmem:$0x1A000] =	vst v63  }
0xbb: {  	_ = 	snop  }
0xbc: {  	[spmem:s5] =	stream.indirect.scatter.add.f32 [tilespmem:s28], [sflag:$0x2], $0x10, s16, s29, $0xb8;
	[tilespmem:$0x1A000] =	vst v63  }
0xbd: {  	s15 =	sadd.s32 $0x2880, s13  }
0xbe: {  	[spmem:s4] =	stream.indirect.scatter.add.f32 [tilespmem:s31], [sflag:$0x2], $0x40, s15, s29, $0xb8;
	[tilespmem:$0x1A000] =	vst v63  }
0xbf: {  	_ = 	snop  }
0xc0: {  	[spmem:s5] =	stream.indirect.scatter.add.f32 [tilespmem:s28], [sflag:$0x2], $0x10, s15, s29, $0xb8;
	[tilespmem:$0x1A000] =	vst v63  }
0xc1: {  	s16 =	sadd.s32 $0x2900, s13  }
0xc2: {  	[spmem:s4] =	stream.indirect.scatter.add.f32 [tilespmem:s2], [sflag:$0x2], $0x40, s16, s29, $0xb8;
	[tilespmem:$0x1A000] =	vst v63  }
0xc3: {  	_ = 	snop  }
0xc4: {  	[spmem:s5] =	stream.indirect.scatter.add.f32 [tilespmem:s28], [sflag:$0x2], $0x10, s16, s29, $0xb8;
	[tilespmem:$0x1A000] =	vst v63  }
0xc5: {  	s13 =	sadd.s32 $0x2980, s13  }
0xc6: {  	[spmem:s4] =	stream.indirect.scatter.add.f32 [tilespmem:s0], [sflag:$0x2], $0x40, s13, s29, $0xb8;
	[tilespmem:$0x1A000] =	vst v63  }
0xc7: {  	_ = 	snop  }
0xc8: {  	[spmem:s5] =	stream.indirect.scatter.add.f32 [tilespmem:s28], [sflag:$0x2], $0x10, s13, s29, $0xb8;
	[tilespmem:$0x1A000] =	vst v63  }
0xc9: {  	_ =	swait.ge [sflag:s3], $0x2000  }
0xca: {  	[sflag:s3] =	ssyncset.done $0x0  }
0xcb: {  	[sflag:s3] =	ssyncadd.s32 $0xFFFFE000  }
0xcc: {  	_ =	swait.ge [sflag:s3], $0x800  }
0xcd: {  	[sflag:s3] =	ssyncset.done $0x0  }
0xce: {  	[sflag:s3] =	ssyncadd.s32 $0xFFFFF800  }
0xcf: {  	_ =	swait.ge [sflag:s3], $0x2000  }
0xd0: {  	[sflag:s3] =	ssyncset.done $0x0  }
0xd1: {  	[sflag:s3] =	ssyncadd.s32 $0xFFFFE000  }
0xd2: {  	_ =	swait.ge [sflag:s3], $0x800  }
0xd3: {  	[sflag:s3] =	ssyncset.done $0x0  }
0xd4: {  	[sflag:s3] =	ssyncadd.s32 $0xFFFFF800  }
0xd5: {  	_ =	swait.ge [sflag:s3], $0x2000  }
0xd6: {  	[sflag:s3] =	ssyncset.done $0x0  }
0xd7: {  	[sflag:s3] =	ssyncadd.s32 $0xFFFFE000  }
0xd8: {  	_ =	swait.ge [sflag:s3], $0x800  }
0xd9: {  	[sflag:s3] =	ssyncset.done $0x0  }
0xda: {  	[sflag:s3] =	ssyncadd.s32 $0xFFFFF800  }
0xdb: {  	_ =	swait.ge [sflag:s3], $0x2000  }
0xdc: {  	[sflag:s3] =	ssyncset.done $0x0  }
0xdd: {  	[sflag:s3] =	ssyncadd.s32 $0xFFFFE000  }
0xde: {  	_ =	swait.ge [sflag:s3], $0x800  }
0xdf: {  	[sflag:s3] =	ssyncset.done $0x0  }
0xe0: {  	[sflag:s3] =	ssyncadd.s32 $0xFFFFF800  }
0xe1: {  	[bflag:$0x0] =	sbarrier.arrive $0xFFFF  }
0xe2: {  	s14 =	rddreg [dreg:$0xa]  }
0xe3: {  	[hbm:s14], [sflag:s10] =	dma.local [spmem:s11], $0x1400  }
0xe4: {  	_ =	swait.ge [sflag:s25], $0x1400  }
0xe5: {  	[sflag:s25] =	ssyncset.done $0x0  }
0xe6: {  	[sflag:s25] =	ssyncadd.s32 $0xFFFFEC00  }
0xe7: {  	[spmem:s11], [sflag:s10] =	dma.local [hbm:s8], $0x1400  }
0xe8: {  	_ =	swait.ge [sflag:s25], $0x1400  }
0xe9: {  	[sflag:s25] =	ssyncset.done $0x0  }
0xea: {  	[sflag:s25] =	ssyncadd.s32 $0xFFFFEC00  }
0xeb: {  	[bflag:$0x0] =	sbarrier.arrive $0xFFFF  }
0xec: {  	s13 =	simm.s32 $0x0;
	s15 =	rddreg [dreg:$0xb]  }
0xed: {  	[tilespmem:s13], [sflag:$0x3] =	stream.linear.gather [hbm4b:s15+s13], $0x2800, $0x38;
	[tilespmem:$0x1A000] =	vst v63  }
0xee: {  	_ =	swait.ge [sflag:s25], $0x2800  }
0xef: {  	[sflag:s25] =	ssyncset.done $0x0  }
0xf0: {  	s16 =	rddreg [dreg:$0xc];
	[sflag:s25] =	ssyncadd.s32 $0xFFFFD800  }
0xf1: {  	[tilespmem:s26], [sflag:$0x3] =	stream.linear.gather [hbm4b:s16+s13], $0x2800, $0x38;
	[tilespmem:$0x1A000] =	vst v63  }
0xf2: {  	_ =	swait.ge [sflag:s25], $0x2800  }
0xf3: {  	[sflag:s25] =	ssyncset.done $0x0  }
0xf4: {  	[sflag:s25] =	ssyncadd.s32 $0xFFFFD800  }
0xf5: {  	[tilespmem:s28], [sflag:$0x3] =	stream.linear.gather [hbm4b:s17+s13], $0x800, $0x38;
	[tilespmem:$0x1A000] =	vst v63  }
0xf6: {  	_ =	swait.ge [sflag:s25], $0x800  }
0xf7: {  	[sflag:s25] =	ssyncset.done $0x0  }
0xf8: {  	s15 =	simm.s32 $0x0;
	[sflag:s25] =	ssyncadd.s32 $0xFFFFF800  }
0xf9: {  	[tilespmem:s30], [sflag:$0x1] =	stream.indirect.gather [hbm4b:s7+s29], $0x40, s15, s29, $0xb8;
	[tilespmem:$0x1A000] =	vst v63  }
0xfa: {  	s16 =	simm.s32 $0x80  }
0xfb: {  	[tilespmem:s31], [sflag:$0x1] =	stream.indirect.gather [hbm4b:s7+s29], $0x40, s16, s29, $0xb8;
	[tilespmem:$0x1A000] =	vst v63  }
0xfc: {  	s14 =	simm.s32 $0x100  }
0xfd: {  	[tilespmem:s2], [sflag:$0x1] =	stream.indirect.gather [hbm4b:s7+s29], $0x40, s14, s29, $0xb8;
	[tilespmem:$0x1A000] =	vst v63  }
0xfe: {  	s15 =	simm.s32 $0x180  }
0xff: {  	[tilespmem:s0], [sflag:$0x1] =	stream.indirect.gather [hbm4b:s7+s29], $0x40, s15, s29, $0xb8;
	[tilespmem:$0x1A000] =	vst v63  }
0x100: {  	_ =	swait.ge [sflag:s1], $0x2000  }
0x101: {  	[sflag:s1] =	ssyncset.done $0x0  }
0x102: {  	[sflag:s1] =	ssyncadd.s32 $0xFFFFE000  }
0x103: {  	_ =	swait.ge [sflag:s1], $0x2000  }
0x104: {  	[sflag:s1] =	ssyncset.done $0x0  }
0x105: {  	[sflag:s1] =	ssyncadd.s32 $0xFFFFE000  }
0x106: {  	_ =	swait.ge [sflag:s1], $0x2000  }
0x107: {  	[sflag:s1] =	ssyncset.done $0x0  }
0x108: {  	[sflag:s1] =	ssyncadd.s32 $0xFFFFE000  }
0x109: {  	_ =	swait.ge [sflag:s1], $0x2000  }
0x10a: {  	[sflag:s1] =	ssyncset.done $0x0  }
0x10b: {  	s16 =	simm.s32 $0x2800;
	[sflag:s1] =	ssyncadd.s32 $0xFFFFE000  }
0x10c: {  	[spmem:s4] =	stream.indirect.scatter.add.f32 [tilespmem:s30], [sflag:$0x2], $0x40, s16, s29, $0xb8;
	[tilespmem:$0x1A000] =	vst v63  }
0x10d: {  	_ = 	snop  }
0x10e: {  	[spmem:s5] =	stream.indirect.scatter.add.f32 [tilespmem:s28], [sflag:$0x2], $0x10, s16, s29, $0xb8;
	[tilespmem:$0x1A000] =	vst v63  }
0x10f: {  	s14 =	simm.s32 $0x2880  }
0x110: {  	[spmem:s4] =	stream.indirect.scatter.add.f32 [tilespmem:s31], [sflag:$0x2], $0x40, s14, s29, $0xb8;
	[tilespmem:$0x1A000] =	vst v63  }
0x111: {  	_ = 	snop  }
0x112: {  	[spmem:s5] =	stream.indirect.scatter.add.f32 [tilespmem:s28], [sflag:$0x2], $0x10, s14, s29, $0xb8;
	[tilespmem:$0x1A000] =	vst v63  }
0x113: {  	s15 =	simm.s32 $0x2900  }
0x114: {  	[spmem:s4] =	stream.indirect.scatter.add.f32 [tilespmem:s2], [sflag:$0x2], $0x40, s15, s29, $0xb8;
	[tilespmem:$0x1A000] =	vst v63  }
0x115: {  	_ = 	snop  }
0x116: {  	[spmem:s5] =	stream.indirect.scatter.add.f32 [tilespmem:s28], [sflag:$0x2], $0x10, s15, s29, $0xb8;
	[tilespmem:$0x1A000] =	vst v63  }
0x117: {  	s16 =	simm.s32 $0x2980  }
0x118: {  	[spmem:s4] =	stream.indirect.scatter.add.f32 [tilespmem:s0], [sflag:$0x2], $0x40, s16, s29, $0xb8;
	[tilespmem:$0x1A000] =	vst v63  }
0x119: {  	_ = 	snop  }
0x11a: {  	[spmem:s5] =	stream.indirect.scatter.add.f32 [tilespmem:s28], [sflag:$0x2], $0x10, s16, s29, $0xb8;
	[tilespmem:$0x1A000] =	vst v63  }
0x11b: {  	_ =	swait.ge [sflag:s3], $0x2000  }
0x11c: {  	[sflag:s3] =	ssyncset.done $0x0  }
0x11d: {  	[sflag:s3] =	ssyncadd.s32 $0xFFFFE000  }
0x11e: {  	_ =	swait.ge [sflag:s3], $0x800  }
0x11f: {  	[sflag:s3] =	ssyncset.done $0x0  }
0x120: {  	[sflag:s3] =	ssyncadd.s32 $0xFFFFF800  }
0x121: {  	_ =	swait.ge [sflag:s3], $0x2000  }
0x122: {  	[sflag:s3] =	ssyncset.done $0x0  }
0x123: {  	[sflag:s3] =	ssyncadd.s32 $0xFFFFE000  }
0x124: {  	_ =	swait.ge [sflag:s3], $0x800  }
0x125: {  	[sflag:s3] =	ssyncset.done $0x0  }
0x126: {  	[sflag:s3] =	ssyncadd.s32 $0xFFFFF800  }
0x127: {  	_ =	swait.ge [sflag:s3], $0x2000  }
0x128: {  	[sflag:s3] =	ssyncset.done $0x0  }
0x129: {  	[sflag:s3] =	ssyncadd.s32 $0xFFFFE000  }
0x12a: {  	_ =	swait.ge [sflag:s3], $0x800  }
0x12b: {  	[sflag:s3] =	ssyncset.done $0x0  }
0x12c: {  	[sflag:s3] =	ssyncadd.s32 $0xFFFFF800  }
0x12d: {  	_ =	swait.ge [sflag:s3], $0x2000  }
0x12e: {  	[sflag:s3] =	ssyncset.done $0x0  }
0x12f: {  	[sflag:s3] =	ssyncadd.s32 $0xFFFFE000  }
0x130: {  	_ =	swait.ge [sflag:s3], $0x800  }
0x131: {  	s13 =	simm.s32 $0x800;
	s16 =	simm.s32 $0x1000;
	[sflag:s3] =	ssyncset.done $0x0  }
.LBB2_4:
0x132: {  	s15 =	sshra.s32 s13, $0x2  }
0x133: {  	[sflag:s3] =	ssyncadd.s32 $0xFFFFF800;
	s13 =	smov.u32 s16;
	s14 =	sadd.s32 $0x800, s16  }
0x134: {  	[tilespmem:s30], [sflag:$0x1] =	stream.indirect.gather [hbm4b:s7+s29], $0x40, s15, s29, $0xb8;
	[tilespmem:$0x1A000] =	vst v63  }
0x135: {  	p0 =	sne.s32 s16, $0x9800;
	s16 =	sadd.s32 $0x80, s15  }
0x136: {  	[tilespmem:s31], [sflag:$0x1] =	stream.indirect.gather [hbm4b:s7+s29], $0x40, s16, s29, $0xb8;
	[tilespmem:$0x1A000] =	vst v63  }
0x137: {  	s16 =	sadd.s32 $0x100, s15  }
0x138: {  	[tilespmem:s2], [sflag:$0x1] =	stream.indirect.gather [hbm4b:s7+s29], $0x40, s16, s29, $0xb8;
	[tilespmem:$0x1A000] =	vst v63  }
0x139: {  	s16 =	sadd.s32 $0x180, s15  }
0x13a: {  	[tilespmem:s0], [sflag:$0x1] =	stream.indirect.gather [hbm4b:s7+s29], $0x40, s16, s29, $0xb8;
	[tilespmem:$0x1A000] =	vst v63  }
0x13b: {  	_ =	swait.ge [sflag:s1], $0x2000  }
0x13c: {  	[sflag:s1] =	ssyncset.done $0x0  }
0x13d: {  	[sflag:s1] =	ssyncadd.s32 $0xFFFFE000  }
0x13e: {  	_ =	swait.ge [sflag:s1], $0x2000  }
0x13f: {  	[sflag:s1] =	ssyncset.done $0x0  }
0x140: {  	[sflag:s1] =	ssyncadd.s32 $0xFFFFE000  }
0x141: {  	_ =	swait.ge [sflag:s1], $0x2000  }
0x142: {  	[sflag:s1] =	ssyncset.done $0x0  }
0x143: {  	[sflag:s1] =	ssyncadd.s32 $0xFFFFE000  }
0x144: {  	_ =	swait.ge [sflag:s1], $0x2000  }
0x145: {  	[sflag:s1] =	ssyncset.done $0x0  }
0x146: {  	s16 =	sadd.s32 $0x2800, s15;
	[sflag:s1] =	ssyncadd.s32 $0xFFFFE000  }
0x147: {  	[spmem:s4] =	stream.indirect.scatter.add.f32 [tilespmem:s30], [sflag:$0x2], $0x40, s16, s29, $0xb8;
	[tilespmem:$0x1A000] =	vst v63  }
0x148: {  	_ = 	snop  }
0x149: {  	[spmem:s5] =	stream.indirect.scatter.add.f32 [tilespmem:s28], [sflag:$0x2], $0x10, s16, s29, $0xb8;
	[tilespmem:$0x1A000] =	vst v63  }
0x14a: {  	s16 =	sadd.s32 $0x2880, s15  }
0x14b: {  	[spmem:s4] =	stream.indirect.scatter.add.f32 [tilespmem:s31], [sflag:$0x2], $0x40, s16, s29, $0xb8;
	[tilespmem:$0x1A000] =	vst v63  }
0x14c: {  	_ = 	snop  }
0x14d: {  	[spmem:s5] =	stream.indirect.scatter.add.f32 [tilespmem:s28], [sflag:$0x2], $0x10, s16, s29, $0xb8;
	[tilespmem:$0x1A000] =	vst v63  }
0x14e: {  	s16 =	sadd.s32 $0x2900, s15  }
0x14f: {  	[spmem:s4] =	stream.indirect.scatter.add.f32 [tilespmem:s2], [sflag:$0x2], $0x40, s16, s29, $0xb8;
	[tilespmem:$0x1A000] =	vst v63  }
0x150: {  	_ = 	snop  }
0x151: {  	[spmem:s5] =	stream.indirect.scatter.add.f32 [tilespmem:s28], [sflag:$0x2], $0x10, s16, s29, $0xb8;
	[tilespmem:$0x1A000] =	vst v63  }
0x152: {  	s15 =	sadd.s32 $0x2980, s15  }
0x153: {  	[spmem:s4] =	stream.indirect.scatter.add.f32 [tilespmem:s0], [sflag:$0x2], $0x40, s15, s29, $0xb8;
	[tilespmem:$0x1A000] =	vst v63  }
0x154: {  	_ = 	snop  }
0x155: {  	[spmem:s5] =	stream.indirect.scatter.add.f32 [tilespmem:s28], [sflag:$0x2], $0x10, s15, s29, $0xb8;
	[tilespmem:$0x1A000] =	vst v63  }
0x156: {  	_ =	swait.ge [sflag:s3], $0x2000  }
0x157: {  	[sflag:s3] =	ssyncset.done $0x0  }
0x158: {  	[sflag:s3] =	ssyncadd.s32 $0xFFFFE000  }
0x159: {  	_ =	swait.ge [sflag:s3], $0x800  }
0x15a: {  	[sflag:s3] =	ssyncset.done $0x0  }
0x15b: {  	[sflag:s3] =	ssyncadd.s32 $0xFFFFF800  }
0x15c: {  	_ =	swait.ge [sflag:s3], $0x2000  }
0x15d: {  	[sflag:s3] =	ssyncset.done $0x0  }
0x15e: {  	[sflag:s3] =	ssyncadd.s32 $0xFFFFE000  }
0x15f: {  	_ =	swait.ge [sflag:s3], $0x800  }
0x160: {  	[sflag:s3] =	ssyncset.done $0x0  }
0x161: {  	[sflag:s3] =	ssyncadd.s32 $0xFFFFF800  }
0x162: {  	_ =	swait.ge [sflag:s3], $0x2000  }
0x163: {  	[sflag:s3] =	ssyncset.done $0x0  }
0x164: {  	[sflag:s3] =	ssyncadd.s32 $0xFFFFE000  }
0x165: {  	_ =	swait.ge [sflag:s3], $0x800  }
0x166: {  	[sflag:s3] =	ssyncset.done $0x0  }
0x167: {  	[sflag:s3] =	ssyncadd.s32 $0xFFFFF800  }
.Ltmp1:
0x168: {  	_ =	swait.ge [sflag:s3], $0x2000;
	(pc) =	sbr.rel @p0 .LBB2_4-.Ltmp1, $4  }
0x169: {  	[sflag:s3] =	ssyncset.done $0x0  }
0x16a: {  	[sflag:s3] =	ssyncadd.s32 $0xFFFFE000  }
0x16b: {  	_ =	swait.ge [sflag:s3], $0x800  }
0x16c: {  	s16 =	smov.u32 s14;
	[sflag:s3] =	ssyncset.done $0x0  }
0x16d: {  	s13 =	sshra.s32 s13, $0x2;
	[sflag:s3] =	ssyncadd.s32 $0xFFFFF800  }
0x16e: {  	[tilespmem:s30], [sflag:$0x1] =	stream.indirect.gather [hbm4b:s7+s29], $0x40, s13, s29, $0xb8;
	[tilespmem:$0x1A000] =	vst v63  }
0x16f: {  	s14 =	sadd.s32 $0x80, s13  }
0x170: {  	[tilespmem:s31], [sflag:$0x1] =	stream.indirect.gather [hbm4b:s7+s29], $0x40, s14, s29, $0xb8;
	[tilespmem:$0x1A000] =	vst v63  }
0x171: {  	s16 =	sadd.s32 $0x100, s13  }
0x172: {  	[tilespmem:s2], [sflag:$0x1] =	stream.indirect.gather [hbm4b:s7+s29], $0x40, s16, s29, $0xb8;
	[tilespmem:$0x1A000] =	vst v63  }
0x173: {  	s15 =	sadd.s32 $0x180, s13  }
0x174: {  	[tilespmem:s0], [sflag:$0x1] =	stream.indirect.gather [hbm4b:s7+s29], $0x40, s15, s29, $0xb8;
	[tilespmem:$0x1A000] =	vst v63  }
0x175: {  	_ =	swait.ge [sflag:s1], $0x2000  }
0x176: {  	[sflag:s1] =	ssyncset.done $0x0  }
0x177: {  	[sflag:s1] =	ssyncadd.s32 $0xFFFFE000  }
0x178: {  	_ =	swait.ge [sflag:s1], $0x2000  }
0x179: {  	[sflag:s1] =	ssyncset.done $0x0  }
0x17a: {  	[sflag:s1] =	ssyncadd.s32 $0xFFFFE000  }
0x17b: {  	_ =	swait.ge [sflag:s1], $0x2000  }
0x17c: {  	[sflag:s1] =	ssyncset.done $0x0  }
0x17d: {  	[sflag:s1] =	ssyncadd.s32 $0xFFFFE000  }
0x17e: {  	_ =	swait.ge [sflag:s1], $0x2000  }
0x17f: {  	[sflag:s1] =	ssyncset.done $0x0  }
0x180: {  	s16 =	sadd.s32 $0x2800, s13;
	[sflag:s1] =	ssyncadd.s32 $0xFFFFE000  }
0x181: {  	[spmem:s4] =	stream.indirect.scatter.add.f32 [tilespmem:s30], [sflag:$0x2], $0x40, s16, s29, $0xb8;
	[tilespmem:$0x1A000] =	vst v63  }
0x182: {  	_ = 	snop  }
0x183: {  	[spmem:s5] =	stream.indirect.scatter.add.f32 [tilespmem:s28], [sflag:$0x2], $0x10, s16, s29, $0xb8;
	[tilespmem:$0x1A000] =	vst v63  }
0x184: {  	s15 =	sadd.s32 $0x2880, s13  }
0x185: {  	[spmem:s4] =	stream.indirect.scatter.add.f32 [tilespmem:s31], [sflag:$0x2], $0x40, s15, s29, $0xb8;
	[tilespmem:$0x1A000] =	vst v63  }
0x186: {  	_ = 	snop  }
0x187: {  	[spmem:s5] =	stream.indirect.scatter.add.f32 [tilespmem:s28], [sflag:$0x2], $0x10, s15, s29, $0xb8;
	[tilespmem:$0x1A000] =	vst v63  }
0x188: {  	s16 =	sadd.s32 $0x2900, s13  }
0x189: {  	[spmem:s4] =	stream.indirect.scatter.add.f32 [tilespmem:s2], [sflag:$0x2], $0x40, s16, s29, $0xb8;
	[tilespmem:$0x1A000] =	vst v63  }
0x18a: {  	_ = 	snop  }
0x18b: {  	[spmem:s5] =	stream.indirect.scatter.add.f32 [tilespmem:s28], [sflag:$0x2], $0x10, s16, s29, $0xb8;
	[tilespmem:$0x1A000] =	vst v63  }
0x18c: {  	s13 =	sadd.s32 $0x2980, s13  }
0x18d: {  	[spmem:s4] =	stream.indirect.scatter.add.f32 [tilespmem:s0], [sflag:$0x2], $0x40, s13, s29, $0xb8;
	[tilespmem:$0x1A000] =	vst v63  }
0x18e: {  	_ = 	snop  }
0x18f: {  	[spmem:s5] =	stream.indirect.scatter.add.f32 [tilespmem:s28], [sflag:$0x2], $0x10, s13, s29, $0xb8;
	[tilespmem:$0x1A000] =	vst v63  }
0x190: {  	_ =	swait.ge [sflag:s3], $0x2000  }
0x191: {  	[sflag:s3] =	ssyncset.done $0x0  }
0x192: {  	[sflag:s3] =	ssyncadd.s32 $0xFFFFE000  }
0x193: {  	_ =	swait.ge [sflag:s3], $0x800  }
0x194: {  	[sflag:s3] =	ssyncset.done $0x0  }
0x195: {  	[sflag:s3] =	ssyncadd.s32 $0xFFFFF800  }
0x196: {  	_ =	swait.ge [sflag:s3], $0x2000  }
0x197: {  	[sflag:s3] =	ssyncset.done $0x0  }
0x198: {  	[sflag:s3] =	ssyncadd.s32 $0xFFFFE000  }
0x199: {  	_ =	swait.ge [sflag:s3], $0x800  }
0x19a: {  	[sflag:s3] =	ssyncset.done $0x0  }
0x19b: {  	[sflag:s3] =	ssyncadd.s32 $0xFFFFF800  }
0x19c: {  	_ =	swait.ge [sflag:s3], $0x2000  }
0x19d: {  	[sflag:s3] =	ssyncset.done $0x0  }
0x19e: {  	[sflag:s3] =	ssyncadd.s32 $0xFFFFE000  }
0x19f: {  	_ =	swait.ge [sflag:s3], $0x800  }
0x1a0: {  	[sflag:s3] =	ssyncset.done $0x0  }
0x1a1: {  	[sflag:s3] =	ssyncadd.s32 $0xFFFFF800  }
0x1a2: {  	_ =	swait.ge [sflag:s3], $0x2000  }
0x1a3: {  	[sflag:s3] =	ssyncset.done $0x0  }
0x1a4: {  	[sflag:s3] =	ssyncadd.s32 $0xFFFFE000  }
0x1a5: {  	_ =	swait.ge [sflag:s3], $0x800  }
0x1a6: {  	[sflag:s3] =	ssyncset.done $0x0  }
0x1a7: {  	[sflag:s3] =	ssyncadd.s32 $0xFFFFF800  }
0x1a8: {  	[bflag:$0x0] =	sbarrier.arrive $0xFFFF  }
0x1a9: {  	[hbm:s18], [sflag:s10] =	dma.local [spmem:s11], $0x1400  }
0x1aa: {  	_ =	swait.ge [sflag:s25], $0x1400  }
0x1ab: {  	[sflag:s25] =	ssyncset.done $0x0  }
0x1ac: {  	[sflag:s25] =	ssyncadd.s32 $0xFFFFEC00  }
0x1ad: {  	[spmem:s11], [sflag:s10] =	dma.local [hbm:s8], $0x1400  }
0x1ae: {  	_ =	swait.ge [sflag:s25], $0x1400  }
0x1af: {  	[sflag:s25] =	ssyncset.done $0x0  }
0x1b0: {  	[sflag:s25] =	ssyncadd.s32 $0xFFFFEC00  }
0x1b1: {  	s14 =	simm.s32 $0x0;
	[bflag:$0x0] =	sbarrier.arrive $0xFFFF  }
0x1b2: {  	[tilespmem:s14], [sflag:$0x3] =	stream.linear.gather [hbm4b:s19+s14], $0x2800, $0x38;
	[tilespmem:$0x1A000] =	vst v63  }
0x1b3: {  	_ =	swait.ge [sflag:s25], $0x2800  }
0x1b4: {  	[sflag:s25] =	ssyncset.done $0x0  }
0x1b5: {  	[sflag:s25] =	ssyncadd.s32 $0xFFFFD800  }
0x1b6: {  	[tilespmem:s26], [sflag:$0x3] =	stream.linear.gather [hbm4b:s20+s14], $0x2800, $0x38;
	[tilespmem:$0x1A000] =	vst v63  }
0x1b7: {  	_ =	swait.ge [sflag:s25], $0x2800  }
0x1b8: {  	[sflag:s25] =	ssyncset.done $0x0  }
0x1b9: {  	[sflag:s25] =	ssyncadd.s32 $0xFFFFD800  }
0x1ba: {  	[tilespmem:s28], [sflag:$0x3] =	stream.linear.gather [hbm4b:s21+s14], $0x800, $0x38;
	[tilespmem:$0x1A000] =	vst v63  }
0x1bb: {  	_ =	swait.ge [sflag:s25], $0x800  }
0x1bc: {  	[sflag:s25] =	ssyncset.done $0x0  }
0x1bd: {  	s15 =	simm.s32 $0x0;
	[sflag:s25] =	ssyncadd.s32 $0xFFFFF800  }
0x1be: {  	[tilespmem:s30], [sflag:$0x1] =	stream.indirect.gather [hbm4b:s7+s29], $0x40, s15, s29, $0xb8;
	[tilespmem:$0x1A000] =	vst v63  }
0x1bf: {  	s16 =	simm.s32 $0x80  }
0x1c0: {  	[tilespmem:s31], [sflag:$0x1] =	stream.indirect.gather [hbm4b:s7+s29], $0x40, s16, s29, $0xb8;
	[tilespmem:$0x1A000] =	vst v63  }
0x1c1: {  	s14 =	simm.s32 $0x100  }
0x1c2: {  	[tilespmem:s2], [sflag:$0x1] =	stream.indirect.gather [hbm4b:s7+s29], $0x40, s14, s29, $0xb8;
	[tilespmem:$0x1A000] =	vst v63  }
0x1c3: {  	s15 =	simm.s32 $0x180  }
0x1c4: {  	[tilespmem:s0], [sflag:$0x1] =	stream.indirect.gather [hbm4b:s7+s29], $0x40, s15, s29, $0xb8;
	[tilespmem:$0x1A000] =	vst v63  }
0x1c5: {  	_ =	swait.ge [sflag:s1], $0x2000  }
0x1c6: {  	[sflag:s1] =	ssyncset.done $0x0  }
0x1c7: {  	[sflag:s1] =	ssyncadd.s32 $0xFFFFE000  }
0x1c8: {  	_ =	swait.ge [sflag:s1], $0x2000  }
0x1c9: {  	[sflag:s1] =	ssyncset.done $0x0  }
0x1ca: {  	[sflag:s1] =	ssyncadd.s32 $0xFFFFE000  }
0x1cb: {  	_ =	swait.ge [sflag:s1], $0x2000  }
0x1cc: {  	[sflag:s1] =	ssyncset.done $0x0  }
0x1cd: {  	[sflag:s1] =	ssyncadd.s32 $0xFFFFE000  }
0x1ce: {  	_ =	swait.ge [sflag:s1], $0x2000  }
0x1cf: {  	[sflag:s1] =	ssyncset.done $0x0  }
0x1d0: {  	s16 =	simm.s32 $0x2800;
	[sflag:s1] =	ssyncadd.s32 $0xFFFFE000  }
0x1d1: {  	[spmem:s4] =	stream.indirect.scatter.add.f32 [tilespmem:s30], [sflag:$0x2], $0x40, s16, s29, $0xb8;
	[tilespmem:$0x1A000] =	vst v63  }
0x1d2: {  	_ = 	snop  }
0x1d3: {  	[spmem:s5] =	stream.indirect.scatter.add.f32 [tilespmem:s28], [sflag:$0x2], $0x10, s16, s29, $0xb8;
	[tilespmem:$0x1A000] =	vst v63  }
0x1d4: {  	s14 =	simm.s32 $0x2880  }
0x1d5: {  	[spmem:s4] =	stream.indirect.scatter.add.f32 [tilespmem:s31], [sflag:$0x2], $0x40, s14, s29, $0xb8;
	[tilespmem:$0x1A000] =	vst v63  }
0x1d6: {  	_ = 	snop  }
0x1d7: {  	[spmem:s5] =	stream.indirect.scatter.add.f32 [tilespmem:s28], [sflag:$0x2], $0x10, s14, s29, $0xb8;
	[tilespmem:$0x1A000] =	vst v63  }
0x1d8: {  	s15 =	simm.s32 $0x2900  }
0x1d9: {  	[spmem:s4] =	stream.indirect.scatter.add.f32 [tilespmem:s2], [sflag:$0x2], $0x40, s15, s29, $0xb8;
	[tilespmem:$0x1A000] =	vst v63  }
0x1da: {  	_ = 	snop  }
0x1db: {  	[spmem:s5] =	stream.indirect.scatter.add.f32 [tilespmem:s28], [sflag:$0x2], $0x10, s15, s29, $0xb8;
	[tilespmem:$0x1A000] =	vst v63  }
0x1dc: {  	s16 =	simm.s32 $0x2980  }
0x1dd: {  	[spmem:s4] =	stream.indirect.scatter.add.f32 [tilespmem:s0], [sflag:$0x2], $0x40, s16, s29, $0xb8;
	[tilespmem:$0x1A000] =	vst v63  }
0x1de: {  	_ = 	snop  }
0x1df: {  	[spmem:s5] =	stream.indirect.scatter.add.f32 [tilespmem:s28], [sflag:$0x2], $0x10, s16, s29, $0xb8;
	[tilespmem:$0x1A000] =	vst v63  }
0x1e0: {  	_ =	swait.ge [sflag:s3], $0x2000  }
0x1e1: {  	[sflag:s3] =	ssyncset.done $0x0  }
0x1e2: {  	[sflag:s3] =	ssyncadd.s32 $0xFFFFE000  }
0x1e3: {  	_ =	swait.ge [sflag:s3], $0x800  }
0x1e4: {  	[sflag:s3] =	ssyncset.done $0x0  }
0x1e5: {  	[sflag:s3] =	ssyncadd.s32 $0xFFFFF800  }
0x1e6: {  	_ =	swait.ge [sflag:s3], $0x2000  }
0x1e7: {  	[sflag:s3] =	ssyncset.done $0x0  }
0x1e8: {  	[sflag:s3] =	ssyncadd.s32 $0xFFFFE000  }
0x1e9: {  	_ =	swait.ge [sflag:s3], $0x800  }
0x1ea: {  	[sflag:s3] =	ssyncset.done $0x0  }
0x1eb: {  	[sflag:s3] =	ssyncadd.s32 $0xFFFFF800  }
0x1ec: {  	_ =	swait.ge [sflag:s3], $0x2000  }
0x1ed: {  	[sflag:s3] =	ssyncset.done $0x0  }
0x1ee: {  	[sflag:s3] =	ssyncadd.s32 $0xFFFFE000  }
0x1ef: {  	_ =	swait.ge [sflag:s3], $0x800  }
0x1f0: {  	[sflag:s3] =	ssyncset.done $0x0  }
0x1f1: {  	[sflag:s3] =	ssyncadd.s32 $0xFFFFF800  }
0x1f2: {  	_ =	swait.ge [sflag:s3], $0x2000  }
0x1f3: {  	[sflag:s3] =	ssyncset.done $0x0  }
0x1f4: {  	[sflag:s3] =	ssyncadd.s32 $0xFFFFE000  }
0x1f5: {  	_ =	swait.ge [sflag:s3], $0x800  }
0x1f6: {  	s13 =	simm.s32 $0x800;
	s16 =	simm.s32 $0x1000;
	[sflag:s3] =	ssyncset.done $0x0  }
.LBB2_6:
0x1f7: {  	s15 =	sshra.s32 s13, $0x2  }
0x1f8: {  	[sflag:s3] =	ssyncadd.s32 $0xFFFFF800;
	s13 =	smov.u32 s16;
	s14 =	sadd.s32 $0x800, s16  }
0x1f9: {  	[tilespmem:s30], [sflag:$0x1] =	stream.indirect.gather [hbm4b:s7+s29], $0x40, s15, s29, $0xb8;
	[tilespmem:$0x1A000] =	vst v63  }
0x1fa: {  	p0 =	sne.s32 s16, $0x9800;
	s16 =	sadd.s32 $0x80, s15  }
0x1fb: {  	[tilespmem:s31], [sflag:$0x1] =	stream.indirect.gather [hbm4b:s7+s29], $0x40, s16, s29, $0xb8;
	[tilespmem:$0x1A000] =	vst v63  }
0x1fc: {  	s16 =	sadd.s32 $0x100, s15  }
0x1fd: {  	[tilespmem:s2], [sflag:$0x1] =	stream.indirect.gather [hbm4b:s7+s29], $0x40, s16, s29, $0xb8;
	[tilespmem:$0x1A000] =	vst v63  }
0x1fe: {  	s16 =	sadd.s32 $0x180, s15  }
0x1ff: {  	[tilespmem:s0], [sflag:$0x1] =	stream.indirect.gather [hbm4b:s7+s29], $0x40, s16, s29, $0xb8;
	[tilespmem:$0x1A000] =	vst v63  }
0x200: {  	_ =	swait.ge [sflag:s1], $0x2000  }
0x201: {  	[sflag:s1] =	ssyncset.done $0x0  }
0x202: {  	[sflag:s1] =	ssyncadd.s32 $0xFFFFE000  }
0x203: {  	_ =	swait.ge [sflag:s1], $0x2000  }
0x204: {  	[sflag:s1] =	ssyncset.done $0x0  }
0x205: {  	[sflag:s1] =	ssyncadd.s32 $0xFFFFE000  }
0x206: {  	_ =	swait.ge [sflag:s1], $0x2000  }
0x207: {  	[sflag:s1] =	ssyncset.done $0x0  }
0x208: {  	[sflag:s1] =	ssyncadd.s32 $0xFFFFE000  }
0x209: {  	_ =	swait.ge [sflag:s1], $0x2000  }
0x20a: {  	[sflag:s1] =	ssyncset.done $0x0  }
0x20b: {  	s16 =	sadd.s32 $0x2800, s15;
	[sflag:s1] =	ssyncadd.s32 $0xFFFFE000  }
0x20c: {  	[spmem:s4] =	stream.indirect.scatter.add.f32 [tilespmem:s30], [sflag:$0x2], $0x40, s16, s29, $0xb8;
	[tilespmem:$0x1A000] =	vst v63  }
0x20d: {  	_ = 	snop  }
0x20e: {  	[spmem:s5] =	stream.indirect.scatter.add.f32 [tilespmem:s28], [sflag:$0x2], $0x10, s16, s29, $0xb8;
	[tilespmem:$0x1A000] =	vst v63  }
0x20f: {  	s16 =	sadd.s32 $0x2880, s15  }
0x210: {  	[spmem:s4] =	stream.indirect.scatter.add.f32 [tilespmem:s31], [sflag:$0x2], $0x40, s16, s29, $0xb8;
	[tilespmem:$0x1A000] =	vst v63  }
0x211: {  	_ = 	snop  }
0x212: {  	[spmem:s5] =	stream.indirect.scatter.add.f32 [tilespmem:s28], [sflag:$0x2], $0x10, s16, s29, $0xb8;
	[tilespmem:$0x1A000] =	vst v63  }
0x213: {  	s16 =	sadd.s32 $0x2900, s15  }
0x214: {  	[spmem:s4] =	stream.indirect.scatter.add.f32 [tilespmem:s2], [sflag:$0x2], $0x40, s16, s29, $0xb8;
	[tilespmem:$0x1A000] =	vst v63  }
0x215: {  	_ = 	snop  }
0x216: {  	[spmem:s5] =	stream.indirect.scatter.add.f32 [tilespmem:s28], [sflag:$0x2], $0x10, s16, s29, $0xb8;
	[tilespmem:$0x1A000] =	vst v63  }
0x217: {  	s15 =	sadd.s32 $0x2980, s15  }
0x218: {  	[spmem:s4] =	stream.indirect.scatter.add.f32 [tilespmem:s0], [sflag:$0x2], $0x40, s15, s29, $0xb8;
	[tilespmem:$0x1A000] =	vst v63  }
0x219: {  	_ = 	snop  }
0x21a: {  	[spmem:s5] =	stream.indirect.scatter.add.f32 [tilespmem:s28], [sflag:$0x2], $0x10, s15, s29, $0xb8;
	[tilespmem:$0x1A000] =	vst v63  }
0x21b: {  	_ =	swait.ge [sflag:s3], $0x2000  }
0x21c: {  	[sflag:s3] =	ssyncset.done $0x0  }
0x21d: {  	[sflag:s3] =	ssyncadd.s32 $0xFFFFE000  }
0x21e: {  	_ =	swait.ge [sflag:s3], $0x800  }
0x21f: {  	[sflag:s3] =	ssyncset.done $0x0  }
0x220: {  	[sflag:s3] =	ssyncadd.s32 $0xFFFFF800  }
0x221: {  	_ =	swait.ge [sflag:s3], $0x2000  }
0x222: {  	[sflag:s3] =	ssyncset.done $0x0  }
0x223: {  	[sflag:s3] =	ssyncadd.s32 $0xFFFFE000  }
0x224: {  	_ =	swait.ge [sflag:s3], $0x800  }
0x225: {  	[sflag:s3] =	ssyncset.done $0x0  }
0x226: {  	[sflag:s3] =	ssyncadd.s32 $0xFFFFF800  }
0x227: {  	_ =	swait.ge [sflag:s3], $0x2000  }
0x228: {  	[sflag:s3] =	ssyncset.done $0x0  }
0x229: {  	[sflag:s3] =	ssyncadd.s32 $0xFFFFE000  }
0x22a: {  	_ =	swait.ge [sflag:s3], $0x800  }
0x22b: {  	[sflag:s3] =	ssyncset.done $0x0  }
0x22c: {  	[sflag:s3] =	ssyncadd.s32 $0xFFFFF800  }
.Ltmp2:
0x22d: {  	_ =	swait.ge [sflag:s3], $0x2000;
	(pc) =	sbr.rel @p0 .LBB2_6-.Ltmp2, $4  }
0x22e: {  	[sflag:s3] =	ssyncset.done $0x0  }
0x22f: {  	[sflag:s3] =	ssyncadd.s32 $0xFFFFE000  }
0x230: {  	_ =	swait.ge [sflag:s3], $0x800  }
0x231: {  	s16 =	smov.u32 s14;
	[sflag:s3] =	ssyncset.done $0x0  }
0x232: {  	s13 =	sshra.s32 s13, $0x2;
	[sflag:s3] =	ssyncadd.s32 $0xFFFFF800  }
0x233: {  	[tilespmem:s30], [sflag:$0x1] =	stream.indirect.gather [hbm4b:s7+s29], $0x40, s13, s29, $0xb8;
	[tilespmem:$0x1A000] =	vst v63  }
0x234: {  	s14 =	sadd.s32 $0x80, s13  }
0x235: {  	[tilespmem:s31], [sflag:$0x1] =	stream.indirect.gather [hbm4b:s7+s29], $0x40, s14, s29, $0xb8;
	[tilespmem:$0x1A000] =	vst v63  }
0x236: {  	s16 =	sadd.s32 $0x100, s13  }
0x237: {  	[tilespmem:s2], [sflag:$0x1] =	stream.indirect.gather [hbm4b:s7+s29], $0x40, s16, s29, $0xb8;
	[tilespmem:$0x1A000] =	vst v63  }
0x238: {  	s15 =	sadd.s32 $0x180, s13  }
0x239: {  	[tilespmem:s0], [sflag:$0x1] =	stream.indirect.gather [hbm4b:s7+s29], $0x40, s15, s29, $0xb8;
	[tilespmem:$0x1A000] =	vst v63  }
0x23a: {  	_ =	swait.ge [sflag:s1], $0x2000  }
0x23b: {  	[sflag:s1] =	ssyncset.done $0x0  }
0x23c: {  	[sflag:s1] =	ssyncadd.s32 $0xFFFFE000  }
0x23d: {  	_ =	swait.ge [sflag:s1], $0x2000  }
0x23e: {  	[sflag:s1] =	ssyncset.done $0x0  }
0x23f: {  	[sflag:s1] =	ssyncadd.s32 $0xFFFFE000  }
0x240: {  	_ =	swait.ge [sflag:s1], $0x2000  }
0x241: {  	[sflag:s1] =	ssyncset.done $0x0  }
0x242: {  	[sflag:s1] =	ssyncadd.s32 $0xFFFFE000  }
0x243: {  	_ =	swait.ge [sflag:s1], $0x2000  }
0x244: {  	[sflag:s1] =	ssyncset.done $0x0  }
0x245: {  	s16 =	sadd.s32 $0x2800, s13;
	[sflag:s1] =	ssyncadd.s32 $0xFFFFE000  }
0x246: {  	[spmem:s4] =	stream.indirect.scatter.add.f32 [tilespmem:s30], [sflag:$0x2], $0x40, s16, s29, $0xb8;
	[tilespmem:$0x1A000] =	vst v63  }
0x247: {  	_ = 	snop  }
0x248: {  	[spmem:s5] =	stream.indirect.scatter.add.f32 [tilespmem:s28], [sflag:$0x2], $0x10, s16, s29, $0xb8;
	[tilespmem:$0x1A000] =	vst v63  }
0x249: {  	s15 =	sadd.s32 $0x2880, s13  }
0x24a: {  	[spmem:s4] =	stream.indirect.scatter.add.f32 [tilespmem:s31], [sflag:$0x2], $0x40, s15, s29, $0xb8;
	[tilespmem:$0x1A000] =	vst v63  }
0x24b: {  	_ = 	snop  }
0x24c: {  	[spmem:s5] =	stream.indirect.scatter.add.f32 [tilespmem:s28], [sflag:$0x2], $0x10, s15, s29, $0xb8;
	[tilespmem:$0x1A000] =	vst v63  }
0x24d: {  	s16 =	sadd.s32 $0x2900, s13  }
0x24e: {  	[spmem:s4] =	stream.indirect.scatter.add.f32 [tilespmem:s2], [sflag:$0x2], $0x40, s16, s29, $0xb8;
	[tilespmem:$0x1A000] =	vst v63  }
0x24f: {  	_ = 	snop  }
0x250: {  	[spmem:s5] =	stream.indirect.scatter.add.f32 [tilespmem:s28], [sflag:$0x2], $0x10, s16, s29, $0xb8;
	[tilespmem:$0x1A000] =	vst v63  }
0x251: {  	s13 =	sadd.s32 $0x2980, s13  }
0x252: {  	[spmem:s4] =	stream.indirect.scatter.add.f32 [tilespmem:s0], [sflag:$0x2], $0x40, s13, s29, $0xb8;
	[tilespmem:$0x1A000] =	vst v63  }
0x253: {  	_ = 	snop  }
0x254: {  	[spmem:s5] =	stream.indirect.scatter.add.f32 [tilespmem:s28], [sflag:$0x2], $0x10, s13, s29, $0xb8;
	[tilespmem:$0x1A000] =	vst v63  }
0x255: {  	_ =	swait.ge [sflag:s3], $0x2000  }
0x256: {  	[sflag:s3] =	ssyncset.done $0x0  }
0x257: {  	[sflag:s3] =	ssyncadd.s32 $0xFFFFE000  }
0x258: {  	_ =	swait.ge [sflag:s3], $0x800  }
0x259: {  	[sflag:s3] =	ssyncset.done $0x0  }
0x25a: {  	[sflag:s3] =	ssyncadd.s32 $0xFFFFF800  }
0x25b: {  	_ =	swait.ge [sflag:s3], $0x2000  }
0x25c: {  	[sflag:s3] =	ssyncset.done $0x0  }
0x25d: {  	[sflag:s3] =	ssyncadd.s32 $0xFFFFE000  }
0x25e: {  	_ =	swait.ge [sflag:s3], $0x800  }
0x25f: {  	[sflag:s3] =	ssyncset.done $0x0  }
0x260: {  	[sflag:s3] =	ssyncadd.s32 $0xFFFFF800  }
0x261: {  	_ =	swait.ge [sflag:s3], $0x2000  }
0x262: {  	[sflag:s3] =	ssyncset.done $0x0  }
0x263: {  	[sflag:s3] =	ssyncadd.s32 $0xFFFFE000  }
0x264: {  	_ =	swait.ge [sflag:s3], $0x800  }
0x265: {  	[sflag:s3] =	ssyncset.done $0x0  }
0x266: {  	[sflag:s3] =	ssyncadd.s32 $0xFFFFF800  }
0x267: {  	_ =	swait.ge [sflag:s3], $0x2000  }
0x268: {  	[sflag:s3] =	ssyncset.done $0x0  }
0x269: {  	[sflag:s3] =	ssyncadd.s32 $0xFFFFE000  }
0x26a: {  	_ =	swait.ge [sflag:s3], $0x800  }
0x26b: {  	[sflag:s3] =	ssyncset.done $0x0  }
0x26c: {  	[sflag:s3] =	ssyncadd.s32 $0xFFFFF800  }
0x26d: {  	[bflag:$0x0] =	sbarrier.arrive $0xFFFF  }
0x26e: {  	[hbm:s22], [sflag:s10] =	dma.local [spmem:s11], $0x1400  }
0x26f: {  	_ =	swait.ge [sflag:s25], $0x1400  }
0x270: {  	s9 =	sadd.s32 $0x1, s9;
	[sflag:s25] =	ssyncset.done $0x0  }
0x271: {  	p0 =	sne.s32 s9, s24;
	[sflag:s25] =	ssyncadd.s32 $0xFFFFEC00  }
.Ltmp3:
0x272: {  	[bflag:$0x0] =	sbarrier.arrive $0xFFFF;
	(pc) =	sbr.rel @p0 .LBB2_1-.Ltmp3, $4  }
0x273: {  	[hbm:s23], [sflag:s10] =	dma.local [spmem:s12], $0x500  }
0x274: {  	_ =	swait.ge [sflag:s25], $0x500  }
0x275: {  	[sflag:s25] =	ssyncset.done $0x0  }
0x276: {  	[sflag:s25] =	ssyncadd.s32 $0xFFFFFB00  }
0x277: {  	_ =	sfence.sel $0x180000  }
0x278: {  	[bflag:$0x0] =	sbarrier.arrive $0xFFFF  }
0x279: {  	_ =	strace $0x90000047  }
0x27a: {  	s0 =	stileid.u32;
	[bflag:$0x2] =	sbarrier.arrive $0xFFFF  }
0x27b: {  	p0 =	sne.s32 s0, $0x0;
	s0 =	rddreg [dreg:$0x5]  }
0x27c: {  	s0 =	sadd.s32 @!p0 $0x100000, s0  }
0x27d: {  	[sflag:s0] =	ssyncadd.tile.s32 @!p0 $0x1;
	_ =	shalt  }
.Lfunc_end2:
_tile_overlayer_lowered:
.L_overlay_start_2:
0x27e: {  	(tag) =	ssettag $0x2  }
0x27f: {  	s0 =	rddreg [dreg:$0x0];
	s2 =	stileid.u32  }
0x280: {  	s1 =	rddreg [dreg:$0x1];
	p0 =	sne.s32 s2, $0x0  }
0x281: {  	s3 =	rddreg [dreg:$0x2];
	[bflag:$0x3] =	sbarrier.arrive $0xFFFF;
	s2 =	simm.s32 @!p0 $0x1C03  }
0x282: {  	[timem:s3], [sflag:s2] =	dma.local @!p0 [hbm:s0], s1  }
0x283: {  	s0 =	simm.s32 @!p0 $0x3  }
0x284: {  	_ =	swait.ge @!p0 [sflag:s0], s1  }
0x285: {  	s1 =	ssub.s32 @!p0 $0x0, s1;
	[sflag:s0] =	ssyncset.done @!p0 $0x0  }
0x286: {  	[sflag:s0] =	ssyncadd.s32 @!p0 s1  }
0x287: {  	[bflag:$0x3] =	sbarrier.arrive $0xFFFF  }
0x288: {  	_ =	shalt  }

</sc_bundles>
